<compile_context>
chip_gen: v7x
topology: tpu7x:2x2x1
jax: 0.10.2.dev20260603
libtpu: 0.0.44.dev20260713+nightly
codegen_flags: <defaults>
</compile_context>

<pallas_src>
import functools

import jax
import jax.numpy as jnp
from jax import lax
from jax.experimental import pallas as pl
from jax.experimental.pallas import tpu as pltpu
from jax.experimental.pallas import tpu_sc as plsc

LATENT_DIM = 64
LANES = 16
NBUF = 4


@jax.jit
def _mf_forward(u_start, u_col, i_start, i_col, users_t, items_t):
    batch = u_start.shape[0]
    info = plsc.get_sparse_core_info()
    nw = info.num_cores * info.num_subcores
    bpw = batch // nw
    n_groups = bpw // LANES
    mesh = plsc.VectorSubcoreMesh(core_axis_name="c", subcore_axis_name="s")

    @functools.partial(
        pl.kernel,
        out_type=jax.ShapeDtypeStruct((batch,), jnp.float32),
        mesh=mesh,
        compiler_params=pltpu.CompilerParams(needs_layout_passes=False),
        scratch_types=[
            pltpu.VMEM((bpw + LANES,), jnp.int32),
            pltpu.VMEM((bpw + LANES,), jnp.int32),
            pltpu.VMEM((bpw + LANES,), jnp.int32),
            pltpu.VMEM((bpw + LANES,), jnp.int32),
            pltpu.VMEM((NBUF, LATENT_DIM, 128), jnp.float32),
            pltpu.VMEM((NBUF, LATENT_DIM, 128), jnp.float32),
            pltpu.VMEM((LANES, LANES), jnp.float32),
            pltpu.VMEM((bpw,), jnp.float32),
        ] + [pltpu.SemaphoreType.DMA] * NBUF,
    )
    def kern(us_hbm, uc_hbm, is_hbm, ic_hbm, users_hbm, items_hbm, out_hbm,
             us_v, uc_v, is_v, ic_v, ubufs, ibufs, stage, out_v, *sems):
        wid = lax.axis_index("s") * info.num_cores + lax.axis_index("c")
        base = wid * bpw

        pltpu.sync_copy(us_hbm.at[pl.ds(base, bpw)], us_v.at[pl.ds(0, bpw)])
        pltpu.sync_copy(uc_hbm.at[pl.ds(base, bpw)], uc_v.at[pl.ds(0, bpw)])
        pltpu.sync_copy(is_hbm.at[pl.ds(base, bpw)], is_v.at[pl.ds(0, bpw)])
        pltpu.sync_copy(ic_hbm.at[pl.ds(base, bpw)], ic_v.at[pl.ds(0, bpw)])

        lanes_iota = lax.iota(jnp.int32, LANES)

        HALF = LATENT_DIM // 2

        def fire(slot, k):
            us = us_v[pl.ds(k, LANES)][0]
            its = is_v[pl.ds(k, LANES)][0]
            for h in range(2):
                pltpu.async_copy(
                    users_hbm.at[pl.ds(h * HALF, HALF),
                                 pl.ds(pl.multiple_of(us, 128), 128)],
                    ubufs.at[slot, pl.ds(h * HALF, HALF)], sems[slot])
                pltpu.async_copy(
                    items_hbm.at[pl.ds(h * HALF, HALF),
                                 pl.ds(pl.multiple_of(its, 128), 128)],
                    ibufs.at[slot, pl.ds(h * HALF, HALF)], sems[slot])

        def wait(slot):
            for _ in range(4):
                pltpu.make_async_copy(
                    users_hbm.at[pl.ds(0, HALF), pl.ds(0, 128)],
                    ubufs.at[slot, pl.ds(0, HALF)], sems[slot]).wait()

        for slot in range(NBUF):
            fire(slot, slot)

        def group_body(g, _):
            k0 = g * LANES
            for t in range(LANES):
                slot = t % NBUF
                k = k0 + t
                wait(slot)
                uc = uc_v[pl.ds(k, LANES)][0]
                ic = ic_v[pl.ds(k, LANES)][0]
                ucvec = lanes_iota * 0 + uc
                icvec = lanes_iota * 0 + ic
                acc = None
                for q in range(LATENT_DIM // LANES):
                    rows = q * LANES + lanes_iota
                    pu = plsc.load_gather(ubufs.at[slot], [rows, ucvec])
                    pi = plsc.load_gather(ibufs.at[slot], [rows, icvec])
                    prod = pu * pi
                    acc = prod if acc is None else acc + prod
                stage[t, :] = acc
                fire(slot, jnp.minimum(k + NBUF, bpw - 1))
            tot = None
            for c in range(LANES):
                cvec = lanes_iota * 0 + c
                col = plsc.load_gather(stage, [lanes_iota, cvec])
                tot = col if tot is None else tot + col
            out_v[pl.ds(k0, LANES)] = tot
            return 0

        lax.fori_loop(0, n_groups, group_body, 0)

        for slot in range(NBUF):
            wait(slot)

        pltpu.sync_copy(out_v, out_hbm.at[pl.ds(base, bpw)])

    return kern(u_start, u_col, i_start, i_col, users_t, items_t)


def kernel(x, users_weight, items_weight):
    x32 = x.astype(jnp.int32)
    u = x32[:, 0]
    it = x32[:, 1]
    return _mf_forward(u & ~127, u & 127, it & ~127, it & 127,
                       users_weight.T, items_weight.T)

# --- scband reference (transcript-rebuilt; emitter-appended) ---
"""Pipeline reference for scband-matrix-factorization-85916525789716 (READ-ONLY COPY).

The authoritative reference and input builder live on the scoring server;
editing this copy changes nothing except your own understanding.
"""

import jax, jax.numpy as jnp
import numpy as np

NUM_USERS = 1000000
NUM_ITEMS = 1000000
LATENT_DIM = 64
BATCH = 16384


def setup_inputs(seed: int = 0) -> dict:
    key = jax.random.key(seed)
    k1, k2, k3 = jax.random.split(key, 3)
    x = jax.random.randint(k1, (BATCH, 2), 0, NUM_USERS, dtype=jnp.int64)
    users_weight = jax.random.normal(k2, (NUM_USERS, LATENT_DIM), dtype=jnp.float32)
    items_weight = jax.random.normal(k3, (NUM_ITEMS, LATENT_DIM), dtype=jnp.float32)
    return {"x": x, "users_weight": users_weight, "items_weight": items_weight}


def reference(x, users_weight, items_weight):
    # users = self.users(x[:, 0])  -> embedding gather
    users = jnp.take(users_weight, x[:, 0], axis=0)  # [B, D]
    # items = self.items(x[:, 1])
    items = jnp.take(items_weight, x[:, 1], axis=0)  # [B, D]
    # users: [B, 1, D], items: [B, D, 1]; bmm -> [B, 1, 1]; squeeze -> [B]
    users_e = users[:, None, :]
    items_e = items[:, :, None]
    predictions = jnp.matmul(users_e, items_e)  # [B, 1, 1]
    predictions = jnp.squeeze(predictions)  # [B]
    return predictions

if __name__ == "__main__":
    import jax
    _d = setup_inputs()
    print(jax.jit(kernel)(*tuple(_d.values())))

</pallas_src>

<mosaic_0001>
#map = affine_map<(d0, d1) -> (0)>
#map1 = affine_map<(d0, d1) -> (0, 0)>
module attributes {stable_mosaic.version = 14 : i64} {
  func.func @kern(%arg0: i32, %arg1: i32, %arg2: memref<16384xi32, #tpu.memory_space<hbm>>, %arg3: memref<16384xi32, #tpu.memory_space<hbm>>, %arg4: memref<16384xi32, #tpu.memory_space<hbm>>, %arg5: memref<16384xi32, #tpu.memory_space<hbm>>, %arg6: memref<64x1000000xf32, #tpu.memory_space<hbm>>, %arg7: memref<64x1000000xf32, #tpu.memory_space<hbm>>, %arg8: memref<16384xf32, #tpu.memory_space<hbm>>, %arg9: memref<528xi32, #tpu.memory_space<vmem>>, %arg10: memref<528xi32, #tpu.memory_space<vmem>>, %arg11: memref<528xi32, #tpu.memory_space<vmem>>, %arg12: memref<528xi32, #tpu.memory_space<vmem>>, %arg13: memref<4x64x128xf32, #tpu.memory_space<vmem>>, %arg14: memref<4x64x128xf32, #tpu.memory_space<vmem>>, %arg15: memref<16x16xf32, #tpu.memory_space<vmem>>, %arg16: memref<512xf32, #tpu.memory_space<vmem>>, %arg17: memref<!tpu.dma_semaphore, #tpu.memory_space<semaphore_mem>>, %arg18: memref<!tpu.dma_semaphore, #tpu.memory_space<semaphore_mem>>, %arg19: memref<!tpu.dma_semaphore, #tpu.memory_space<semaphore_mem>>, %arg20: memref<!tpu.dma_semaphore, #tpu.memory_space<semaphore_mem>>) attributes {dimension_semantics = [#tpu.dimension_semantics<core_parallel>, #tpu.dimension_semantics<subcore_parallel>], iteration_bounds = array<i64: 2, 16>, scalar_prefetch = 0 : i64, scratch_operands = 12 : i64, tpu.core_type = #tpu.core_type<sc_vector_subcore>, window_params = [{transform_indices = #map}, {transform_indices = #map}, {transform_indices = #map}, {transform_indices = #map}, {transform_indices = #map1}, {transform_indices = #map1}, {transform_indices = #map}]} {
    %mul3A = arith.constant 2 : i32
    %mul3A_0 = arith.muli %arg1, %mul3A : i32
    %add3A = arith.addi %mul3A_0, %arg0 : i32
    %mul3A_1 = arith.constant 512 : i32
    %mul3A_2 = arith.muli %add3A, %mul3A_1 : i32
    "tpu.region"() ({
      %run_scoped3A = tpu.sem_alloc : memref<!tpu.dma_semaphore, #tpu.memory_space<semaphore_mem>>
      %dma_start3A_499 = arith.constant 0 : i32
      %dma_start3A_500 = tpu.memref_slice %arg9[%dma_start3A_499] : memref<528xi32, #tpu.memory_space<vmem>> -> memref<512xi32, #tpu.memory_space<vmem>>
      %dma_start3A_501 = tpu.memref_slice %arg2[%mul3A_2] : memref<16384xi32, #tpu.memory_space<hbm>> -> memref<512xi32, #tpu.memory_space<hbm>>
      %dma_start3A_502 = arith.constant 0 : i32
      %dma_start3A_503 = tpu.memref_slice %arg9[%dma_start3A_502] : memref<528xi32, #tpu.memory_space<vmem>> -> memref<512xi32, #tpu.memory_space<vmem>>
      %dma_start3A_504 = tpu.memref_slice %arg2[%mul3A_2] : memref<16384xi32, #tpu.memory_space<hbm>> -> memref<512xi32, #tpu.memory_space<hbm>>
      tpu.enqueue_dma source(%dma_start3A_504 : memref<512xi32, #tpu.memory_space<hbm>>) target(%dma_start3A_503 : memref<512xi32, #tpu.memory_space<vmem>>) target_semaphore(%run_scoped3A : memref<!tpu.dma_semaphore, #tpu.memory_space<semaphore_mem>>)
      %dma_wait3A_505 = arith.constant 0 : i32
      %dma_wait3A_506 = tpu.memref_slice %arg9[%dma_wait3A_505] : memref<528xi32, #tpu.memory_space<vmem>> -> memref<512xi32, #tpu.memory_space<vmem>>
      %dma_wait3A_507 = tpu.memref_slice %arg2[%mul3A_2] : memref<16384xi32, #tpu.memory_space<hbm>> -> memref<512xi32, #tpu.memory_space<hbm>>
      %dma_wait3A_508 = arith.constant 0 : i32
      %dma_wait3A_509 = tpu.memref_slice %arg9[%dma_wait3A_508] : memref<528xi32, #tpu.memory_space<vmem>> -> memref<512xi32, #tpu.memory_space<vmem>>
      %dma_wait3A_510 = tpu.memref_slice %arg2[%mul3A_2] : memref<16384xi32, #tpu.memory_space<hbm>> -> memref<512xi32, #tpu.memory_space<hbm>>
      tpu.wait_dma2 semaphore(%run_scoped3A : memref<!tpu.dma_semaphore, #tpu.memory_space<semaphore_mem>>) src(%dma_wait3A_510 : memref<512xi32, #tpu.memory_space<hbm>>) dst(%dma_wait3A_509 : memref<512xi32, #tpu.memory_space<vmem>>)
      tpu.yield
    }) : () -> ()
    "tpu.region"() ({
      %run_scoped3A = tpu.sem_alloc : memref<!tpu.dma_semaphore, #tpu.memory_space<semaphore_mem>>
      %dma_start3A_499 = arith.constant 0 : i32
      %dma_start3A_500 = tpu.memref_slice %arg10[%dma_start3A_499] : memref<528xi32, #tpu.memory_space<vmem>> -> memref<512xi32, #tpu.memory_space<vmem>>
      %dma_start3A_501 = tpu.memref_slice %arg3[%mul3A_2] : memref<16384xi32, #tpu.memory_space<hbm>> -> memref<512xi32, #tpu.memory_space<hbm>>
      %dma_start3A_502 = arith.constant 0 : i32
      %dma_start3A_503 = tpu.memref_slice %arg10[%dma_start3A_502] : memref<528xi32, #tpu.memory_space<vmem>> -> memref<512xi32, #tpu.memory_space<vmem>>
      %dma_start3A_504 = tpu.memref_slice %arg3[%mul3A_2] : memref<16384xi32, #tpu.memory_space<hbm>> -> memref<512xi32, #tpu.memory_space<hbm>>
      tpu.enqueue_dma source(%dma_start3A_504 : memref<512xi32, #tpu.memory_space<hbm>>) target(%dma_start3A_503 : memref<512xi32, #tpu.memory_space<vmem>>) target_semaphore(%run_scoped3A : memref<!tpu.dma_semaphore, #tpu.memory_space<semaphore_mem>>)
      %dma_wait3A_505 = arith.constant 0 : i32
      %dma_wait3A_506 = tpu.memref_slice %arg10[%dma_wait3A_505] : memref<528xi32, #tpu.memory_space<vmem>> -> memref<512xi32, #tpu.memory_space<vmem>>
      %dma_wait3A_507 = tpu.memref_slice %arg3[%mul3A_2] : memref<16384xi32, #tpu.memory_space<hbm>> -> memref<512xi32, #tpu.memory_space<hbm>>
      %dma_wait3A_508 = arith.constant 0 : i32
      %dma_wait3A_509 = tpu.memref_slice %arg10[%dma_wait3A_508] : memref<528xi32, #tpu.memory_space<vmem>> -> memref<512xi32, #tpu.memory_space<vmem>>
      %dma_wait3A_510 = tpu.memref_slice %arg3[%mul3A_2] : memref<16384xi32, #tpu.memory_space<hbm>> -> memref<512xi32, #tpu.memory_space<hbm>>
      tpu.wait_dma2 semaphore(%run_scoped3A : memref<!tpu.dma_semaphore, #tpu.memory_space<semaphore_mem>>) src(%dma_wait3A_510 : memref<512xi32, #tpu.memory_space<hbm>>) dst(%dma_wait3A_509 : memref<512xi32, #tpu.memory_space<vmem>>)
      tpu.yield
    }) : () -> ()
    "tpu.region"() ({
      %run_scoped3A = tpu.sem_alloc : memref<!tpu.dma_semaphore, #tpu.memory_space<semaphore_mem>>
      %dma_start3A_499 = arith.constant 0 : i32
      %dma_start3A_500 = tpu.memref_slice %arg11[%dma_start3A_499] : memref<528xi32, #tpu.memory_space<vmem>> -> memref<512xi32, #tpu.memory_space<vmem>>
      %dma_start3A_501 = tpu.memref_slice %arg4[%mul3A_2] : memref<16384xi32, #tpu.memory_space<hbm>> -> memref<512xi32, #tpu.memory_space<hbm>>
      %dma_start3A_502 = arith.constant 0 : i32
      %dma_start3A_503 = tpu.memref_slice %arg11[%dma_start3A_502] : memref<528xi32, #tpu.memory_space<vmem>> -> memref<512xi32, #tpu.memory_space<vmem>>
      %dma_start3A_504 = tpu.memref_slice %arg4[%mul3A_2] : memref<16384xi32, #tpu.memory_space<hbm>> -> memref<512xi32, #tpu.memory_space<hbm>>
      tpu.enqueue_dma source(%dma_start3A_504 : memref<512xi32, #tpu.memory_space<hbm>>) target(%dma_start3A_503 : memref<512xi32, #tpu.memory_space<vmem>>) target_semaphore(%run_scoped3A : memref<!tpu.dma_semaphore, #tpu.memory_space<semaphore_mem>>)
      %dma_wait3A_505 = arith.constant 0 : i32
      %dma_wait3A_506 = tpu.memref_slice %arg11[%dma_wait3A_505] : memref<528xi32, #tpu.memory_space<vmem>> -> memref<512xi32, #tpu.memory_space<vmem>>
      %dma_wait3A_507 = tpu.memref_slice %arg4[%mul3A_2] : memref<16384xi32, #tpu.memory_space<hbm>> -> memref<512xi32, #tpu.memory_space<hbm>>
      %dma_wait3A_508 = arith.constant 0 : i32
      %dma_wait3A_509 = tpu.memref_slice %arg11[%dma_wait3A_508] : memref<528xi32, #tpu.memory_space<vmem>> -> memref<512xi32, #tpu.memory_space<vmem>>
      %dma_wait3A_510 = tpu.memref_slice %arg4[%mul3A_2] : memref<16384xi32, #tpu.memory_space<hbm>> -> memref<512xi32, #tpu.memory_space<hbm>>
      tpu.wait_dma2 semaphore(%run_scoped3A : memref<!tpu.dma_semaphore, #tpu.memory_space<semaphore_mem>>) src(%dma_wait3A_510 : memref<512xi32, #tpu.memory_space<hbm>>) dst(%dma_wait3A_509 : memref<512xi32, #tpu.memory_space<vmem>>)
      tpu.yield
    }) : () -> ()
    "tpu.region"() ({
      %run_scoped3A = tpu.sem_alloc : memref<!tpu.dma_semaphore, #tpu.memory_space<semaphore_mem>>
      %dma_start3A_499 = arith.constant 0 : i32
      %dma_start3A_500 = tpu.memref_slice %arg12[%dma_start3A_499] : memref<528xi32, #tpu.memory_space<vmem>> -> memref<512xi32, #tpu.memory_space<vmem>>
      %dma_start3A_501 = tpu.memref_slice %arg5[%mul3A_2] : memref<16384xi32, #tpu.memory_space<hbm>> -> memref<512xi32, #tpu.memory_space<hbm>>
      %dma_start3A_502 = arith.constant 0 : i32
      %dma_start3A_503 = tpu.memref_slice %arg12[%dma_start3A_502] : memref<528xi32, #tpu.memory_space<vmem>> -> memref<512xi32, #tpu.memory_space<vmem>>
      %dma_start3A_504 = tpu.memref_slice %arg5[%mul3A_2] : memref<16384xi32, #tpu.memory_space<hbm>> -> memref<512xi32, #tpu.memory_space<hbm>>
      tpu.enqueue_dma source(%dma_start3A_504 : memref<512xi32, #tpu.memory_space<hbm>>) target(%dma_start3A_503 : memref<512xi32, #tpu.memory_space<vmem>>) target_semaphore(%run_scoped3A : memref<!tpu.dma_semaphore, #tpu.memory_space<semaphore_mem>>)
      %dma_wait3A_505 = arith.constant 0 : i32
      %dma_wait3A_506 = tpu.memref_slice %arg12[%dma_wait3A_505] : memref<528xi32, #tpu.memory_space<vmem>> -> memref<512xi32, #tpu.memory_space<vmem>>
      %dma_wait3A_507 = tpu.memref_slice %arg5[%mul3A_2] : memref<16384xi32, #tpu.memory_space<hbm>> -> memref<512xi32, #tpu.memory_space<hbm>>
      %dma_wait3A_508 = arith.constant 0 : i32
      %dma_wait3A_509 = tpu.memref_slice %arg12[%dma_wait3A_508] : memref<528xi32, #tpu.memory_space<vmem>> -> memref<512xi32, #tpu.memory_space<vmem>>
      %dma_wait3A_510 = tpu.memref_slice %arg5[%mul3A_2] : memref<16384xi32, #tpu.memory_space<hbm>> -> memref<512xi32, #tpu.memory_space<hbm>>
      tpu.wait_dma2 semaphore(%run_scoped3A : memref<!tpu.dma_semaphore, #tpu.memory_space<semaphore_mem>>) src(%dma_wait3A_510 : memref<512xi32, #tpu.memory_space<hbm>>) dst(%dma_wait3A_509 : memref<512xi32, #tpu.memory_space<vmem>>)
      tpu.yield
    }) : () -> ()
    %iota3A = tpu.iota {dimensions = array<i32: 0>} : vector<16xi32>
    %get3A = arith.constant 0 : index
    %get3A_3 = tpu.vector_load %arg9[%get3A] {strides = array<i32>} : memref<528xi32, #tpu.memory_space<vmem>>, vector<16xi32>,
    %slice3A = vector.extract_strided_slice %get3A_3 {offsets = [0], sizes = [1], strides = [1]} : vector<16xi32> to vector<1xi32>
    %squeeze3A = vector.extract %slice3A[0] : i32 from vector<1xi32>
    %get3A_4 = arith.constant 0 : index
    %get3A_5 = tpu.vector_load %arg11[%get3A_4] {strides = array<i32>} : memref<528xi32, #tpu.memory_space<vmem>>, vector<16xi32>,
    %slice3A_6 = vector.extract_strided_slice %get3A_5 {offsets = [0], sizes = [1], strides = [1]} : vector<16xi32> to vector<1xi32>
    %squeeze3A_7 = vector.extract %slice3A_6[0] : i32 from vector<1xi32>
    %multiple_of3A = tpu.assume_multiple %squeeze3A, 128 : i32
    %dma_start3A = arith.constant 0 : i32
    %dma_start3A_8 = arith.constant 0 : i32
    %dma_start3A_9 = arith.constant 0 : i32
    %dma_start3A_10 = tpu.memref_slice %arg13[%dma_start3A, %dma_start3A_8, %dma_start3A_9] : memref<4x64x128xf32, #tpu.memory_space<vmem>> -> memref<1x32x128xf32, #tpu.memory_space<vmem>>
    %dma_start3A_11 = tpu.memref_squeeze %dma_start3A_10 : memref<1x32x128xf32, #tpu.memory_space<vmem>> -> memref<32x128xf32, #tpu.memory_space<vmem>>
    %dma_start3A_12 = arith.constant 0 : i32
    %dma_start3A_13 = tpu.memref_slice %arg6[%dma_start3A_12, %multiple_of3A] : memref<64x1000000xf32, #tpu.memory_space<hbm>> -> memref<32x128xf32, #tpu.memory_space<hbm>>
    %dma_start3A_14 = arith.constant 0 : i32
    %dma_start3A_15 = arith.constant 0 : i32
    %dma_start3A_16 = tpu.memref_slice %arg13[%dma_start3A, %dma_start3A_14, %dma_start3A_15] : memref<4x64x128xf32, #tpu.memory_space<vmem>> -> memref<1x32x128xf32, #tpu.memory_space<vmem>>
    %dma_start3A_17 = tpu.memref_squeeze %dma_start3A_16 : memref<1x32x128xf32, #tpu.memory_space<vmem>> -> memref<32x128xf32, #tpu.memory_space<vmem>>
    %dma_start3A_18 = arith.constant 0 : i32
    %dma_start3A_19 = tpu.memref_slice %arg6[%dma_start3A_18, %multiple_of3A] : memref<64x1000000xf32, #tpu.memory_space<hbm>> -> memref<32x128xf32, #tpu.memory_space<hbm>>
    tpu.enqueue_dma source(%dma_start3A_19 : memref<32x128xf32, #tpu.memory_space<hbm>>) target(%dma_start3A_17 : memref<32x128xf32, #tpu.memory_space<vmem>>) target_semaphore(%arg17 : memref<!tpu.dma_semaphore, #tpu.memory_space<semaphore_mem>>)
    %multiple_of3A_20 = tpu.assume_multiple %squeeze3A_7, 128 : i32
    %dma_start3A_21 = arith.constant 0 : i32
    %dma_start3A_22 = arith.constant 0 : i32
    %dma_start3A_23 = arith.constant 0 : i32
    %dma_start3A_24 = tpu.memref_slice %arg14[%dma_start3A_21, %dma_start3A_22, %dma_start3A_23] : memref<4x64x128xf32, #tpu.memory_space<vmem>> -> memref<1x32x128xf32, #tpu.memory_space<vmem>>
    %dma_start3A_25 = tpu.memref_squeeze %dma_start3A_24 : memref<1x32x128xf32, #tpu.memory_space<vmem>> -> memref<32x128xf32, #tpu.memory_space<vmem>>
    %dma_start3A_26 = arith.constant 0 : i32
    %dma_start3A_27 = tpu.memref_slice %arg7[%dma_start3A_26, %multiple_of3A_20] : memref<64x1000000xf32, #tpu.memory_space<hbm>> -> memref<32x128xf32, #tpu.memory_space<hbm>>
    %dma_start3A_28 = arith.constant 0 : i32
    %dma_start3A_29 = arith.constant 0 : i32
    %dma_start3A_30 = tpu.memref_slice %arg14[%dma_start3A_21, %dma_start3A_28, %dma_start3A_29] : memref<4x64x128xf32, #tpu.memory_space<vmem>> -> memref<1x32x128xf32, #tpu.memory_space<vmem>>
    %dma_start3A_31 = tpu.memref_squeeze %dma_start3A_30 : memref<1x32x128xf32, #tpu.memory_space<vmem>> -> memref<32x128xf32, #tpu.memory_space<vmem>>
    %dma_start3A_32 = arith.constant 0 : i32
    %dma_start3A_33 = tpu.memref_slice %arg7[%dma_start3A_32, %multiple_of3A_20] : memref<64x1000000xf32, #tpu.memory_space<hbm>> -> memref<32x128xf32, #tpu.memory_space<hbm>>
    tpu.enqueue_dma source(%dma_start3A_33 : memref<32x128xf32, #tpu.memory_space<hbm>>) target(%dma_start3A_31 : memref<32x128xf32, #tpu.memory_space<vmem>>) target_semaphore(%arg17 : memref<!tpu.dma_semaphore, #tpu.memory_space<semaphore_mem>>)
    %multiple_of3A_34 = tpu.assume_multiple %squeeze3A, 128 : i32
    %dma_start3A_35 = arith.constant 0 : i32
    %dma_start3A_36 = arith.constant 32 : i32
    %dma_start3A_37 = arith.constant 0 : i32
    %dma_start3A_38 = tpu.memref_slice %arg13[%dma_start3A_35, %dma_start3A_36, %dma_start3A_37] : memref<4x64x128xf32, #tpu.memory_space<vmem>> -> memref<1x32x128xf32, #tpu.memory_space<vmem>>
    %dma_start3A_39 = tpu.memref_squeeze %dma_start3A_38 : memref<1x32x128xf32, #tpu.memory_space<vmem>> -> memref<32x128xf32, #tpu.memory_space<vmem>>
    %dma_start3A_40 = arith.constant 32 : i32
    %dma_start3A_41 = tpu.memref_slice %arg6[%dma_start3A_40, %multiple_of3A_34] : memref<64x1000000xf32, #tpu.memory_space<hbm>> -> memref<32x128xf32, #tpu.memory_space<hbm>>
    %dma_start3A_42 = arith.constant 32 : i32
    %dma_start3A_43 = arith.constant 0 : i32
    %dma_start3A_44 = tpu.memref_slice %arg13[%dma_start3A_35, %dma_start3A_42, %dma_start3A_43] : memref<4x64x128xf32, #tpu.memory_space<vmem>> -> memref<1x32x128xf32, #tpu.memory_space<vmem>>
    %dma_start3A_45 = tpu.memref_squeeze %dma_start3A_44 : memref<1x32x128xf32, #tpu.memory_space<vmem>> -> memref<32x128xf32, #tpu.memory_space<vmem>>
    %dma_start3A_46 = arith.constant 32 : i32
    %dma_start3A_47 = tpu.memref_slice %arg6[%dma_start3A_46, %multiple_of3A_34] : memref<64x1000000xf32, #tpu.memory_space<hbm>> -> memref<32x128xf32, #tpu.memory_space<hbm>>
    tpu.enqueue_dma source(%dma_start3A_47 : memref<32x128xf32, #tpu.memory_space<hbm>>) target(%dma_start3A_45 : memref<32x128xf32, #tpu.memory_space<vmem>>) target_semaphore(%arg17 : memref<!tpu.dma_semaphore, #tpu.memory_space<semaphore_mem>>)
    %multiple_of3A_48 = tpu.assume_multiple %squeeze3A_7, 128 : i32
    %dma_start3A_49 = arith.constant 0 : i32
    %dma_start3A_50 = arith.constant 32 : i32
    %dma_start3A_51 = arith.constant 0 : i32
    %dma_start3A_52 = tpu.memref_slice %arg14[%dma_start3A_49, %dma_start3A_50, %dma_start3A_51] : memref<4x64x128xf32, #tpu.memory_space<vmem>> -> memref<1x32x128xf32, #tpu.memory_space<vmem>>
    %dma_start3A_53 = tpu.memref_squeeze %dma_start3A_52 : memref<1x32x128xf32, #tpu.memory_space<vmem>> -> memref<32x128xf32, #tpu.memory_space<vmem>>
    %dma_start3A_54 = arith.constant 32 : i32
    %dma_start3A_55 = tpu.memref_slice %arg7[%dma_start3A_54, %multiple_of3A_48] : memref<64x1000000xf32, #tpu.memory_space<hbm>> -> memref<32x128xf32, #tpu.memory_space<hbm>>
    %dma_start3A_56 = arith.constant 32 : i32
    %dma_start3A_57 = arith.constant 0 : i32
    %dma_start3A_58 = tpu.memref_slice %arg14[%dma_start3A_49, %dma_start3A_56, %dma_start3A_57] : memref<4x64x128xf32, #tpu.memory_space<vmem>> -> memref<1x32x128xf32, #tpu.memory_space<vmem>>
    %dma_start3A_59 = tpu.memref_squeeze %dma_start3A_58 : memref<1x32x128xf32, #tpu.memory_space<vmem>> -> memref<32x128xf32, #tpu.memory_space<vmem>>
    %dma_start3A_60 = arith.constant 32 : i32
    %dma_start3A_61 = tpu.memref_slice %arg7[%dma_start3A_60, %multiple_of3A_48] : memref<64x1000000xf32, #tpu.memory_space<hbm>> -> memref<32x128xf32, #tpu.memory_space<hbm>>
    tpu.enqueue_dma source(%dma_start3A_61 : memref<32x128xf32, #tpu.memory_space<hbm>>) target(%dma_start3A_59 : memref<32x128xf32, #tpu.memory_space<vmem>>) target_semaphore(%arg17 : memref<!tpu.dma_semaphore, #tpu.memory_space<semaphore_mem>>)
    %get3A_62 = arith.constant 1 : index
    %get3A_63 = tpu.vector_load %arg9[%get3A_62] {strides = array<i32>} : memref<528xi32, #tpu.memory_space<vmem>>, vector<16xi32>,
    %slice3A_64 = vector.extract_strided_slice %get3A_63 {offsets = [0], sizes = [1], strides = [1]} : vector<16xi32> to vector<1xi32>
    %squeeze3A_65 = vector.extract %slice3A_64[0] : i32 from vector<1xi32>
    %get3A_66 = arith.constant 1 : index
    %get3A_67 = tpu.vector_load %arg11[%get3A_66] {strides = array<i32>} : memref<528xi32, #tpu.memory_space<vmem>>, vector<16xi32>,
    %slice3A_68 = vector.extract_strided_slice %get3A_67 {offsets = [0], sizes = [1], strides = [1]} : vector<16xi32> to vector<1xi32>
    %squeeze3A_69 = vector.extract %slice3A_68[0] : i32 from vector<1xi32>
    %multiple_of3A_70 = tpu.assume_multiple %squeeze3A_65, 128 : i32
    %dma_start3A_71 = arith.constant 1 : i32
    %dma_start3A_72 = arith.constant 0 : i32
    %dma_start3A_73 = arith.constant 0 : i32
    %dma_start3A_74 = tpu.memref_slice %arg13[%dma_start3A_71, %dma_start3A_72, %dma_start3A_73] : memref<4x64x128xf32, #tpu.memory_space<vmem>> -> memref<1x32x128xf32, #tpu.memory_space<vmem>>
    %dma_start3A_75 = tpu.memref_squeeze %dma_start3A_74 : memref<1x32x128xf32, #tpu.memory_space<vmem>> -> memref<32x128xf32, #tpu.memory_space<vmem>>
    %dma_start3A_76 = arith.constant 0 : i32
    %dma_start3A_77 = tpu.memref_slice %arg6[%dma_start3A_76, %multiple_of3A_70] : memref<64x1000000xf32, #tpu.memory_space<hbm>> -> memref<32x128xf32, #tpu.memory_space<hbm>>
    %dma_start3A_78 = arith.constant 0 : i32
    %dma_start3A_79 = arith.constant 0 : i32
    %dma_start3A_80 = tpu.memref_slice %arg13[%dma_start3A_71, %dma_start3A_78, %dma_start3A_79] : memref<4x64x128xf32, #tpu.memory_space<vmem>> -> memref<1x32x128xf32, #tpu.memory_space<vmem>>
    %dma_start3A_81 = tpu.memref_squeeze %dma_start3A_80 : memref<1x32x128xf32, #tpu.memory_space<vmem>> -> memref<32x128xf32, #tpu.memory_space<vmem>>
    %dma_start3A_82 = arith.constant 0 : i32
    %dma_start3A_83 = tpu.memref_slice %arg6[%dma_start3A_82, %multiple_of3A_70] : memref<64x1000000xf32, #tpu.memory_space<hbm>> -> memref<32x128xf32, #tpu.memory_space<hbm>>
    tpu.enqueue_dma source(%dma_start3A_83 : memref<32x128xf32, #tpu.memory_space<hbm>>) target(%dma_start3A_81 : memref<32x128xf32, #tpu.memory_space<vmem>>) target_semaphore(%arg18 : memref<!tpu.dma_semaphore, #tpu.memory_space<semaphore_mem>>)
    %multiple_of3A_84 = tpu.assume_multiple %squeeze3A_69, 128 : i32
    %dma_start3A_85 = arith.constant 1 : i32
    %dma_start3A_86 = arith.constant 0 : i32
    %dma_start3A_87 = arith.constant 0 : i32
    %dma_start3A_88 = tpu.memref_slice %arg14[%dma_start3A_85, %dma_start3A_86, %dma_start3A_87] : memref<4x64x128xf32, #tpu.memory_space<vmem>> -> memref<1x32x128xf32, #tpu.memory_space<vmem>>
    %dma_start3A_89 = tpu.memref_squeeze %dma_start3A_88 : memref<1x32x128xf32, #tpu.memory_space<vmem>> -> memref<32x128xf32, #tpu.memory_space<vmem>>
    %dma_start3A_90 = arith.constant 0 : i32
    %dma_start3A_91 = tpu.memref_slice %arg7[%dma_start3A_90, %multiple_of3A_84] : memref<64x1000000xf32, #tpu.memory_space<hbm>> -> memref<32x128xf32, #tpu.memory_space<hbm>>
    %dma_start3A_92 = arith.constant 0 : i32
    %dma_start3A_93 = arith.constant 0 : i32
    %dma_start3A_94 = tpu.memref_slice %arg14[%dma_start3A_85, %dma_start3A_92, %dma_start3A_93] : memref<4x64x128xf32, #tpu.memory_space<vmem>> -> memref<1x32x128xf32, #tpu.memory_space<vmem>>
    %dma_start3A_95 = tpu.memref_squeeze %dma_start3A_94 : memref<1x32x128xf32, #tpu.memory_space<vmem>> -> memref<32x128xf32, #tpu.memory_space<vmem>>
    %dma_start3A_96 = arith.constant 0 : i32
    %dma_start3A_97 = tpu.memref_slice %arg7[%dma_start3A_96, %multiple_of3A_84] : memref<64x1000000xf32, #tpu.memory_space<hbm>> -> memref<32x128xf32, #tpu.memory_space<hbm>>
    tpu.enqueue_dma source(%dma_start3A_97 : memref<32x128xf32, #tpu.memory_space<hbm>>) target(%dma_start3A_95 : memref<32x128xf32, #tpu.memory_space<vmem>>) target_semaphore(%arg18 : memref<!tpu.dma_semaphore, #tpu.memory_space<semaphore_mem>>)
    %multiple_of3A_98 = tpu.assume_multiple %squeeze3A_65, 128 : i32
    %dma_start3A_99 = arith.constant 1 : i32
    %dma_start3A_100 = arith.constant 32 : i32
    %dma_start3A_101 = arith.constant 0 : i32
    %dma_start3A_102 = tpu.memref_slice %arg13[%dma_start3A_99, %dma_start3A_100, %dma_start3A_101] : memref<4x64x128xf32, #tpu.memory_space<vmem>> -> memref<1x32x128xf32, #tpu.memory_space<vmem>>
    %dma_start3A_103 = tpu.memref_squeeze %dma_start3A_102 : memref<1x32x128xf32, #tpu.memory_space<vmem>> -> memref<32x128xf32, #tpu.memory_space<vmem>>
    %dma_start3A_104 = arith.constant 32 : i32
    %dma_start3A_105 = tpu.memref_slice %arg6[%dma_start3A_104, %multiple_of3A_98] : memref<64x1000000xf32, #tpu.memory_space<hbm>> -> memref<32x128xf32, #tpu.memory_space<hbm>>
    %dma_start3A_106 = arith.constant 32 : i32
    %dma_start3A_107 = arith.constant 0 : i32
    %dma_start3A_108 = tpu.memref_slice %arg13[%dma_start3A_99, %dma_start3A_106, %dma_start3A_107] : memref<4x64x128xf32, #tpu.memory_space<vmem>> -> memref<1x32x128xf32, #tpu.memory_space<vmem>>
    %dma_start3A_109 = tpu.memref_squeeze %dma_start3A_108 : memref<1x32x128xf32, #tpu.memory_space<vmem>> -> memref<32x128xf32, #tpu.memory_space<vmem>>
    %dma_start3A_110 = arith.constant 32 : i32
    %dma_start3A_111 = tpu.memref_slice %arg6[%dma_start3A_110, %multiple_of3A_98] : memref<64x1000000xf32, #tpu.memory_space<hbm>> -> memref<32x128xf32, #tpu.memory_space<hbm>>
    tpu.enqueue_dma source(%dma_start3A_111 : memref<32x128xf32, #tpu.memory_space<hbm>>) target(%dma_start3A_109 : memref<32x128xf32, #tpu.memory_space<vmem>>) target_semaphore(%arg18 : memref<!tpu.dma_semaphore, #tpu.memory_space<semaphore_mem>>)
    %multiple_of3A_112 = tpu.assume_multiple %squeeze3A_69, 128 : i32
    %dma_start3A_113 = arith.constant 1 : i32
    %dma_start3A_114 = arith.constant 32 : i32
    %dma_start3A_115 = arith.constant 0 : i32
    %dma_start3A_116 = tpu.memref_slice %arg14[%dma_start3A_113, %dma_start3A_114, %dma_start3A_115] : memref<4x64x128xf32, #tpu.memory_space<vmem>> -> memref<1x32x128xf32, #tpu.memory_space<vmem>>
    %dma_start3A_117 = tpu.memref_squeeze %dma_start3A_116 : memref<1x32x128xf32, #tpu.memory_space<vmem>> -> memref<32x128xf32, #tpu.memory_space<vmem>>
    %dma_start3A_118 = arith.constant 32 : i32
    %dma_start3A_119 = tpu.memref_slice %arg7[%dma_start3A_118, %multiple_of3A_112] : memref<64x1000000xf32, #tpu.memory_space<hbm>> -> memref<32x128xf32, #tpu.memory_space<hbm>>
    %dma_start3A_120 = arith.constant 32 : i32
    %dma_start3A_121 = arith.constant 0 : i32
    %dma_start3A_122 = tpu.memref_slice %arg14[%dma_start3A_113, %dma_start3A_120, %dma_start3A_121] : memref<4x64x128xf32, #tpu.memory_space<vmem>> -> memref<1x32x128xf32, #tpu.memory_space<vmem>>
    %dma_start3A_123 = tpu.memref_squeeze %dma_start3A_122 : memref<1x32x128xf32, #tpu.memory_space<vmem>> -> memref<32x128xf32, #tpu.memory_space<vmem>>
    %dma_start3A_124 = arith.constant 32 : i32
    %dma_start3A_125 = tpu.memref_slice %arg7[%dma_start3A_124, %multiple_of3A_112] : memref<64x1000000xf32, #tpu.memory_space<hbm>> -> memref<32x128xf32, #tpu.memory_space<hbm>>
    tpu.enqueue_dma source(%dma_start3A_125 : memref<32x128xf32, #tpu.memory_space<hbm>>) target(%dma_start3A_123 : memref<32x128xf32, #tpu.memory_space<vmem>>) target_semaphore(%arg18 : memref<!tpu.dma_semaphore, #tpu.memory_space<semaphore_mem>>)
    %get3A_126 = arith.constant 2 : index
    %get3A_127 = tpu.vector_load %arg9[%get3A_126] {strides = array<i32>} : memref<528xi32, #tpu.memory_space<vmem>>, vector<16xi32>,
    %slice3A_128 = vector.extract_strided_slice %get3A_127 {offsets = [0], sizes = [1], strides = [1]} : vector<16xi32> to vector<1xi32>
    %squeeze3A_129 = vector.extract %slice3A_128[0] : i32 from vector<1xi32>
    %get3A_130 = arith.constant 2 : index
    %get3A_131 = tpu.vector_load %arg11[%get3A_130] {strides = array<i32>} : memref<528xi32, #tpu.memory_space<vmem>>, vector<16xi32>,
    %slice3A_132 = vector.extract_strided_slice %get3A_131 {offsets = [0], sizes = [1], strides = [1]} : vector<16xi32> to vector<1xi32>
    %squeeze3A_133 = vector.extract %slice3A_132[0] : i32 from vector<1xi32>
    %multiple_of3A_134 = tpu.assume_multiple %squeeze3A_129, 128 : i32
    %dma_start3A_135 = arith.constant 2 : i32
    %dma_start3A_136 = arith.constant 0 : i32
    %dma_start3A_137 = arith.constant 0 : i32
    %dma_start3A_138 = tpu.memref_slice %arg13[%dma_start3A_135, %dma_start3A_136, %dma_start3A_137] : memref<4x64x128xf32, #tpu.memory_space<vmem>> -> memref<1x32x128xf32, #tpu.memory_space<vmem>>
    %dma_start3A_139 = tpu.memref_squeeze %dma_start3A_138 : memref<1x32x128xf32, #tpu.memory_space<vmem>> -> memref<32x128xf32, #tpu.memory_space<vmem>>
    %dma_start3A_140 = arith.constant 0 : i32
    %dma_start3A_141 = tpu.memref_slice %arg6[%dma_start3A_140, %multiple_of3A_134] : memref<64x1000000xf32, #tpu.memory_space<hbm>> -> memref<32x128xf32, #tpu.memory_space<hbm>>
    %dma_start3A_142 = arith.constant 0 : i32
    %dma_start3A_143 = arith.constant 0 : i32
    %dma_start3A_144 = tpu.memref_slice %arg13[%dma_start3A_135, %dma_start3A_142, %dma_start3A_143] : memref<4x64x128xf32, #tpu.memory_space<vmem>> -> memref<1x32x128xf32, #tpu.memory_space<vmem>>
    %dma_start3A_145 = tpu.memref_squeeze %dma_start3A_144 : memref<1x32x128xf32, #tpu.memory_space<vmem>> -> memref<32x128xf32, #tpu.memory_space<vmem>>
    %dma_start3A_146 = arith.constant 0 : i32
    %dma_start3A_147 = tpu.memref_slice %arg6[%dma_start3A_146, %multiple_of3A_134] : memref<64x1000000xf32, #tpu.memory_space<hbm>> -> memref<32x128xf32, #tpu.memory_space<hbm>>
    tpu.enqueue_dma source(%dma_start3A_147 : memref<32x128xf32, #tpu.memory_space<hbm>>) target(%dma_start3A_145 : memref<32x128xf32, #tpu.memory_space<vmem>>) target_semaphore(%arg19 : memref<!tpu.dma_semaphore, #tpu.memory_space<semaphore_mem>>)
    %multiple_of3A_148 = tpu.assume_multiple %squeeze3A_133, 128 : i32
    %dma_start3A_149 = arith.constant 2 : i32
    %dma_start3A_150 = arith.constant 0 : i32
    %dma_start3A_151 = arith.constant 0 : i32
    %dma_start3A_152 = tpu.memref_slice %arg14[%dma_start3A_149, %dma_start3A_150, %dma_start3A_151] : memref<4x64x128xf32, #tpu.memory_space<vmem>> -> memref<1x32x128xf32, #tpu.memory_space<vmem>>
    %dma_start3A_153 = tpu.memref_squeeze %dma_start3A_152 : memref<1x32x128xf32, #tpu.memory_space<vmem>> -> memref<32x128xf32, #tpu.memory_space<vmem>>
    %dma_start3A_154 = arith.constant 0 : i32
    %dma_start3A_155 = tpu.memref_slice %arg7[%dma_start3A_154, %multiple_of3A_148] : memref<64x1000000xf32, #tpu.memory_space<hbm>> -> memref<32x128xf32, #tpu.memory_space<hbm>>
    %dma_start3A_156 = arith.constant 0 : i32
    %dma_start3A_157 = arith.constant 0 : i32
    %dma_start3A_158 = tpu.memref_slice %arg14[%dma_start3A_149, %dma_start3A_156, %dma_start3A_157] : memref<4x64x128xf32, #tpu.memory_space<vmem>> -> memref<1x32x128xf32, #tpu.memory_space<vmem>>
    %dma_start3A_159 = tpu.memref_squeeze %dma_start3A_158 : memref<1x32x128xf32, #tpu.memory_space<vmem>> -> memref<32x128xf32, #tpu.memory_space<vmem>>
    %dma_start3A_160 = arith.constant 0 : i32
    %dma_start3A_161 = tpu.memref_slice %arg7[%dma_start3A_160, %multiple_of3A_148] : memref<64x1000000xf32, #tpu.memory_space<hbm>> -> memref<32x128xf32, #tpu.memory_space<hbm>>
    tpu.enqueue_dma source(%dma_start3A_161 : memref<32x128xf32, #tpu.memory_space<hbm>>) target(%dma_start3A_159 : memref<32x128xf32, #tpu.memory_space<vmem>>) target_semaphore(%arg19 : memref<!tpu.dma_semaphore, #tpu.memory_space<semaphore_mem>>)
    %multiple_of3A_162 = tpu.assume_multiple %squeeze3A_129, 128 : i32
    %dma_start3A_163 = arith.constant 2 : i32
    %dma_start3A_164 = arith.constant 32 : i32
    %dma_start3A_165 = arith.constant 0 : i32
    %dma_start3A_166 = tpu.memref_slice %arg13[%dma_start3A_163, %dma_start3A_164, %dma_start3A_165] : memref<4x64x128xf32, #tpu.memory_space<vmem>> -> memref<1x32x128xf32, #tpu.memory_space<vmem>>
    %dma_start3A_167 = tpu.memref_squeeze %dma_start3A_166 : memref<1x32x128xf32, #tpu.memory_space<vmem>> -> memref<32x128xf32, #tpu.memory_space<vmem>>
    %dma_start3A_168 = arith.constant 32 : i32
    %dma_start3A_169 = tpu.memref_slice %arg6[%dma_start3A_168, %multiple_of3A_162] : memref<64x1000000xf32, #tpu.memory_space<hbm>> -> memref<32x128xf32, #tpu.memory_space<hbm>>
    %dma_start3A_170 = arith.constant 32 : i32
    %dma_start3A_171 = arith.constant 0 : i32
    %dma_start3A_172 = tpu.memref_slice %arg13[%dma_start3A_163, %dma_start3A_170, %dma_start3A_171] : memref<4x64x128xf32, #tpu.memory_space<vmem>> -> memref<1x32x128xf32, #tpu.memory_space<vmem>>
    %dma_start3A_173 = tpu.memref_squeeze %dma_start3A_172 : memref<1x32x128xf32, #tpu.memory_space<vmem>> -> memref<32x128xf32, #tpu.memory_space<vmem>>
    %dma_start3A_174 = arith.constant 32 : i32
    %dma_start3A_175 = tpu.memref_slice %arg6[%dma_start3A_174, %multiple_of3A_162] : memref<64x1000000xf32, #tpu.memory_space<hbm>> -> memref<32x128xf32, #tpu.memory_space<hbm>>
    tpu.enqueue_dma source(%dma_start3A_175 : memref<32x128xf32, #tpu.memory_space<hbm>>) target(%dma_start3A_173 : memref<32x128xf32, #tpu.memory_space<vmem>>) target_semaphore(%arg19 : memref<!tpu.dma_semaphore, #tpu.memory_space<semaphore_mem>>)
    %multiple_of3A_176 = tpu.assume_multiple %squeeze3A_133, 128 : i32
    %dma_start3A_177 = arith.constant 2 : i32
    %dma_start3A_178 = arith.constant 32 : i32
    %dma_start3A_179 = arith.constant 0 : i32
    %dma_start3A_180 = tpu.memref_slice %arg14[%dma_start3A_177, %dma_start3A_178, %dma_start3A_179] : memref<4x64x128xf32, #tpu.memory_space<vmem>> -> memref<1x32x128xf32, #tpu.memory_space<vmem>>
    %dma_start3A_181 = tpu.memref_squeeze %dma_start3A_180 : memref<1x32x128xf32, #tpu.memory_space<vmem>> -> memref<32x128xf32, #tpu.memory_space<vmem>>
    %dma_start3A_182 = arith.constant 32 : i32
    %dma_start3A_183 = tpu.memref_slice %arg7[%dma_start3A_182, %multiple_of3A_176] : memref<64x1000000xf32, #tpu.memory_space<hbm>> -> memref<32x128xf32, #tpu.memory_space<hbm>>
    %dma_start3A_184 = arith.constant 32 : i32
    %dma_start3A_185 = arith.constant 0 : i32
    %dma_start3A_186 = tpu.memref_slice %arg14[%dma_start3A_177, %dma_start3A_184, %dma_start3A_185] : memref<4x64x128xf32, #tpu.memory_space<vmem>> -> memref<1x32x128xf32, #tpu.memory_space<vmem>>
    %dma_start3A_187 = tpu.memref_squeeze %dma_start3A_186 : memref<1x32x128xf32, #tpu.memory_space<vmem>> -> memref<32x128xf32, #tpu.memory_space<vmem>>
    %dma_start3A_188 = arith.constant 32 : i32
    %dma_start3A_189 = tpu.memref_slice %arg7[%dma_start3A_188, %multiple_of3A_176] : memref<64x1000000xf32, #tpu.memory_space<hbm>> -> memref<32x128xf32, #tpu.memory_space<hbm>>
    tpu.enqueue_dma source(%dma_start3A_189 : memref<32x128xf32, #tpu.memory_space<hbm>>) target(%dma_start3A_187 : memref<32x128xf32, #tpu.memory_space<vmem>>) target_semaphore(%arg19 : memref<!tpu.dma_semaphore, #tpu.memory_space<semaphore_mem>>)
    %get3A_190 = arith.constant 3 : index
    %get3A_191 = tpu.vector_load %arg9[%get3A_190] {strides = array<i32>} : memref<528xi32, #tpu.memory_space<vmem>>, vector<16xi32>,
    %slice3A_192 = vector.extract_strided_slice %get3A_191 {offsets = [0], sizes = [1], strides = [1]} : vector<16xi32> to vector<1xi32>
    %squeeze3A_193 = vector.extract %slice3A_192[0] : i32 from vector<1xi32>
    %get3A_194 = arith.constant 3 : index
    %get3A_195 = tpu.vector_load %arg11[%get3A_194] {strides = array<i32>} : memref<528xi32, #tpu.memory_space<vmem>>, vector<16xi32>,
    %slice3A_196 = vector.extract_strided_slice %get3A_195 {offsets = [0], sizes = [1], strides = [1]} : vector<16xi32> to vector<1xi32>
    %squeeze3A_197 = vector.extract %slice3A_196[0] : i32 from vector<1xi32>
    %multiple_of3A_198 = tpu.assume_multiple %squeeze3A_193, 128 : i32
    %dma_start3A_199 = arith.constant 3 : i32
    %dma_start3A_200 = arith.constant 0 : i32
    %dma_start3A_201 = arith.constant 0 : i32
    %dma_start3A_202 = tpu.memref_slice %arg13[%dma_start3A_199, %dma_start3A_200, %dma_start3A_201] : memref<4x64x128xf32, #tpu.memory_space<vmem>> -> memref<1x32x128xf32, #tpu.memory_space<vmem>>
    %dma_start3A_203 = tpu.memref_squeeze %dma_start3A_202 : memref<1x32x128xf32, #tpu.memory_space<vmem>> -> memref<32x128xf32, #tpu.memory_space<vmem>>
    %dma_start3A_204 = arith.constant 0 : i32
    %dma_start3A_205 = tpu.memref_slice %arg6[%dma_start3A_204, %multiple_of3A_198] : memref<64x1000000xf32, #tpu.memory_space<hbm>> -> memref<32x128xf32, #tpu.memory_space<hbm>>
    %dma_start3A_206 = arith.constant 0 : i32
    %dma_start3A_207 = arith.constant 0 : i32
    %dma_start3A_208 = tpu.memref_slice %arg13[%dma_start3A_199, %dma_start3A_206, %dma_start3A_207] : memref<4x64x128xf32, #tpu.memory_space<vmem>> -> memref<1x32x128xf32, #tpu.memory_space<vmem>>
    %dma_start3A_209 = tpu.memref_squeeze %dma_start3A_208 : memref<1x32x128xf32, #tpu.memory_space<vmem>> -> memref<32x128xf32, #tpu.memory_space<vmem>>
    %dma_start3A_210 = arith.constant 0 : i32
    %dma_start3A_211 = tpu.memref_slice %arg6[%dma_start3A_210, %multiple_of3A_198] : memref<64x1000000xf32, #tpu.memory_space<hbm>> -> memref<32x128xf32, #tpu.memory_space<hbm>>
    tpu.enqueue_dma source(%dma_start3A_211 : memref<32x128xf32, #tpu.memory_space<hbm>>) target(%dma_start3A_209 : memref<32x128xf32, #tpu.memory_space<vmem>>) target_semaphore(%arg20 : memref<!tpu.dma_semaphore, #tpu.memory_space<semaphore_mem>>)
    %multiple_of3A_212 = tpu.assume_multiple %squeeze3A_197, 128 : i32
    %dma_start3A_213 = arith.constant 3 : i32
    %dma_start3A_214 = arith.constant 0 : i32
    %dma_start3A_215 = arith.constant 0 : i32
    %dma_start3A_216 = tpu.memref_slice %arg14[%dma_start3A_213, %dma_start3A_214, %dma_start3A_215] : memref<4x64x128xf32, #tpu.memory_space<vmem>> -> memref<1x32x128xf32, #tpu.memory_space<vmem>>
    %dma_start3A_217 = tpu.memref_squeeze %dma_start3A_216 : memref<1x32x128xf32, #tpu.memory_space<vmem>> -> memref<32x128xf32, #tpu.memory_space<vmem>>
    %dma_start3A_218 = arith.constant 0 : i32
    %dma_start3A_219 = tpu.memref_slice %arg7[%dma_start3A_218, %multiple_of3A_212] : memref<64x1000000xf32, #tpu.memory_space<hbm>> -> memref<32x128xf32, #tpu.memory_space<hbm>>
    %dma_start3A_220 = arith.constant 0 : i32
    %dma_start3A_221 = arith.constant 0 : i32
    %dma_start3A_222 = tpu.memref_slice %arg14[%dma_start3A_213, %dma_start3A_220, %dma_start3A_221] : memref<4x64x128xf32, #tpu.memory_space<vmem>> -> memref<1x32x128xf32, #tpu.memory_space<vmem>>
    %dma_start3A_223 = tpu.memref_squeeze %dma_start3A_222 : memref<1x32x128xf32, #tpu.memory_space<vmem>> -> memref<32x128xf32, #tpu.memory_space<vmem>>
    %dma_start3A_224 = arith.constant 0 : i32
    %dma_start3A_225 = tpu.memref_slice %arg7[%dma_start3A_224, %multiple_of3A_212] : memref<64x1000000xf32, #tpu.memory_space<hbm>> -> memref<32x128xf32, #tpu.memory_space<hbm>>
    tpu.enqueue_dma source(%dma_start3A_225 : memref<32x128xf32, #tpu.memory_space<hbm>>) target(%dma_start3A_223 : memref<32x128xf32, #tpu.memory_space<vmem>>) target_semaphore(%arg20 : memref<!tpu.dma_semaphore, #tpu.memory_space<semaphore_mem>>)
    %multiple_of3A_226 = tpu.assume_multiple %squeeze3A_193, 128 : i32
    %dma_start3A_227 = arith.constant 3 : i32
    %dma_start3A_228 = arith.constant 32 : i32
    %dma_start3A_229 = arith.constant 0 : i32
    %dma_start3A_230 = tpu.memref_slice %arg13[%dma_start3A_227, %dma_start3A_228, %dma_start3A_229] : memref<4x64x128xf32, #tpu.memory_space<vmem>> -> memref<1x32x128xf32, #tpu.memory_space<vmem>>
    %dma_start3A_231 = tpu.memref_squeeze %dma_start3A_230 : memref<1x32x128xf32, #tpu.memory_space<vmem>> -> memref<32x128xf32, #tpu.memory_space<vmem>>
    %dma_start3A_232 = arith.constant 32 : i32
    %dma_start3A_233 = tpu.memref_slice %arg6[%dma_start3A_232, %multiple_of3A_226] : memref<64x1000000xf32, #tpu.memory_space<hbm>> -> memref<32x128xf32, #tpu.memory_space<hbm>>
    %dma_start3A_234 = arith.constant 32 : i32
    %dma_start3A_235 = arith.constant 0 : i32
    %dma_start3A_236 = tpu.memref_slice %arg13[%dma_start3A_227, %dma_start3A_234, %dma_start3A_235] : memref<4x64x128xf32, #tpu.memory_space<vmem>> -> memref<1x32x128xf32, #tpu.memory_space<vmem>>
    %dma_start3A_237 = tpu.memref_squeeze %dma_start3A_236 : memref<1x32x128xf32, #tpu.memory_space<vmem>> -> memref<32x128xf32, #tpu.memory_space<vmem>>
    %dma_start3A_238 = arith.constant 32 : i32
    %dma_start3A_239 = tpu.memref_slice %arg6[%dma_start3A_238, %multiple_of3A_226] : memref<64x1000000xf32, #tpu.memory_space<hbm>> -> memref<32x128xf32, #tpu.memory_space<hbm>>
    tpu.enqueue_dma source(%dma_start3A_239 : memref<32x128xf32, #tpu.memory_space<hbm>>) target(%dma_start3A_237 : memref<32x128xf32, #tpu.memory_space<vmem>>) target_semaphore(%arg20 : memref<!tpu.dma_semaphore, #tpu.memory_space<semaphore_mem>>)
    %multiple_of3A_240 = tpu.assume_multiple %squeeze3A_197, 128 : i32
    %dma_start3A_241 = arith.constant 3 : i32
    %dma_start3A_242 = arith.constant 32 : i32
    %dma_start3A_243 = arith.constant 0 : i32
    %dma_start3A_244 = tpu.memref_slice %arg14[%dma_start3A_241, %dma_start3A_242, %dma_start3A_243] : memref<4x64x128xf32, #tpu.memory_space<vmem>> -> memref<1x32x128xf32, #tpu.memory_space<vmem>>
    %dma_start3A_245 = tpu.memref_squeeze %dma_start3A_244 : memref<1x32x128xf32, #tpu.memory_space<vmem>> -> memref<32x128xf32, #tpu.memory_space<vmem>>
    %dma_start3A_246 = arith.constant 32 : i32
    %dma_start3A_247 = tpu.memref_slice %arg7[%dma_start3A_246, %multiple_of3A_240] : memref<64x1000000xf32, #tpu.memory_space<hbm>> -> memref<32x128xf32, #tpu.memory_space<hbm>>
    %dma_start3A_248 = arith.constant 32 : i32
    %dma_start3A_249 = arith.constant 0 : i32
    %dma_start3A_250 = tpu.memref_slice %arg14[%dma_start3A_241, %dma_start3A_248, %dma_start3A_249] : memref<4x64x128xf32, #tpu.memory_space<vmem>> -> memref<1x32x128xf32, #tpu.memory_space<vmem>>
    %dma_start3A_251 = tpu.memref_squeeze %dma_start3A_250 : memref<1x32x128xf32, #tpu.memory_space<vmem>> -> memref<32x128xf32, #tpu.memory_space<vmem>>
    %dma_start3A_252 = arith.constant 32 : i32
    %dma_start3A_253 = tpu.memref_slice %arg7[%dma_start3A_252, %multiple_of3A_240] : memref<64x1000000xf32, #tpu.memory_space<hbm>> -> memref<32x128xf32, #tpu.memory_space<hbm>>
    tpu.enqueue_dma source(%dma_start3A_253 : memref<32x128xf32, #tpu.memory_space<hbm>>) target(%dma_start3A_251 : memref<32x128xf32, #tpu.memory_space<vmem>>) target_semaphore(%arg20 : memref<!tpu.dma_semaphore, #tpu.memory_space<semaphore_mem>>)
    %scan3A = arith.constant 0 : i32
    %scan3A_254 = arith.constant 0 : i32
    %scan3A_255 = arith.constant 32 : i32
    %scan3A_256 = arith.addi %scan3A_254, %scan3A_255 : i32
    %scan3A_257 = arith.constant 1 : i32
    %scan3A_258 = scf.for %scan3A_499 = %scan3A_254 to %scan3A_256 step %scan3A_257 iter_args(%scan3A_500 = %scan3A) -> (i32)  : i32 {
      %mul3A_501 = arith.constant 16 : i32
      %mul3A_502 = arith.muli %scan3A_499, %mul3A_501 : i32
      %add3A_503 = arith.constant 0 : i32
      %add3A_504 = arith.addi %mul3A_502, %add3A_503 : i32
      %dma_wait3A_505 = arith.constant 0 : i32
      %dma_wait3A_506 = arith.constant 0 : i32
      %dma_wait3A_507 = arith.constant 0 : i32
      %dma_wait3A_508 = tpu.memref_slice %arg13[%dma_wait3A_505, %dma_wait3A_506, %dma_wait3A_507] : memref<4x64x128xf32, #tpu.memory_space<vmem>> -> memref<1x32x128xf32, #tpu.memory_space<vmem>>
      %dma_wait3A_509 = tpu.memref_squeeze %dma_wait3A_508 : memref<1x32x128xf32, #tpu.memory_space<vmem>> -> memref<32x128xf32, #tpu.memory_space<vmem>>
      %dma_wait3A_510 = arith.constant 0 : i32
      %dma_wait3A_511 = arith.constant 0 : i32
      %dma_wait3A_512 = tpu.memref_slice %arg6[%dma_wait3A_510, %dma_wait3A_511] : memref<64x1000000xf32, #tpu.memory_space<hbm>> -> memref<32x128xf32, #tpu.memory_space<hbm>>
      %dma_wait3A_513 = arith.constant 0 : i32
      %dma_wait3A_514 = arith.constant 0 : i32
      %dma_wait3A_515 = tpu.memref_slice %arg13[%dma_wait3A_505, %dma_wait3A_513, %dma_wait3A_514] : memref<4x64x128xf32, #tpu.memory_space<vmem>> -> memref<1x32x128xf32, #tpu.memory_space<vmem>>
      %dma_wait3A_516 = tpu.memref_squeeze %dma_wait3A_515 : memref<1x32x128xf32, #tpu.memory_space<vmem>> -> memref<32x128xf32, #tpu.memory_space<vmem>>
      %dma_wait3A_517 = arith.constant 0 : i32
      %dma_wait3A_518 = arith.constant 0 : i32
      %dma_wait3A_519 = tpu.memref_slice %arg6[%dma_wait3A_517, %dma_wait3A_518] : memref<64x1000000xf32, #tpu.memory_space<hbm>> -> memref<32x128xf32, #tpu.memory_space<hbm>>
      tpu.wait_dma2 semaphore(%arg17 : memref<!tpu.dma_semaphore, #tpu.memory_space<semaphore_mem>>) src(%dma_wait3A_519 : memref<32x128xf32, #tpu.memory_space<hbm>>) dst(%dma_wait3A_516 : memref<32x128xf32, #tpu.memory_space<vmem>>)
      %dma_wait3A_520 = arith.constant 0 : i32
      %dma_wait3A_521 = arith.constant 0 : i32
      %dma_wait3A_522 = arith.constant 0 : i32
      %dma_wait3A_523 = tpu.memref_slice %arg13[%dma_wait3A_520, %dma_wait3A_521, %dma_wait3A_522] : memref<4x64x128xf32, #tpu.memory_space<vmem>> -> memref<1x32x128xf32, #tpu.memory_space<vmem>>
      %dma_wait3A_524 = tpu.memref_squeeze %dma_wait3A_523 : memref<1x32x128xf32, #tpu.memory_space<vmem>> -> memref<32x128xf32, #tpu.memory_space<vmem>>
      %dma_wait3A_525 = arith.constant 0 : i32
      %dma_wait3A_526 = arith.constant 0 : i32
      %dma_wait3A_527 = tpu.memref_slice %arg6[%dma_wait3A_525, %dma_wait3A_526] : memref<64x1000000xf32, #tpu.memory_space<hbm>> -> memref<32x128xf32, #tpu.memory_space<hbm>>
      %dma_wait3A_528 = arith.constant 0 : i32
      %dma_wait3A_529 = arith.constant 0 : i32
      %dma_wait3A_530 = tpu.memref_slice %arg13[%dma_wait3A_520, %dma_wait3A_528, %dma_wait3A_529] : memref<4x64x128xf32, #tpu.memory_space<vmem>> -> memref<1x32x128xf32, #tpu.memory_space<vmem>>
      %dma_wait3A_531 = tpu.memref_squeeze %dma_wait3A_530 : memref<1x32x128xf32, #tpu.memory_space<vmem>> -> memref<32x128xf32, #tpu.memory_space<vmem>>
      %dma_wait3A_532 = arith.constant 0 : i32
      %dma_wait3A_533 = arith.constant 0 : i32
      %dma_wait3A_534 = tpu.memref_slice %arg6[%dma_wait3A_532, %dma_wait3A_533] : memref<64x1000000xf32, #tpu.memory_space<hbm>> -> memref<32x128xf32, #tpu.memory_space<hbm>>
      tpu.wait_dma2 semaphore(%arg17 : memref<!tpu.dma_semaphore, #tpu.memory_space<semaphore_mem>>) src(%dma_wait3A_534 : memref<32x128xf32, #tpu.memory_space<hbm>>) dst(%dma_wait3A_531 : memref<32x128xf32, #tpu.memory_space<vmem>>)
      %dma_wait3A_535 = arith.constant 0 : i32
      %dma_wait3A_536 = arith.constant 0 : i32
      %dma_wait3A_537 = arith.constant 0 : i32
      %dma_wait3A_538 = tpu.memref_slice %arg13[%dma_wait3A_535, %dma_wait3A_536, %dma_wait3A_537] : memref<4x64x128xf32, #tpu.memory_space<vmem>> -> memref<1x32x128xf32, #tpu.memory_space<vmem>>
      %dma_wait3A_539 = tpu.memref_squeeze %dma_wait3A_538 : memref<1x32x128xf32, #tpu.memory_space<vmem>> -> memref<32x128xf32, #tpu.memory_space<vmem>>
      %dma_wait3A_540 = arith.constant 0 : i32
      %dma_wait3A_541 = arith.constant 0 : i32
      %dma_wait3A_542 = tpu.memref_slice %arg6[%dma_wait3A_540, %dma_wait3A_541] : memref<64x1000000xf32, #tpu.memory_space<hbm>> -> memref<32x128xf32, #tpu.memory_space<hbm>>
      %dma_wait3A_543 = arith.constant 0 : i32
      %dma_wait3A_544 = arith.constant 0 : i32
      %dma_wait3A_545 = tpu.memref_slice %arg13[%dma_wait3A_535, %dma_wait3A_543, %dma_wait3A_544] : memref<4x64x128xf32, #tpu.memory_space<vmem>> -> memref<1x32x128xf32, #tpu.memory_space<vmem>>
      %dma_wait3A_546 = tpu.memref_squeeze %dma_wait3A_545 : memref<1x32x128xf32, #tpu.memory_space<vmem>> -> memref<32x128xf32, #tpu.memory_space<vmem>>
      %dma_wait3A_547 = arith.constant 0 : i32
      %dma_wait3A_548 = arith.constant 0 : i32
      %dma_wait3A_549 = tpu.memref_slice %arg6[%dma_wait3A_547, %dma_wait3A_548] : memref<64x1000000xf32, #tpu.memory_space<hbm>> -> memref<32x128xf32, #tpu.memory_space<hbm>>
      tpu.wait_dma2 semaphore(%arg17 : memref<!tpu.dma_semaphore, #tpu.memory_space<semaphore_mem>>) src(%dma_wait3A_549 : memref<32x128xf32, #tpu.memory_space<hbm>>) dst(%dma_wait3A_546 : memref<32x128xf32, #tpu.memory_space<vmem>>)
      %dma_wait3A_550 = arith.constant 0 : i32
      %dma_wait3A_551 = arith.constant 0 : i32
      %dma_wait3A_552 = arith.constant 0 : i32
      %dma_wait3A_553 = tpu.memref_slice %arg13[%dma_wait3A_550, %dma_wait3A_551, %dma_wait3A_552] : memref<4x64x128xf32, #tpu.memory_space<vmem>> -> memref<1x32x128xf32, #tpu.memory_space<vmem>>
      %dma_wait3A_554 = tpu.memref_squeeze %dma_wait3A_553 : memref<1x32x128xf32, #tpu.memory_space<vmem>> -> memref<32x128xf32, #tpu.memory_space<vmem>>
      %dma_wait3A_555 = arith.constant 0 : i32
      %dma_wait3A_556 = arith.constant 0 : i32
      %dma_wait3A_557 = tpu.memref_slice %arg6[%dma_wait3A_555, %dma_wait3A_556] : memref<64x1000000xf32, #tpu.memory_space<hbm>> -> memref<32x128xf32, #tpu.memory_space<hbm>>
      %dma_wait3A_558 = arith.constant 0 : i32
      %dma_wait3A_559 = arith.constant 0 : i32
      %dma_wait3A_560 = tpu.memref_slice %arg13[%dma_wait3A_550, %dma_wait3A_558, %dma_wait3A_559] : memref<4x64x128xf32, #tpu.memory_space<vmem>> -> memref<1x32x128xf32, #tpu.memory_space<vmem>>
      %dma_wait3A_561 = tpu.memref_squeeze %dma_wait3A_560 : memref<1x32x128xf32, #tpu.memory_space<vmem>> -> memref<32x128xf32, #tpu.memory_space<vmem>>
      %dma_wait3A_562 = arith.constant 0 : i32
      %dma_wait3A_563 = arith.constant 0 : i32
      %dma_wait3A_564 = tpu.memref_slice %arg6[%dma_wait3A_562, %dma_wait3A_563] : memref<64x1000000xf32, #tpu.memory_space<hbm>> -> memref<32x128xf32, #tpu.memory_space<hbm>>
      tpu.wait_dma2 semaphore(%arg17 : memref<!tpu.dma_semaphore, #tpu.memory_space<semaphore_mem>>) src(%dma_wait3A_564 : memref<32x128xf32, #tpu.memory_space<hbm>>) dst(%dma_wait3A_561 : memref<32x128xf32, #tpu.memory_space<vmem>>)
      %get3A_565 = arith.index_cast %add3A_504 : i32 to index
      %get3A_566 = tpu.vector_load %arg10[%get3A_565] {strides = array<i32>} : memref<528xi32, #tpu.memory_space<vmem>>, vector<16xi32>,
      %slice3A_567 = vector.extract_strided_slice %get3A_566 {offsets = [0], sizes = [1], strides = [1]} : vector<16xi32> to vector<1xi32>
      %squeeze3A_568 = vector.extract %slice3A_567[0] : i32 from vector<1xi32>
      %get3A_569 = arith.index_cast %add3A_504 : i32 to index
      %get3A_570 = tpu.vector_load %arg12[%get3A_569] {strides = array<i32>} : memref<528xi32, #tpu.memory_space<vmem>>, vector<16xi32>,
      %slice3A_571 = vector.extract_strided_slice %get3A_570 {offsets = [0], sizes = [1], strides = [1]} : vector<16xi32> to vector<1xi32>
      %squeeze3A_572 = vector.extract %slice3A_571[0] : i32 from vector<1xi32>
      %mul3A_573 = arith.constant 0 : i32
      %mul3A_574 = vector.broadcast %mul3A_573 : i32 to vector<16xi32>
      %mul3A_575 = arith.muli %iota3A, %mul3A_574 : vector<16xi32>
      %add3A_576 = vector.broadcast %squeeze3A_568 : i32 to vector<16xi32>
      %add3A_577 = arith.addi %mul3A_575, %add3A_576 : vector<16xi32>
      %mul3A_578 = arith.constant 0 : i32
      %mul3A_579 = vector.broadcast %mul3A_578 : i32 to vector<16xi32>
      %mul3A_580 = arith.muli %iota3A, %mul3A_579 : vector<16xi32>
      %add3A_581 = vector.broadcast %squeeze3A_572 : i32 to vector<16xi32>
      %add3A_582 = arith.addi %mul3A_580, %add3A_581 : vector<16xi32>
      %add3A_583 = arith.constant 0 : i32
      %add3A_584 = vector.broadcast %add3A_583 : i32 to vector<16xi32>
      %add3A_585 = arith.addi %add3A_584, %iota3A : vector<16xi32>
      %gather3A = arith.constant 0 : i32
      %gather3A_586 = arith.constant 0 : i32
      %gather3A_587 = arith.constant 0 : i32
      %gather3A_588 = tpu.memref_slice %arg13[%gather3A, %gather3A_586, %gather3A_587] : memref<4x64x128xf32, #tpu.memory_space<vmem>> -> memref<1x64x128xf32, #tpu.memory_space<vmem>>
      %gather3A_589 = tpu.memref_squeeze %gather3A_588 : memref<1x64x128xf32, #tpu.memory_space<vmem>> -> memref<64x128xf32, #tpu.memory_space<vmem>>
      %gather3A_590 = tpu.vector_load_idx %gather3A_589[%add3A_585, %add3A_577] : memref<64x128xf32, #tpu.memory_space<vmem>>[vector<16xi32>, vector<16xi32>], vector<16xf32>,
      %gather3A_591 = arith.constant 0 : i32
      %gather3A_592 = arith.constant 0 : i32
      %gather3A_593 = arith.constant 0 : i32
      %gather3A_594 = tpu.memref_slice %arg14[%gather3A_591, %gather3A_592, %gather3A_593] : memref<4x64x128xf32, #tpu.memory_space<vmem>> -> memref<1x64x128xf32, #tpu.memory_space<vmem>>
      %gather3A_595 = tpu.memref_squeeze %gather3A_594 : memref<1x64x128xf32, #tpu.memory_space<vmem>> -> memref<64x128xf32, #tpu.memory_space<vmem>>
      %gather3A_596 = tpu.vector_load_idx %gather3A_595[%add3A_585, %add3A_582] : memref<64x128xf32, #tpu.memory_space<vmem>>[vector<16xi32>, vector<16xi32>], vector<16xf32>,
      %mul3A_597 = arith.mulf %gather3A_590, %gather3A_596 : vector<16xf32>
      %add3A_598 = arith.constant 16 : i32
      %add3A_599 = vector.broadcast %add3A_598 : i32 to vector<16xi32>
      %add3A_600 = arith.addi %add3A_599, %iota3A : vector<16xi32>
      %gather3A_601 = arith.constant 0 : i32
      %gather3A_602 = arith.constant 0 : i32
      %gather3A_603 = arith.constant 0 : i32
      %gather3A_604 = tpu.memref_slice %arg13[%gather3A_601, %gather3A_602, %gather3A_603] : memref<4x64x128xf32, #tpu.memory_space<vmem>> -> memref<1x64x128xf32, #tpu.memory_space<vmem>>
      %gather3A_605 = tpu.memref_squeeze %gather3A_604 : memref<1x64x128xf32, #tpu.memory_space<vmem>> -> memref<64x128xf32, #tpu.memory_space<vmem>>
      %gather3A_606 = tpu.vector_load_idx %gather3A_605[%add3A_600, %add3A_577] : memref<64x128xf32, #tpu.memory_space<vmem>>[vector<16xi32>, vector<16xi32>], vector<16xf32>,
      %gather3A_607 = arith.constant 0 : i32
      %gather3A_608 = arith.constant 0 : i32
      %gather3A_609 = arith.constant 0 : i32
      %gather3A_610 = tpu.memref_slice %arg14[%gather3A_607, %gather3A_608, %gather3A_609] : memref<4x64x128xf32, #tpu.memory_space<vmem>> -> memref<1x64x128xf32, #tpu.memory_space<vmem>>
      %gather3A_611 = tpu.memref_squeeze %gather3A_610 : memref<1x64x128xf32, #tpu.memory_space<vmem>> -> memref<64x128xf32, #tpu.memory_space<vmem>>
      %gather3A_612 = tpu.vector_load_idx %gather3A_611[%add3A_600, %add3A_582] : memref<64x128xf32, #tpu.memory_space<vmem>>[vector<16xi32>, vector<16xi32>], vector<16xf32>,
      %mul3A_613 = arith.mulf %gather3A_606, %gather3A_612 : vector<16xf32>
      %add3A_614 = arith.addf %mul3A_597, %mul3A_613 : vector<16xf32>
      %add3A_615 = arith.constant 32 : i32
      %add3A_616 = vector.broadcast %add3A_615 : i32 to vector<16xi32>
      %add3A_617 = arith.addi %add3A_616, %iota3A : vector<16xi32>
      %gather3A_618 = arith.constant 0 : i32
      %gather3A_619 = arith.constant 0 : i32
      %gather3A_620 = arith.constant 0 : i32
      %gather3A_621 = tpu.memref_slice %arg13[%gather3A_618, %gather3A_619, %gather3A_620] : memref<4x64x128xf32, #tpu.memory_space<vmem>> -> memref<1x64x128xf32, #tpu.memory_space<vmem>>
      %gather3A_622 = tpu.memref_squeeze %gather3A_621 : memref<1x64x128xf32, #tpu.memory_space<vmem>> -> memref<64x128xf32, #tpu.memory_space<vmem>>
      %gather3A_623 = tpu.vector_load_idx %gather3A_622[%add3A_617, %add3A_577] : memref<64x128xf32, #tpu.memory_space<vmem>>[vector<16xi32>, vector<16xi32>], vector<16xf32>,
      %gather3A_624 = arith.constant 0 : i32
      %gather3A_625 = arith.constant 0 : i32
      %gather3A_626 = arith.constant 0 : i32
      %gather3A_627 = tpu.memref_slice %arg14[%gather3A_624, %gather3A_625, %gather3A_626] : memref<4x64x128xf32, #tpu.memory_space<vmem>> -> memref<1x64x128xf32, #tpu.memory_space<vmem>>
      %gather3A_628 = tpu.memref_squeeze %gather3A_627 : memref<1x64x128xf32, #tpu.memory_space<vmem>> -> memref<64x128xf32, #tpu.memory_space<vmem>>
      %gather3A_629 = tpu.vector_load_idx %gather3A_628[%add3A_617, %add3A_582] : memref<64x128xf32, #tpu.memory_space<vmem>>[vector<16xi32>, vector<16xi32>], vector<16xf32>,
      %mul3A_630 = arith.mulf %gather3A_623, %gather3A_629 : vector<16xf32>
      %add3A_631 = arith.addf %add3A_614, %mul3A_630 : vector<16xf32>
      %add3A_632 = arith.constant 48 : i32
      %add3A_633 = vector.broadcast %add3A_632 : i32 to vector<16xi32>
      %add3A_634 = arith.addi %add3A_633, %iota3A : vector<16xi32>
      %gather3A_635 = arith.constant 0 : i32
      %gather3A_636 = arith.constant 0 : i32
      %gather3A_637 = arith.constant 0 : i32
      %gather3A_638 = tpu.memref_slice %arg13[%gather3A_635, %gather3A_636, %gather3A_637] : memref<4x64x128xf32, #tpu.memory_space<vmem>> -> memref<1x64x128xf32, #tpu.memory_space<vmem>>
      %gather3A_639 = tpu.memref_squeeze %gather3A_638 : memref<1x64x128xf32, #tpu.memory_space<vmem>> -> memref<64x128xf32, #tpu.memory_space<vmem>>
      %gather3A_640 = tpu.vector_load_idx %gather3A_639[%add3A_634, %add3A_577] : memref<64x128xf32, #tpu.memory_space<vmem>>[vector<16xi32>, vector<16xi32>], vector<16xf32>,
      %gather3A_641 = arith.constant 0 : i32
      %gather3A_642 = arith.constant 0 : i32
      %gather3A_643 = arith.constant 0 : i32
      %gather3A_644 = tpu.memref_slice %arg14[%gather3A_641, %gather3A_642, %gather3A_643] : memref<4x64x128xf32, #tpu.memory_space<vmem>> -> memref<1x64x128xf32, #tpu.memory_space<vmem>>
      %gather3A_645 = tpu.memref_squeeze %gather3A_644 : memref<1x64x128xf32, #tpu.memory_space<vmem>> -> memref<64x128xf32, #tpu.memory_space<vmem>>
      %gather3A_646 = tpu.vector_load_idx %gather3A_645[%add3A_634, %add3A_582] : memref<64x128xf32, #tpu.memory_space<vmem>>[vector<16xi32>, vector<16xi32>], vector<16xf32>,
      %mul3A_647 = arith.mulf %gather3A_640, %gather3A_646 : vector<16xf32>
      %add3A_648 = arith.addf %add3A_631, %mul3A_647 : vector<16xf32>
      %swap3A = arith.constant 0 : i32
      %swap3A_649 = arith.index_cast %swap3A : i32 to index
      %swap3A_650 = arith.constant 0 : index
      %swap3A_651 = tpu.vector_load %arg15[%swap3A_649, %swap3A_650] {strides = array<i32>} : memref<16x16xf32, #tpu.memory_space<vmem>>, vector<16xf32>,
      tpu.vector_store %arg15[%swap3A_649, %swap3A_650], %add3A_648 {strides = array<i32>} : memref<16x16xf32, #tpu.memory_space<vmem>>, vector<16xf32>,
      %add3A_652 = arith.constant 4 : i32
      %add3A_653 = arith.addi %add3A_504, %add3A_652 : i32
      %min3A = arith.constant 511 : i32
      %min3A_654 = arith.minsi %add3A_653, %min3A : i32
      %get3A_655 = arith.index_cast %min3A_654 : i32 to index
      %get3A_656 = tpu.vector_load %arg9[%get3A_655] {strides = array<i32>} : memref<528xi32, #tpu.memory_space<vmem>>, vector<16xi32>,
      %slice3A_657 = vector.extract_strided_slice %get3A_656 {offsets = [0], sizes = [1], strides = [1]} : vector<16xi32> to vector<1xi32>
      %squeeze3A_658 = vector.extract %slice3A_657[0] : i32 from vector<1xi32>
      %get3A_659 = arith.index_cast %min3A_654 : i32 to index
      %get3A_660 = tpu.vector_load %arg11[%get3A_659] {strides = array<i32>} : memref<528xi32, #tpu.memory_space<vmem>>, vector<16xi32>,
      %slice3A_661 = vector.extract_strided_slice %get3A_660 {offsets = [0], sizes = [1], strides = [1]} : vector<16xi32> to vector<1xi32>
      %squeeze3A_662 = vector.extract %slice3A_661[0] : i32 from vector<1xi32>
      %multiple_of3A_663 = tpu.assume_multiple %squeeze3A_658, 128 : i32
      %dma_start3A_664 = arith.constant 0 : i32
      %dma_start3A_665 = arith.constant 0 : i32
      %dma_start3A_666 = arith.constant 0 : i32
      %dma_start3A_667 = tpu.memref_slice %arg13[%dma_start3A_664, %dma_start3A_665, %dma_start3A_666] : memref<4x64x128xf32, #tpu.memory_space<vmem>> -> memref<1x32x128xf32, #tpu.memory_space<vmem>>
      %dma_start3A_668 = tpu.memref_squeeze %dma_start3A_667 : memref<1x32x128xf32, #tpu.memory_space<vmem>> -> memref<32x128xf32, #tpu.memory_space<vmem>>
      %dma_start3A_669 = arith.constant 0 : i32
      %dma_start3A_670 = tpu.memref_slice %arg6[%dma_start3A_669, %multiple_of3A_663] : memref<64x1000000xf32, #tpu.memory_space<hbm>> -> memref<32x128xf32, #tpu.memory_space<hbm>>
      %dma_start3A_671 = arith.constant 0 : i32
      %dma_start3A_672 = arith.constant 0 : i32
      %dma_start3A_673 = tpu.memref_slice %arg13[%dma_start3A_664, %dma_start3A_671, %dma_start3A_672] : memref<4x64x128xf32, #tpu.memory_space<vmem>> -> memref<1x32x128xf32, #tpu.memory_space<vmem>>
      %dma_start3A_674 = tpu.memref_squeeze %dma_start3A_673 : memref<1x32x128xf32, #tpu.memory_space<vmem>> -> memref<32x128xf32, #tpu.memory_space<vmem>>
      %dma_start3A_675 = arith.constant 0 : i32
      %dma_start3A_676 = tpu.memref_slice %arg6[%dma_start3A_675, %multiple_of3A_663] : memref<64x1000000xf32, #tpu.memory_space<hbm>> -> memref<32x128xf32, #tpu.memory_space<hbm>>
      tpu.enqueue_dma source(%dma_start3A_676 : memref<32x128xf32, #tpu.memory_space<hbm>>) target(%dma_start3A_674 : memref<32x128xf32, #tpu.memory_space<vmem>>) target_semaphore(%arg17 : memref<!tpu.dma_semaphore, #tpu.memory_space<semaphore_mem>>)
      %multiple_of3A_677 = tpu.assume_multiple %squeeze3A_662, 128 : i32
      %dma_start3A_678 = arith.constant 0 : i32
      %dma_start3A_679 = arith.constant 0 : i32
      %dma_start3A_680 = arith.constant 0 : i32
      %dma_start3A_681 = tpu.memref_slice %arg14[%dma_start3A_678, %dma_start3A_679, %dma_start3A_680] : memref<4x64x128xf32, #tpu.memory_space<vmem>> -> memref<1x32x128xf32, #tpu.memory_space<vmem>>
      %dma_start3A_682 = tpu.memref_squeeze %dma_start3A_681 : memref<1x32x128xf32, #tpu.memory_space<vmem>> -> memref<32x128xf32, #tpu.memory_space<vmem>>
      %dma_start3A_683 = arith.constant 0 : i32
      %dma_start3A_684 = tpu.memref_slice %arg7[%dma_start3A_683, %multiple_of3A_677] : memref<64x1000000xf32, #tpu.memory_space<hbm>> -> memref<32x128xf32, #tpu.memory_space<hbm>>
      %dma_start3A_685 = arith.constant 0 : i32
      %dma_start3A_686 = arith.constant 0 : i32
      %dma_start3A_687 = tpu.memref_slice %arg14[%dma_start3A_678, %dma_start3A_685, %dma_start3A_686] : memref<4x64x128xf32, #tpu.memory_space<vmem>> -> memref<1x32x128xf32, #tpu.memory_space<vmem>>
      %dma_start3A_688 = tpu.memref_squeeze %dma_start3A_687 : memref<1x32x128xf32, #tpu.memory_space<vmem>> -> memref<32x128xf32, #tpu.memory_space<vmem>>
      %dma_start3A_689 = arith.constant 0 : i32
      %dma_start3A_690 = tpu.memref_slice %arg7[%dma_start3A_689, %multiple_of3A_677] : memref<64x1000000xf32, #tpu.memory_space<hbm>> -> memref<32x128xf32, #tpu.memory_space<hbm>>
      tpu.enqueue_dma source(%dma_start3A_690 : memref<32x128xf32, #tpu.memory_space<hbm>>) target(%dma_start3A_688 : memref<32x128xf32, #tpu.memory_space<vmem>>) target_semaphore(%arg17 : memref<!tpu.dma_semaphore, #tpu.memory_space<semaphore_mem>>)
      %multiple_of3A_691 = tpu.assume_multiple %squeeze3A_658, 128 : i32
      %dma_start3A_692 = arith.constant 0 : i32
      %dma_start3A_693 = arith.constant 32 : i32
      %dma_start3A_694 = arith.constant 0 : i32
      %dma_start3A_695 = tpu.memref_slice %arg13[%dma_start3A_692, %dma_start3A_693, %dma_start3A_694] : memref<4x64x128xf32, #tpu.memory_space<vmem>> -> memref<1x32x128xf32, #tpu.memory_space<vmem>>
      %dma_start3A_696 = tpu.memref_squeeze %dma_start3A_695 : memref<1x32x128xf32, #tpu.memory_space<vmem>> -> memref<32x128xf32, #tpu.memory_space<vmem>>
      %dma_start3A_697 = arith.constant 32 : i32
      %dma_start3A_698 = tpu.memref_slice %arg6[%dma_start3A_697, %multiple_of3A_691] : memref<64x1000000xf32, #tpu.memory_space<hbm>> -> memref<32x128xf32, #tpu.memory_space<hbm>>
      %dma_start3A_699 = arith.constant 32 : i32
      %dma_start3A_700 = arith.constant 0 : i32
      %dma_start3A_701 = tpu.memref_slice %arg13[%dma_start3A_692, %dma_start3A_699, %dma_start3A_700] : memref<4x64x128xf32, #tpu.memory_space<vmem>> -> memref<1x32x128xf32, #tpu.memory_space<vmem>>
      %dma_start3A_702 = tpu.memref_squeeze %dma_start3A_701 : memref<1x32x128xf32, #tpu.memory_space<vmem>> -> memref<32x128xf32, #tpu.memory_space<vmem>>
      %dma_start3A_703 = arith.constant 32 : i32
      %dma_start3A_704 = tpu.memref_slice %arg6[%dma_start3A_703, %multiple_of3A_691] : memref<64x1000000xf32, #tpu.memory_space<hbm>> -> memref<32x128xf32, #tpu.memory_space<hbm>>
      tpu.enqueue_dma source(%dma_start3A_704 : memref<32x128xf32, #tpu.memory_space<hbm>>) target(%dma_start3A_702 : memref<32x128xf32, #tpu.memory_space<vmem>>) target_semaphore(%arg17 : memref<!tpu.dma_semaphore, #tpu.memory_space<semaphore_mem>>)
      %multiple_of3A_705 = tpu.assume_multiple %squeeze3A_662, 128 : i32
      %dma_start3A_706 = arith.constant 0 : i32
      %dma_start3A_707 = arith.constant 32 : i32
      %dma_start3A_708 = arith.constant 0 : i32
      %dma_start3A_709 = tpu.memref_slice %arg14[%dma_start3A_706, %dma_start3A_707, %dma_start3A_708] : memref<4x64x128xf32, #tpu.memory_space<vmem>> -> memref<1x32x128xf32, #tpu.memory_space<vmem>>
      %dma_start3A_710 = tpu.memref_squeeze %dma_start3A_709 : memref<1x32x128xf32, #tpu.memory_space<vmem>> -> memref<32x128xf32, #tpu.memory_space<vmem>>
      %dma_start3A_711 = arith.constant 32 : i32
      %dma_start3A_712 = tpu.memref_slice %arg7[%dma_start3A_711, %multiple_of3A_705] : memref<64x1000000xf32, #tpu.memory_space<hbm>> -> memref<32x128xf32, #tpu.memory_space<hbm>>
      %dma_start3A_713 = arith.constant 32 : i32
      %dma_start3A_714 = arith.constant 0 : i32
      %dma_start3A_715 = tpu.memref_slice %arg14[%dma_start3A_706, %dma_start3A_713, %dma_start3A_714] : memref<4x64x128xf32, #tpu.memory_space<vmem>> -> memref<1x32x128xf32, #tpu.memory_space<vmem>>
      %dma_start3A_716 = tpu.memref_squeeze %dma_start3A_715 : memref<1x32x128xf32, #tpu.memory_space<vmem>> -> memref<32x128xf32, #tpu.memory_space<vmem>>
      %dma_start3A_717 = arith.constant 32 : i32
      %dma_start3A_718 = tpu.memref_slice %arg7[%dma_start3A_717, %multiple_of3A_705] : memref<64x1000000xf32, #tpu.memory_space<hbm>> -> memref<32x128xf32, #tpu.memory_space<hbm>>
      tpu.enqueue_dma source(%dma_start3A_718 : memref<32x128xf32, #tpu.memory_space<hbm>>) target(%dma_start3A_716 : memref<32x128xf32, #tpu.memory_space<vmem>>) target_semaphore(%arg17 : memref<!tpu.dma_semaphore, #tpu.memory_space<semaphore_mem>>)
      %add3A_719 = arith.constant 1 : i32
      %add3A_720 = arith.addi %mul3A_502, %add3A_719 : i32
      %dma_wait3A_721 = arith.constant 1 : i32
      %dma_wait3A_722 = arith.constant 0 : i32
      %dma_wait3A_723 = arith.constant 0 : i32
      %dma_wait3A_724 = tpu.memref_slice %arg13[%dma_wait3A_721, %dma_wait3A_722, %dma_wait3A_723] : memref<4x64x128xf32, #tpu.memory_space<vmem>> -> memref<1x32x128xf32, #tpu.memory_space<vmem>>
      %dma_wait3A_725 = tpu.memref_squeeze %dma_wait3A_724 : memref<1x32x128xf32, #tpu.memory_space<vmem>> -> memref<32x128xf32, #tpu.memory_space<vmem>>
      %dma_wait3A_726 = arith.constant 0 : i32
      %dma_wait3A_727 = arith.constant 0 : i32
      %dma_wait3A_728 = tpu.memref_slice %arg6[%dma_wait3A_726, %dma_wait3A_727] : memref<64x1000000xf32, #tpu.memory_space<hbm>> -> memref<32x128xf32, #tpu.memory_space<hbm>>
      %dma_wait3A_729 = arith.constant 0 : i32
      %dma_wait3A_730 = arith.constant 0 : i32
      %dma_wait3A_731 = tpu.memref_slice %arg13[%dma_wait3A_721, %dma_wait3A_729, %dma_wait3A_730] : memref<4x64x128xf32, #tpu.memory_space<vmem>> -> memref<1x32x128xf32, #tpu.memory_space<vmem>>
      %dma_wait3A_732 = tpu.memref_squeeze %dma_wait3A_731 : memref<1x32x128xf32, #tpu.memory_space<vmem>> -> memref<32x128xf32, #tpu.memory_space<vmem>>
      %dma_wait3A_733 = arith.constant 0 : i32
      %dma_wait3A_734 = arith.constant 0 : i32
      %dma_wait3A_735 = tpu.memref_slice %arg6[%dma_wait3A_733, %dma_wait3A_734] : memref<64x1000000xf32, #tpu.memory_space<hbm>> -> memref<32x128xf32, #tpu.memory_space<hbm>>
      tpu.wait_dma2 semaphore(%arg18 : memref<!tpu.dma_semaphore, #tpu.memory_space<semaphore_mem>>) src(%dma_wait3A_735 : memref<32x128xf32, #tpu.memory_space<hbm>>) dst(%dma_wait3A_732 : memref<32x128xf32, #tpu.memory_space<vmem>>)
      %dma_wait3A_736 = arith.constant 1 : i32
      %dma_wait3A_737 = arith.constant 0 : i32
      %dma_wait3A_738 = arith.constant 0 : i32
      %dma_wait3A_739 = tpu.memref_slice %arg13[%dma_wait3A_736, %dma_wait3A_737, %dma_wait3A_738] : memref<4x64x128xf32, #tpu.memory_space<vmem>> -> memref<1x32x128xf32, #tpu.memory_space<vmem>>
      %dma_wait3A_740 = tpu.memref_squeeze %dma_wait3A_739 : memref<1x32x128xf32, #tpu.memory_space<vmem>> -> memref<32x128xf32, #tpu.memory_space<vmem>>
      %dma_wait3A_741 = arith.constant 0 : i32
      %dma_wait3A_742 = arith.constant 0 : i32
      %dma_wait3A_743 = tpu.memref_slice %arg6[%dma_wait3A_741, %dma_wait3A_742] : memref<64x1000000xf32, #tpu.memory_space<hbm>> -> memref<32x128xf32, #tpu.memory_space<hbm>>
      %dma_wait3A_744 = arith.constant 0 : i32
      %dma_wait3A_745 = arith.constant 0 : i32
      %dma_wait3A_746 = tpu.memref_slice %arg13[%dma_wait3A_736, %dma_wait3A_744, %dma_wait3A_745] : memref<4x64x128xf32, #tpu.memory_space<vmem>> -> memref<1x32x128xf32, #tpu.memory_space<vmem>>
      %dma_wait3A_747 = tpu.memref_squeeze %dma_wait3A_746 : memref<1x32x128xf32, #tpu.memory_space<vmem>> -> memref<32x128xf32, #tpu.memory_space<vmem>>
      %dma_wait3A_748 = arith.constant 0 : i32
      %dma_wait3A_749 = arith.constant 0 : i32
      %dma_wait3A_750 = tpu.memref_slice %arg6[%dma_wait3A_748, %dma_wait3A_749] : memref<64x1000000xf32, #tpu.memory_space<hbm>> -> memref<32x128xf32, #tpu.memory_space<hbm>>
      tpu.wait_dma2 semaphore(%arg18 : memref<!tpu.dma_semaphore, #tpu.memory_space<semaphore_mem>>) src(%dma_wait3A_750 : memref<32x128xf32, #tpu.memory_space<hbm>>) dst(%dma_wait3A_747 : memref<32x128xf32, #tpu.memory_space<vmem>>)
      %dma_wait3A_751 = arith.constant 1 : i32
      %dma_wait3A_752 = arith.constant 0 : i32
      %dma_wait3A_753 = arith.constant 0 : i32
      %dma_wait3A_754 = tpu.memref_slice %arg13[%dma_wait3A_751, %dma_wait3A_752, %dma_wait3A_753] : memref<4x64x128xf32, #tpu.memory_space<vmem>> -> memref<1x32x128xf32, #tpu.memory_space<vmem>>
      %dma_wait3A_755 = tpu.memref_squeeze %dma_wait3A_754 : memref<1x32x128xf32, #tpu.memory_space<vmem>> -> memref<32x128xf32, #tpu.memory_space<vmem>>
      %dma_wait3A_756 = arith.constant 0 : i32
      %dma_wait3A_757 = arith.constant 0 : i32
      %dma_wait3A_758 = tpu.memref_slice %arg6[%dma_wait3A_756, %dma_wait3A_757] : memref<64x1000000xf32, #tpu.memory_space<hbm>> -> memref<32x128xf32, #tpu.memory_space<hbm>>
      %dma_wait3A_759 = arith.constant 0 : i32
      %dma_wait3A_760 = arith.constant 0 : i32
      %dma_wait3A_761 = tpu.memref_slice %arg13[%dma_wait3A_751, %dma_wait3A_759, %dma_wait3A_760] : memref<4x64x128xf32, #tpu.memory_space<vmem>> -> memref<1x32x128xf32, #tpu.memory_space<vmem>>
      %dma_wait3A_762 = tpu.memref_squeeze %dma_wait3A_761 : memref<1x32x128xf32, #tpu.memory_space<vmem>> -> memref<32x128xf32, #tpu.memory_space<vmem>>
      %dma_wait3A_763 = arith.constant 0 : i32
      %dma_wait3A_764 = arith.constant 0 : i32
      %dma_wait3A_765 = tpu.memref_slice %arg6[%dma_wait3A_763, %dma_wait3A_764] : memref<64x1000000xf32, #tpu.memory_space<hbm>> -> memref<32x128xf32, #tpu.memory_space<hbm>>
      tpu.wait_dma2 semaphore(%arg18 : memref<!tpu.dma_semaphore, #tpu.memory_space<semaphore_mem>>) src(%dma_wait3A_765 : memref<32x128xf32, #tpu.memory_space<hbm>>) dst(%dma_wait3A_762 : memref<32x128xf32, #tpu.memory_space<vmem>>)
      %dma_wait3A_766 = arith.constant 1 : i32
      %dma_wait3A_767 = arith.constant 0 : i32
      %dma_wait3A_768 = arith.constant 0 : i32
      %dma_wait3A_769 = tpu.memref_slice %arg13[%dma_wait3A_766, %dma_wait3A_767, %dma_wait3A_768] : memref<4x64x128xf32, #tpu.memory_space<vmem>> -> memref<1x32x128xf32, #tpu.memory_space<vmem>>
      %dma_wait3A_770 = tpu.memref_squeeze %dma_wait3A_769 : memref<1x32x128xf32, #tpu.memory_space<vmem>> -> memref<32x128xf32, #tpu.memory_space<vmem>>
      %dma_wait3A_771 = arith.constant 0 : i32
      %dma_wait3A_772 = arith.constant 0 : i32
      %dma_wait3A_773 = tpu.memref_slice %arg6[%dma_wait3A_771, %dma_wait3A_772] : memref<64x1000000xf32, #tpu.memory_space<hbm>> -> memref<32x128xf32, #tpu.memory_space<hbm>>
      %dma_wait3A_774 = arith.constant 0 : i32
      %dma_wait3A_775 = arith.constant 0 : i32
      %dma_wait3A_776 = tpu.memref_slice %arg13[%dma_wait3A_766, %dma_wait3A_774, %dma_wait3A_775] : memref<4x64x128xf32, #tpu.memory_space<vmem>> -> memref<1x32x128xf32, #tpu.memory_space<vmem>>
      %dma_wait3A_777 = tpu.memref_squeeze %dma_wait3A_776 : memref<1x32x128xf32, #tpu.memory_space<vmem>> -> memref<32x128xf32, #tpu.memory_space<vmem>>
      %dma_wait3A_778 = arith.constant 0 : i32
      %dma_wait3A_779 = arith.constant 0 : i32
      %dma_wait3A_780 = tpu.memref_slice %arg6[%dma_wait3A_778, %dma_wait3A_779] : memref<64x1000000xf32, #tpu.memory_space<hbm>> -> memref<32x128xf32, #tpu.memory_space<hbm>>
      tpu.wait_dma2 semaphore(%arg18 : memref<!tpu.dma_semaphore, #tpu.memory_space<semaphore_mem>>) src(%dma_wait3A_780 : memref<32x128xf32, #tpu.memory_space<hbm>>) dst(%dma_wait3A_777 : memref<32x128xf32, #tpu.memory_space<vmem>>)
      %get3A_781 = arith.index_cast %add3A_720 : i32 to index
      %get3A_782 = tpu.vector_load %arg10[%get3A_781] {strides = array<i32>} : memref<528xi32, #tpu.memory_space<vmem>>, vector<16xi32>,
      %slice3A_783 = vector.extract_strided_slice %get3A_782 {offsets = [0], sizes = [1], strides = [1]} : vector<16xi32> to vector<1xi32>
      %squeeze3A_784 = vector.extract %slice3A_783[0] : i32 from vector<1xi32>
      %get3A_785 = arith.index_cast %add3A_720 : i32 to index
      %get3A_786 = tpu.vector_load %arg12[%get3A_785] {strides = array<i32>} : memref<528xi32, #tpu.memory_space<vmem>>, vector<16xi32>,
      %slice3A_787 = vector.extract_strided_slice %get3A_786 {offsets = [0], sizes = [1], strides = [1]} : vector<16xi32> to vector<1xi32>
      %squeeze3A_788 = vector.extract %slice3A_787[0] : i32 from vector<1xi32>
      %mul3A_789 = arith.constant 0 : i32
      %mul3A_790 = vector.broadcast %mul3A_789 : i32 to vector<16xi32>
      %mul3A_791 = arith.muli %iota3A, %mul3A_790 : vector<16xi32>
      %add3A_792 = vector.broadcast %squeeze3A_784 : i32 to vector<16xi32>
      %add3A_793 = arith.addi %mul3A_791, %add3A_792 : vector<16xi32>
      %mul3A_794 = arith.constant 0 : i32
      %mul3A_795 = vector.broadcast %mul3A_794 : i32 to vector<16xi32>
      %mul3A_796 = arith.muli %iota3A, %mul3A_795 : vector<16xi32>
      %add3A_797 = vector.broadcast %squeeze3A_788 : i32 to vector<16xi32>
      %add3A_798 = arith.addi %mul3A_796, %add3A_797 : vector<16xi32>
      %add3A_799 = arith.constant 0 : i32
      %add3A_800 = vector.broadcast %add3A_799 : i32 to vector<16xi32>
      %add3A_801 = arith.addi %add3A_800, %iota3A : vector<16xi32>
      %gather3A_802 = arith.constant 1 : i32
      %gather3A_803 = arith.constant 0 : i32
      %gather3A_804 = arith.constant 0 : i32
      %gather3A_805 = tpu.memref_slice %arg13[%gather3A_802, %gather3A_803, %gather3A_804] : memref<4x64x128xf32, #tpu.memory_space<vmem>> -> memref<1x64x128xf32, #tpu.memory_space<vmem>>
      %gather3A_806 = tpu.memref_squeeze %gather3A_805 : memref<1x64x128xf32, #tpu.memory_space<vmem>> -> memref<64x128xf32, #tpu.memory_space<vmem>>
      %gather3A_807 = tpu.vector_load_idx %gather3A_806[%add3A_801, %add3A_793] : memref<64x128xf32, #tpu.memory_space<vmem>>[vector<16xi32>, vector<16xi32>], vector<16xf32>,
      %gather3A_808 = arith.constant 1 : i32
      %gather3A_809 = arith.constant 0 : i32
      %gather3A_810 = arith.constant 0 : i32
      %gather3A_811 = tpu.memref_slice %arg14[%gather3A_808, %gather3A_809, %gather3A_810] : memref<4x64x128xf32, #tpu.memory_space<vmem>> -> memref<1x64x128xf32, #tpu.memory_space<vmem>>
      %gather3A_812 = tpu.memref_squeeze %gather3A_811 : memref<1x64x128xf32, #tpu.memory_space<vmem>> -> memref<64x128xf32, #tpu.memory_space<vmem>>
      %gather3A_813 = tpu.vector_load_idx %gather3A_812[%add3A_801, %add3A_798] : memref<64x128xf32, #tpu.memory_space<vmem>>[vector<16xi32>, vector<16xi32>], vector<16xf32>,
      %mul3A_814 = arith.mulf %gather3A_807, %gather3A_813 : vector<16xf32>
      %add3A_815 = arith.constant 16 : i32
      %add3A_816 = vector.broadcast %add3A_815 : i32 to vector<16xi32>
      %add3A_817 = arith.addi %add3A_816, %iota3A : vector<16xi32>
      %gather3A_818 = arith.constant 1 : i32
      %gather3A_819 = arith.constant 0 : i32
      %gather3A_820 = arith.constant 0 : i32
      %gather3A_821 = tpu.memref_slice %arg13[%gather3A_818, %gather3A_819, %gather3A_820] : memref<4x64x128xf32, #tpu.memory_space<vmem>> -> memref<1x64x128xf32, #tpu.memory_space<vmem>>
      %gather3A_822 = tpu.memref_squeeze %gather3A_821 : memref<1x64x128xf32, #tpu.memory_space<vmem>> -> memref<64x128xf32, #tpu.memory_space<vmem>>
      %gather3A_823 = tpu.vector_load_idx %gather3A_822[%add3A_817, %add3A_793] : memref<64x128xf32, #tpu.memory_space<vmem>>[vector<16xi32>, vector<16xi32>], vector<16xf32>,
      %gather3A_824 = arith.constant 1 : i32
      %gather3A_825 = arith.constant 0 : i32
      %gather3A_826 = arith.constant 0 : i32
      %gather3A_827 = tpu.memref_slice %arg14[%gather3A_824, %gather3A_825, %gather3A_826] : memref<4x64x128xf32, #tpu.memory_space<vmem>> -> memref<1x64x128xf32, #tpu.memory_space<vmem>>
      %gather3A_828 = tpu.memref_squeeze %gather3A_827 : memref<1x64x128xf32, #tpu.memory_space<vmem>> -> memref<64x128xf32, #tpu.memory_space<vmem>>
      %gather3A_829 = tpu.vector_load_idx %gather3A_828[%add3A_817, %add3A_798] : memref<64x128xf32, #tpu.memory_space<vmem>>[vector<16xi32>, vector<16xi32>], vector<16xf32>,
      %mul3A_830 = arith.mulf %gather3A_823, %gather3A_829 : vector<16xf32>
      %add3A_831 = arith.addf %mul3A_814, %mul3A_830 : vector<16xf32>
      %add3A_832 = arith.constant 32 : i32
      %add3A_833 = vector.broadcast %add3A_832 : i32 to vector<16xi32>
      %add3A_834 = arith.addi %add3A_833, %iota3A : vector<16xi32>
      %gather3A_835 = arith.constant 1 : i32
      %gather3A_836 = arith.constant 0 : i32
      %gather3A_837 = arith.constant 0 : i32
      %gather3A_838 = tpu.memref_slice %arg13[%gather3A_835, %gather3A_836, %gather3A_837] : memref<4x64x128xf32, #tpu.memory_space<vmem>> -> memref<1x64x128xf32, #tpu.memory_space<vmem>>
      %gather3A_839 = tpu.memref_squeeze %gather3A_838 : memref<1x64x128xf32, #tpu.memory_space<vmem>> -> memref<64x128xf32, #tpu.memory_space<vmem>>
      %gather3A_840 = tpu.vector_load_idx %gather3A_839[%add3A_834, %add3A_793] : memref<64x128xf32, #tpu.memory_space<vmem>>[vector<16xi32>, vector<16xi32>], vector<16xf32>,
      %gather3A_841 = arith.constant 1 : i32
      %gather3A_842 = arith.constant 0 : i32
      %gather3A_843 = arith.constant 0 : i32
      %gather3A_844 = tpu.memref_slice %arg14[%gather3A_841, %gather3A_842, %gather3A_843] : memref<4x64x128xf32, #tpu.memory_space<vmem>> -> memref<1x64x128xf32, #tpu.memory_space<vmem>>
      %gather3A_845 = tpu.memref_squeeze %gather3A_844 : memref<1x64x128xf32, #tpu.memory_space<vmem>> -> memref<64x128xf32, #tpu.memory_space<vmem>>
      %gather3A_846 = tpu.vector_load_idx %gather3A_845[%add3A_834, %add3A_798] : memref<64x128xf32, #tpu.memory_space<vmem>>[vector<16xi32>, vector<16xi32>], vector<16xf32>,
      %mul3A_847 = arith.mulf %gather3A_840, %gather3A_846 : vector<16xf32>
      %add3A_848 = arith.addf %add3A_831, %mul3A_847 : vector<16xf32>
      %add3A_849 = arith.constant 48 : i32
      %add3A_850 = vector.broadcast %add3A_849 : i32 to vector<16xi32>
      %add3A_851 = arith.addi %add3A_850, %iota3A : vector<16xi32>
      %gather3A_852 = arith.constant 1 : i32
      %gather3A_853 = arith.constant 0 : i32
      %gather3A_854 = arith.constant 0 : i32
      %gather3A_855 = tpu.memref_slice %arg13[%gather3A_852, %gather3A_853, %gather3A_854] : memref<4x64x128xf32, #tpu.memory_space<vmem>> -> memref<1x64x128xf32, #tpu.memory_space<vmem>>
      %gather3A_856 = tpu.memref_squeeze %gather3A_855 : memref<1x64x128xf32, #tpu.memory_space<vmem>> -> memref<64x128xf32, #tpu.memory_space<vmem>>
      %gather3A_857 = tpu.vector_load_idx %gather3A_856[%add3A_851, %add3A_793] : memref<64x128xf32, #tpu.memory_space<vmem>>[vector<16xi32>, vector<16xi32>], vector<16xf32>,
      %gather3A_858 = arith.constant 1 : i32
      %gather3A_859 = arith.constant 0 : i32
      %gather3A_860 = arith.constant 0 : i32
      %gather3A_861 = tpu.memref_slice %arg14[%gather3A_858, %gather3A_859, %gather3A_860] : memref<4x64x128xf32, #tpu.memory_space<vmem>> -> memref<1x64x128xf32, #tpu.memory_space<vmem>>
      %gather3A_862 = tpu.memref_squeeze %gather3A_861 : memref<1x64x128xf32, #tpu.memory_space<vmem>> -> memref<64x128xf32, #tpu.memory_space<vmem>>
      %gather3A_863 = tpu.vector_load_idx %gather3A_862[%add3A_851, %add3A_798] : memref<64x128xf32, #tpu.memory_space<vmem>>[vector<16xi32>, vector<16xi32>], vector<16xf32>,
      %mul3A_864 = arith.mulf %gather3A_857, %gather3A_863 : vector<16xf32>
      %add3A_865 = arith.addf %add3A_848, %mul3A_864 : vector<16xf32>
      %swap3A_866 = arith.constant 1 : i32
      %swap3A_867 = arith.index_cast %swap3A_866 : i32 to index
      %swap3A_868 = arith.constant 0 : index
      %swap3A_869 = tpu.vector_load %arg15[%swap3A_867, %swap3A_868] {strides = array<i32>} : memref<16x16xf32, #tpu.memory_space<vmem>>, vector<16xf32>,
      tpu.vector_store %arg15[%swap3A_867, %swap3A_868], %add3A_865 {strides = array<i32>} : memref<16x16xf32, #tpu.memory_space<vmem>>, vector<16xf32>,
      %add3A_870 = arith.constant 4 : i32
      %add3A_871 = arith.addi %add3A_720, %add3A_870 : i32
      %min3A_872 = arith.constant 511 : i32
      %min3A_873 = arith.minsi %add3A_871, %min3A_872 : i32
      %get3A_874 = arith.index_cast %min3A_873 : i32 to index
      %get3A_875 = tpu.vector_load %arg9[%get3A_874] {strides = array<i32>} : memref<528xi32, #tpu.memory_space<vmem>>, vector<16xi32>,
      %slice3A_876 = vector.extract_strided_slice %get3A_875 {offsets = [0], sizes = [1], strides = [1]} : vector<16xi32> to vector<1xi32>
      %squeeze3A_877 = vector.extract %slice3A_876[0] : i32 from vector<1xi32>
      %get3A_878 = arith.index_cast %min3A_873 : i32 to index
      %get3A_879 = tpu.vector_load %arg11[%get3A_878] {strides = array<i32>} : memref<528xi32, #tpu.memory_space<vmem>>, vector<16xi32>,
      %slice3A_880 = vector.extract_strided_slice %get3A_879 {offsets = [0], sizes = [1], strides = [1]} : vector<16xi32> to vector<1xi32>
      %squeeze3A_881 = vector.extract %slice3A_880[0] : i32 from vector<1xi32>
      %multiple_of3A_882 = tpu.assume_multiple %squeeze3A_877, 128 : i32
      %dma_start3A_883 = arith.constant 1 : i32
      %dma_start3A_884 = arith.constant 0 : i32
      %dma_start3A_885 = arith.constant 0 : i32
      %dma_start3A_886 = tpu.memref_slice %arg13[%dma_start3A_883, %dma_start3A_884, %dma_start3A_885] : memref<4x64x128xf32, #tpu.memory_space<vmem>> -> memref<1x32x128xf32, #tpu.memory_space<vmem>>
      %dma_start3A_887 = tpu.memref_squeeze %dma_start3A_886 : memref<1x32x128xf32, #tpu.memory_space<vmem>> -> memref<32x128xf32, #tpu.memory_space<vmem>>
      %dma_start3A_888 = arith.constant 0 : i32
      %dma_start3A_889 = tpu.memref_slice %arg6[%dma_start3A_888, %multiple_of3A_882] : memref<64x1000000xf32, #tpu.memory_space<hbm>> -> memref<32x128xf32, #tpu.memory_space<hbm>>
      %dma_start3A_890 = arith.constant 0 : i32
      %dma_start3A_891 = arith.constant 0 : i32
      %dma_start3A_892 = tpu.memref_slice %arg13[%dma_start3A_883, %dma_start3A_890, %dma_start3A_891] : memref<4x64x128xf32, #tpu.memory_space<vmem>> -> memref<1x32x128xf32, #tpu.memory_space<vmem>>
      %dma_start3A_893 = tpu.memref_squeeze %dma_start3A_892 : memref<1x32x128xf32, #tpu.memory_space<vmem>> -> memref<32x128xf32, #tpu.memory_space<vmem>>
      %dma_start3A_894 = arith.constant 0 : i32
      %dma_start3A_895 = tpu.memref_slice %arg6[%dma_start3A_894, %multiple_of3A_882] : memref<64x1000000xf32, #tpu.memory_space<hbm>> -> memref<32x128xf32, #tpu.memory_space<hbm>>
      tpu.enqueue_dma source(%dma_start3A_895 : memref<32x128xf32, #tpu.memory_space<hbm>>) target(%dma_start3A_893 : memref<32x128xf32, #tpu.memory_space<vmem>>) target_semaphore(%arg18 : memref<!tpu.dma_semaphore, #tpu.memory_space<semaphore_mem>>)
      %multiple_of3A_896 = tpu.assume_multiple %squeeze3A_881, 128 : i32
      %dma_start3A_897 = arith.constant 1 : i32
      %dma_start3A_898 = arith.constant 0 : i32
      %dma_start3A_899 = arith.constant 0 : i32
      %dma_start3A_900 = tpu.memref_slice %arg14[%dma_start3A_897, %dma_start3A_898, %dma_start3A_899] : memref<4x64x128xf32, #tpu.memory_space<vmem>> -> memref<1x32x128xf32, #tpu.memory_space<vmem>>
      %dma_start3A_901 = tpu.memref_squeeze %dma_start3A_900 : memref<1x32x128xf32, #tpu.memory_space<vmem>> -> memref<32x128xf32, #tpu.memory_space<vmem>>
      %dma_start3A_902 = arith.constant 0 : i32
      %dma_start3A_903 = tpu.memref_slice %arg7[%dma_start3A_902, %multiple_of3A_896] : memref<64x1000000xf32, #tpu.memory_space<hbm>> -> memref<32x128xf32, #tpu.memory_space<hbm>>
      %dma_start3A_904 = arith.constant 0 : i32
      %dma_start3A_905 = arith.constant 0 : i32
      %dma_start3A_906 = tpu.memref_slice %arg14[%dma_start3A_897, %dma_start3A_904, %dma_start3A_905] : memref<4x64x128xf32, #tpu.memory_space<vmem>> -> memref<1x32x128xf32, #tpu.memory_space<vmem>>
      %dma_start3A_907 = tpu.memref_squeeze %dma_start3A_906 : memref<1x32x128xf32, #tpu.memory_space<vmem>> -> memref<32x128xf32, #tpu.memory_space<vmem>>
      %dma_start3A_908 = arith.constant 0 : i32
      %dma_start3A_909 = tpu.memref_slice %arg7[%dma_start3A_908, %multiple_of3A_896] : memref<64x1000000xf32, #tpu.memory_space<hbm>> -> memref<32x128xf32, #tpu.memory_space<hbm>>
      tpu.enqueue_dma source(%dma_start3A_909 : memref<32x128xf32, #tpu.memory_space<hbm>>) target(%dma_start3A_907 : memref<32x128xf32, #tpu.memory_space<vmem>>) target_semaphore(%arg18 : memref<!tpu.dma_semaphore, #tpu.memory_space<semaphore_mem>>)
      %multiple_of3A_910 = tpu.assume_multiple %squeeze3A_877, 128 : i32
      %dma_start3A_911 = arith.constant 1 : i32
      %dma_start3A_912 = arith.constant 32 : i32
      %dma_start3A_913 = arith.constant 0 : i32
      %dma_start3A_914 = tpu.memref_slice %arg13[%dma_start3A_911, %dma_start3A_912, %dma_start3A_913] : memref<4x64x128xf32, #tpu.memory_space<vmem>> -> memref<1x32x128xf32, #tpu.memory_space<vmem>>
      %dma_start3A_915 = tpu.memref_squeeze %dma_start3A_914 : memref<1x32x128xf32, #tpu.memory_space<vmem>> -> memref<32x128xf32, #tpu.memory_space<vmem>>
      %dma_start3A_916 = arith.constant 32 : i32
      %dma_start3A_917 = tpu.memref_slice %arg6[%dma_start3A_916, %multiple_of3A_910] : memref<64x1000000xf32, #tpu.memory_space<hbm>> -> memref<32x128xf32, #tpu.memory_space<hbm>>
      %dma_start3A_918 = arith.constant 32 : i32
      %dma_start3A_919 = arith.constant 0 : i32
      %dma_start3A_920 = tpu.memref_slice %arg13[%dma_start3A_911, %dma_start3A_918, %dma_start3A_919] : memref<4x64x128xf32, #tpu.memory_space<vmem>> -> memref<1x32x128xf32, #tpu.memory_space<vmem>>
      %dma_start3A_921 = tpu.memref_squeeze %dma_start3A_920 : memref<1x32x128xf32, #tpu.memory_space<vmem>> -> memref<32x128xf32, #tpu.memory_space<vmem>>
      %dma_start3A_922 = arith.constant 32 : i32
      %dma_start3A_923 = tpu.memref_slice %arg6[%dma_start3A_922, %multiple_of3A_910] : memref<64x1000000xf32, #tpu.memory_space<hbm>> -> memref<32x128xf32, #tpu.memory_space<hbm>>
      tpu.enqueue_dma source(%dma_start3A_923 : memref<32x128xf32, #tpu.memory_space<hbm>>) target(%dma_start3A_921 : memref<32x128xf32, #tpu.memory_space<vmem>>) target_semaphore(%arg18 : memref<!tpu.dma_semaphore, #tpu.memory_space<semaphore_mem>>)
      %multiple_of3A_924 = tpu.assume_multiple %squeeze3A_881, 128 : i32
      %dma_start3A_925 = arith.constant 1 : i32
      %dma_start3A_926 = arith.constant 32 : i32
      %dma_start3A_927 = arith.constant 0 : i32
      %dma_start3A_928 = tpu.memref_slice %arg14[%dma_start3A_925, %dma_start3A_926, %dma_start3A_927] : memref<4x64x128xf32, #tpu.memory_space<vmem>> -> memref<1x32x128xf32, #tpu.memory_space<vmem>>
      %dma_start3A_929 = tpu.memref_squeeze %dma_start3A_928 : memref<1x32x128xf32, #tpu.memory_space<vmem>> -> memref<32x128xf32, #tpu.memory_space<vmem>>
      %dma_start3A_930 = arith.constant 32 : i32
      %dma_start3A_931 = tpu.memref_slice %arg7[%dma_start3A_930, %multiple_of3A_924] : memref<64x1000000xf32, #tpu.memory_space<hbm>> -> memref<32x128xf32, #tpu.memory_space<hbm>>
      %dma_start3A_932 = arith.constant 32 : i32
      %dma_start3A_933 = arith.constant 0 : i32
      %dma_start3A_934 = tpu.memref_slice %arg14[%dma_start3A_925, %dma_start3A_932, %dma_start3A_933] : memref<4x64x128xf32, #tpu.memory_space<vmem>> -> memref<1x32x128xf32, #tpu.memory_space<vmem>>
      %dma_start3A_935 = tpu.memref_squeeze %dma_start3A_934 : memref<1x32x128xf32, #tpu.memory_space<vmem>> -> memref<32x128xf32, #tpu.memory_space<vmem>>
      %dma_start3A_936 = arith.constant 32 : i32
      %dma_start3A_937 = tpu.memref_slice %arg7[%dma_start3A_936, %multiple_of3A_924] : memref<64x1000000xf32, #tpu.memory_space<hbm>> -> memref<32x128xf32, #tpu.memory_space<hbm>>
      tpu.enqueue_dma source(%dma_start3A_937 : memref<32x128xf32, #tpu.memory_space<hbm>>) target(%dma_start3A_935 : memref<32x128xf32, #tpu.memory_space<vmem>>) target_semaphore(%arg18 : memref<!tpu.dma_semaphore, #tpu.memory_space<semaphore_mem>>)
      %add3A_938 = arith.constant 2 : i32
      %add3A_939 = arith.addi %mul3A_502, %add3A_938 : i32
      %dma_wait3A_940 = arith.constant 2 : i32
      %dma_wait3A_941 = arith.constant 0 : i32
      %dma_wait3A_942 = arith.constant 0 : i32
      %dma_wait3A_943 = tpu.memref_slice %arg13[%dma_wait3A_940, %dma_wait3A_941, %dma_wait3A_942] : memref<4x64x128xf32, #tpu.memory_space<vmem>> -> memref<1x32x128xf32, #tpu.memory_space<vmem>>
      %dma_wait3A_944 = tpu.memref_squeeze %dma_wait3A_943 : memref<1x32x128xf32, #tpu.memory_space<vmem>> -> memref<32x128xf32, #tpu.memory_space<vmem>>
      %dma_wait3A_945 = arith.constant 0 : i32
      %dma_wait3A_946 = arith.constant 0 : i32
      %dma_wait3A_947 = tpu.memref_slice %arg6[%dma_wait3A_945, %dma_wait3A_946] : memref<64x1000000xf32, #tpu.memory_space<hbm>> -> memref<32x128xf32, #tpu.memory_space<hbm>>
      %dma_wait3A_948 = arith.constant 0 : i32
      %dma_wait3A_949 = arith.constant 0 : i32
      %dma_wait3A_950 = tpu.memref_slice %arg13[%dma_wait3A_940, %dma_wait3A_948, %dma_wait3A_949] : memref<4x64x128xf32, #tpu.memory_space<vmem>> -> memref<1x32x128xf32, #tpu.memory_space<vmem>>
      %dma_wait3A_951 = tpu.memref_squeeze %dma_wait3A_950 : memref<1x32x128xf32, #tpu.memory_space<vmem>> -> memref<32x128xf32, #tpu.memory_space<vmem>>
      %dma_wait3A_952 = arith.constant 0 : i32
      %dma_wait3A_953 = arith.constant 0 : i32
      %dma_wait3A_954 = tpu.memref_slice %arg6[%dma_wait3A_952, %dma_wait3A_953] : memref<64x1000000xf32, #tpu.memory_space<hbm>> -> memref<32x128xf32, #tpu.memory_space<hbm>>
      tpu.wait_dma2 semaphore(%arg19 : memref<!tpu.dma_semaphore, #tpu.memory_space<semaphore_mem>>) src(%dma_wait3A_954 : memref<32x128xf32, #tpu.memory_space<hbm>>) dst(%dma_wait3A_951 : memref<32x128xf32, #tpu.memory_space<vmem>>)
      %dma_wait3A_955 = arith.constant 2 : i32
      %dma_wait3A_956 = arith.constant 0 : i32
      %dma_wait3A_957 = arith.constant 0 : i32
      %dma_wait3A_958 = tpu.memref_slice %arg13[%dma_wait3A_955, %dma_wait3A_956, %dma_wait3A_957] : memref<4x64x128xf32, #tpu.memory_space<vmem>> -> memref<1x32x128xf32, #tpu.memory_space<vmem>>
      %dma_wait3A_959 = tpu.memref_squeeze %dma_wait3A_958 : memref<1x32x128xf32, #tpu.memory_space<vmem>> -> memref<32x128xf32, #tpu.memory_space<vmem>>
      %dma_wait3A_960 = arith.constant 0 : i32
      %dma_wait3A_961 = arith.constant 0 : i32
      %dma_wait3A_962 = tpu.memref_slice %arg6[%dma_wait3A_960, %dma_wait3A_961] : memref<64x1000000xf32, #tpu.memory_space<hbm>> -> memref<32x128xf32, #tpu.memory_space<hbm>>
      %dma_wait3A_963 = arith.constant 0 : i32
      %dma_wait3A_964 = arith.constant 0 : i32
      %dma_wait3A_965 = tpu.memref_slice %arg13[%dma_wait3A_955, %dma_wait3A_963, %dma_wait3A_964] : memref<4x64x128xf32, #tpu.memory_space<vmem>> -> memref<1x32x128xf32, #tpu.memory_space<vmem>>
      %dma_wait3A_966 = tpu.memref_squeeze %dma_wait3A_965 : memref<1x32x128xf32, #tpu.memory_space<vmem>> -> memref<32x128xf32, #tpu.memory_space<vmem>>
      %dma_wait3A_967 = arith.constant 0 : i32
      %dma_wait3A_968 = arith.constant 0 : i32
      %dma_wait3A_969 = tpu.memref_slice %arg6[%dma_wait3A_967, %dma_wait3A_968] : memref<64x1000000xf32, #tpu.memory_space<hbm>> -> memref<32x128xf32, #tpu.memory_space<hbm>>
      tpu.wait_dma2 semaphore(%arg19 : memref<!tpu.dma_semaphore, #tpu.memory_space<semaphore_mem>>) src(%dma_wait3A_969 : memref<32x128xf32, #tpu.memory_space<hbm>>) dst(%dma_wait3A_966 : memref<32x128xf32, #tpu.memory_space<vmem>>)
      %dma_wait3A_970 = arith.constant 2 : i32
      %dma_wait3A_971 = arith.constant 0 : i32
      %dma_wait3A_972 = arith.constant 0 : i32
      %dma_wait3A_973 = tpu.memref_slice %arg13[%dma_wait3A_970, %dma_wait3A_971, %dma_wait3A_972] : memref<4x64x128xf32, #tpu.memory_space<vmem>> -> memref<1x32x128xf32, #tpu.memory_space<vmem>>
      %dma_wait3A_974 = tpu.memref_squeeze %dma_wait3A_973 : memref<1x32x128xf32, #tpu.memory_space<vmem>> -> memref<32x128xf32, #tpu.memory_space<vmem>>
      %dma_wait3A_975 = arith.constant 0 : i32
      %dma_wait3A_976 = arith.constant 0 : i32
      %dma_wait3A_977 = tpu.memref_slice %arg6[%dma_wait3A_975, %dma_wait3A_976] : memref<64x1000000xf32, #tpu.memory_space<hbm>> -> memref<32x128xf32, #tpu.memory_space<hbm>>
      %dma_wait3A_978 = arith.constant 0 : i32
      %dma_wait3A_979 = arith.constant 0 : i32
      %dma_wait3A_980 = tpu.memref_slice %arg13[%dma_wait3A_970, %dma_wait3A_978, %dma_wait3A_979] : memref<4x64x128xf32, #tpu.memory_space<vmem>> -> memref<1x32x128xf32, #tpu.memory_space<vmem>>
      %dma_wait3A_981 = tpu.memref_squeeze %dma_wait3A_980 : memref<1x32x128xf32, #tpu.memory_space<vmem>> -> memref<32x128xf32, #tpu.memory_space<vmem>>
      %dma_wait3A_982 = arith.constant 0 : i32
      %dma_wait3A_983 = arith.constant 0 : i32
      %dma_wait3A_984 = tpu.memref_slice %arg6[%dma_wait3A_982, %dma_wait3A_983] : memref<64x1000000xf32, #tpu.memory_space<hbm>> -> memref<32x128xf32, #tpu.memory_space<hbm>>
      tpu.wait_dma2 semaphore(%arg19 : memref<!tpu.dma_semaphore, #tpu.memory_space<semaphore_mem>>) src(%dma_wait3A_984 : memref<32x128xf32, #tpu.memory_space<hbm>>) dst(%dma_wait3A_981 : memref<32x128xf32, #tpu.memory_space<vmem>>)
      %dma_wait3A_985 = arith.constant 2 : i32
      %dma_wait3A_986 = arith.constant 0 : i32
      %dma_wait3A_987 = arith.constant 0 : i32
      %dma_wait3A_988 = tpu.memref_slice %arg13[%dma_wait3A_985, %dma_wait3A_986, %dma_wait3A_987] : memref<4x64x128xf32, #tpu.memory_space<vmem>> -> memref<1x32x128xf32, #tpu.memory_space<vmem>>
      %dma_wait3A_989 = tpu.memref_squeeze %dma_wait3A_988 : memref<1x32x128xf32, #tpu.memory_space<vmem>> -> memref<32x128xf32, #tpu.memory_space<vmem>>
      %dma_wait3A_990 = arith.constant 0 : i32
      %dma_wait3A_991 = arith.constant 0 : i32
      %dma_wait3A_992 = tpu.memref_slice %arg6[%dma_wait3A_990, %dma_wait3A_991] : memref<64x1000000xf32, #tpu.memory_space<hbm>> -> memref<32x128xf32, #tpu.memory_space<hbm>>
      %dma_wait3A_993 = arith.constant 0 : i32
      %dma_wait3A_994 = arith.constant 0 : i32
      %dma_wait3A_995 = tpu.memref_slice %arg13[%dma_wait3A_985, %dma_wait3A_993, %dma_wait3A_994] : memref<4x64x128xf32, #tpu.memory_space<vmem>> -> memref<1x32x128xf32, #tpu.memory_space<vmem>>
      %dma_wait3A_996 = tpu.memref_squeeze %dma_wait3A_995 : memref<1x32x128xf32, #tpu.memory_space<vmem>> -> memref<32x128xf32, #tpu.memory_space<vmem>>
      %dma_wait3A_997 = arith.constant 0 : i32
      %dma_wait3A_998 = arith.constant 0 : i32
      %dma_wait3A_999 = tpu.memref_slice %arg6[%dma_wait3A_997, %dma_wait3A_998] : memref<64x1000000xf32, #tpu.memory_space<hbm>> -> memref<32x128xf32, #tpu.memory_space<hbm>>
      tpu.wait_dma2 semaphore(%arg19 : memref<!tpu.dma_semaphore, #tpu.memory_space<semaphore_mem>>) src(%dma_wait3A_999 : memref<32x128xf32, #tpu.memory_space<hbm>>) dst(%dma_wait3A_996 : memref<32x128xf32, #tpu.memory_space<vmem>>)
      %get3A_1000 = arith.index_cast %add3A_939 : i32 to index
      %get3A_1001 = tpu.vector_load %arg10[%get3A_1000] {strides = array<i32>} : memref<528xi32, #tpu.memory_space<vmem>>, vector<16xi32>,
      %slice3A_1002 = vector.extract_strided_slice %get3A_1001 {offsets = [0], sizes = [1], strides = [1]} : vector<16xi32> to vector<1xi32>
      %squeeze3A_1003 = vector.extract %slice3A_1002[0] : i32 from vector<1xi32>
      %get3A_1004 = arith.index_cast %add3A_939 : i32 to index
      %get3A_1005 = tpu.vector_load %arg12[%get3A_1004] {strides = array<i32>} : memref<528xi32, #tpu.memory_space<vmem>>, vector<16xi32>,
      %slice3A_1006 = vector.extract_strided_slice %get3A_1005 {offsets = [0], sizes = [1], strides = [1]} : vector<16xi32> to vector<1xi32>
      %squeeze3A_1007 = vector.extract %slice3A_1006[0] : i32 from vector<1xi32>
      %mul3A_1008 = arith.constant 0 : i32
      %mul3A_1009 = vector.broadcast %mul3A_1008 : i32 to vector<16xi32>
      %mul3A_1010 = arith.muli %iota3A, %mul3A_1009 : vector<16xi32>
      %add3A_1011 = vector.broadcast %squeeze3A_1003 : i32 to vector<16xi32>
      %add3A_1012 = arith.addi %mul3A_1010, %add3A_1011 : vector<16xi32>
      %mul3A_1013 = arith.constant 0 : i32
      %mul3A_1014 = vector.broadcast %mul3A_1013 : i32 to vector<16xi32>
      %mul3A_1015 = arith.muli %iota3A, %mul3A_1014 : vector<16xi32>
      %add3A_1016 = vector.broadcast %squeeze3A_1007 : i32 to vector<16xi32>
      %add3A_1017 = arith.addi %mul3A_1015, %add3A_1016 : vector<16xi32>
      %add3A_1018 = arith.constant 0 : i32
      %add3A_1019 = vector.broadcast %add3A_1018 : i32 to vector<16xi32>
      %add3A_1020 = arith.addi %add3A_1019, %iota3A : vector<16xi32>
      %gather3A_1021 = arith.constant 2 : i32
      %gather3A_1022 = arith.constant 0 : i32
      %gather3A_1023 = arith.constant 0 : i32
      %gather3A_1024 = tpu.memref_slice %arg13[%gather3A_1021, %gather3A_1022, %gather3A_1023] : memref<4x64x128xf32, #tpu.memory_space<vmem>> -> memref<1x64x128xf32, #tpu.memory_space<vmem>>
      %gather3A_1025 = tpu.memref_squeeze %gather3A_1024 : memref<1x64x128xf32, #tpu.memory_space<vmem>> -> memref<64x128xf32, #tpu.memory_space<vmem>>
      %gather3A_1026 = tpu.vector_load_idx %gather3A_1025[%add3A_1020, %add3A_1012] : memref<64x128xf32, #tpu.memory_space<vmem>>[vector<16xi32>, vector<16xi32>], vector<16xf32>,
      %gather3A_1027 = arith.constant 2 : i32
      %gather3A_1028 = arith.constant 0 : i32
      %gather3A_1029 = arith.constant 0 : i32
      %gather3A_1030 = tpu.memref_slice %arg14[%gather3A_1027, %gather3A_1028, %gather3A_1029] : memref<4x64x128xf32, #tpu.memory_space<vmem>> -> memref<1x64x128xf32, #tpu.memory_space<vmem>>
      %gather3A_1031 = tpu.memref_squeeze %gather3A_1030 : memref<1x64x128xf32, #tpu.memory_space<vmem>> -> memref<64x128xf32, #tpu.memory_space<vmem>>
      %gather3A_1032 = tpu.vector_load_idx %gather3A_1031[%add3A_1020, %add3A_1017] : memref<64x128xf32, #tpu.memory_space<vmem>>[vector<16xi32>, vector<16xi32>], vector<16xf32>,
      %mul3A_1033 = arith.mulf %gather3A_1026, %gather3A_1032 : vector<16xf32>
      %add3A_1034 = arith.constant 16 : i32
      %add3A_1035 = vector.broadcast %add3A_1034 : i32 to vector<16xi32>
      %add3A_1036 = arith.addi %add3A_1035, %iota3A : vector<16xi32>
      %gather3A_1037 = arith.constant 2 : i32
      %gather3A_1038 = arith.constant 0 : i32
      %gather3A_1039 = arith.constant 0 : i32
      %gather3A_1040 = tpu.memref_slice %arg13[%gather3A_1037, %gather3A_1038, %gather3A_1039] : memref<4x64x128xf32, #tpu.memory_space<vmem>> -> memref<1x64x128xf32, #tpu.memory_space<vmem>>
      %gather3A_1041 = tpu.memref_squeeze %gather3A_1040 : memref<1x64x128xf32, #tpu.memory_space<vmem>> -> memref<64x128xf32, #tpu.memory_space<vmem>>
      %gather3A_1042 = tpu.vector_load_idx %gather3A_1041[%add3A_1036, %add3A_1012] : memref<64x128xf32, #tpu.memory_space<vmem>>[vector<16xi32>, vector<16xi32>], vector<16xf32>,
      %gather3A_1043 = arith.constant 2 : i32
      %gather3A_1044 = arith.constant 0 : i32
      %gather3A_1045 = arith.constant 0 : i32
      %gather3A_1046 = tpu.memref_slice %arg14[%gather3A_1043, %gather3A_1044, %gather3A_1045] : memref<4x64x128xf32, #tpu.memory_space<vmem>> -> memref<1x64x128xf32, #tpu.memory_space<vmem>>
      %gather3A_1047 = tpu.memref_squeeze %gather3A_1046 : memref<1x64x128xf32, #tpu.memory_space<vmem>> -> memref<64x128xf32, #tpu.memory_space<vmem>>
      %gather3A_1048 = tpu.vector_load_idx %gather3A_1047[%add3A_1036, %add3A_1017] : memref<64x128xf32, #tpu.memory_space<vmem>>[vector<16xi32>, vector<16xi32>], vector<16xf32>,
      %mul3A_1049 = arith.mulf %gather3A_1042, %gather3A_1048 : vector<16xf32>
      %add3A_1050 = arith.addf %mul3A_1033, %mul3A_1049 : vector<16xf32>
      %add3A_1051 = arith.constant 32 : i32
      %add3A_1052 = vector.broadcast %add3A_1051 : i32 to vector<16xi32>
      %add3A_1053 = arith.addi %add3A_1052, %iota3A : vector<16xi32>
      %gather3A_1054 = arith.constant 2 : i32
      %gather3A_1055 = arith.constant 0 : i32
      %gather3A_1056 = arith.constant 0 : i32
      %gather3A_1057 = tpu.memref_slice %arg13[%gather3A_1054, %gather3A_1055, %gather3A_1056] : memref<4x64x128xf32, #tpu.memory_space<vmem>> -> memref<1x64x128xf32, #tpu.memory_space<vmem>>
      %gather3A_1058 = tpu.memref_squeeze %gather3A_1057 : memref<1x64x128xf32, #tpu.memory_space<vmem>> -> memref<64x128xf32, #tpu.memory_space<vmem>>
      %gather3A_1059 = tpu.vector_load_idx %gather3A_1058[%add3A_1053, %add3A_1012] : memref<64x128xf32, #tpu.memory_space<vmem>>[vector<16xi32>, vector<16xi32>], vector<16xf32>,
      %gather3A_1060 = arith.constant 2 : i32
      %gather3A_1061 = arith.constant 0 : i32
      %gather3A_1062 = arith.constant 0 : i32
      %gather3A_1063 = tpu.memref_slice %arg14[%gather3A_1060, %gather3A_1061, %gather3A_1062] : memref<4x64x128xf32, #tpu.memory_space<vmem>> -> memref<1x64x128xf32, #tpu.memory_space<vmem>>
      %gather3A_1064 = tpu.memref_squeeze %gather3A_1063 : memref<1x64x128xf32, #tpu.memory_space<vmem>> -> memref<64x128xf32, #tpu.memory_space<vmem>>
      %gather3A_1065 = tpu.vector_load_idx %gather3A_1064[%add3A_1053, %add3A_1017] : memref<64x128xf32, #tpu.memory_space<vmem>>[vector<16xi32>, vector<16xi32>], vector<16xf32>,
      %mul3A_1066 = arith.mulf %gather3A_1059, %gather3A_1065 : vector<16xf32>
      %add3A_1067 = arith.addf %add3A_1050, %mul3A_1066 : vector<16xf32>
      %add3A_1068 = arith.constant 48 : i32
      %add3A_1069 = vector.broadcast %add3A_1068 : i32 to vector<16xi32>
      %add3A_1070 = arith.addi %add3A_1069, %iota3A : vector<16xi32>
      %gather3A_1071 = arith.constant 2 : i32
      %gather3A_1072 = arith.constant 0 : i32
      %gather3A_1073 = arith.constant 0 : i32
      %gather3A_1074 = tpu.memref_slice %arg13[%gather3A_1071, %gather3A_1072, %gather3A_1073] : memref<4x64x128xf32, #tpu.memory_space<vmem>> -> memref<1x64x128xf32, #tpu.memory_space<vmem>>
      %gather3A_1075 = tpu.memref_squeeze %gather3A_1074 : memref<1x64x128xf32, #tpu.memory_space<vmem>> -> memref<64x128xf32, #tpu.memory_space<vmem>>
      %gather3A_1076 = tpu.vector_load_idx %gather3A_1075[%add3A_1070, %add3A_1012] : memref<64x128xf32, #tpu.memory_space<vmem>>[vector<16xi32>, vector<16xi32>], vector<16xf32>,
      %gather3A_1077 = arith.constant 2 : i32
      %gather3A_1078 = arith.constant 0 : i32
      %gather3A_1079 = arith.constant 0 : i32
      %gather3A_1080 = tpu.memref_slice %arg14[%gather3A_1077, %gather3A_1078, %gather3A_1079] : memref<4x64x128xf32, #tpu.memory_space<vmem>> -> memref<1x64x128xf32, #tpu.memory_space<vmem>>
      %gather3A_1081 = tpu.memref_squeeze %gather3A_1080 : memref<1x64x128xf32, #tpu.memory_space<vmem>> -> memref<64x128xf32, #tpu.memory_space<vmem>>
      %gather3A_1082 = tpu.vector_load_idx %gather3A_1081[%add3A_1070, %add3A_1017] : memref<64x128xf32, #tpu.memory_space<vmem>>[vector<16xi32>, vector<16xi32>], vector<16xf32>,
      %mul3A_1083 = arith.mulf %gather3A_1076, %gather3A_1082 : vector<16xf32>
      %add3A_1084 = arith.addf %add3A_1067, %mul3A_1083 : vector<16xf32>
      %swap3A_1085 = arith.constant 2 : i32
      %swap3A_1086 = arith.index_cast %swap3A_1085 : i32 to index
      %swap3A_1087 = arith.constant 0 : index
      %swap3A_1088 = tpu.vector_load %arg15[%swap3A_1086, %swap3A_1087] {strides = array<i32>} : memref<16x16xf32, #tpu.memory_space<vmem>>, vector<16xf32>,
      tpu.vector_store %arg15[%swap3A_1086, %swap3A_1087], %add3A_1084 {strides = array<i32>} : memref<16x16xf32, #tpu.memory_space<vmem>>, vector<16xf32>,
      %add3A_1089 = arith.constant 4 : i32
      %add3A_1090 = arith.addi %add3A_939, %add3A_1089 : i32
      %min3A_1091 = arith.constant 511 : i32
      %min3A_1092 = arith.minsi %add3A_1090, %min3A_1091 : i32
      %get3A_1093 = arith.index_cast %min3A_1092 : i32 to index
      %get3A_1094 = tpu.vector_load %arg9[%get3A_1093] {strides = array<i32>} : memref<528xi32, #tpu.memory_space<vmem>>, vector<16xi32>,
      %slice3A_1095 = vector.extract_strided_slice %get3A_1094 {offsets = [0], sizes = [1], strides = [1]} : vector<16xi32> to vector<1xi32>
      %squeeze3A_1096 = vector.extract %slice3A_1095[0] : i32 from vector<1xi32>
      %get3A_1097 = arith.index_cast %min3A_1092 : i32 to index
      %get3A_1098 = tpu.vector_load %arg11[%get3A_1097] {strides = array<i32>} : memref<528xi32, #tpu.memory_space<vmem>>, vector<16xi32>,
      %slice3A_1099 = vector.extract_strided_slice %get3A_1098 {offsets = [0], sizes = [1], strides = [1]} : vector<16xi32> to vector<1xi32>
      %squeeze3A_1100 = vector.extract %slice3A_1099[0] : i32 from vector<1xi32>
      %multiple_of3A_1101 = tpu.assume_multiple %squeeze3A_1096, 128 : i32
      %dma_start3A_1102 = arith.constant 2 : i32
      %dma_start3A_1103 = arith.constant 0 : i32
      %dma_start3A_1104 = arith.constant 0 : i32
      %dma_start3A_1105 = tpu.memref_slice %arg13[%dma_start3A_1102, %dma_start3A_1103, %dma_start3A_1104] : memref<4x64x128xf32, #tpu.memory_space<vmem>> -> memref<1x32x128xf32, #tpu.memory_space<vmem>>
      %dma_start3A_1106 = tpu.memref_squeeze %dma_start3A_1105 : memref<1x32x128xf32, #tpu.memory_space<vmem>> -> memref<32x128xf32, #tpu.memory_space<vmem>>
      %dma_start3A_1107 = arith.constant 0 : i32
      %dma_start3A_1108 = tpu.memref_slice %arg6[%dma_start3A_1107, %multiple_of3A_1101] : memref<64x1000000xf32, #tpu.memory_space<hbm>> -> memref<32x128xf32, #tpu.memory_space<hbm>>
      %dma_start3A_1109 = arith.constant 0 : i32
      %dma_start3A_1110 = arith.constant 0 : i32
      %dma_start3A_1111 = tpu.memref_slice %arg13[%dma_start3A_1102, %dma_start3A_1109, %dma_start3A_1110] : memref<4x64x128xf32, #tpu.memory_space<vmem>> -> memref<1x32x128xf32, #tpu.memory_space<vmem>>
      %dma_start3A_1112 = tpu.memref_squeeze %dma_start3A_1111 : memref<1x32x128xf32, #tpu.memory_space<vmem>> -> memref<32x128xf32, #tpu.memory_space<vmem>>
      %dma_start3A_1113 = arith.constant 0 : i32
      %dma_start3A_1114 = tpu.memref_slice %arg6[%dma_start3A_1113, %multiple_of3A_1101] : memref<64x1000000xf32, #tpu.memory_space<hbm>> -> memref<32x128xf32, #tpu.memory_space<hbm>>
      tpu.enqueue_dma source(%dma_start3A_1114 : memref<32x128xf32, #tpu.memory_space<hbm>>) target(%dma_start3A_1112 : memref<32x128xf32, #tpu.memory_space<vmem>>) target_semaphore(%arg19 : memref<!tpu.dma_semaphore, #tpu.memory_space<semaphore_mem>>)
      %multiple_of3A_1115 = tpu.assume_multiple %squeeze3A_1100, 128 : i32
      %dma_start3A_1116 = arith.constant 2 : i32
      %dma_start3A_1117 = arith.constant 0 : i32
      %dma_start3A_1118 = arith.constant 0 : i32
      %dma_start3A_1119 = tpu.memref_slice %arg14[%dma_start3A_1116, %dma_start3A_1117, %dma_start3A_1118] : memref<4x64x128xf32, #tpu.memory_space<vmem>> -> memref<1x32x128xf32, #tpu.memory_space<vmem>>
      %dma_start3A_1120 = tpu.memref_squeeze %dma_start3A_1119 : memref<1x32x128xf32, #tpu.memory_space<vmem>> -> memref<32x128xf32, #tpu.memory_space<vmem>>
      %dma_start3A_1121 = arith.constant 0 : i32
      %dma_start3A_1122 = tpu.memref_slice %arg7[%dma_start3A_1121, %multiple_of3A_1115] : memref<64x1000000xf32, #tpu.memory_space<hbm>> -> memref<32x128xf32, #tpu.memory_space<hbm>>
      %dma_start3A_1123 = arith.constant 0 : i32
      %dma_start3A_1124 = arith.constant 0 : i32
      %dma_start3A_1125 = tpu.memref_slice %arg14[%dma_start3A_1116, %dma_start3A_1123, %dma_start3A_1124] : memref<4x64x128xf32, #tpu.memory_space<vmem>> -> memref<1x32x128xf32, #tpu.memory_space<vmem>>
      %dma_start3A_1126 = tpu.memref_squeeze %dma_start3A_1125 : memref<1x32x128xf32, #tpu.memory_space<vmem>> -> memref<32x128xf32, #tpu.memory_space<vmem>>
      %dma_start3A_1127 = arith.constant 0 : i32
      %dma_start3A_1128 = tpu.memref_slice %arg7[%dma_start3A_1127, %multiple_of3A_1115] : memref<64x1000000xf32, #tpu.memory_space<hbm>> -> memref<32x128xf32, #tpu.memory_space<hbm>>
      tpu.enqueue_dma source(%dma_start3A_1128 : memref<32x128xf32, #tpu.memory_space<hbm>>) target(%dma_start3A_1126 : memref<32x128xf32, #tpu.memory_space<vmem>>) target_semaphore(%arg19 : memref<!tpu.dma_semaphore, #tpu.memory_space<semaphore_mem>>)
      %multiple_of3A_1129 = tpu.assume_multiple %squeeze3A_1096, 128 : i32
      %dma_start3A_1130 = arith.constant 2 : i32
      %dma_start3A_1131 = arith.constant 32 : i32
      %dma_start3A_1132 = arith.constant 0 : i32
      %dma_start3A_1133 = tpu.memref_slice %arg13[%dma_start3A_1130, %dma_start3A_1131, %dma_start3A_1132] : memref<4x64x128xf32, #tpu.memory_space<vmem>> -> memref<1x32x128xf32, #tpu.memory_space<vmem>>
      %dma_start3A_1134 = tpu.memref_squeeze %dma_start3A_1133 : memref<1x32x128xf32, #tpu.memory_space<vmem>> -> memref<32x128xf32, #tpu.memory_space<vmem>>
      %dma_start3A_1135 = arith.constant 32 : i32
      %dma_start3A_1136 = tpu.memref_slice %arg6[%dma_start3A_1135, %multiple_of3A_1129] : memref<64x1000000xf32, #tpu.memory_space<hbm>> -> memref<32x128xf32, #tpu.memory_space<hbm>>
      %dma_start3A_1137 = arith.constant 32 : i32
      %dma_start3A_1138 = arith.constant 0 : i32
      %dma_start3A_1139 = tpu.memref_slice %arg13[%dma_start3A_1130, %dma_start3A_1137, %dma_start3A_1138] : memref<4x64x128xf32, #tpu.memory_space<vmem>> -> memref<1x32x128xf32, #tpu.memory_space<vmem>>
      %dma_start3A_1140 = tpu.memref_squeeze %dma_start3A_1139 : memref<1x32x128xf32, #tpu.memory_space<vmem>> -> memref<32x128xf32, #tpu.memory_space<vmem>>
      %dma_start3A_1141 = arith.constant 32 : i32
      %dma_start3A_1142 = tpu.memref_slice %arg6[%dma_start3A_1141, %multiple_of3A_1129] : memref<64x1000000xf32, #tpu.memory_space<hbm>> -> memref<32x128xf32, #tpu.memory_space<hbm>>
      tpu.enqueue_dma source(%dma_start3A_1142 : memref<32x128xf32, #tpu.memory_space<hbm>>) target(%dma_start3A_1140 : memref<32x128xf32, #tpu.memory_space<vmem>>) target_semaphore(%arg19 : memref<!tpu.dma_semaphore, #tpu.memory_space<semaphore_mem>>)
      %multiple_of3A_1143 = tpu.assume_multiple %squeeze3A_1100, 128 : i32
      %dma_start3A_1144 = arith.constant 2 : i32
      %dma_start3A_1145 = arith.constant 32 : i32
      %dma_start3A_1146 = arith.constant 0 : i32
      %dma_start3A_1147 = tpu.memref_slice %arg14[%dma_start3A_1144, %dma_start3A_1145, %dma_start3A_1146] : memref<4x64x128xf32, #tpu.memory_space<vmem>> -> memref<1x32x128xf32, #tpu.memory_space<vmem>>
      %dma_start3A_1148 = tpu.memref_squeeze %dma_start3A_1147 : memref<1x32x128xf32, #tpu.memory_space<vmem>> -> memref<32x128xf32, #tpu.memory_space<vmem>>
      %dma_start3A_1149 = arith.constant 32 : i32
      %dma_start3A_1150 = tpu.memref_slice %arg7[%dma_start3A_1149, %multiple_of3A_1143] : memref<64x1000000xf32, #tpu.memory_space<hbm>> -> memref<32x128xf32, #tpu.memory_space<hbm>>
      %dma_start3A_1151 = arith.constant 32 : i32
      %dma_start3A_1152 = arith.constant 0 : i32
      %dma_start3A_1153 = tpu.memref_slice %arg14[%dma_start3A_1144, %dma_start3A_1151, %dma_start3A_1152] : memref<4x64x128xf32, #tpu.memory_space<vmem>> -> memref<1x32x128xf32, #tpu.memory_space<vmem>>
      %dma_start3A_1154 = tpu.memref_squeeze %dma_start3A_1153 : memref<1x32x128xf32, #tpu.memory_space<vmem>> -> memref<32x128xf32, #tpu.memory_space<vmem>>
      %dma_start3A_1155 = arith.constant 32 : i32
      %dma_start3A_1156 = tpu.memref_slice %arg7[%dma_start3A_1155, %multiple_of3A_1143] : memref<64x1000000xf32, #tpu.memory_space<hbm>> -> memref<32x128xf32, #tpu.memory_space<hbm>>
      tpu.enqueue_dma source(%dma_start3A_1156 : memref<32x128xf32, #tpu.memory_space<hbm>>) target(%dma_start3A_1154 : memref<32x128xf32, #tpu.memory_space<vmem>>) target_semaphore(%arg19 : memref<!tpu.dma_semaphore, #tpu.memory_space<semaphore_mem>>)
      %add3A_1157 = arith.constant 3 : i32
      %add3A_1158 = arith.addi %mul3A_502, %add3A_1157 : i32
      %dma_wait3A_1159 = arith.constant 3 : i32
      %dma_wait3A_1160 = arith.constant 0 : i32
      %dma_wait3A_1161 = arith.constant 0 : i32
      %dma_wait3A_1162 = tpu.memref_slice %arg13[%dma_wait3A_1159, %dma_wait3A_1160, %dma_wait3A_1161] : memref<4x64x128xf32, #tpu.memory_space<vmem>> -> memref<1x32x128xf32, #tpu.memory_space<vmem>>
      %dma_wait3A_1163 = tpu.memref_squeeze %dma_wait3A_1162 : memref<1x32x128xf32, #tpu.memory_space<vmem>> -> memref<32x128xf32, #tpu.memory_space<vmem>>
      %dma_wait3A_1164 = arith.constant 0 : i32
      %dma_wait3A_1165 = arith.constant 0 : i32
      %dma_wait3A_1166 = tpu.memref_slice %arg6[%dma_wait3A_1164, %dma_wait3A_1165] : memref<64x1000000xf32, #tpu.memory_space<hbm>> -> memref<32x128xf32, #tpu.memory_space<hbm>>
      %dma_wait3A_1167 = arith.constant 0 : i32
      %dma_wait3A_1168 = arith.constant 0 : i32
      %dma_wait3A_1169 = tpu.memref_slice %arg13[%dma_wait3A_1159, %dma_wait3A_1167, %dma_wait3A_1168] : memref<4x64x128xf32, #tpu.memory_space<vmem>> -> memref<1x32x128xf32, #tpu.memory_space<vmem>>
      %dma_wait3A_1170 = tpu.memref_squeeze %dma_wait3A_1169 : memref<1x32x128xf32, #tpu.memory_space<vmem>> -> memref<32x128xf32, #tpu.memory_space<vmem>>
      %dma_wait3A_1171 = arith.constant 0 : i32
      %dma_wait3A_1172 = arith.constant 0 : i32
      %dma_wait3A_1173 = tpu.memref_slice %arg6[%dma_wait3A_1171, %dma_wait3A_1172] : memref<64x1000000xf32, #tpu.memory_space<hbm>> -> memref<32x128xf32, #tpu.memory_space<hbm>>
      tpu.wait_dma2 semaphore(%arg20 : memref<!tpu.dma_semaphore, #tpu.memory_space<semaphore_mem>>) src(%dma_wait3A_1173 : memref<32x128xf32, #tpu.memory_space<hbm>>) dst(%dma_wait3A_1170 : memref<32x128xf32, #tpu.memory_space<vmem>>)
      %dma_wait3A_1174 = arith.constant 3 : i32
      %dma_wait3A_1175 = arith.constant 0 : i32
      %dma_wait3A_1176 = arith.constant 0 : i32
      %dma_wait3A_1177 = tpu.memref_slice %arg13[%dma_wait3A_1174, %dma_wait3A_1175, %dma_wait3A_1176] : memref<4x64x128xf32, #tpu.memory_space<vmem>> -> memref<1x32x128xf32, #tpu.memory_space<vmem>>
      %dma_wait3A_1178 = tpu.memref_squeeze %dma_wait3A_1177 : memref<1x32x128xf32, #tpu.memory_space<vmem>> -> memref<32x128xf32, #tpu.memory_space<vmem>>
      %dma_wait3A_1179 = arith.constant 0 : i32
      %dma_wait3A_1180 = arith.constant 0 : i32
      %dma_wait3A_1181 = tpu.memref_slice %arg6[%dma_wait3A_1179, %dma_wait3A_1180] : memref<64x1000000xf32, #tpu.memory_space<hbm>> -> memref<32x128xf32, #tpu.memory_space<hbm>>
      %dma_wait3A_1182 = arith.constant 0 : i32
      %dma_wait3A_1183 = arith.constant 0 : i32
      %dma_wait3A_1184 = tpu.memref_slice %arg13[%dma_wait3A_1174, %dma_wait3A_1182, %dma_wait3A_1183] : memref<4x64x128xf32, #tpu.memory_space<vmem>> -> memref<1x32x128xf32, #tpu.memory_space<vmem>>
      %dma_wait3A_1185 = tpu.memref_squeeze %dma_wait3A_1184 : memref<1x32x128xf32, #tpu.memory_space<vmem>> -> memref<32x128xf32, #tpu.memory_space<vmem>>
      %dma_wait3A_1186 = arith.constant 0 : i32
      %dma_wait3A_1187 = arith.constant 0 : i32
      %dma_wait3A_1188 = tpu.memref_slice %arg6[%dma_wait3A_1186, %dma_wait3A_1187] : memref<64x1000000xf32, #tpu.memory_space<hbm>> -> memref<32x128xf32, #tpu.memory_space<hbm>>
      tpu.wait_dma2 semaphore(%arg20 : memref<!tpu.dma_semaphore, #tpu.memory_space<semaphore_mem>>) src(%dma_wait3A_1188 : memref<32x128xf32, #tpu.memory_space<hbm>>) dst(%dma_wait3A_1185 : memref<32x128xf32, #tpu.memory_space<vmem>>)
      %dma_wait3A_1189 = arith.constant 3 : i32
      %dma_wait3A_1190 = arith.constant 0 : i32
      %dma_wait3A_1191 = arith.constant 0 : i32
      %dma_wait3A_1192 = tpu.memref_slice %arg13[%dma_wait3A_1189, %dma_wait3A_1190, %dma_wait3A_1191] : memref<4x64x128xf32, #tpu.memory_space<vmem>> -> memref<1x32x128xf32, #tpu.memory_space<vmem>>
      %dma_wait3A_1193 = tpu.memref_squeeze %dma_wait3A_1192 : memref<1x32x128xf32, #tpu.memory_space<vmem>> -> memref<32x128xf32, #tpu.memory_space<vmem>>
      %dma_wait3A_1194 = arith.constant 0 : i32
      %dma_wait3A_1195 = arith.constant 0 : i32
      %dma_wait3A_1196 = tpu.memref_slice %arg6[%dma_wait3A_1194, %dma_wait3A_1195] : memref<64x1000000xf32, #tpu.memory_space<hbm>> -> memref<32x128xf32, #tpu.memory_space<hbm>>
      %dma_wait3A_1197 = arith.constant 0 : i32
      %dma_wait3A_1198 = arith.constant 0 : i32
      %dma_wait3A_1199 = tpu.memref_slice %arg13[%dma_wait3A_1189, %dma_wait3A_1197, %dma_wait3A_1198] : memref<4x64x128xf32, #tpu.memory_space<vmem>> -> memref<1x32x128xf32, #tpu.memory_space<vmem>>
      %dma_wait3A_1200 = tpu.memref_squeeze %dma_wait3A_1199 : memref<1x32x128xf32, #tpu.memory_space<vmem>> -> memref<32x128xf32, #tpu.memory_space<vmem>>
      %dma_wait3A_1201 = arith.constant 0 : i32
      %dma_wait3A_1202 = arith.constant 0 : i32
      %dma_wait3A_1203 = tpu.memref_slice %arg6[%dma_wait3A_1201, %dma_wait3A_1202] : memref<64x1000000xf32, #tpu.memory_space<hbm>> -> memref<32x128xf32, #tpu.memory_space<hbm>>
      tpu.wait_dma2 semaphore(%arg20 : memref<!tpu.dma_semaphore, #tpu.memory_space<semaphore_mem>>) src(%dma_wait3A_1203 : memref<32x128xf32, #tpu.memory_space<hbm>>) dst(%dma_wait3A_1200 : memref<32x128xf32, #tpu.memory_space<vmem>>)
      %dma_wait3A_1204 = arith.constant 3 : i32
      %dma_wait3A_1205 = arith.constant 0 : i32
      %dma_wait3A_1206 = arith.constant 0 : i32
      %dma_wait3A_1207 = tpu.memref_slice %arg13[%dma_wait3A_1204, %dma_wait3A_1205, %dma_wait3A_1206] : memref<4x64x128xf32, #tpu.memory_space<vmem>> -> memref<1x32x128xf32, #tpu.memory_space<vmem>>
      %dma_wait3A_1208 = tpu.memref_squeeze %dma_wait3A_1207 : memref<1x32x128xf32, #tpu.memory_space<vmem>> -> memref<32x128xf32, #tpu.memory_space<vmem>>
      %dma_wait3A_1209 = arith.constant 0 : i32
      %dma_wait3A_1210 = arith.constant 0 : i32
      %dma_wait3A_1211 = tpu.memref_slice %arg6[%dma_wait3A_1209, %dma_wait3A_1210] : memref<64x1000000xf32, #tpu.memory_space<hbm>> -> memref<32x128xf32, #tpu.memory_space<hbm>>
      %dma_wait3A_1212 = arith.constant 0 : i32
      %dma_wait3A_1213 = arith.constant 0 : i32
      %dma_wait3A_1214 = tpu.memref_slice %arg13[%dma_wait3A_1204, %dma_wait3A_1212, %dma_wait3A_1213] : memref<4x64x128xf32, #tpu.memory_space<vmem>> -> memref<1x32x128xf32, #tpu.memory_space<vmem>>
      %dma_wait3A_1215 = tpu.memref_squeeze %dma_wait3A_1214 : memref<1x32x128xf32, #tpu.memory_space<vmem>> -> memref<32x128xf32, #tpu.memory_space<vmem>>
      %dma_wait3A_1216 = arith.constant 0 : i32
      %dma_wait3A_1217 = arith.constant 0 : i32
      %dma_wait3A_1218 = tpu.memref_slice %arg6[%dma_wait3A_1216, %dma_wait3A_1217] : memref<64x1000000xf32, #tpu.memory_space<hbm>> -> memref<32x128xf32, #tpu.memory_space<hbm>>
      tpu.wait_dma2 semaphore(%arg20 : memref<!tpu.dma_semaphore, #tpu.memory_space<semaphore_mem>>) src(%dma_wait3A_1218 : memref<32x128xf32, #tpu.memory_space<hbm>>) dst(%dma_wait3A_1215 : memref<32x128xf32, #tpu.memory_space<vmem>>)
      %get3A_1219 = arith.index_cast %add3A_1158 : i32 to index
      %get3A_1220 = tpu.vector_load %arg10[%get3A_1219] {strides = array<i32>} : memref<528xi32, #tpu.memory_space<vmem>>, vector<16xi32>,
      %slice3A_1221 = vector.extract_strided_slice %get3A_1220 {offsets = [0], sizes = [1], strides = [1]} : vector<16xi32> to vector<1xi32>
      %squeeze3A_1222 = vector.extract %slice3A_1221[0] : i32 from vector<1xi32>
      %get3A_1223 = arith.index_cast %add3A_1158 : i32 to index
      %get3A_1224 = tpu.vector_load %arg12[%get3A_1223] {strides = array<i32>} : memref<528xi32, #tpu.memory_space<vmem>>, vector<16xi32>,
      %slice3A_1225 = vector.extract_strided_slice %get3A_1224 {offsets = [0], sizes = [1], strides = [1]} : vector<16xi32> to vector<1xi32>
      %squeeze3A_1226 = vector.extract %slice3A_1225[0] : i32 from vector<1xi32>
      %mul3A_1227 = arith.constant 0 : i32
      %mul3A_1228 = vector.broadcast %mul3A_1227 : i32 to vector<16xi32>
      %mul3A_1229 = arith.muli %iota3A, %mul3A_1228 : vector<16xi32>
      %add3A_1230 = vector.broadcast %squeeze3A_1222 : i32 to vector<16xi32>
      %add3A_1231 = arith.addi %mul3A_1229, %add3A_1230 : vector<16xi32>
      %mul3A_1232 = arith.constant 0 : i32
      %mul3A_1233 = vector.broadcast %mul3A_1232 : i32 to vector<16xi32>
      %mul3A_1234 = arith.muli %iota3A, %mul3A_1233 : vector<16xi32>
      %add3A_1235 = vector.broadcast %squeeze3A_1226 : i32 to vector<16xi32>
      %add3A_1236 = arith.addi %mul3A_1234, %add3A_1235 : vector<16xi32>
      %add3A_1237 = arith.constant 0 : i32
      %add3A_1238 = vector.broadcast %add3A_1237 : i32 to vector<16xi32>
      %add3A_1239 = arith.addi %add3A_1238, %iota3A : vector<16xi32>
      %gather3A_1240 = arith.constant 3 : i32
      %gather3A_1241 = arith.constant 0 : i32
      %gather3A_1242 = arith.constant 0 : i32
      %gather3A_1243 = tpu.memref_slice %arg13[%gather3A_1240, %gather3A_1241, %gather3A_1242] : memref<4x64x128xf32, #tpu.memory_space<vmem>> -> memref<1x64x128xf32, #tpu.memory_space<vmem>>
      %gather3A_1244 = tpu.memref_squeeze %gather3A_1243 : memref<1x64x128xf32, #tpu.memory_space<vmem>> -> memref<64x128xf32, #tpu.memory_space<vmem>>
      %gather3A_1245 = tpu.vector_load_idx %gather3A_1244[%add3A_1239, %add3A_1231] : memref<64x128xf32, #tpu.memory_space<vmem>>[vector<16xi32>, vector<16xi32>], vector<16xf32>,
      %gather3A_1246 = arith.constant 3 : i32
      %gather3A_1247 = arith.constant 0 : i32
      %gather3A_1248 = arith.constant 0 : i32
      %gather3A_1249 = tpu.memref_slice %arg14[%gather3A_1246, %gather3A_1247, %gather3A_1248] : memref<4x64x128xf32, #tpu.memory_space<vmem>> -> memref<1x64x128xf32, #tpu.memory_space<vmem>>
      %gather3A_1250 = tpu.memref_squeeze %gather3A_1249 : memref<1x64x128xf32, #tpu.memory_space<vmem>> -> memref<64x128xf32, #tpu.memory_space<vmem>>
      %gather3A_1251 = tpu.vector_load_idx %gather3A_1250[%add3A_1239, %add3A_1236] : memref<64x128xf32, #tpu.memory_space<vmem>>[vector<16xi32>, vector<16xi32>], vector<16xf32>,
      %mul3A_1252 = arith.mulf %gather3A_1245, %gather3A_1251 : vector<16xf32>
      %add3A_1253 = arith.constant 16 : i32
      %add3A_1254 = vector.broadcast %add3A_1253 : i32 to vector<16xi32>
      %add3A_1255 = arith.addi %add3A_1254, %iota3A : vector<16xi32>
      %gather3A_1256 = arith.constant 3 : i32
      %gather3A_1257 = arith.constant 0 : i32
      %gather3A_1258 = arith.constant 0 : i32
      %gather3A_1259 = tpu.memref_slice %arg13[%gather3A_1256, %gather3A_1257, %gather3A_1258] : memref<4x64x128xf32, #tpu.memory_space<vmem>> -> memref<1x64x128xf32, #tpu.memory_space<vmem>>
      %gather3A_1260 = tpu.memref_squeeze %gather3A_1259 : memref<1x64x128xf32, #tpu.memory_space<vmem>> -> memref<64x128xf32, #tpu.memory_space<vmem>>
      %gather3A_1261 = tpu.vector_load_idx %gather3A_1260[%add3A_1255, %add3A_1231] : memref<64x128xf32, #tpu.memory_space<vmem>>[vector<16xi32>, vector<16xi32>], vector<16xf32>,
      %gather3A_1262 = arith.constant 3 : i32
      %gather3A_1263 = arith.constant 0 : i32
      %gather3A_1264 = arith.constant 0 : i32
      %gather3A_1265 = tpu.memref_slice %arg14[%gather3A_1262, %gather3A_1263, %gather3A_1264] : memref<4x64x128xf32, #tpu.memory_space<vmem>> -> memref<1x64x128xf32, #tpu.memory_space<vmem>>
      %gather3A_1266 = tpu.memref_squeeze %gather3A_1265 : memref<1x64x128xf32, #tpu.memory_space<vmem>> -> memref<64x128xf32, #tpu.memory_space<vmem>>
      %gather3A_1267 = tpu.vector_load_idx %gather3A_1266[%add3A_1255, %add3A_1236] : memref<64x128xf32, #tpu.memory_space<vmem>>[vector<16xi32>, vector<16xi32>], vector<16xf32>,
      %mul3A_1268 = arith.mulf %gather3A_1261, %gather3A_1267 : vector<16xf32>
      %add3A_1269 = arith.addf %mul3A_1252, %mul3A_1268 : vector<16xf32>
      %add3A_1270 = arith.constant 32 : i32
      %add3A_1271 = vector.broadcast %add3A_1270 : i32 to vector<16xi32>
      %add3A_1272 = arith.addi %add3A_1271, %iota3A : vector<16xi32>
      %gather3A_1273 = arith.constant 3 : i32
      %gather3A_1274 = arith.constant 0 : i32
      %gather3A_1275 = arith.constant 0 : i32
      %gather3A_1276 = tpu.memref_slice %arg13[%gather3A_1273, %gather3A_1274, %gather3A_1275] : memref<4x64x128xf32, #tpu.memory_space<vmem>> -> memref<1x64x128xf32, #tpu.memory_space<vmem>>
      %gather3A_1277 = tpu.memref_squeeze %gather3A_1276 : memref<1x64x128xf32, #tpu.memory_space<vmem>> -> memref<64x128xf32, #tpu.memory_space<vmem>>
      %gather3A_1278 = tpu.vector_load_idx %gather3A_1277[%add3A_1272, %add3A_1231] : memref<64x128xf32, #tpu.memory_space<vmem>>[vector<16xi32>, vector<16xi32>], vector<16xf32>,
      %gather3A_1279 = arith.constant 3 : i32
      %gather3A_1280 = arith.constant 0 : i32
      %gather3A_1281 = arith.constant 0 : i32
      %gather3A_1282 = tpu.memref_slice %arg14[%gather3A_1279, %gather3A_1280, %gather3A_1281] : memref<4x64x128xf32, #tpu.memory_space<vmem>> -> memref<1x64x128xf32, #tpu.memory_space<vmem>>
      %gather3A_1283 = tpu.memref_squeeze %gather3A_1282 : memref<1x64x128xf32, #tpu.memory_space<vmem>> -> memref<64x128xf32, #tpu.memory_space<vmem>>
      %gather3A_1284 = tpu.vector_load_idx %gather3A_1283[%add3A_1272, %add3A_1236] : memref<64x128xf32, #tpu.memory_space<vmem>>[vector<16xi32>, vector<16xi32>], vector<16xf32>,
      %mul3A_1285 = arith.mulf %gather3A_1278, %gather3A_1284 : vector<16xf32>
      %add3A_1286 = arith.addf %add3A_1269, %mul3A_1285 : vector<16xf32>
      %add3A_1287 = arith.constant 48 : i32
      %add3A_1288 = vector.broadcast %add3A_1287 : i32 to vector<16xi32>
      %add3A_1289 = arith.addi %add3A_1288, %iota3A : vector<16xi32>
      %gather3A_1290 = arith.constant 3 : i32
      %gather3A_1291 = arith.constant 0 : i32
      %gather3A_1292 = arith.constant 0 : i32
      %gather3A_1293 = tpu.memref_slice %arg13[%gather3A_1290, %gather3A_1291, %gather3A_1292] : memref<4x64x128xf32, #tpu.memory_space<vmem>> -> memref<1x64x128xf32, #tpu.memory_space<vmem>>
      %gather3A_1294 = tpu.memref_squeeze %gather3A_1293 : memref<1x64x128xf32, #tpu.memory_space<vmem>> -> memref<64x128xf32, #tpu.memory_space<vmem>>
      %gather3A_1295 = tpu.vector_load_idx %gather3A_1294[%add3A_1289, %add3A_1231] : memref<64x128xf32, #tpu.memory_space<vmem>>[vector<16xi32>, vector<16xi32>], vector<16xf32>,
      %gather3A_1296 = arith.constant 3 : i32
      %gather3A_1297 = arith.constant 0 : i32
      %gather3A_1298 = arith.constant 0 : i32
      %gather3A_1299 = tpu.memref_slice %arg14[%gather3A_1296, %gather3A_1297, %gather3A_1298] : memref<4x64x128xf32, #tpu.memory_space<vmem>> -> memref<1x64x128xf32, #tpu.memory_space<vmem>>
      %gather3A_1300 = tpu.memref_squeeze %gather3A_1299 : memref<1x64x128xf32, #tpu.memory_space<vmem>> -> memref<64x128xf32, #tpu.memory_space<vmem>>
      %gather3A_1301 = tpu.vector_load_idx %gather3A_1300[%add3A_1289, %add3A_1236] : memref<64x128xf32, #tpu.memory_space<vmem>>[vector<16xi32>, vector<16xi32>], vector<16xf32>,
      %mul3A_1302 = arith.mulf %gather3A_1295, %gather3A_1301 : vector<16xf32>
      %add3A_1303 = arith.addf %add3A_1286, %mul3A_1302 : vector<16xf32>
      %swap3A_1304 = arith.constant 3 : i32
      %swap3A_1305 = arith.index_cast %swap3A_1304 : i32 to index
      %swap3A_1306 = arith.constant 0 : index
      %swap3A_1307 = tpu.vector_load %arg15[%swap3A_1305, %swap3A_1306] {strides = array<i32>} : memref<16x16xf32, #tpu.memory_space<vmem>>, vector<16xf32>,
      tpu.vector_store %arg15[%swap3A_1305, %swap3A_1306], %add3A_1303 {strides = array<i32>} : memref<16x16xf32, #tpu.memory_space<vmem>>, vector<16xf32>,
      %add3A_1308 = arith.constant 4 : i32
      %add3A_1309 = arith.addi %add3A_1158, %add3A_1308 : i32
      %min3A_1310 = arith.constant 511 : i32
      %min3A_1311 = arith.minsi %add3A_1309, %min3A_1310 : i32
      %get3A_1312 = arith.index_cast %min3A_1311 : i32 to index
      %get3A_1313 = tpu.vector_load %arg9[%get3A_1312] {strides = array<i32>} : memref<528xi32, #tpu.memory_space<vmem>>, vector<16xi32>,
      %slice3A_1314 = vector.extract_strided_slice %get3A_1313 {offsets = [0], sizes = [1], strides = [1]} : vector<16xi32> to vector<1xi32>
      %squeeze3A_1315 = vector.extract %slice3A_1314[0] : i32 from vector<1xi32>
      %get3A_1316 = arith.index_cast %min3A_1311 : i32 to index
      %get3A_1317 = tpu.vector_load %arg11[%get3A_1316] {strides = array<i32>} : memref<528xi32, #tpu.memory_space<vmem>>, vector<16xi32>,
      %slice3A_1318 = vector.extract_strided_slice %get3A_1317 {offsets = [0], sizes = [1], strides = [1]} : vector<16xi32> to vector<1xi32>
      %squeeze3A_1319 = vector.extract %slice3A_1318[0] : i32 from vector<1xi32>
      %multiple_of3A_1320 = tpu.assume_multiple %squeeze3A_1315, 128 : i32
      %dma_start3A_1321 = arith.constant 3 : i32
      %dma_start3A_1322 = arith.constant 0 : i32
      %dma_start3A_1323 = arith.constant 0 : i32
      %dma_start3A_1324 = tpu.memref_slice %arg13[%dma_start3A_1321, %dma_start3A_1322, %dma_start3A_1323] : memref<4x64x128xf32, #tpu.memory_space<vmem>> -> memref<1x32x128xf32, #tpu.memory_space<vmem>>
      %dma_start3A_1325 = tpu.memref_squeeze %dma_start3A_1324 : memref<1x32x128xf32, #tpu.memory_space<vmem>> -> memref<32x128xf32, #tpu.memory_space<vmem>>
      %dma_start3A_1326 = arith.constant 0 : i32
      %dma_start3A_1327 = tpu.memref_slice %arg6[%dma_start3A_1326, %multiple_of3A_1320] : memref<64x1000000xf32, #tpu.memory_space<hbm>> -> memref<32x128xf32, #tpu.memory_space<hbm>>
      %dma_start3A_1328 = arith.constant 0 : i32
      %dma_start3A_1329 = arith.constant 0 : i32
      %dma_start3A_1330 = tpu.memref_slice %arg13[%dma_start3A_1321, %dma_start3A_1328, %dma_start3A_1329] : memref<4x64x128xf32, #tpu.memory_space<vmem>> -> memref<1x32x128xf32, #tpu.memory_space<vmem>>
      %dma_start3A_1331 = tpu.memref_squeeze %dma_start3A_1330 : memref<1x32x128xf32, #tpu.memory_space<vmem>> -> memref<32x128xf32, #tpu.memory_space<vmem>>
      %dma_start3A_1332 = arith.constant 0 : i32
      %dma_start3A_1333 = tpu.memref_slice %arg6[%dma_start3A_1332, %multiple_of3A_1320] : memref<64x1000000xf32, #tpu.memory_space<hbm>> -> memref<32x128xf32, #tpu.memory_space<hbm>>
      tpu.enqueue_dma source(%dma_start3A_1333 : memref<32x128xf32, #tpu.memory_space<hbm>>) target(%dma_start3A_1331 : memref<32x128xf32, #tpu.memory_space<vmem>>) target_semaphore(%arg20 : memref<!tpu.dma_semaphore, #tpu.memory_space<semaphore_mem>>)
      %multiple_of3A_1334 = tpu.assume_multiple %squeeze3A_1319, 128 : i32
      %dma_start3A_1335 = arith.constant 3 : i32
      %dma_start3A_1336 = arith.constant 0 : i32
      %dma_start3A_1337 = arith.constant 0 : i32
      %dma_start3A_1338 = tpu.memref_slice %arg14[%dma_start3A_1335, %dma_start3A_1336, %dma_start3A_1337] : memref<4x64x128xf32, #tpu.memory_space<vmem>> -> memref<1x32x128xf32, #tpu.memory_space<vmem>>
      %dma_start3A_1339 = tpu.memref_squeeze %dma_start3A_1338 : memref<1x32x128xf32, #tpu.memory_space<vmem>> -> memref<32x128xf32, #tpu.memory_space<vmem>>
      %dma_start3A_1340 = arith.constant 0 : i32
      %dma_start3A_1341 = tpu.memref_slice %arg7[%dma_start3A_1340, %multiple_of3A_1334] : memref<64x1000000xf32, #tpu.memory_space<hbm>> -> memref<32x128xf32, #tpu.memory_space<hbm>>
      %dma_start3A_1342 = arith.constant 0 : i32
      %dma_start3A_1343 = arith.constant 0 : i32
      %dma_start3A_1344 = tpu.memref_slice %arg14[%dma_start3A_1335, %dma_start3A_1342, %dma_start3A_1343] : memref<4x64x128xf32, #tpu.memory_space<vmem>> -> memref<1x32x128xf32, #tpu.memory_space<vmem>>
      %dma_start3A_1345 = tpu.memref_squeeze %dma_start3A_1344 : memref<1x32x128xf32, #tpu.memory_space<vmem>> -> memref<32x128xf32, #tpu.memory_space<vmem>>
      %dma_start3A_1346 = arith.constant 0 : i32
      %dma_start3A_1347 = tpu.memref_slice %arg7[%dma_start3A_1346, %multiple_of3A_1334] : memref<64x1000000xf32, #tpu.memory_space<hbm>> -> memref<32x128xf32, #tpu.memory_space<hbm>>
      tpu.enqueue_dma source(%dma_start3A_1347 : memref<32x128xf32, #tpu.memory_space<hbm>>) target(%dma_start3A_1345 : memref<32x128xf32, #tpu.memory_space<vmem>>) target_semaphore(%arg20 : memref<!tpu.dma_semaphore, #tpu.memory_space<semaphore_mem>>)
      %multiple_of3A_1348 = tpu.assume_multiple %squeeze3A_1315, 128 : i32
      %dma_start3A_1349 = arith.constant 3 : i32
      %dma_start3A_1350 = arith.constant 32 : i32
      %dma_start3A_1351 = arith.constant 0 : i32
      %dma_start3A_1352 = tpu.memref_slice %arg13[%dma_start3A_1349, %dma_start3A_1350, %dma_start3A_1351] : memref<4x64x128xf32, #tpu.memory_space<vmem>> -> memref<1x32x128xf32, #tpu.memory_space<vmem>>
      %dma_start3A_1353 = tpu.memref_squeeze %dma_start3A_1352 : memref<1x32x128xf32, #tpu.memory_space<vmem>> -> memref<32x128xf32, #tpu.memory_space<vmem>>
      %dma_start3A_1354 = arith.constant 32 : i32
      %dma_start3A_1355 = tpu.memref_slice %arg6[%dma_start3A_1354, %multiple_of3A_1348] : memref<64x1000000xf32, #tpu.memory_space<hbm>> -> memref<32x128xf32, #tpu.memory_space<hbm>>
      %dma_start3A_1356 = arith.constant 32 : i32
      %dma_start3A_1357 = arith.constant 0 : i32
      %dma_start3A_1358 = tpu.memref_slice %arg13[%dma_start3A_1349, %dma_start3A_1356, %dma_start3A_1357] : memref<4x64x128xf32, #tpu.memory_space<vmem>> -> memref<1x32x128xf32, #tpu.memory_space<vmem>>
      %dma_start3A_1359 = tpu.memref_squeeze %dma_start3A_1358 : memref<1x32x128xf32, #tpu.memory_space<vmem>> -> memref<32x128xf32, #tpu.memory_space<vmem>>
      %dma_start3A_1360 = arith.constant 32 : i32
      %dma_start3A_1361 = tpu.memref_slice %arg6[%dma_start3A_1360, %multiple_of3A_1348] : memref<64x1000000xf32, #tpu.memory_space<hbm>> -> memref<32x128xf32, #tpu.memory_space<hbm>>
      tpu.enqueue_dma source(%dma_start3A_1361 : memref<32x128xf32, #tpu.memory_space<hbm>>) target(%dma_start3A_1359 : memref<32x128xf32, #tpu.memory_space<vmem>>) target_semaphore(%arg20 : memref<!tpu.dma_semaphore, #tpu.memory_space<semaphore_mem>>)
      %multiple_of3A_1362 = tpu.assume_multiple %squeeze3A_1319, 128 : i32
      %dma_start3A_1363 = arith.constant 3 : i32
      %dma_start3A_1364 = arith.constant 32 : i32
      %dma_start3A_1365 = arith.constant 0 : i32
      %dma_start3A_1366 = tpu.memref_slice %arg14[%dma_start3A_1363, %dma_start3A_1364, %dma_start3A_1365] : memref<4x64x128xf32, #tpu.memory_space<vmem>> -> memref<1x32x128xf32, #tpu.memory_space<vmem>>
      %dma_start3A_1367 = tpu.memref_squeeze %dma_start3A_1366 : memref<1x32x128xf32, #tpu.memory_space<vmem>> -> memref<32x128xf32, #tpu.memory_space<vmem>>
      %dma_start3A_1368 = arith.constant 32 : i32
      %dma_start3A_1369 = tpu.memref_slice %arg7[%dma_start3A_1368, %multiple_of3A_1362] : memref<64x1000000xf32, #tpu.memory_space<hbm>> -> memref<32x128xf32, #tpu.memory_space<hbm>>
      %dma_start3A_1370 = arith.constant 32 : i32
      %dma_start3A_1371 = arith.constant 0 : i32
      %dma_start3A_1372 = tpu.memref_slice %arg14[%dma_start3A_1363, %dma_start3A_1370, %dma_start3A_1371] : memref<4x64x128xf32, #tpu.memory_space<vmem>> -> memref<1x32x128xf32, #tpu.memory_space<vmem>>
      %dma_start3A_1373 = tpu.memref_squeeze %dma_start3A_1372 : memref<1x32x128xf32, #tpu.memory_space<vmem>> -> memref<32x128xf32, #tpu.memory_space<vmem>>
      %dma_start3A_1374 = arith.constant 32 : i32
      %dma_start3A_1375 = tpu.memref_slice %arg7[%dma_start3A_1374, %multiple_of3A_1362] : memref<64x1000000xf32, #tpu.memory_space<hbm>> -> memref<32x128xf32, #tpu.memory_space<hbm>>
      tpu.enqueue_dma source(%dma_start3A_1375 : memref<32x128xf32, #tpu.memory_space<hbm>>) target(%dma_start3A_1373 : memref<32x128xf32, #tpu.memory_space<vmem>>) target_semaphore(%arg20 : memref<!tpu.dma_semaphore, #tpu.memory_space<semaphore_mem>>)
      %add3A_1376 = arith.constant 4 : i32
      %add3A_1377 = arith.addi %mul3A_502, %add3A_1376 : i32
      %dma_wait3A_1378 = arith.constant 0 : i32
      %dma_wait3A_1379 = arith.constant 0 : i32
      %dma_wait3A_1380 = arith.constant 0 : i32
      %dma_wait3A_1381 = tpu.memref_slice %arg13[%dma_wait3A_1378, %dma_wait3A_1379, %dma_wait3A_1380] : memref<4x64x128xf32, #tpu.memory_space<vmem>> -> memref<1x32x128xf32, #tpu.memory_space<vmem>>
      %dma_wait3A_1382 = tpu.memref_squeeze %dma_wait3A_1381 : memref<1x32x128xf32, #tpu.memory_space<vmem>> -> memref<32x128xf32, #tpu.memory_space<vmem>>
      %dma_wait3A_1383 = arith.constant 0 : i32
      %dma_wait3A_1384 = arith.constant 0 : i32
      %dma_wait3A_1385 = tpu.memref_slice %arg6[%dma_wait3A_1383, %dma_wait3A_1384] : memref<64x1000000xf32, #tpu.memory_space<hbm>> -> memref<32x128xf32, #tpu.memory_space<hbm>>
      %dma_wait3A_1386 = arith.constant 0 : i32
      %dma_wait3A_1387 = arith.constant 0 : i32
      %dma_wait3A_1388 = tpu.memref_slice %arg13[%dma_wait3A_1378, %dma_wait3A_1386, %dma_wait3A_1387] : memref<4x64x128xf32, #tpu.memory_space<vmem>> -> memref<1x32x128xf32, #tpu.memory_space<vmem>>
      %dma_wait3A_1389 = tpu.memref_squeeze %dma_wait3A_1388 : memref<1x32x128xf32, #tpu.memory_space<vmem>> -> memref<32x128xf32, #tpu.memory_space<vmem>>
      %dma_wait3A_1390 = arith.constant 0 : i32
      %dma_wait3A_1391 = arith.constant 0 : i32
      %dma_wait3A_1392 = tpu.memref_slice %arg6[%dma_wait3A_1390, %dma_wait3A_1391] : memref<64x1000000xf32, #tpu.memory_space<hbm>> -> memref<32x128xf32, #tpu.memory_space<hbm>>
      tpu.wait_dma2 semaphore(%arg17 : memref<!tpu.dma_semaphore, #tpu.memory_space<semaphore_mem>>) src(%dma_wait3A_1392 : memref<32x128xf32, #tpu.memory_space<hbm>>) dst(%dma_wait3A_1389 : memref<32x128xf32, #tpu.memory_space<vmem>>)
      %dma_wait3A_1393 = arith.constant 0 : i32
      %dma_wait3A_1394 = arith.constant 0 : i32
      %dma_wait3A_1395 = arith.constant 0 : i32
      %dma_wait3A_1396 = tpu.memref_slice %arg13[%dma_wait3A_1393, %dma_wait3A_1394, %dma_wait3A_1395] : memref<4x64x128xf32, #tpu.memory_space<vmem>> -> memref<1x32x128xf32, #tpu.memory_space<vmem>>
      %dma_wait3A_1397 = tpu.memref_squeeze %dma_wait3A_1396 : memref<1x32x128xf32, #tpu.memory_space<vmem>> -> memref<32x128xf32, #tpu.memory_space<vmem>>
      %dma_wait3A_1398 = arith.constant 0 : i32
      %dma_wait3A_1399 = arith.constant 0 : i32
      %dma_wait3A_1400 = tpu.memref_slice %arg6[%dma_wait3A_1398, %dma_wait3A_1399] : memref<64x1000000xf32, #tpu.memory_space<hbm>> -> memref<32x128xf32, #tpu.memory_space<hbm>>
      %dma_wait3A_1401 = arith.constant 0 : i32
      %dma_wait3A_1402 = arith.constant 0 : i32
      %dma_wait3A_1403 = tpu.memref_slice %arg13[%dma_wait3A_1393, %dma_wait3A_1401, %dma_wait3A_1402] : memref<4x64x128xf32, #tpu.memory_space<vmem>> -> memref<1x32x128xf32, #tpu.memory_space<vmem>>
      %dma_wait3A_1404 = tpu.memref_squeeze %dma_wait3A_1403 : memref<1x32x128xf32, #tpu.memory_space<vmem>> -> memref<32x128xf32, #tpu.memory_space<vmem>>
      %dma_wait3A_1405 = arith.constant 0 : i32
      %dma_wait3A_1406 = arith.constant 0 : i32
      %dma_wait3A_1407 = tpu.memref_slice %arg6[%dma_wait3A_1405, %dma_wait3A_1406] : memref<64x1000000xf32, #tpu.memory_space<hbm>> -> memref<32x128xf32, #tpu.memory_space<hbm>>
      tpu.wait_dma2 semaphore(%arg17 : memref<!tpu.dma_semaphore, #tpu.memory_space<semaphore_mem>>) src(%dma_wait3A_1407 : memref<32x128xf32, #tpu.memory_space<hbm>>) dst(%dma_wait3A_1404 : memref<32x128xf32, #tpu.memory_space<vmem>>)
      %dma_wait3A_1408 = arith.constant 0 : i32
      %dma_wait3A_1409 = arith.constant 0 : i32
      %dma_wait3A_1410 = arith.constant 0 : i32
      %dma_wait3A_1411 = tpu.memref_slice %arg13[%dma_wait3A_1408, %dma_wait3A_1409, %dma_wait3A_1410] : memref<4x64x128xf32, #tpu.memory_space<vmem>> -> memref<1x32x128xf32, #tpu.memory_space<vmem>>
      %dma_wait3A_1412 = tpu.memref_squeeze %dma_wait3A_1411 : memref<1x32x128xf32, #tpu.memory_space<vmem>> -> memref<32x128xf32, #tpu.memory_space<vmem>>
      %dma_wait3A_1413 = arith.constant 0 : i32
      %dma_wait3A_1414 = arith.constant 0 : i32
      %dma_wait3A_1415 = tpu.memref_slice %arg6[%dma_wait3A_1413, %dma_wait3A_1414] : memref<64x1000000xf32, #tpu.memory_space<hbm>> -> memref<32x128xf32, #tpu.memory_space<hbm>>
      %dma_wait3A_1416 = arith.constant 0 : i32
      %dma_wait3A_1417 = arith.constant 0 : i32
      %dma_wait3A_1418 = tpu.memref_slice %arg13[%dma_wait3A_1408, %dma_wait3A_1416, %dma_wait3A_1417] : memref<4x64x128xf32, #tpu.memory_space<vmem>> -> memref<1x32x128xf32, #tpu.memory_space<vmem>>
      %dma_wait3A_1419 = tpu.memref_squeeze %dma_wait3A_1418 : memref<1x32x128xf32, #tpu.memory_space<vmem>> -> memref<32x128xf32, #tpu.memory_space<vmem>>
      %dma_wait3A_1420 = arith.constant 0 : i32
      %dma_wait3A_1421 = arith.constant 0 : i32
      %dma_wait3A_1422 = tpu.memref_slice %arg6[%dma_wait3A_1420, %dma_wait3A_1421] : memref<64x1000000xf32, #tpu.memory_space<hbm>> -> memref<32x128xf32, #tpu.memory_space<hbm>>
      tpu.wait_dma2 semaphore(%arg17 : memref<!tpu.dma_semaphore, #tpu.memory_space<semaphore_mem>>) src(%dma_wait3A_1422 : memref<32x128xf32, #tpu.memory_space<hbm>>) dst(%dma_wait3A_1419 : memref<32x128xf32, #tpu.memory_space<vmem>>)
      %dma_wait3A_1423 = arith.constant 0 : i32
      %dma_wait3A_1424 = arith.constant 0 : i32
      %dma_wait3A_1425 = arith.constant 0 : i32
      %dma_wait3A_1426 = tpu.memref_slice %arg13[%dma_wait3A_1423, %dma_wait3A_1424, %dma_wait3A_1425] : memref<4x64x128xf32, #tpu.memory_space<vmem>> -> memref<1x32x128xf32, #tpu.memory_space<vmem>>
      %dma_wait3A_1427 = tpu.memref_squeeze %dma_wait3A_1426 : memref<1x32x128xf32, #tpu.memory_space<vmem>> -> memref<32x128xf32, #tpu.memory_space<vmem>>
      %dma_wait3A_1428 = arith.constant 0 : i32
      %dma_wait3A_1429 = arith.constant 0 : i32
      %dma_wait3A_1430 = tpu.memref_slice %arg6[%dma_wait3A_1428, %dma_wait3A_1429] : memref<64x1000000xf32, #tpu.memory_space<hbm>> -> memref<32x128xf32, #tpu.memory_space<hbm>>
      %dma_wait3A_1431 = arith.constant 0 : i32
      %dma_wait3A_1432 = arith.constant 0 : i32
      %dma_wait3A_1433 = tpu.memref_slice %arg13[%dma_wait3A_1423, %dma_wait3A_1431, %dma_wait3A_1432] : memref<4x64x128xf32, #tpu.memory_space<vmem>> -> memref<1x32x128xf32, #tpu.memory_space<vmem>>
      %dma_wait3A_1434 = tpu.memref_squeeze %dma_wait3A_1433 : memref<1x32x128xf32, #tpu.memory_space<vmem>> -> memref<32x128xf32, #tpu.memory_space<vmem>>
      %dma_wait3A_1435 = arith.constant 0 : i32
      %dma_wait3A_1436 = arith.constant 0 : i32
      %dma_wait3A_1437 = tpu.memref_slice %arg6[%dma_wait3A_1435, %dma_wait3A_1436] : memref<64x1000000xf32, #tpu.memory_space<hbm>> -> memref<32x128xf32, #tpu.memory_space<hbm>>
      tpu.wait_dma2 semaphore(%arg17 : memref<!tpu.dma_semaphore, #tpu.memory_space<semaphore_mem>>) src(%dma_wait3A_1437 : memref<32x128xf32, #tpu.memory_space<hbm>>) dst(%dma_wait3A_1434 : memref<32x128xf32, #tpu.memory_space<vmem>>)
      %get3A_1438 = arith.index_cast %add3A_1377 : i32 to index
      %get3A_1439 = tpu.vector_load %arg10[%get3A_1438] {strides = array<i32>} : memref<528xi32, #tpu.memory_space<vmem>>, vector<16xi32>,
      %slice3A_1440 = vector.extract_strided_slice %get3A_1439 {offsets = [0], sizes = [1], strides = [1]} : vector<16xi32> to vector<1xi32>
      %squeeze3A_1441 = vector.extract %slice3A_1440[0] : i32 from vector<1xi32>
      %get3A_1442 = arith.index_cast %add3A_1377 : i32 to index
      %get3A_1443 = tpu.vector_load %arg12[%get3A_1442] {strides = array<i32>} : memref<528xi32, #tpu.memory_space<vmem>>, vector<16xi32>,
      %slice3A_1444 = vector.extract_strided_slice %get3A_1443 {offsets = [0], sizes = [1], strides = [1]} : vector<16xi32> to vector<1xi32>
      %squeeze3A_1445 = vector.extract %slice3A_1444[0] : i32 from vector<1xi32>
      %mul3A_1446 = arith.constant 0 : i32
      %mul3A_1447 = vector.broadcast %mul3A_1446 : i32 to vector<16xi32>
      %mul3A_1448 = arith.muli %iota3A, %mul3A_1447 : vector<16xi32>
      %add3A_1449 = vector.broadcast %squeeze3A_1441 : i32 to vector<16xi32>
      %add3A_1450 = arith.addi %mul3A_1448, %add3A_1449 : vector<16xi32>
      %mul3A_1451 = arith.constant 0 : i32
      %mul3A_1452 = vector.broadcast %mul3A_1451 : i32 to vector<16xi32>
      %mul3A_1453 = arith.muli %iota3A, %mul3A_1452 : vector<16xi32>
      %add3A_1454 = vector.broadcast %squeeze3A_1445 : i32 to vector<16xi32>
      %add3A_1455 = arith.addi %mul3A_1453, %add3A_1454 : vector<16xi32>
      %add3A_1456 = arith.constant 0 : i32
      %add3A_1457 = vector.broadcast %add3A_1456 : i32 to vector<16xi32>
      %add3A_1458 = arith.addi %add3A_1457, %iota3A : vector<16xi32>
      %gather3A_1459 = arith.constant 0 : i32
      %gather3A_1460 = arith.constant 0 : i32
      %gather3A_1461 = arith.constant 0 : i32
      %gather3A_1462 = tpu.memref_slice %arg13[%gather3A_1459, %gather3A_1460, %gather3A_1461] : memref<4x64x128xf32, #tpu.memory_space<vmem>> -> memref<1x64x128xf32, #tpu.memory_space<vmem>>
      %gather3A_1463 = tpu.memref_squeeze %gather3A_1462 : memref<1x64x128xf32, #tpu.memory_space<vmem>> -> memref<64x128xf32, #tpu.memory_space<vmem>>
      %gather3A_1464 = tpu.vector_load_idx %gather3A_1463[%add3A_1458, %add3A_1450] : memref<64x128xf32, #tpu.memory_space<vmem>>[vector<16xi32>, vector<16xi32>], vector<16xf32>,
      %gather3A_1465 = arith.constant 0 : i32
      %gather3A_1466 = arith.constant 0 : i32
      %gather3A_1467 = arith.constant 0 : i32
      %gather3A_1468 = tpu.memref_slice %arg14[%gather3A_1465, %gather3A_1466, %gather3A_1467] : memref<4x64x128xf32, #tpu.memory_space<vmem>> -> memref<1x64x128xf32, #tpu.memory_space<vmem>>
      %gather3A_1469 = tpu.memref_squeeze %gather3A_1468 : memref<1x64x128xf32, #tpu.memory_space<vmem>> -> memref<64x128xf32, #tpu.memory_space<vmem>>
      %gather3A_1470 = tpu.vector_load_idx %gather3A_1469[%add3A_1458, %add3A_1455] : memref<64x128xf32, #tpu.memory_space<vmem>>[vector<16xi32>, vector<16xi32>], vector<16xf32>,
      %mul3A_1471 = arith.mulf %gather3A_1464, %gather3A_1470 : vector<16xf32>
      %add3A_1472 = arith.constant 16 : i32
      %add3A_1473 = vector.broadcast %add3A_1472 : i32 to vector<16xi32>
      %add3A_1474 = arith.addi %add3A_1473, %iota3A : vector<16xi32>
      %gather3A_1475 = arith.constant 0 : i32
      %gather3A_1476 = arith.constant 0 : i32
      %gather3A_1477 = arith.constant 0 : i32
      %gather3A_1478 = tpu.memref_slice %arg13[%gather3A_1475, %gather3A_1476, %gather3A_1477] : memref<4x64x128xf32, #tpu.memory_space<vmem>> -> memref<1x64x128xf32, #tpu.memory_space<vmem>>
      %gather3A_1479 = tpu.memref_squeeze %gather3A_1478 : memref<1x64x128xf32, #tpu.memory_space<vmem>> -> memref<64x128xf32, #tpu.memory_space<vmem>>
      %gather3A_1480 = tpu.vector_load_idx %gather3A_1479[%add3A_1474, %add3A_1450] : memref<64x128xf32, #tpu.memory_space<vmem>>[vector<16xi32>, vector<16xi32>], vector<16xf32>,
      %gather3A_1481 = arith.constant 0 : i32
      %gather3A_1482 = arith.constant 0 : i32
      %gather3A_1483 = arith.constant 0 : i32
      %gather3A_1484 = tpu.memref_slice %arg14[%gather3A_1481, %gather3A_1482, %gather3A_1483] : memref<4x64x128xf32, #tpu.memory_space<vmem>> -> memref<1x64x128xf32, #tpu.memory_space<vmem>>
      %gather3A_1485 = tpu.memref_squeeze %gather3A_1484 : memref<1x64x128xf32, #tpu.memory_space<vmem>> -> memref<64x128xf32, #tpu.memory_space<vmem>>
      %gather3A_1486 = tpu.vector_load_idx %gather3A_1485[%add3A_1474, %add3A_1455] : memref<64x128xf32, #tpu.memory_space<vmem>>[vector<16xi32>, vector<16xi32>], vector<16xf32>,
      %mul3A_1487 = arith.mulf %gather3A_1480, %gather3A_1486 : vector<16xf32>
      %add3A_1488 = arith.addf %mul3A_1471, %mul3A_1487 : vector<16xf32>
      %add3A_1489 = arith.constant 32 : i32
      %add3A_1490 = vector.broadcast %add3A_1489 : i32 to vector<16xi32>
      %add3A_1491 = arith.addi %add3A_1490, %iota3A : vector<16xi32>
      %gather3A_1492 = arith.constant 0 : i32
      %gather3A_1493 = arith.constant 0 : i32
      %gather3A_1494 = arith.constant 0 : i32
      %gather3A_1495 = tpu.memref_slice %arg13[%gather3A_1492, %gather3A_1493, %gather3A_1494] : memref<4x64x128xf32, #tpu.memory_space<vmem>> -> memref<1x64x128xf32, #tpu.memory_space<vmem>>
      %gather3A_1496 = tpu.memref_squeeze %gather3A_1495 : memref<1x64x128xf32, #tpu.memory_space<vmem>> -> memref<64x128xf32, #tpu.memory_space<vmem>>
      %gather3A_1497 = tpu.vector_load_idx %gather3A_1496[%add3A_1491, %add3A_1450] : memref<64x128xf32, #tpu.memory_space<vmem>>[vector<16xi32>, vector<16xi32>], vector<16xf32>,
      %gather3A_1498 = arith.constant 0 : i32
      %gather3A_1499 = arith.constant 0 : i32
      %gather3A_1500 = arith.constant 0 : i32
      %gather3A_1501 = tpu.memref_slice %arg14[%gather3A_1498, %gather3A_1499, %gather3A_1500] : memref<4x64x128xf32, #tpu.memory_space<vmem>> -> memref<1x64x128xf32, #tpu.memory_space<vmem>>
      %gather3A_1502 = tpu.memref_squeeze %gather3A_1501 : memref<1x64x128xf32, #tpu.memory_space<vmem>> -> memref<64x128xf32, #tpu.memory_space<vmem>>
      %gather3A_1503 = tpu.vector_load_idx %gather3A_1502[%add3A_1491, %add3A_1455] : memref<64x128xf32, #tpu.memory_space<vmem>>[vector<16xi32>, vector<16xi32>], vector<16xf32>,
      %mul3A_1504 = arith.mulf %gather3A_1497, %gather3A_1503 : vector<16xf32>
      %add3A_1505 = arith.addf %add3A_1488, %mul3A_1504 : vector<16xf32>
      %add3A_1506 = arith.constant 48 : i32
      %add3A_1507 = vector.broadcast %add3A_1506 : i32 to vector<16xi32>
      %add3A_1508 = arith.addi %add3A_1507, %iota3A : vector<16xi32>
      %gather3A_1509 = arith.constant 0 : i32
      %gather3A_1510 = arith.constant 0 : i32
      %gather3A_1511 = arith.constant 0 : i32
      %gather3A_1512 = tpu.memref_slice %arg13[%gather3A_1509, %gather3A_1510, %gather3A_1511] : memref<4x64x128xf32, #tpu.memory_space<vmem>> -> memref<1x64x128xf32, #tpu.memory_space<vmem>>
      %gather3A_1513 = tpu.memref_squeeze %gather3A_1512 : memref<1x64x128xf32, #tpu.memory_space<vmem>> -> memref<64x128xf32, #tpu.memory_space<vmem>>
      %gather3A_1514 = tpu.vector_load_idx %gather3A_1513[%add3A_1508, %add3A_1450] : memref<64x128xf32, #tpu.memory_space<vmem>>[vector<16xi32>, vector<16xi32>], vector<16xf32>,
      %gather3A_1515 = arith.constant 0 : i32
      %gather3A_1516 = arith.constant 0 : i32
      %gather3A_1517 = arith.constant 0 : i32
      %gather3A_1518 = tpu.memref_slice %arg14[%gather3A_1515, %gather3A_1516, %gather3A_1517] : memref<4x64x128xf32, #tpu.memory_space<vmem>> -> memref<1x64x128xf32, #tpu.memory_space<vmem>>
      %gather3A_1519 = tpu.memref_squeeze %gather3A_1518 : memref<1x64x128xf32, #tpu.memory_space<vmem>> -> memref<64x128xf32, #tpu.memory_space<vmem>>
      %gather3A_1520 = tpu.vector_load_idx %gather3A_1519[%add3A_1508, %add3A_1455] : memref<64x128xf32, #tpu.memory_space<vmem>>[vector<16xi32>, vector<16xi32>], vector<16xf32>,
      %mul3A_1521 = arith.mulf %gather3A_1514, %gather3A_1520 : vector<16xf32>
      %add3A_1522 = arith.addf %add3A_1505, %mul3A_1521 : vector<16xf32>
      %swap3A_1523 = arith.constant 4 : i32
      %swap3A_1524 = arith.index_cast %swap3A_1523 : i32 to index
      %swap3A_1525 = arith.constant 0 : index
      %swap3A_1526 = tpu.vector_load %arg15[%swap3A_1524, %swap3A_1525] {strides = array<i32>} : memref<16x16xf32, #tpu.memory_space<vmem>>, vector<16xf32>,
      tpu.vector_store %arg15[%swap3A_1524, %swap3A_1525], %add3A_1522 {strides = array<i32>} : memref<16x16xf32, #tpu.memory_space<vmem>>, vector<16xf32>,
      %add3A_1527 = arith.constant 4 : i32
      %add3A_1528 = arith.addi %add3A_1377, %add3A_1527 : i32
      %min3A_1529 = arith.constant 511 : i32
      %min3A_1530 = arith.minsi %add3A_1528, %min3A_1529 : i32
      %get3A_1531 = arith.index_cast %min3A_1530 : i32 to index
      %get3A_1532 = tpu.vector_load %arg9[%get3A_1531] {strides = array<i32>} : memref<528xi32, #tpu.memory_space<vmem>>, vector<16xi32>,
      %slice3A_1533 = vector.extract_strided_slice %get3A_1532 {offsets = [0], sizes = [1], strides = [1]} : vector<16xi32> to vector<1xi32>
      %squeeze3A_1534 = vector.extract %slice3A_1533[0] : i32 from vector<1xi32>
      %get3A_1535 = arith.index_cast %min3A_1530 : i32 to index
      %get3A_1536 = tpu.vector_load %arg11[%get3A_1535] {strides = array<i32>} : memref<528xi32, #tpu.memory_space<vmem>>, vector<16xi32>,
      %slice3A_1537 = vector.extract_strided_slice %get3A_1536 {offsets = [0], sizes = [1], strides = [1]} : vector<16xi32> to vector<1xi32>
      %squeeze3A_1538 = vector.extract %slice3A_1537[0] : i32 from vector<1xi32>
      %multiple_of3A_1539 = tpu.assume_multiple %squeeze3A_1534, 128 : i32
      %dma_start3A_1540 = arith.constant 0 : i32
      %dma_start3A_1541 = arith.constant 0 : i32
      %dma_start3A_1542 = arith.constant 0 : i32
      %dma_start3A_1543 = tpu.memref_slice %arg13[%dma_start3A_1540, %dma_start3A_1541, %dma_start3A_1542] : memref<4x64x128xf32, #tpu.memory_space<vmem>> -> memref<1x32x128xf32, #tpu.memory_space<vmem>>
      %dma_start3A_1544 = tpu.memref_squeeze %dma_start3A_1543 : memref<1x32x128xf32, #tpu.memory_space<vmem>> -> memref<32x128xf32, #tpu.memory_space<vmem>>
      %dma_start3A_1545 = arith.constant 0 : i32
      %dma_start3A_1546 = tpu.memref_slice %arg6[%dma_start3A_1545, %multiple_of3A_1539] : memref<64x1000000xf32, #tpu.memory_space<hbm>> -> memref<32x128xf32, #tpu.memory_space<hbm>>
      %dma_start3A_1547 = arith.constant 0 : i32
      %dma_start3A_1548 = arith.constant 0 : i32
      %dma_start3A_1549 = tpu.memref_slice %arg13[%dma_start3A_1540, %dma_start3A_1547, %dma_start3A_1548] : memref<4x64x128xf32, #tpu.memory_space<vmem>> -> memref<1x32x128xf32, #tpu.memory_space<vmem>>
      %dma_start3A_1550 = tpu.memref_squeeze %dma_start3A_1549 : memref<1x32x128xf32, #tpu.memory_space<vmem>> -> memref<32x128xf32, #tpu.memory_space<vmem>>
      %dma_start3A_1551 = arith.constant 0 : i32
      %dma_start3A_1552 = tpu.memref_slice %arg6[%dma_start3A_1551, %multiple_of3A_1539] : memref<64x1000000xf32, #tpu.memory_space<hbm>> -> memref<32x128xf32, #tpu.memory_space<hbm>>
      tpu.enqueue_dma source(%dma_start3A_1552 : memref<32x128xf32, #tpu.memory_space<hbm>>) target(%dma_start3A_1550 : memref<32x128xf32, #tpu.memory_space<vmem>>) target_semaphore(%arg17 : memref<!tpu.dma_semaphore, #tpu.memory_space<semaphore_mem>>)
      %multiple_of3A_1553 = tpu.assume_multiple %squeeze3A_1538, 128 : i32
      %dma_start3A_1554 = arith.constant 0 : i32
      %dma_start3A_1555 = arith.constant 0 : i32
      %dma_start3A_1556 = arith.constant 0 : i32
      %dma_start3A_1557 = tpu.memref_slice %arg14[%dma_start3A_1554, %dma_start3A_1555, %dma_start3A_1556] : memref<4x64x128xf32, #tpu.memory_space<vmem>> -> memref<1x32x128xf32, #tpu.memory_space<vmem>>
      %dma_start3A_1558 = tpu.memref_squeeze %dma_start3A_1557 : memref<1x32x128xf32, #tpu.memory_space<vmem>> -> memref<32x128xf32, #tpu.memory_space<vmem>>
      %dma_start3A_1559 = arith.constant 0 : i32
      %dma_start3A_1560 = tpu.memref_slice %arg7[%dma_start3A_1559, %multiple_of3A_1553] : memref<64x1000000xf32, #tpu.memory_space<hbm>> -> memref<32x128xf32, #tpu.memory_space<hbm>>
      %dma_start3A_1561 = arith.constant 0 : i32
      %dma_start3A_1562 = arith.constant 0 : i32
      %dma_start3A_1563 = tpu.memref_slice %arg14[%dma_start3A_1554, %dma_start3A_1561, %dma_start3A_1562] : memref<4x64x128xf32, #tpu.memory_space<vmem>> -> memref<1x32x128xf32, #tpu.memory_space<vmem>>
      %dma_start3A_1564 = tpu.memref_squeeze %dma_start3A_1563 : memref<1x32x128xf32, #tpu.memory_space<vmem>> -> memref<32x128xf32, #tpu.memory_space<vmem>>
      %dma_start3A_1565 = arith.constant 0 : i32
      %dma_start3A_1566 = tpu.memref_slice %arg7[%dma_start3A_1565, %multiple_of3A_1553] : memref<64x1000000xf32, #tpu.memory_space<hbm>> -> memref<32x128xf32, #tpu.memory_space<hbm>>
      tpu.enqueue_dma source(%dma_start3A_1566 : memref<32x128xf32, #tpu.memory_space<hbm>>) target(%dma_start3A_1564 : memref<32x128xf32, #tpu.memory_space<vmem>>) target_semaphore(%arg17 : memref<!tpu.dma_semaphore, #tpu.memory_space<semaphore_mem>>)
      %multiple_of3A_1567 = tpu.assume_multiple %squeeze3A_1534, 128 : i32
      %dma_start3A_1568 = arith.constant 0 : i32
      %dma_start3A_1569 = arith.constant 32 : i32
      %dma_start3A_1570 = arith.constant 0 : i32
      %dma_start3A_1571 = tpu.memref_slice %arg13[%dma_start3A_1568, %dma_start3A_1569, %dma_start3A_1570] : memref<4x64x128xf32, #tpu.memory_space<vmem>> -> memref<1x32x128xf32, #tpu.memory_space<vmem>>
      %dma_start3A_1572 = tpu.memref_squeeze %dma_start3A_1571 : memref<1x32x128xf32, #tpu.memory_space<vmem>> -> memref<32x128xf32, #tpu.memory_space<vmem>>
      %dma_start3A_1573 = arith.constant 32 : i32
      %dma_start3A_1574 = tpu.memref_slice %arg6[%dma_start3A_1573, %multiple_of3A_1567] : memref<64x1000000xf32, #tpu.memory_space<hbm>> -> memref<32x128xf32, #tpu.memory_space<hbm>>
      %dma_start3A_1575 = arith.constant 32 : i32
      %dma_start3A_1576 = arith.constant 0 : i32
      %dma_start3A_1577 = tpu.memref_slice %arg13[%dma_start3A_1568, %dma_start3A_1575, %dma_start3A_1576] : memref<4x64x128xf32, #tpu.memory_space<vmem>> -> memref<1x32x128xf32, #tpu.memory_space<vmem>>
      %dma_start3A_1578 = tpu.memref_squeeze %dma_start3A_1577 : memref<1x32x128xf32, #tpu.memory_space<vmem>> -> memref<32x128xf32, #tpu.memory_space<vmem>>
      %dma_start3A_1579 = arith.constant 32 : i32
      %dma_start3A_1580 = tpu.memref_slice %arg6[%dma_start3A_1579, %multiple_of3A_1567] : memref<64x1000000xf32, #tpu.memory_space<hbm>> -> memref<32x128xf32, #tpu.memory_space<hbm>>
      tpu.enqueue_dma source(%dma_start3A_1580 : memref<32x128xf32, #tpu.memory_space<hbm>>) target(%dma_start3A_1578 : memref<32x128xf32, #tpu.memory_space<vmem>>) target_semaphore(%arg17 : memref<!tpu.dma_semaphore, #tpu.memory_space<semaphore_mem>>)
      %multiple_of3A_1581 = tpu.assume_multiple %squeeze3A_1538, 128 : i32
      %dma_start3A_1582 = arith.constant 0 : i32
      %dma_start3A_1583 = arith.constant 32 : i32
      %dma_start3A_1584 = arith.constant 0 : i32
      %dma_start3A_1585 = tpu.memref_slice %arg14[%dma_start3A_1582, %dma_start3A_1583, %dma_start3A_1584] : memref<4x64x128xf32, #tpu.memory_space<vmem>> -> memref<1x32x128xf32, #tpu.memory_space<vmem>>
      %dma_start3A_1586 = tpu.memref_squeeze %dma_start3A_1585 : memref<1x32x128xf32, #tpu.memory_space<vmem>> -> memref<32x128xf32, #tpu.memory_space<vmem>>
      %dma_start3A_1587 = arith.constant 32 : i32
      %dma_start3A_1588 = tpu.memref_slice %arg7[%dma_start3A_1587, %multiple_of3A_1581] : memref<64x1000000xf32, #tpu.memory_space<hbm>> -> memref<32x128xf32, #tpu.memory_space<hbm>>
      %dma_start3A_1589 = arith.constant 32 : i32
      %dma_start3A_1590 = arith.constant 0 : i32
      %dma_start3A_1591 = tpu.memref_slice %arg14[%dma_start3A_1582, %dma_start3A_1589, %dma_start3A_1590] : memref<4x64x128xf32, #tpu.memory_space<vmem>> -> memref<1x32x128xf32, #tpu.memory_space<vmem>>
      %dma_start3A_1592 = tpu.memref_squeeze %dma_start3A_1591 : memref<1x32x128xf32, #tpu.memory_space<vmem>> -> memref<32x128xf32, #tpu.memory_space<vmem>>
      %dma_start3A_1593 = arith.constant 32 : i32
      %dma_start3A_1594 = tpu.memref_slice %arg7[%dma_start3A_1593, %multiple_of3A_1581] : memref<64x1000000xf32, #tpu.memory_space<hbm>> -> memref<32x128xf32, #tpu.memory_space<hbm>>
      tpu.enqueue_dma source(%dma_start3A_1594 : memref<32x128xf32, #tpu.memory_space<hbm>>) target(%dma_start3A_1592 : memref<32x128xf32, #tpu.memory_space<vmem>>) target_semaphore(%arg17 : memref<!tpu.dma_semaphore, #tpu.memory_space<semaphore_mem>>)
      %add3A_1595 = arith.constant 5 : i32
      %add3A_1596 = arith.addi %mul3A_502, %add3A_1595 : i32
      %dma_wait3A_1597 = arith.constant 1 : i32
      %dma_wait3A_1598 = arith.constant 0 : i32
      %dma_wait3A_1599 = arith.constant 0 : i32
      %dma_wait3A_1600 = tpu.memref_slice %arg13[%dma_wait3A_1597, %dma_wait3A_1598, %dma_wait3A_1599] : memref<4x64x128xf32, #tpu.memory_space<vmem>> -> memref<1x32x128xf32, #tpu.memory_space<vmem>>
      %dma_wait3A_1601 = tpu.memref_squeeze %dma_wait3A_1600 : memref<1x32x128xf32, #tpu.memory_space<vmem>> -> memref<32x128xf32, #tpu.memory_space<vmem>>
      %dma_wait3A_1602 = arith.constant 0 : i32
      %dma_wait3A_1603 = arith.constant 0 : i32
      %dma_wait3A_1604 = tpu.memref_slice %arg6[%dma_wait3A_1602, %dma_wait3A_1603] : memref<64x1000000xf32, #tpu.memory_space<hbm>> -> memref<32x128xf32, #tpu.memory_space<hbm>>
      %dma_wait3A_1605 = arith.constant 0 : i32
      %dma_wait3A_1606 = arith.constant 0 : i32
      %dma_wait3A_1607 = tpu.memref_slice %arg13[%dma_wait3A_1597, %dma_wait3A_1605, %dma_wait3A_1606] : memref<4x64x128xf32, #tpu.memory_space<vmem>> -> memref<1x32x128xf32, #tpu.memory_space<vmem>>
      %dma_wait3A_1608 = tpu.memref_squeeze %dma_wait3A_1607 : memref<1x32x128xf32, #tpu.memory_space<vmem>> -> memref<32x128xf32, #tpu.memory_space<vmem>>
      %dma_wait3A_1609 = arith.constant 0 : i32
      %dma_wait3A_1610 = arith.constant 0 : i32
      %dma_wait3A_1611 = tpu.memref_slice %arg6[%dma_wait3A_1609, %dma_wait3A_1610] : memref<64x1000000xf32, #tpu.memory_space<hbm>> -> memref<32x128xf32, #tpu.memory_space<hbm>>
      tpu.wait_dma2 semaphore(%arg18 : memref<!tpu.dma_semaphore, #tpu.memory_space<semaphore_mem>>) src(%dma_wait3A_1611 : memref<32x128xf32, #tpu.memory_space<hbm>>) dst(%dma_wait3A_1608 : memref<32x128xf32, #tpu.memory_space<vmem>>)
      %dma_wait3A_1612 = arith.constant 1 : i32
      %dma_wait3A_1613 = arith.constant 0 : i32
      %dma_wait3A_1614 = arith.constant 0 : i32
      %dma_wait3A_1615 = tpu.memref_slice %arg13[%dma_wait3A_1612, %dma_wait3A_1613, %dma_wait3A_1614] : memref<4x64x128xf32, #tpu.memory_space<vmem>> -> memref<1x32x128xf32, #tpu.memory_space<vmem>>
      %dma_wait3A_1616 = tpu.memref_squeeze %dma_wait3A_1615 : memref<1x32x128xf32, #tpu.memory_space<vmem>> -> memref<32x128xf32, #tpu.memory_space<vmem>>
      %dma_wait3A_1617 = arith.constant 0 : i32
      %dma_wait3A_1618 = arith.constant 0 : i32
      %dma_wait3A_1619 = tpu.memref_slice %arg6[%dma_wait3A_1617, %dma_wait3A_1618] : memref<64x1000000xf32, #tpu.memory_space<hbm>> -> memref<32x128xf32, #tpu.memory_space<hbm>>
      %dma_wait3A_1620 = arith.constant 0 : i32
      %dma_wait3A_1621 = arith.constant 0 : i32
      %dma_wait3A_1622 = tpu.memref_slice %arg13[%dma_wait3A_1612, %dma_wait3A_1620, %dma_wait3A_1621] : memref<4x64x128xf32, #tpu.memory_space<vmem>> -> memref<1x32x128xf32, #tpu.memory_space<vmem>>
      %dma_wait3A_1623 = tpu.memref_squeeze %dma_wait3A_1622 : memref<1x32x128xf32, #tpu.memory_space<vmem>> -> memref<32x128xf32, #tpu.memory_space<vmem>>
      %dma_wait3A_1624 = arith.constant 0 : i32
      %dma_wait3A_1625 = arith.constant 0 : i32
      %dma_wait3A_1626 = tpu.memref_slice %arg6[%dma_wait3A_1624, %dma_wait3A_1625] : memref<64x1000000xf32, #tpu.memory_space<hbm>> -> memref<32x128xf32, #tpu.memory_space<hbm>>
      tpu.wait_dma2 semaphore(%arg18 : memref<!tpu.dma_semaphore, #tpu.memory_space<semaphore_mem>>) src(%dma_wait3A_1626 : memref<32x128xf32, #tpu.memory_space<hbm>>) dst(%dma_wait3A_1623 : memref<32x128xf32, #tpu.memory_space<vmem>>)
      %dma_wait3A_1627 = arith.constant 1 : i32
      %dma_wait3A_1628 = arith.constant 0 : i32
      %dma_wait3A_1629 = arith.constant 0 : i32
      %dma_wait3A_1630 = tpu.memref_slice %arg13[%dma_wait3A_1627, %dma_wait3A_1628, %dma_wait3A_1629] : memref<4x64x128xf32, #tpu.memory_space<vmem>> -> memref<1x32x128xf32, #tpu.memory_space<vmem>>
      %dma_wait3A_1631 = tpu.memref_squeeze %dma_wait3A_1630 : memref<1x32x128xf32, #tpu.memory_space<vmem>> -> memref<32x128xf32, #tpu.memory_space<vmem>>
      %dma_wait3A_1632 = arith.constant 0 : i32
      %dma_wait3A_1633 = arith.constant 0 : i32
      %dma_wait3A_1634 = tpu.memref_slice %arg6[%dma_wait3A_1632, %dma_wait3A_1633] : memref<64x1000000xf32, #tpu.memory_space<hbm>> -> memref<32x128xf32, #tpu.memory_space<hbm>>
      %dma_wait3A_1635 = arith.constant 0 : i32
      %dma_wait3A_1636 = arith.constant 0 : i32
      %dma_wait3A_1637 = tpu.memref_slice %arg13[%dma_wait3A_1627, %dma_wait3A_1635, %dma_wait3A_1636] : memref<4x64x128xf32, #tpu.memory_space<vmem>> -> memref<1x32x128xf32, #tpu.memory_space<vmem>>
      %dma_wait3A_1638 = tpu.memref_squeeze %dma_wait3A_1637 : memref<1x32x128xf32, #tpu.memory_space<vmem>> -> memref<32x128xf32, #tpu.memory_space<vmem>>
      %dma_wait3A_1639 = arith.constant 0 : i32
      %dma_wait3A_1640 = arith.constant 0 : i32
      %dma_wait3A_1641 = tpu.memref_slice %arg6[%dma_wait3A_1639, %dma_wait3A_1640] : memref<64x1000000xf32, #tpu.memory_space<hbm>> -> memref<32x128xf32, #tpu.memory_space<hbm>>
      tpu.wait_dma2 semaphore(%arg18 : memref<!tpu.dma_semaphore, #tpu.memory_space<semaphore_mem>>) src(%dma_wait3A_1641 : memref<32x128xf32, #tpu.memory_space<hbm>>) dst(%dma_wait3A_1638 : memref<32x128xf32, #tpu.memory_space<vmem>>)
      %dma_wait3A_1642 = arith.constant 1 : i32
      %dma_wait3A_1643 = arith.constant 0 : i32
      %dma_wait3A_1644 = arith.constant 0 : i32
      %dma_wait3A_1645 = tpu.memref_slice %arg13[%dma_wait3A_1642, %dma_wait3A_1643, %dma_wait3A_1644] : memref<4x64x128xf32, #tpu.memory_space<vmem>> -> memref<1x32x128xf32, #tpu.memory_space<vmem>>
      %dma_wait3A_1646 = tpu.memref_squeeze %dma_wait3A_1645 : memref<1x32x128xf32, #tpu.memory_space<vmem>> -> memref<32x128xf32, #tpu.memory_space<vmem>>
      %dma_wait3A_1647 = arith.constant 0 : i32
      %dma_wait3A_1648 = arith.constant 0 : i32
      %dma_wait3A_1649 = tpu.memref_slice %arg6[%dma_wait3A_1647, %dma_wait3A_1648] : memref<64x1000000xf32, #tpu.memory_space<hbm>> -> memref<32x128xf32, #tpu.memory_space<hbm>>
      %dma_wait3A_1650 = arith.constant 0 : i32
      %dma_wait3A_1651 = arith.constant 0 : i32
      %dma_wait3A_1652 = tpu.memref_slice %arg13[%dma_wait3A_1642, %dma_wait3A_1650, %dma_wait3A_1651] : memref<4x64x128xf32, #tpu.memory_space<vmem>> -> memref<1x32x128xf32, #tpu.memory_space<vmem>>
      %dma_wait3A_1653 = tpu.memref_squeeze %dma_wait3A_1652 : memref<1x32x128xf32, #tpu.memory_space<vmem>> -> memref<32x128xf32, #tpu.memory_space<vmem>>
      %dma_wait3A_1654 = arith.constant 0 : i32
      %dma_wait3A_1655 = arith.constant 0 : i32
      %dma_wait3A_1656 = tpu.memref_slice %arg6[%dma_wait3A_1654, %dma_wait3A_1655] : memref<64x1000000xf32, #tpu.memory_space<hbm>> -> memref<32x128xf32, #tpu.memory_space<hbm>>
      tpu.wait_dma2 semaphore(%arg18 : memref<!tpu.dma_semaphore, #tpu.memory_space<semaphore_mem>>) src(%dma_wait3A_1656 : memref<32x128xf32, #tpu.memory_space<hbm>>) dst(%dma_wait3A_1653 : memref<32x128xf32, #tpu.memory_space<vmem>>)
      %get3A_1657 = arith.index_cast %add3A_1596 : i32 to index
      %get3A_1658 = tpu.vector_load %arg10[%get3A_1657] {strides = array<i32>} : memref<528xi32, #tpu.memory_space<vmem>>, vector<16xi32>,
      %slice3A_1659 = vector.extract_strided_slice %get3A_1658 {offsets = [0], sizes = [1], strides = [1]} : vector<16xi32> to vector<1xi32>
      %squeeze3A_1660 = vector.extract %slice3A_1659[0] : i32 from vector<1xi32>
      %get3A_1661 = arith.index_cast %add3A_1596 : i32 to index
      %get3A_1662 = tpu.vector_load %arg12[%get3A_1661] {strides = array<i32>} : memref<528xi32, #tpu.memory_space<vmem>>, vector<16xi32>,
      %slice3A_1663 = vector.extract_strided_slice %get3A_1662 {offsets = [0], sizes = [1], strides = [1]} : vector<16xi32> to vector<1xi32>
      %squeeze3A_1664 = vector.extract %slice3A_1663[0] : i32 from vector<1xi32>
      %mul3A_1665 = arith.constant 0 : i32
      %mul3A_1666 = vector.broadcast %mul3A_1665 : i32 to vector<16xi32>
      %mul3A_1667 = arith.muli %iota3A, %mul3A_1666 : vector<16xi32>
      %add3A_1668 = vector.broadcast %squeeze3A_1660 : i32 to vector<16xi32>
      %add3A_1669 = arith.addi %mul3A_1667, %add3A_1668 : vector<16xi32>
      %mul3A_1670 = arith.constant 0 : i32
      %mul3A_1671 = vector.broadcast %mul3A_1670 : i32 to vector<16xi32>
      %mul3A_1672 = arith.muli %iota3A, %mul3A_1671 : vector<16xi32>
      %add3A_1673 = vector.broadcast %squeeze3A_1664 : i32 to vector<16xi32>
      %add3A_1674 = arith.addi %mul3A_1672, %add3A_1673 : vector<16xi32>
      %add3A_1675 = arith.constant 0 : i32
      %add3A_1676 = vector.broadcast %add3A_1675 : i32 to vector<16xi32>
      %add3A_1677 = arith.addi %add3A_1676, %iota3A : vector<16xi32>
      %gather3A_1678 = arith.constant 1 : i32
      %gather3A_1679 = arith.constant 0 : i32
      %gather3A_1680 = arith.constant 0 : i32
      %gather3A_1681 = tpu.memref_slice %arg13[%gather3A_1678, %gather3A_1679, %gather3A_1680] : memref<4x64x128xf32, #tpu.memory_space<vmem>> -> memref<1x64x128xf32, #tpu.memory_space<vmem>>
      %gather3A_1682 = tpu.memref_squeeze %gather3A_1681 : memref<1x64x128xf32, #tpu.memory_space<vmem>> -> memref<64x128xf32, #tpu.memory_space<vmem>>
      %gather3A_1683 = tpu.vector_load_idx %gather3A_1682[%add3A_1677, %add3A_1669] : memref<64x128xf32, #tpu.memory_space<vmem>>[vector<16xi32>, vector<16xi32>], vector<16xf32>,
      %gather3A_1684 = arith.constant 1 : i32
      %gather3A_1685 = arith.constant 0 : i32
      %gather3A_1686 = arith.constant 0 : i32
      %gather3A_1687 = tpu.memref_slice %arg14[%gather3A_1684, %gather3A_1685, %gather3A_1686] : memref<4x64x128xf32, #tpu.memory_space<vmem>> -> memref<1x64x128xf32, #tpu.memory_space<vmem>>
      %gather3A_1688 = tpu.memref_squeeze %gather3A_1687 : memref<1x64x128xf32, #tpu.memory_space<vmem>> -> memref<64x128xf32, #tpu.memory_space<vmem>>
      %gather3A_1689 = tpu.vector_load_idx %gather3A_1688[%add3A_1677, %add3A_1674] : memref<64x128xf32, #tpu.memory_space<vmem>>[vector<16xi32>, vector<16xi32>], vector<16xf32>,
      %mul3A_1690 = arith.mulf %gather3A_1683, %gather3A_1689 : vector<16xf32>
      %add3A_1691 = arith.constant 16 : i32
      %add3A_1692 = vector.broadcast %add3A_1691 : i32 to vector<16xi32>
      %add3A_1693 = arith.addi %add3A_1692, %iota3A : vector<16xi32>
      %gather3A_1694 = arith.constant 1 : i32
      %gather3A_1695 = arith.constant 0 : i32
      %gather3A_1696 = arith.constant 0 : i32
      %gather3A_1697 = tpu.memref_slice %arg13[%gather3A_1694, %gather3A_1695, %gather3A_1696] : memref<4x64x128xf32, #tpu.memory_space<vmem>> -> memref<1x64x128xf32, #tpu.memory_space<vmem>>
      %gather3A_1698 = tpu.memref_squeeze %gather3A_1697 : memref<1x64x128xf32, #tpu.memory_space<vmem>> -> memref<64x128xf32, #tpu.memory_space<vmem>>
      %gather3A_1699 = tpu.vector_load_idx %gather3A_1698[%add3A_1693, %add3A_1669] : memref<64x128xf32, #tpu.memory_space<vmem>>[vector<16xi32>, vector<16xi32>], vector<16xf32>,
      %gather3A_1700 = arith.constant 1 : i32
      %gather3A_1701 = arith.constant 0 : i32
      %gather3A_1702 = arith.constant 0 : i32
      %gather3A_1703 = tpu.memref_slice %arg14[%gather3A_1700, %gather3A_1701, %gather3A_1702] : memref<4x64x128xf32, #tpu.memory_space<vmem>> -> memref<1x64x128xf32, #tpu.memory_space<vmem>>
      %gather3A_1704 = tpu.memref_squeeze %gather3A_1703 : memref<1x64x128xf32, #tpu.memory_space<vmem>> -> memref<64x128xf32, #tpu.memory_space<vmem>>
      %gather3A_1705 = tpu.vector_load_idx %gather3A_1704[%add3A_1693, %add3A_1674] : memref<64x128xf32, #tpu.memory_space<vmem>>[vector<16xi32>, vector<16xi32>], vector<16xf32>,
      %mul3A_1706 = arith.mulf %gather3A_1699, %gather3A_1705 : vector<16xf32>
      %add3A_1707 = arith.addf %mul3A_1690, %mul3A_1706 : vector<16xf32>
      %add3A_1708 = arith.constant 32 : i32
      %add3A_1709 = vector.broadcast %add3A_1708 : i32 to vector<16xi32>
      %add3A_1710 = arith.addi %add3A_1709, %iota3A : vector<16xi32>
      %gather3A_1711 = arith.constant 1 : i32
      %gather3A_1712 = arith.constant 0 : i32
      %gather3A_1713 = arith.constant 0 : i32
      %gather3A_1714 = tpu.memref_slice %arg13[%gather3A_1711, %gather3A_1712, %gather3A_1713] : memref<4x64x128xf32, #tpu.memory_space<vmem>> -> memref<1x64x128xf32, #tpu.memory_space<vmem>>
      %gather3A_1715 = tpu.memref_squeeze %gather3A_1714 : memref<1x64x128xf32, #tpu.memory_space<vmem>> -> memref<64x128xf32, #tpu.memory_space<vmem>>
      %gather3A_1716 = tpu.vector_load_idx %gather3A_1715[%add3A_1710, %add3A_1669] : memref<64x128xf32, #tpu.memory_space<vmem>>[vector<16xi32>, vector<16xi32>], vector<16xf32>,
      %gather3A_1717 = arith.constant 1 : i32
      %gather3A_1718 = arith.constant 0 : i32
      %gather3A_1719 = arith.constant 0 : i32
      %gather3A_1720 = tpu.memref_slice %arg14[%gather3A_1717, %gather3A_1718, %gather3A_1719] : memref<4x64x128xf32, #tpu.memory_space<vmem>> -> memref<1x64x128xf32, #tpu.memory_space<vmem>>
      %gather3A_1721 = tpu.memref_squeeze %gather3A_1720 : memref<1x64x128xf32, #tpu.memory_space<vmem>> -> memref<64x128xf32, #tpu.memory_space<vmem>>
      %gather3A_1722 = tpu.vector_load_idx %gather3A_1721[%add3A_1710, %add3A_1674] : memref<64x128xf32, #tpu.memory_space<vmem>>[vector<16xi32>, vector<16xi32>], vector<16xf32>,
      %mul3A_1723 = arith.mulf %gather3A_1716, %gather3A_1722 : vector<16xf32>
      %add3A_1724 = arith.addf %add3A_1707, %mul3A_1723 : vector<16xf32>
      %add3A_1725 = arith.constant 48 : i32
      %add3A_1726 = vector.broadcast %add3A_1725 : i32 to vector<16xi32>
      %add3A_1727 = arith.addi %add3A_1726, %iota3A : vector<16xi32>
      %gather3A_1728 = arith.constant 1 : i32
      %gather3A_1729 = arith.constant 0 : i32
      %gather3A_1730 = arith.constant 0 : i32
      %gather3A_1731 = tpu.memref_slice %arg13[%gather3A_1728, %gather3A_1729, %gather3A_1730] : memref<4x64x128xf32, #tpu.memory_space<vmem>> -> memref<1x64x128xf32, #tpu.memory_space<vmem>>
      %gather3A_1732 = tpu.memref_squeeze %gather3A_1731 : memref<1x64x128xf32, #tpu.memory_space<vmem>> -> memref<64x128xf32, #tpu.memory_space<vmem>>
      %gather3A_1733 = tpu.vector_load_idx %gather3A_1732[%add3A_1727, %add3A_1669] : memref<64x128xf32, #tpu.memory_space<vmem>>[vector<16xi32>, vector<16xi32>], vector<16xf32>,
      %gather3A_1734 = arith.constant 1 : i32
      %gather3A_1735 = arith.constant 0 : i32
      %gather3A_1736 = arith.constant 0 : i32
      %gather3A_1737 = tpu.memref_slice %arg14[%gather3A_1734, %gather3A_1735, %gather3A_1736] : memref<4x64x128xf32, #tpu.memory_space<vmem>> -> memref<1x64x128xf32, #tpu.memory_space<vmem>>
      %gather3A_1738 = tpu.memref_squeeze %gather3A_1737 : memref<1x64x128xf32, #tpu.memory_space<vmem>> -> memref<64x128xf32, #tpu.memory_space<vmem>>
      %gather3A_1739 = tpu.vector_load_idx %gather3A_1738[%add3A_1727, %add3A_1674] : memref<64x128xf32, #tpu.memory_space<vmem>>[vector<16xi32>, vector<16xi32>], vector<16xf32>,
      %mul3A_1740 = arith.mulf %gather3A_1733, %gather3A_1739 : vector<16xf32>
      %add3A_1741 = arith.addf %add3A_1724, %mul3A_1740 : vector<16xf32>
      %swap3A_1742 = arith.constant 5 : i32
      %swap3A_1743 = arith.index_cast %swap3A_1742 : i32 to index
      %swap3A_1744 = arith.constant 0 : index
      %swap3A_1745 = tpu.vector_load %arg15[%swap3A_1743, %swap3A_1744] {strides = array<i32>} : memref<16x16xf32, #tpu.memory_space<vmem>>, vector<16xf32>,
      tpu.vector_store %arg15[%swap3A_1743, %swap3A_1744], %add3A_1741 {strides = array<i32>} : memref<16x16xf32, #tpu.memory_space<vmem>>, vector<16xf32>,
      %add3A_1746 = arith.constant 4 : i32
      %add3A_1747 = arith.addi %add3A_1596, %add3A_1746 : i32
      %min3A_1748 = arith.constant 511 : i32
      %min3A_1749 = arith.minsi %add3A_1747, %min3A_1748 : i32
      %get3A_1750 = arith.index_cast %min3A_1749 : i32 to index
      %get3A_1751 = tpu.vector_load %arg9[%get3A_1750] {strides = array<i32>} : memref<528xi32, #tpu.memory_space<vmem>>, vector<16xi32>,
      %slice3A_1752 = vector.extract_strided_slice %get3A_1751 {offsets = [0], sizes = [1], strides = [1]} : vector<16xi32> to vector<1xi32>
      %squeeze3A_1753 = vector.extract %slice3A_1752[0] : i32 from vector<1xi32>
      %get3A_1754 = arith.index_cast %min3A_1749 : i32 to index
      %get3A_1755 = tpu.vector_load %arg11[%get3A_1754] {strides = array<i32>} : memref<528xi32, #tpu.memory_space<vmem>>, vector<16xi32>,
      %slice3A_1756 = vector.extract_strided_slice %get3A_1755 {offsets = [0], sizes = [1], strides = [1]} : vector<16xi32> to vector<1xi32>
      %squeeze3A_1757 = vector.extract %slice3A_1756[0] : i32 from vector<1xi32>
      %multiple_of3A_1758 = tpu.assume_multiple %squeeze3A_1753, 128 : i32
      %dma_start3A_1759 = arith.constant 1 : i32
      %dma_start3A_1760 = arith.constant 0 : i32
      %dma_start3A_1761 = arith.constant 0 : i32
      %dma_start3A_1762 = tpu.memref_slice %arg13[%dma_start3A_1759, %dma_start3A_1760, %dma_start3A_1761] : memref<4x64x128xf32, #tpu.memory_space<vmem>> -> memref<1x32x128xf32, #tpu.memory_space<vmem>>
      %dma_start3A_1763 = tpu.memref_squeeze %dma_start3A_1762 : memref<1x32x128xf32, #tpu.memory_space<vmem>> -> memref<32x128xf32, #tpu.memory_space<vmem>>
      %dma_start3A_1764 = arith.constant 0 : i32
      %dma_start3A_1765 = tpu.memref_slice %arg6[%dma_start3A_1764, %multiple_of3A_1758] : memref<64x1000000xf32, #tpu.memory_space<hbm>> -> memref<32x128xf32, #tpu.memory_space<hbm>>
      %dma_start3A_1766 = arith.constant 0 : i32
      %dma_start3A_1767 = arith.constant 0 : i32
      %dma_start3A_1768 = tpu.memref_slice %arg13[%dma_start3A_1759, %dma_start3A_1766, %dma_start3A_1767] : memref<4x64x128xf32, #tpu.memory_space<vmem>> -> memref<1x32x128xf32, #tpu.memory_space<vmem>>
      %dma_start3A_1769 = tpu.memref_squeeze %dma_start3A_1768 : memref<1x32x128xf32, #tpu.memory_space<vmem>> -> memref<32x128xf32, #tpu.memory_space<vmem>>
      %dma_start3A_1770 = arith.constant 0 : i32
      %dma_start3A_1771 = tpu.memref_slice %arg6[%dma_start3A_1770, %multiple_of3A_1758] : memref<64x1000000xf32, #tpu.memory_space<hbm>> -> memref<32x128xf32, #tpu.memory_space<hbm>>
      tpu.enqueue_dma source(%dma_start3A_1771 : memref<32x128xf32, #tpu.memory_space<hbm>>) target(%dma_start3A_1769 : memref<32x128xf32, #tpu.memory_space<vmem>>) target_semaphore(%arg18 : memref<!tpu.dma_semaphore, #tpu.memory_space<semaphore_mem>>)
      %multiple_of3A_1772 = tpu.assume_multiple %squeeze3A_1757, 128 : i32
      %dma_start3A_1773 = arith.constant 1 : i32
      %dma_start3A_1774 = arith.constant 0 : i32
      %dma_start3A_1775 = arith.constant 0 : i32
      %dma_start3A_1776 = tpu.memref_slice %arg14[%dma_start3A_1773, %dma_start3A_1774, %dma_start3A_1775] : memref<4x64x128xf32, #tpu.memory_space<vmem>> -> memref<1x32x128xf32, #tpu.memory_space<vmem>>
      %dma_start3A_1777 = tpu.memref_squeeze %dma_start3A_1776 : memref<1x32x128xf32, #tpu.memory_space<vmem>> -> memref<32x128xf32, #tpu.memory_space<vmem>>
      %dma_start3A_1778 = arith.constant 0 : i32
      %dma_start3A_1779 = tpu.memref_slice %arg7[%dma_start3A_1778, %multiple_of3A_1772] : memref<64x1000000xf32, #tpu.memory_space<hbm>> -> memref<32x128xf32, #tpu.memory_space<hbm>>
      %dma_start3A_1780 = arith.constant 0 : i32
      %dma_start3A_1781 = arith.constant 0 : i32
      %dma_start3A_1782 = tpu.memref_slice %arg14[%dma_start3A_1773, %dma_start3A_1780, %dma_start3A_1781] : memref<4x64x128xf32, #tpu.memory_space<vmem>> -> memref<1x32x128xf32, #tpu.memory_space<vmem>>
      %dma_start3A_1783 = tpu.memref_squeeze %dma_start3A_1782 : memref<1x32x128xf32, #tpu.memory_space<vmem>> -> memref<32x128xf32, #tpu.memory_space<vmem>>
      %dma_start3A_1784 = arith.constant 0 : i32
      %dma_start3A_1785 = tpu.memref_slice %arg7[%dma_start3A_1784, %multiple_of3A_1772] : memref<64x1000000xf32, #tpu.memory_space<hbm>> -> memref<32x128xf32, #tpu.memory_space<hbm>>
      tpu.enqueue_dma source(%dma_start3A_1785 : memref<32x128xf32, #tpu.memory_space<hbm>>) target(%dma_start3A_1783 : memref<32x128xf32, #tpu.memory_space<vmem>>) target_semaphore(%arg18 : memref<!tpu.dma_semaphore, #tpu.memory_space<semaphore_mem>>)
      %multiple_of3A_1786 = tpu.assume_multiple %squeeze3A_1753, 128 : i32
      %dma_start3A_1787 = arith.constant 1 : i32
      %dma_start3A_1788 = arith.constant 32 : i32
      %dma_start3A_1789 = arith.constant 0 : i32
      %dma_start3A_1790 = tpu.memref_slice %arg13[%dma_start3A_1787, %dma_start3A_1788, %dma_start3A_1789] : memref<4x64x128xf32, #tpu.memory_space<vmem>> -> memref<1x32x128xf32, #tpu.memory_space<vmem>>
      %dma_start3A_1791 = tpu.memref_squeeze %dma_start3A_1790 : memref<1x32x128xf32, #tpu.memory_space<vmem>> -> memref<32x128xf32, #tpu.memory_space<vmem>>
      %dma_start3A_1792 = arith.constant 32 : i32
      %dma_start3A_1793 = tpu.memref_slice %arg6[%dma_start3A_1792, %multiple_of3A_1786] : memref<64x1000000xf32, #tpu.memory_space<hbm>> -> memref<32x128xf32, #tpu.memory_space<hbm>>
      %dma_start3A_1794 = arith.constant 32 : i32
      %dma_start3A_1795 = arith.constant 0 : i32
      %dma_start3A_1796 = tpu.memref_slice %arg13[%dma_start3A_1787, %dma_start3A_1794, %dma_start3A_1795] : memref<4x64x128xf32, #tpu.memory_space<vmem>> -> memref<1x32x128xf32, #tpu.memory_space<vmem>>
      %dma_start3A_1797 = tpu.memref_squeeze %dma_start3A_1796 : memref<1x32x128xf32, #tpu.memory_space<vmem>> -> memref<32x128xf32, #tpu.memory_space<vmem>>
      %dma_start3A_1798 = arith.constant 32 : i32
      %dma_start3A_1799 = tpu.memref_slice %arg6[%dma_start3A_1798, %multiple_of3A_1786] : memref<64x1000000xf32, #tpu.memory_space<hbm>> -> memref<32x128xf32, #tpu.memory_space<hbm>>
      tpu.enqueue_dma source(%dma_start3A_1799 : memref<32x128xf32, #tpu.memory_space<hbm>>) target(%dma_start3A_1797 : memref<32x128xf32, #tpu.memory_space<vmem>>) target_semaphore(%arg18 : memref<!tpu.dma_semaphore, #tpu.memory_space<semaphore_mem>>)
      %multiple_of3A_1800 = tpu.assume_multiple %squeeze3A_1757, 128 : i32
      %dma_start3A_1801 = arith.constant 1 : i32
      %dma_start3A_1802 = arith.constant 32 : i32
      %dma_start3A_1803 = arith.constant 0 : i32
      %dma_start3A_1804 = tpu.memref_slice %arg14[%dma_start3A_1801, %dma_start3A_1802, %dma_start3A_1803] : memref<4x64x128xf32, #tpu.memory_space<vmem>> -> memref<1x32x128xf32, #tpu.memory_space<vmem>>
      %dma_start3A_1805 = tpu.memref_squeeze %dma_start3A_1804 : memref<1x32x128xf32, #tpu.memory_space<vmem>> -> memref<32x128xf32, #tpu.memory_space<vmem>>
      %dma_start3A_1806 = arith.constant 32 : i32
      %dma_start3A_1807 = tpu.memref_slice %arg7[%dma_start3A_1806, %multiple_of3A_1800] : memref<64x1000000xf32, #tpu.memory_space<hbm>> -> memref<32x128xf32, #tpu.memory_space<hbm>>
      %dma_start3A_1808 = arith.constant 32 : i32
      %dma_start3A_1809 = arith.constant 0 : i32
      %dma_start3A_1810 = tpu.memref_slice %arg14[%dma_start3A_1801, %dma_start3A_1808, %dma_start3A_1809] : memref<4x64x128xf32, #tpu.memory_space<vmem>> -> memref<1x32x128xf32, #tpu.memory_space<vmem>>
      %dma_start3A_1811 = tpu.memref_squeeze %dma_start3A_1810 : memref<1x32x128xf32, #tpu.memory_space<vmem>> -> memref<32x128xf32, #tpu.memory_space<vmem>>
      %dma_start3A_1812 = arith.constant 32 : i32
      %dma_start3A_1813 = tpu.memref_slice %arg7[%dma_start3A_1812, %multiple_of3A_1800] : memref<64x1000000xf32, #tpu.memory_space<hbm>> -> memref<32x128xf32, #tpu.memory_space<hbm>>
      tpu.enqueue_dma source(%dma_start3A_1813 : memref<32x128xf32, #tpu.memory_space<hbm>>) target(%dma_start3A_1811 : memref<32x128xf32, #tpu.memory_space<vmem>>) target_semaphore(%arg18 : memref<!tpu.dma_semaphore, #tpu.memory_space<semaphore_mem>>)
      %add3A_1814 = arith.constant 6 : i32
      %add3A_1815 = arith.addi %mul3A_502, %add3A_1814 : i32
      %dma_wait3A_1816 = arith.constant 2 : i32
      %dma_wait3A_1817 = arith.constant 0 : i32
      %dma_wait3A_1818 = arith.constant 0 : i32
      %dma_wait3A_1819 = tpu.memref_slice %arg13[%dma_wait3A_1816, %dma_wait3A_1817, %dma_wait3A_1818] : memref<4x64x128xf32, #tpu.memory_space<vmem>> -> memref<1x32x128xf32, #tpu.memory_space<vmem>>
      %dma_wait3A_1820 = tpu.memref_squeeze %dma_wait3A_1819 : memref<1x32x128xf32, #tpu.memory_space<vmem>> -> memref<32x128xf32, #tpu.memory_space<vmem>>
      %dma_wait3A_1821 = arith.constant 0 : i32
      %dma_wait3A_1822 = arith.constant 0 : i32
      %dma_wait3A_1823 = tpu.memref_slice %arg6[%dma_wait3A_1821, %dma_wait3A_1822] : memref<64x1000000xf32, #tpu.memory_space<hbm>> -> memref<32x128xf32, #tpu.memory_space<hbm>>
      %dma_wait3A_1824 = arith.constant 0 : i32
      %dma_wait3A_1825 = arith.constant 0 : i32
      %dma_wait3A_1826 = tpu.memref_slice %arg13[%dma_wait3A_1816, %dma_wait3A_1824, %dma_wait3A_1825] : memref<4x64x128xf32, #tpu.memory_space<vmem>> -> memref<1x32x128xf32, #tpu.memory_space<vmem>>
      %dma_wait3A_1827 = tpu.memref_squeeze %dma_wait3A_1826 : memref<1x32x128xf32, #tpu.memory_space<vmem>> -> memref<32x128xf32, #tpu.memory_space<vmem>>
      %dma_wait3A_1828 = arith.constant 0 : i32
      %dma_wait3A_1829 = arith.constant 0 : i32
      %dma_wait3A_1830 = tpu.memref_slice %arg6[%dma_wait3A_1828, %dma_wait3A_1829] : memref<64x1000000xf32, #tpu.memory_space<hbm>> -> memref<32x128xf32, #tpu.memory_space<hbm>>
      tpu.wait_dma2 semaphore(%arg19 : memref<!tpu.dma_semaphore, #tpu.memory_space<semaphore_mem>>) src(%dma_wait3A_1830 : memref<32x128xf32, #tpu.memory_space<hbm>>) dst(%dma_wait3A_1827 : memref<32x128xf32, #tpu.memory_space<vmem>>)
      %dma_wait3A_1831 = arith.constant 2 : i32
      %dma_wait3A_1832 = arith.constant 0 : i32
      %dma_wait3A_1833 = arith.constant 0 : i32
      %dma_wait3A_1834 = tpu.memref_slice %arg13[%dma_wait3A_1831, %dma_wait3A_1832, %dma_wait3A_1833] : memref<4x64x128xf32, #tpu.memory_space<vmem>> -> memref<1x32x128xf32, #tpu.memory_space<vmem>>
      %dma_wait3A_1835 = tpu.memref_squeeze %dma_wait3A_1834 : memref<1x32x128xf32, #tpu.memory_space<vmem>> -> memref<32x128xf32, #tpu.memory_space<vmem>>
      %dma_wait3A_1836 = arith.constant 0 : i32
      %dma_wait3A_1837 = arith.constant 0 : i32
      %dma_wait3A_1838 = tpu.memref_slice %arg6[%dma_wait3A_1836, %dma_wait3A_1837] : memref<64x1000000xf32, #tpu.memory_space<hbm>> -> memref<32x128xf32, #tpu.memory_space<hbm>>
      %dma_wait3A_1839 = arith.constant 0 : i32
      %dma_wait3A_1840 = arith.constant 0 : i32
      %dma_wait3A_1841 = tpu.memref_slice %arg13[%dma_wait3A_1831, %dma_wait3A_1839, %dma_wait3A_1840] : memref<4x64x128xf32, #tpu.memory_space<vmem>> -> memref<1x32x128xf32, #tpu.memory_space<vmem>>
      %dma_wait3A_1842 = tpu.memref_squeeze %dma_wait3A_1841 : memref<1x32x128xf32, #tpu.memory_space<vmem>> -> memref<32x128xf32, #tpu.memory_space<vmem>>
      %dma_wait3A_1843 = arith.constant 0 : i32
      %dma_wait3A_1844 = arith.constant 0 : i32
      %dma_wait3A_1845 = tpu.memref_slice %arg6[%dma_wait3A_1843, %dma_wait3A_1844] : memref<64x1000000xf32, #tpu.memory_space<hbm>> -> memref<32x128xf32, #tpu.memory_space<hbm>>
      tpu.wait_dma2 semaphore(%arg19 : memref<!tpu.dma_semaphore, #tpu.memory_space<semaphore_mem>>) src(%dma_wait3A_1845 : memref<32x128xf32, #tpu.memory_space<hbm>>) dst(%dma_wait3A_1842 : memref<32x128xf32, #tpu.memory_space<vmem>>)
      %dma_wait3A_1846 = arith.constant 2 : i32
      %dma_wait3A_1847 = arith.constant 0 : i32
      %dma_wait3A_1848 = arith.constant 0 : i32
      %dma_wait3A_1849 = tpu.memref_slice %arg13[%dma_wait3A_1846, %dma_wait3A_1847, %dma_wait3A_1848] : memref<4x64x128xf32, #tpu.memory_space<vmem>> -> memref<1x32x128xf32, #tpu.memory_space<vmem>>
      %dma_wait3A_1850 = tpu.memref_squeeze %dma_wait3A_1849 : memref<1x32x128xf32, #tpu.memory_space<vmem>> -> memref<32x128xf32, #tpu.memory_space<vmem>>
      %dma_wait3A_1851 = arith.constant 0 : i32
      %dma_wait3A_1852 = arith.constant 0 : i32
      %dma_wait3A_1853 = tpu.memref_slice %arg6[%dma_wait3A_1851, %dma_wait3A_1852] : memref<64x1000000xf32, #tpu.memory_space<hbm>> -> memref<32x128xf32, #tpu.memory_space<hbm>>
      %dma_wait3A_1854 = arith.constant 0 : i32
      %dma_wait3A_1855 = arith.constant 0 : i32
      %dma_wait3A_1856 = tpu.memref_slice %arg13[%dma_wait3A_1846, %dma_wait3A_1854, %dma_wait3A_1855] : memref<4x64x128xf32, #tpu.memory_space<vmem>> -> memref<1x32x128xf32, #tpu.memory_space<vmem>>
      %dma_wait3A_1857 = tpu.memref_squeeze %dma_wait3A_1856 : memref<1x32x128xf32, #tpu.memory_space<vmem>> -> memref<32x128xf32, #tpu.memory_space<vmem>>
      %dma_wait3A_1858 = arith.constant 0 : i32
      %dma_wait3A_1859 = arith.constant 0 : i32
      %dma_wait3A_1860 = tpu.memref_slice %arg6[%dma_wait3A_1858, %dma_wait3A_1859] : memref<64x1000000xf32, #tpu.memory_space<hbm>> -> memref<32x128xf32, #tpu.memory_space<hbm>>
      tpu.wait_dma2 semaphore(%arg19 : memref<!tpu.dma_semaphore, #tpu.memory_space<semaphore_mem>>) src(%dma_wait3A_1860 : memref<32x128xf32, #tpu.memory_space<hbm>>) dst(%dma_wait3A_1857 : memref<32x128xf32, #tpu.memory_space<vmem>>)
      %dma_wait3A_1861 = arith.constant 2 : i32
      %dma_wait3A_1862 = arith.constant 0 : i32
      %dma_wait3A_1863 = arith.constant 0 : i32
      %dma_wait3A_1864 = tpu.memref_slice %arg13[%dma_wait3A_1861, %dma_wait3A_1862, %dma_wait3A_1863] : memref<4x64x128xf32, #tpu.memory_space<vmem>> -> memref<1x32x128xf32, #tpu.memory_space<vmem>>
      %dma_wait3A_1865 = tpu.memref_squeeze %dma_wait3A_1864 : memref<1x32x128xf32, #tpu.memory_space<vmem>> -> memref<32x128xf32, #tpu.memory_space<vmem>>
      %dma_wait3A_1866 = arith.constant 0 : i32
      %dma_wait3A_1867 = arith.constant 0 : i32
      %dma_wait3A_1868 = tpu.memref_slice %arg6[%dma_wait3A_1866, %dma_wait3A_1867] : memref<64x1000000xf32, #tpu.memory_space<hbm>> -> memref<32x128xf32, #tpu.memory_space<hbm>>
      %dma_wait3A_1869 = arith.constant 0 : i32
      %dma_wait3A_1870 = arith.constant 0 : i32
      %dma_wait3A_1871 = tpu.memref_slice %arg13[%dma_wait3A_1861, %dma_wait3A_1869, %dma_wait3A_1870] : memref<4x64x128xf32, #tpu.memory_space<vmem>> -> memref<1x32x128xf32, #tpu.memory_space<vmem>>
      %dma_wait3A_1872 = tpu.memref_squeeze %dma_wait3A_1871 : memref<1x32x128xf32, #tpu.memory_space<vmem>> -> memref<32x128xf32, #tpu.memory_space<vmem>>
      %dma_wait3A_1873 = arith.constant 0 : i32
      %dma_wait3A_1874 = arith.constant 0 : i32
      %dma_wait3A_1875 = tpu.memref_slice %arg6[%dma_wait3A_1873, %dma_wait3A_1874] : memref<64x1000000xf32, #tpu.memory_space<hbm>> -> memref<32x128xf32, #tpu.memory_space<hbm>>
      tpu.wait_dma2 semaphore(%arg19 : memref<!tpu.dma_semaphore, #tpu.memory_space<semaphore_mem>>) src(%dma_wait3A_1875 : memref<32x128xf32, #tpu.memory_space<hbm>>) dst(%dma_wait3A_1872 : memref<32x128xf32, #tpu.memory_space<vmem>>)
      %get3A_1876 = arith.index_cast %add3A_1815 : i32 to index
      %get3A_1877 = tpu.vector_load %arg10[%get3A_1876] {strides = array<i32>} : memref<528xi32, #tpu.memory_space<vmem>>, vector<16xi32>,
      %slice3A_1878 = vector.extract_strided_slice %get3A_1877 {offsets = [0], sizes = [1], strides = [1]} : vector<16xi32> to vector<1xi32>
      %squeeze3A_1879 = vector.extract %slice3A_1878[0] : i32 from vector<1xi32>
      %get3A_1880 = arith.index_cast %add3A_1815 : i32 to index
      %get3A_1881 = tpu.vector_load %arg12[%get3A_1880] {strides = array<i32>} : memref<528xi32, #tpu.memory_space<vmem>>, vector<16xi32>,
      %slice3A_1882 = vector.extract_strided_slice %get3A_1881 {offsets = [0], sizes = [1], strides = [1]} : vector<16xi32> to vector<1xi32>
      %squeeze3A_1883 = vector.extract %slice3A_1882[0] : i32 from vector<1xi32>
      %mul3A_1884 = arith.constant 0 : i32
      %mul3A_1885 = vector.broadcast %mul3A_1884 : i32 to vector<16xi32>
      %mul3A_1886 = arith.muli %iota3A, %mul3A_1885 : vector<16xi32>
      %add3A_1887 = vector.broadcast %squeeze3A_1879 : i32 to vector<16xi32>
      %add3A_1888 = arith.addi %mul3A_1886, %add3A_1887 : vector<16xi32>
      %mul3A_1889 = arith.constant 0 : i32
      %mul3A_1890 = vector.broadcast %mul3A_1889 : i32 to vector<16xi32>
      %mul3A_1891 = arith.muli %iota3A, %mul3A_1890 : vector<16xi32>
      %add3A_1892 = vector.broadcast %squeeze3A_1883 : i32 to vector<16xi32>
      %add3A_1893 = arith.addi %mul3A_1891, %add3A_1892 : vector<16xi32>
      %add3A_1894 = arith.constant 0 : i32
      %add3A_1895 = vector.broadcast %add3A_1894 : i32 to vector<16xi32>
      %add3A_1896 = arith.addi %add3A_1895, %iota3A : vector<16xi32>
      %gather3A_1897 = arith.constant 2 : i32
      %gather3A_1898 = arith.constant 0 : i32
      %gather3A_1899 = arith.constant 0 : i32
      %gather3A_1900 = tpu.memref_slice %arg13[%gather3A_1897, %gather3A_1898, %gather3A_1899] : memref<4x64x128xf32, #tpu.memory_space<vmem>> -> memref<1x64x128xf32, #tpu.memory_space<vmem>>
      %gather3A_1901 = tpu.memref_squeeze %gather3A_1900 : memref<1x64x128xf32, #tpu.memory_space<vmem>> -> memref<64x128xf32, #tpu.memory_space<vmem>>
      %gather3A_1902 = tpu.vector_load_idx %gather3A_1901[%add3A_1896, %add3A_1888] : memref<64x128xf32, #tpu.memory_space<vmem>>[vector<16xi32>, vector<16xi32>], vector<16xf32>,
      %gather3A_1903 = arith.constant 2 : i32
      %gather3A_1904 = arith.constant 0 : i32
      %gather3A_1905 = arith.constant 0 : i32
      %gather3A_1906 = tpu.memref_slice %arg14[%gather3A_1903, %gather3A_1904, %gather3A_1905] : memref<4x64x128xf32, #tpu.memory_space<vmem>> -> memref<1x64x128xf32, #tpu.memory_space<vmem>>
      %gather3A_1907 = tpu.memref_squeeze %gather3A_1906 : memref<1x64x128xf32, #tpu.memory_space<vmem>> -> memref<64x128xf32, #tpu.memory_space<vmem>>
      %gather3A_1908 = tpu.vector_load_idx %gather3A_1907[%add3A_1896, %add3A_1893] : memref<64x128xf32, #tpu.memory_space<vmem>>[vector<16xi32>, vector<16xi32>], vector<16xf32>,
      %mul3A_1909 = arith.mulf %gather3A_1902, %gather3A_1908 : vector<16xf32>
      %add3A_1910 = arith.constant 16 : i32
      %add3A_1911 = vector.broadcast %add3A_1910 : i32 to vector<16xi32>
      %add3A_1912 = arith.addi %add3A_1911, %iota3A : vector<16xi32>
      %gather3A_1913 = arith.constant 2 : i32
      %gather3A_1914 = arith.constant 0 : i32
      %gather3A_1915 = arith.constant 0 : i32
      %gather3A_1916 = tpu.memref_slice %arg13[%gather3A_1913, %gather3A_1914, %gather3A_1915] : memref<4x64x128xf32, #tpu.memory_space<vmem>> -> memref<1x64x128xf32, #tpu.memory_space<vmem>>
      %gather3A_1917 = tpu.memref_squeeze %gather3A_1916 : memref<1x64x128xf32, #tpu.memory_space<vmem>> -> memref<64x128xf32, #tpu.memory_space<vmem>>
      %gather3A_1918 = tpu.vector_load_idx %gather3A_1917[%add3A_1912, %add3A_1888] : memref<64x128xf32, #tpu.memory_space<vmem>>[vector<16xi32>, vector<16xi32>], vector<16xf32>,
      %gather3A_1919 = arith.constant 2 : i32
      %gather3A_1920 = arith.constant 0 : i32
      %gather3A_1921 = arith.constant 0 : i32
      %gather3A_1922 = tpu.memref_slice %arg14[%gather3A_1919, %gather3A_1920, %gather3A_1921] : memref<4x64x128xf32, #tpu.memory_space<vmem>> -> memref<1x64x128xf32, #tpu.memory_space<vmem>>
      %gather3A_1923 = tpu.memref_squeeze %gather3A_1922 : memref<1x64x128xf32, #tpu.memory_space<vmem>> -> memref<64x128xf32, #tpu.memory_space<vmem>>
      %gather3A_1924 = tpu.vector_load_idx %gather3A_1923[%add3A_1912, %add3A_1893] : memref<64x128xf32, #tpu.memory_space<vmem>>[vector<16xi32>, vector<16xi32>], vector<16xf32>,
      %mul3A_1925 = arith.mulf %gather3A_1918, %gather3A_1924 : vector<16xf32>
      %add3A_1926 = arith.addf %mul3A_1909, %mul3A_1925 : vector<16xf32>
      %add3A_1927 = arith.constant 32 : i32
      %add3A_1928 = vector.broadcast %add3A_1927 : i32 to vector<16xi32>
      %add3A_1929 = arith.addi %add3A_1928, %iota3A : vector<16xi32>
      %gather3A_1930 = arith.constant 2 : i32
      %gather3A_1931 = arith.constant 0 : i32
      %gather3A_1932 = arith.constant 0 : i32
      %gather3A_1933 = tpu.memref_slice %arg13[%gather3A_1930, %gather3A_1931, %gather3A_1932] : memref<4x64x128xf32, #tpu.memory_space<vmem>> -> memref<1x64x128xf32, #tpu.memory_space<vmem>>
      %gather3A_1934 = tpu.memref_squeeze %gather3A_1933 : memref<1x64x128xf32, #tpu.memory_space<vmem>> -> memref<64x128xf32, #tpu.memory_space<vmem>>
      %gather3A_1935 = tpu.vector_load_idx %gather3A_1934[%add3A_1929, %add3A_1888] : memref<64x128xf32, #tpu.memory_space<vmem>>[vector<16xi32>, vector<16xi32>], vector<16xf32>,
      %gather3A_1936 = arith.constant 2 : i32
      %gather3A_1937 = arith.constant 0 : i32
      %gather3A_1938 = arith.constant 0 : i32
      %gather3A_1939 = tpu.memref_slice %arg14[%gather3A_1936, %gather3A_1937, %gather3A_1938] : memref<4x64x128xf32, #tpu.memory_space<vmem>> -> memref<1x64x128xf32, #tpu.memory_space<vmem>>
      %gather3A_1940 = tpu.memref_squeeze %gather3A_1939 : memref<1x64x128xf32, #tpu.memory_space<vmem>> -> memref<64x128xf32, #tpu.memory_space<vmem>>
      %gather3A_1941 = tpu.vector_load_idx %gather3A_1940[%add3A_1929, %add3A_1893] : memref<64x128xf32, #tpu.memory_space<vmem>>[vector<16xi32>, vector<16xi32>], vector<16xf32>,
      %mul3A_1942 = arith.mulf %gather3A_1935, %gather3A_1941 : vector<16xf32>
      %add3A_1943 = arith.addf %add3A_1926, %mul3A_1942 : vector<16xf32>
      %add3A_1944 = arith.constant 48 : i32
      %add3A_1945 = vector.broadcast %add3A_1944 : i32 to vector<16xi32>
      %add3A_1946 = arith.addi %add3A_1945, %iota3A : vector<16xi32>
      %gather3A_1947 = arith.constant 2 : i32
      %gather3A_1948 = arith.constant 0 : i32
      %gather3A_1949 = arith.constant 0 : i32
      %gather3A_1950 = tpu.memref_slice %arg13[%gather3A_1947, %gather3A_1948, %gather3A_1949] : memref<4x64x128xf32, #tpu.memory_space<vmem>> -> memref<1x64x128xf32, #tpu.memory_space<vmem>>
      %gather3A_1951 = tpu.memref_squeeze %gather3A_1950 : memref<1x64x128xf32, #tpu.memory_space<vmem>> -> memref<64x128xf32, #tpu.memory_space<vmem>>
      %gather3A_1952 = tpu.vector_load_idx %gather3A_1951[%add3A_1946, %add3A_1888] : memref<64x128xf32, #tpu.memory_space<vmem>>[vector<16xi32>, vector<16xi32>], vector<16xf32>,
      %gather3A_1953 = arith.constant 2 : i32
      %gather3A_1954 = arith.constant 0 : i32
      %gather3A_1955 = arith.constant 0 : i32
      %gather3A_1956 = tpu.memref_slice %arg14[%gather3A_1953, %gather3A_1954, %gather3A_1955] : memref<4x64x128xf32, #tpu.memory_space<vmem>> -> memref<1x64x128xf32, #tpu.memory_space<vmem>>
      %gather3A_1957 = tpu.memref_squeeze %gather3A_1956 : memref<1x64x128xf32, #tpu.memory_space<vmem>> -> memref<64x128xf32, #tpu.memory_space<vmem>>
      %gather3A_1958 = tpu.vector_load_idx %gather3A_1957[%add3A_1946, %add3A_1893] : memref<64x128xf32, #tpu.memory_space<vmem>>[vector<16xi32>, vector<16xi32>], vector<16xf32>,
      %mul3A_1959 = arith.mulf %gather3A_1952, %gather3A_1958 : vector<16xf32>
      %add3A_1960 = arith.addf %add3A_1943, %mul3A_1959 : vector<16xf32>
      %swap3A_1961 = arith.constant 6 : i32
      %swap3A_1962 = arith.index_cast %swap3A_1961 : i32 to index
      %swap3A_1963 = arith.constant 0 : index
      %swap3A_1964 = tpu.vector_load %arg15[%swap3A_1962, %swap3A_1963] {strides = array<i32>} : memref<16x16xf32, #tpu.memory_space<vmem>>, vector<16xf32>,
      tpu.vector_store %arg15[%swap3A_1962, %swap3A_1963], %add3A_1960 {strides = array<i32>} : memref<16x16xf32, #tpu.memory_space<vmem>>, vector<16xf32>,
      %add3A_1965 = arith.constant 4 : i32
      %add3A_1966 = arith.addi %add3A_1815, %add3A_1965 : i32
      %min3A_1967 = arith.constant 511 : i32
      %min3A_1968 = arith.minsi %add3A_1966, %min3A_1967 : i32
      %get3A_1969 = arith.index_cast %min3A_1968 : i32 to index
      %get3A_1970 = tpu.vector_load %arg9[%get3A_1969] {strides = array<i32>} : memref<528xi32, #tpu.memory_space<vmem>>, vector<16xi32>,
      %slice3A_1971 = vector.extract_strided_slice %get3A_1970 {offsets = [0], sizes = [1], strides = [1]} : vector<16xi32> to vector<1xi32>
      %squeeze3A_1972 = vector.extract %slice3A_1971[0] : i32 from vector<1xi32>
      %get3A_1973 = arith.index_cast %min3A_1968 : i32 to index
      %get3A_1974 = tpu.vector_load %arg11[%get3A_1973] {strides = array<i32>} : memref<528xi32, #tpu.memory_space<vmem>>, vector<16xi32>,
      %slice3A_1975 = vector.extract_strided_slice %get3A_1974 {offsets = [0], sizes = [1], strides = [1]} : vector<16xi32> to vector<1xi32>
      %squeeze3A_1976 = vector.extract %slice3A_1975[0] : i32 from vector<1xi32>
      %multiple_of3A_1977 = tpu.assume_multiple %squeeze3A_1972, 128 : i32
      %dma_start3A_1978 = arith.constant 2 : i32
      %dma_start3A_1979 = arith.constant 0 : i32
      %dma_start3A_1980 = arith.constant 0 : i32
      %dma_start3A_1981 = tpu.memref_slice %arg13[%dma_start3A_1978, %dma_start3A_1979, %dma_start3A_1980] : memref<4x64x128xf32, #tpu.memory_space<vmem>> -> memref<1x32x128xf32, #tpu.memory_space<vmem>>
      %dma_start3A_1982 = tpu.memref_squeeze %dma_start3A_1981 : memref<1x32x128xf32, #tpu.memory_space<vmem>> -> memref<32x128xf32, #tpu.memory_space<vmem>>
      %dma_start3A_1983 = arith.constant 0 : i32
      %dma_start3A_1984 = tpu.memref_slice %arg6[%dma_start3A_1983, %multiple_of3A_1977] : memref<64x1000000xf32, #tpu.memory_space<hbm>> -> memref<32x128xf32, #tpu.memory_space<hbm>>
      %dma_start3A_1985 = arith.constant 0 : i32
      %dma_start3A_1986 = arith.constant 0 : i32
      %dma_start3A_1987 = tpu.memref_slice %arg13[%dma_start3A_1978, %dma_start3A_1985, %dma_start3A_1986] : memref<4x64x128xf32, #tpu.memory_space<vmem>> -> memref<1x32x128xf32, #tpu.memory_space<vmem>>
      %dma_start3A_1988 = tpu.memref_squeeze %dma_start3A_1987 : memref<1x32x128xf32, #tpu.memory_space<vmem>> -> memref<32x128xf32, #tpu.memory_space<vmem>>
      %dma_start3A_1989 = arith.constant 0 : i32
      %dma_start3A_1990 = tpu.memref_slice %arg6[%dma_start3A_1989, %multiple_of3A_1977] : memref<64x1000000xf32, #tpu.memory_space<hbm>> -> memref<32x128xf32, #tpu.memory_space<hbm>>
      tpu.enqueue_dma source(%dma_start3A_1990 : memref<32x128xf32, #tpu.memory_space<hbm>>) target(%dma_start3A_1988 : memref<32x128xf32, #tpu.memory_space<vmem>>) target_semaphore(%arg19 : memref<!tpu.dma_semaphore, #tpu.memory_space<semaphore_mem>>)
      %multiple_of3A_1991 = tpu.assume_multiple %squeeze3A_1976, 128 : i32
      %dma_start3A_1992 = arith.constant 2 : i32
      %dma_start3A_1993 = arith.constant 0 : i32
      %dma_start3A_1994 = arith.constant 0 : i32
      %dma_start3A_1995 = tpu.memref_slice %arg14[%dma_start3A_1992, %dma_start3A_1993, %dma_start3A_1994] : memref<4x64x128xf32, #tpu.memory_space<vmem>> -> memref<1x32x128xf32, #tpu.memory_space<vmem>>
      %dma_start3A_1996 = tpu.memref_squeeze %dma_start3A_1995 : memref<1x32x128xf32, #tpu.memory_space<vmem>> -> memref<32x128xf32, #tpu.memory_space<vmem>>
      %dma_start3A_1997 = arith.constant 0 : i32
      %dma_start3A_1998 = tpu.memref_slice %arg7[%dma_start3A_1997, %multiple_of3A_1991] : memref<64x1000000xf32, #tpu.memory_space<hbm>> -> memref<32x128xf32, #tpu.memory_space<hbm>>
      %dma_start3A_1999 = arith.constant 0 : i32
      %dma_start3A_2000 = arith.constant 0 : i32
      %dma_start3A_2001 = tpu.memref_slice %arg14[%dma_start3A_1992, %dma_start3A_1999, %dma_start3A_2000] : memref<4x64x128xf32, #tpu.memory_space<vmem>> -> memref<1x32x128xf32, #tpu.memory_space<vmem>>
      %dma_start3A_2002 = tpu.memref_squeeze %dma_start3A_2001 : memref<1x32x128xf32, #tpu.memory_space<vmem>> -> memref<32x128xf32, #tpu.memory_space<vmem>>
      %dma_start3A_2003 = arith.constant 0 : i32
      %dma_start3A_2004 = tpu.memref_slice %arg7[%dma_start3A_2003, %multiple_of3A_1991] : memref<64x1000000xf32, #tpu.memory_space<hbm>> -> memref<32x128xf32, #tpu.memory_space<hbm>>
      tpu.enqueue_dma source(%dma_start3A_2004 : memref<32x128xf32, #tpu.memory_space<hbm>>) target(%dma_start3A_2002 : memref<32x128xf32, #tpu.memory_space<vmem>>) target_semaphore(%arg19 : memref<!tpu.dma_semaphore, #tpu.memory_space<semaphore_mem>>)
      %multiple_of3A_2005 = tpu.assume_multiple %squeeze3A_1972, 128 : i32
      %dma_start3A_2006 = arith.constant 2 : i32
      %dma_start3A_2007 = arith.constant 32 : i32
      %dma_start3A_2008 = arith.constant 0 : i32
      %dma_start3A_2009 = tpu.memref_slice %arg13[%dma_start3A_2006, %dma_start3A_2007, %dma_start3A_2008] : memref<4x64x128xf32, #tpu.memory_space<vmem>> -> memref<1x32x128xf32, #tpu.memory_space<vmem>>
      %dma_start3A_2010 = tpu.memref_squeeze %dma_start3A_2009 : memref<1x32x128xf32, #tpu.memory_space<vmem>> -> memref<32x128xf32, #tpu.memory_space<vmem>>
      %dma_start3A_2011 = arith.constant 32 : i32
      %dma_start3A_2012 = tpu.memref_slice %arg6[%dma_start3A_2011, %multiple_of3A_2005] : memref<64x1000000xf32, #tpu.memory_space<hbm>> -> memref<32x128xf32, #tpu.memory_space<hbm>>
      %dma_start3A_2013 = arith.constant 32 : i32
      %dma_start3A_2014 = arith.constant 0 : i32
      %dma_start3A_2015 = tpu.memref_slice %arg13[%dma_start3A_2006, %dma_start3A_2013, %dma_start3A_2014] : memref<4x64x128xf32, #tpu.memory_space<vmem>> -> memref<1x32x128xf32, #tpu.memory_space<vmem>>
      %dma_start3A_2016 = tpu.memref_squeeze %dma_start3A_2015 : memref<1x32x128xf32, #tpu.memory_space<vmem>> -> memref<32x128xf32, #tpu.memory_space<vmem>>
      %dma_start3A_2017 = arith.constant 32 : i32
      %dma_start3A_2018 = tpu.memref_slice %arg6[%dma_start3A_2017, %multiple_of3A_2005] : memref<64x1000000xf32, #tpu.memory_space<hbm>> -> memref<32x128xf32, #tpu.memory_space<hbm>>
      tpu.enqueue_dma source(%dma_start3A_2018 : memref<32x128xf32, #tpu.memory_space<hbm>>) target(%dma_start3A_2016 : memref<32x128xf32, #tpu.memory_space<vmem>>) target_semaphore(%arg19 : memref<!tpu.dma_semaphore, #tpu.memory_space<semaphore_mem>>)
      %multiple_of3A_2019 = tpu.assume_multiple %squeeze3A_1976, 128 : i32
      %dma_start3A_2020 = arith.constant 2 : i32
      %dma_start3A_2021 = arith.constant 32 : i32
      %dma_start3A_2022 = arith.constant 0 : i32
      %dma_start3A_2023 = tpu.memref_slice %arg14[%dma_start3A_2020, %dma_start3A_2021, %dma_start3A_2022] : memref<4x64x128xf32, #tpu.memory_space<vmem>> -> memref<1x32x128xf32, #tpu.memory_space<vmem>>
      %dma_start3A_2024 = tpu.memref_squeeze %dma_start3A_2023 : memref<1x32x128xf32, #tpu.memory_space<vmem>> -> memref<32x128xf32, #tpu.memory_space<vmem>>
      %dma_start3A_2025 = arith.constant 32 : i32
      %dma_start3A_2026 = tpu.memref_slice %arg7[%dma_start3A_2025, %multiple_of3A_2019] : memref<64x1000000xf32, #tpu.memory_space<hbm>> -> memref<32x128xf32, #tpu.memory_space<hbm>>
      %dma_start3A_2027 = arith.constant 32 : i32
      %dma_start3A_2028 = arith.constant 0 : i32
      %dma_start3A_2029 = tpu.memref_slice %arg14[%dma_start3A_2020, %dma_start3A_2027, %dma_start3A_2028] : memref<4x64x128xf32, #tpu.memory_space<vmem>> -> memref<1x32x128xf32, #tpu.memory_space<vmem>>
      %dma_start3A_2030 = tpu.memref_squeeze %dma_start3A_2029 : memref<1x32x128xf32, #tpu.memory_space<vmem>> -> memref<32x128xf32, #tpu.memory_space<vmem>>
      %dma_start3A_2031 = arith.constant 32 : i32
      %dma_start3A_2032 = tpu.memref_slice %arg7[%dma_start3A_2031, %multiple_of3A_2019] : memref<64x1000000xf32, #tpu.memory_space<hbm>> -> memref<32x128xf32, #tpu.memory_space<hbm>>
      tpu.enqueue_dma source(%dma_start3A_2032 : memref<32x128xf32, #tpu.memory_space<hbm>>) target(%dma_start3A_2030 : memref<32x128xf32, #tpu.memory_space<vmem>>) target_semaphore(%arg19 : memref<!tpu.dma_semaphore, #tpu.memory_space<semaphore_mem>>)
      %add3A_2033 = arith.constant 7 : i32
      %add3A_2034 = arith.addi %mul3A_502, %add3A_2033 : i32
      %dma_wait3A_2035 = arith.constant 3 : i32
      %dma_wait3A_2036 = arith.constant 0 : i32
      %dma_wait3A_2037 = arith.constant 0 : i32
      %dma_wait3A_2038 = tpu.memref_slice %arg13[%dma_wait3A_2035, %dma_wait3A_2036, %dma_wait3A_2037] : memref<4x64x128xf32, #tpu.memory_space<vmem>> -> memref<1x32x128xf32, #tpu.memory_space<vmem>>
      %dma_wait3A_2039 = tpu.memref_squeeze %dma_wait3A_2038 : memref<1x32x128xf32, #tpu.memory_space<vmem>> -> memref<32x128xf32, #tpu.memory_space<vmem>>
      %dma_wait3A_2040 = arith.constant 0 : i32
      %dma_wait3A_2041 = arith.constant 0 : i32
      %dma_wait3A_2042 = tpu.memref_slice %arg6[%dma_wait3A_2040, %dma_wait3A_2041] : memref<64x1000000xf32, #tpu.memory_space<hbm>> -> memref<32x128xf32, #tpu.memory_space<hbm>>
      %dma_wait3A_2043 = arith.constant 0 : i32
      %dma_wait3A_2044 = arith.constant 0 : i32
      %dma_wait3A_2045 = tpu.memref_slice %arg13[%dma_wait3A_2035, %dma_wait3A_2043, %dma_wait3A_2044] : memref<4x64x128xf32, #tpu.memory_space<vmem>> -> memref<1x32x128xf32, #tpu.memory_space<vmem>>
      %dma_wait3A_2046 = tpu.memref_squeeze %dma_wait3A_2045 : memref<1x32x128xf32, #tpu.memory_space<vmem>> -> memref<32x128xf32, #tpu.memory_space<vmem>>
      %dma_wait3A_2047 = arith.constant 0 : i32
      %dma_wait3A_2048 = arith.constant 0 : i32
      %dma_wait3A_2049 = tpu.memref_slice %arg6[%dma_wait3A_2047, %dma_wait3A_2048] : memref<64x1000000xf32, #tpu.memory_space<hbm>> -> memref<32x128xf32, #tpu.memory_space<hbm>>
      tpu.wait_dma2 semaphore(%arg20 : memref<!tpu.dma_semaphore, #tpu.memory_space<semaphore_mem>>) src(%dma_wait3A_2049 : memref<32x128xf32, #tpu.memory_space<hbm>>) dst(%dma_wait3A_2046 : memref<32x128xf32, #tpu.memory_space<vmem>>)
      %dma_wait3A_2050 = arith.constant 3 : i32
      %dma_wait3A_2051 = arith.constant 0 : i32
      %dma_wait3A_2052 = arith.constant 0 : i32
      %dma_wait3A_2053 = tpu.memref_slice %arg13[%dma_wait3A_2050, %dma_wait3A_2051, %dma_wait3A_2052] : memref<4x64x128xf32, #tpu.memory_space<vmem>> -> memref<1x32x128xf32, #tpu.memory_space<vmem>>
      %dma_wait3A_2054 = tpu.memref_squeeze %dma_wait3A_2053 : memref<1x32x128xf32, #tpu.memory_space<vmem>> -> memref<32x128xf32, #tpu.memory_space<vmem>>
      %dma_wait3A_2055 = arith.constant 0 : i32
      %dma_wait3A_2056 = arith.constant 0 : i32
      %dma_wait3A_2057 = tpu.memref_slice %arg6[%dma_wait3A_2055, %dma_wait3A_2056] : memref<64x1000000xf32, #tpu.memory_space<hbm>> -> memref<32x128xf32, #tpu.memory_space<hbm>>
      %dma_wait3A_2058 = arith.constant 0 : i32
      %dma_wait3A_2059 = arith.constant 0 : i32
      %dma_wait3A_2060 = tpu.memref_slice %arg13[%dma_wait3A_2050, %dma_wait3A_2058, %dma_wait3A_2059] : memref<4x64x128xf32, #tpu.memory_space<vmem>> -> memref<1x32x128xf32, #tpu.memory_space<vmem>>
      %dma_wait3A_2061 = tpu.memref_squeeze %dma_wait3A_2060 : memref<1x32x128xf32, #tpu.memory_space<vmem>> -> memref<32x128xf32, #tpu.memory_space<vmem>>
      %dma_wait3A_2062 = arith.constant 0 : i32
      %dma_wait3A_2063 = arith.constant 0 : i32
      %dma_wait3A_2064 = tpu.memref_slice %arg6[%dma_wait3A_2062, %dma_wait3A_2063] : memref<64x1000000xf32, #tpu.memory_space<hbm>> -> memref<32x128xf32, #tpu.memory_space<hbm>>
      tpu.wait_dma2 semaphore(%arg20 : memref<!tpu.dma_semaphore, #tpu.memory_space<semaphore_mem>>) src(%dma_wait3A_2064 : memref<32x128xf32, #tpu.memory_space<hbm>>) dst(%dma_wait3A_2061 : memref<32x128xf32, #tpu.memory_space<vmem>>)
      %dma_wait3A_2065 = arith.constant 3 : i32
      %dma_wait3A_2066 = arith.constant 0 : i32
      %dma_wait3A_2067 = arith.constant 0 : i32
      %dma_wait3A_2068 = tpu.memref_slice %arg13[%dma_wait3A_2065, %dma_wait3A_2066, %dma_wait3A_2067] : memref<4x64x128xf32, #tpu.memory_space<vmem>> -> memref<1x32x128xf32, #tpu.memory_space<vmem>>
      %dma_wait3A_2069 = tpu.memref_squeeze %dma_wait3A_2068 : memref<1x32x128xf32, #tpu.memory_space<vmem>> -> memref<32x128xf32, #tpu.memory_space<vmem>>
      %dma_wait3A_2070 = arith.constant 0 : i32
      %dma_wait3A_2071 = arith.constant 0 : i32
      %dma_wait3A_2072 = tpu.memref_slice %arg6[%dma_wait3A_2070, %dma_wait3A_2071] : memref<64x1000000xf32, #tpu.memory_space<hbm>> -> memref<32x128xf32, #tpu.memory_space<hbm>>
      %dma_wait3A_2073 = arith.constant 0 : i32
      %dma_wait3A_2074 = arith.constant 0 : i32
      %dma_wait3A_2075 = tpu.memref_slice %arg13[%dma_wait3A_2065, %dma_wait3A_2073, %dma_wait3A_2074] : memref<4x64x128xf32, #tpu.memory_space<vmem>> -> memref<1x32x128xf32, #tpu.memory_space<vmem>>
      %dma_wait3A_2076 = tpu.memref_squeeze %dma_wait3A_2075 : memref<1x32x128xf32, #tpu.memory_space<vmem>> -> memref<32x128xf32, #tpu.memory_space<vmem>>
      %dma_wait3A_2077 = arith.constant 0 : i32
      %dma_wait3A_2078 = arith.constant 0 : i32
      %dma_wait3A_2079 = tpu.memref_slice %arg6[%dma_wait3A_2077, %dma_wait3A_2078] : memref<64x1000000xf32, #tpu.memory_space<hbm>> -> memref<32x128xf32, #tpu.memory_space<hbm>>
      tpu.wait_dma2 semaphore(%arg20 : memref<!tpu.dma_semaphore, #tpu.memory_space<semaphore_mem>>) src(%dma_wait3A_2079 : memref<32x128xf32, #tpu.memory_space<hbm>>) dst(%dma_wait3A_2076 : memref<32x128xf32, #tpu.memory_space<vmem>>)
      %dma_wait3A_2080 = arith.constant 3 : i32
      %dma_wait3A_2081 = arith.constant 0 : i32
      %dma_wait3A_2082 = arith.constant 0 : i32
      %dma_wait3A_2083 = tpu.memref_slice %arg13[%dma_wait3A_2080, %dma_wait3A_2081, %dma_wait3A_2082] : memref<4x64x128xf32, #tpu.memory_space<vmem>> -> memref<1x32x128xf32, #tpu.memory_space<vmem>>
      %dma_wait3A_2084 = tpu.memref_squeeze %dma_wait3A_2083 : memref<1x32x128xf32, #tpu.memory_space<vmem>> -> memref<32x128xf32, #tpu.memory_space<vmem>>
      %dma_wait3A_2085 = arith.constant 0 : i32
      %dma_wait3A_2086 = arith.constant 0 : i32
      %dma_wait3A_2087 = tpu.memref_slice %arg6[%dma_wait3A_2085, %dma_wait3A_2086] : memref<64x1000000xf32, #tpu.memory_space<hbm>> -> memref<32x128xf32, #tpu.memory_space<hbm>>
      %dma_wait3A_2088 = arith.constant 0 : i32
      %dma_wait3A_2089 = arith.constant 0 : i32
      %dma_wait3A_2090 = tpu.memref_slice %arg13[%dma_wait3A_2080, %dma_wait3A_2088, %dma_wait3A_2089] : memref<4x64x128xf32, #tpu.memory_space<vmem>> -> memref<1x32x128xf32, #tpu.memory_space<vmem>>
      %dma_wait3A_2091 = tpu.memref_squeeze %dma_wait3A_2090 : memref<1x32x128xf32, #tpu.memory_space<vmem>> -> memref<32x128xf32, #tpu.memory_space<vmem>>
      %dma_wait3A_2092 = arith.constant 0 : i32
      %dma_wait3A_2093 = arith.constant 0 : i32
      %dma_wait3A_2094 = tpu.memref_slice %arg6[%dma_wait3A_2092, %dma_wait3A_2093] : memref<64x1000000xf32, #tpu.memory_space<hbm>> -> memref<32x128xf32, #tpu.memory_space<hbm>>
      tpu.wait_dma2 semaphore(%arg20 : memref<!tpu.dma_semaphore, #tpu.memory_space<semaphore_mem>>) src(%dma_wait3A_2094 : memref<32x128xf32, #tpu.memory_space<hbm>>) dst(%dma_wait3A_2091 : memref<32x128xf32, #tpu.memory_space<vmem>>)
      %get3A_2095 = arith.index_cast %add3A_2034 : i32 to index
      %get3A_2096 = tpu.vector_load %arg10[%get3A_2095] {strides = array<i32>} : memref<528xi32, #tpu.memory_space<vmem>>, vector<16xi32>,
      %slice3A_2097 = vector.extract_strided_slice %get3A_2096 {offsets = [0], sizes = [1], strides = [1]} : vector<16xi32> to vector<1xi32>
      %squeeze3A_2098 = vector.extract %slice3A_2097[0] : i32 from vector<1xi32>
      %get3A_2099 = arith.index_cast %add3A_2034 : i32 to index
      %get3A_2100 = tpu.vector_load %arg12[%get3A_2099] {strides = array<i32>} : memref<528xi32, #tpu.memory_space<vmem>>, vector<16xi32>,
      %slice3A_2101 = vector.extract_strided_slice %get3A_2100 {offsets = [0], sizes = [1], strides = [1]} : vector<16xi32> to vector<1xi32>
      %squeeze3A_2102 = vector.extract %slice3A_2101[0] : i32 from vector<1xi32>
      %mul3A_2103 = arith.constant 0 : i32
      %mul3A_2104 = vector.broadcast %mul3A_2103 : i32 to vector<16xi32>
      %mul3A_2105 = arith.muli %iota3A, %mul3A_2104 : vector<16xi32>
      %add3A_2106 = vector.broadcast %squeeze3A_2098 : i32 to vector<16xi32>
      %add3A_2107 = arith.addi %mul3A_2105, %add3A_2106 : vector<16xi32>
      %mul3A_2108 = arith.constant 0 : i32
      %mul3A_2109 = vector.broadcast %mul3A_2108 : i32 to vector<16xi32>
      %mul3A_2110 = arith.muli %iota3A, %mul3A_2109 : vector<16xi32>
      %add3A_2111 = vector.broadcast %squeeze3A_2102 : i32 to vector<16xi32>
      %add3A_2112 = arith.addi %mul3A_2110, %add3A_2111 : vector<16xi32>
      %add3A_2113 = arith.constant 0 : i32
      %add3A_2114 = vector.broadcast %add3A_2113 : i32 to vector<16xi32>
      %add3A_2115 = arith.addi %add3A_2114, %iota3A : vector<16xi32>
      %gather3A_2116 = arith.constant 3 : i32
      %gather3A_2117 = arith.constant 0 : i32
      %gather3A_2118 = arith.constant 0 : i32
      %gather3A_2119 = tpu.memref_slice %arg13[%gather3A_2116, %gather3A_2117, %gather3A_2118] : memref<4x64x128xf32, #tpu.memory_space<vmem>> -> memref<1x64x128xf32, #tpu.memory_space<vmem>>
      %gather3A_2120 = tpu.memref_squeeze %gather3A_2119 : memref<1x64x128xf32, #tpu.memory_space<vmem>> -> memref<64x128xf32, #tpu.memory_space<vmem>>
      %gather3A_2121 = tpu.vector_load_idx %gather3A_2120[%add3A_2115, %add3A_2107] : memref<64x128xf32, #tpu.memory_space<vmem>>[vector<16xi32>, vector<16xi32>], vector<16xf32>,
      %gather3A_2122 = arith.constant 3 : i32
      %gather3A_2123 = arith.constant 0 : i32
      %gather3A_2124 = arith.constant 0 : i32
      %gather3A_2125 = tpu.memref_slice %arg14[%gather3A_2122, %gather3A_2123, %gather3A_2124] : memref<4x64x128xf32, #tpu.memory_space<vmem>> -> memref<1x64x128xf32, #tpu.memory_space<vmem>>
      %gather3A_2126 = tpu.memref_squeeze %gather3A_2125 : memref<1x64x128xf32, #tpu.memory_space<vmem>> -> memref<64x128xf32, #tpu.memory_space<vmem>>
      %gather3A_2127 = tpu.vector_load_idx %gather3A_2126[%add3A_2115, %add3A_2112] : memref<64x128xf32, #tpu.memory_space<vmem>>[vector<16xi32>, vector<16xi32>], vector<16xf32>,
      %mul3A_2128 = arith.mulf %gather3A_2121, %gather3A_2127 : vector<16xf32>
      %add3A_2129 = arith.constant 16 : i32
      %add3A_2130 = vector.broadcast %add3A_2129 : i32 to vector<16xi32>
      %add3A_2131 = arith.addi %add3A_2130, %iota3A : vector<16xi32>
      %gather3A_2132 = arith.constant 3 : i32
      %gather3A_2133 = arith.constant 0 : i32
      %gather3A_2134 = arith.constant 0 : i32
      %gather3A_2135 = tpu.memref_slice %arg13[%gather3A_2132, %gather3A_2133, %gather3A_2134] : memref<4x64x128xf32, #tpu.memory_space<vmem>> -> memref<1x64x128xf32, #tpu.memory_space<vmem>>
      %gather3A_2136 = tpu.memref_squeeze %gather3A_2135 : memref<1x64x128xf32, #tpu.memory_space<vmem>> -> memref<64x128xf32, #tpu.memory_space<vmem>>
      %gather3A_2137 = tpu.vector_load_idx %gather3A_2136[%add3A_2131, %add3A_2107] : memref<64x128xf32, #tpu.memory_space<vmem>>[vector<16xi32>, vector<16xi32>], vector<16xf32>,
      %gather3A_2138 = arith.constant 3 : i32
      %gather3A_2139 = arith.constant 0 : i32
      %gather3A_2140 = arith.constant 0 : i32
      %gather3A_2141 = tpu.memref_slice %arg14[%gather3A_2138, %gather3A_2139, %gather3A_2140] : memref<4x64x128xf32, #tpu.memory_space<vmem>> -> memref<1x64x128xf32, #tpu.memory_space<vmem>>
      %gather3A_2142 = tpu.memref_squeeze %gather3A_2141 : memref<1x64x128xf32, #tpu.memory_space<vmem>> -> memref<64x128xf32, #tpu.memory_space<vmem>>
      %gather3A_2143 = tpu.vector_load_idx %gather3A_2142[%add3A_2131, %add3A_2112] : memref<64x128xf32, #tpu.memory_space<vmem>>[vector<16xi32>, vector<16xi32>], vector<16xf32>,
      %mul3A_2144 = arith.mulf %gather3A_2137, %gather3A_2143 : vector<16xf32>
      %add3A_2145 = arith.addf %mul3A_2128, %mul3A_2144 : vector<16xf32>
      %add3A_2146 = arith.constant 32 : i32
      %add3A_2147 = vector.broadcast %add3A_2146 : i32 to vector<16xi32>
      %add3A_2148 = arith.addi %add3A_2147, %iota3A : vector<16xi32>
      %gather3A_2149 = arith.constant 3 : i32
      %gather3A_2150 = arith.constant 0 : i32
      %gather3A_2151 = arith.constant 0 : i32
      %gather3A_2152 = tpu.memref_slice %arg13[%gather3A_2149, %gather3A_2150, %gather3A_2151] : memref<4x64x128xf32, #tpu.memory_space<vmem>> -> memref<1x64x128xf32, #tpu.memory_space<vmem>>
      %gather3A_2153 = tpu.memref_squeeze %gather3A_2152 : memref<1x64x128xf32, #tpu.memory_space<vmem>> -> memref<64x128xf32, #tpu.memory_space<vmem>>
      %gather3A_2154 = tpu.vector_load_idx %gather3A_2153[%add3A_2148, %add3A_2107] : memref<64x128xf32, #tpu.memory_space<vmem>>[vector<16xi32>, vector<16xi32>], vector<16xf32>,
      %gather3A_2155 = arith.constant 3 : i32
      %gather3A_2156 = arith.constant 0 : i32
      %gather3A_2157 = arith.constant 0 : i32
      %gather3A_2158 = tpu.memref_slice %arg14[%gather3A_2155, %gather3A_2156, %gather3A_2157] : memref<4x64x128xf32, #tpu.memory_space<vmem>> -> memref<1x64x128xf32, #tpu.memory_space<vmem>>
      %gather3A_2159 = tpu.memref_squeeze %gather3A_2158 : memref<1x64x128xf32, #tpu.memory_space<vmem>> -> memref<64x128xf32, #tpu.memory_space<vmem>>
      %gather3A_2160 = tpu.vector_load_idx %gather3A_2159[%add3A_2148, %add3A_2112] : memref<64x128xf32, #tpu.memory_space<vmem>>[vector<16xi32>, vector<16xi32>], vector<16xf32>,
      %mul3A_2161 = arith.mulf %gather3A_2154, %gather3A_2160 : vector<16xf32>
      %add3A_2162 = arith.addf %add3A_2145, %mul3A_2161 : vector<16xf32>
      %add3A_2163 = arith.constant 48 : i32
      %add3A_2164 = vector.broadcast %add3A_2163 : i32 to vector<16xi32>
      %add3A_2165 = arith.addi %add3A_2164, %iota3A : vector<16xi32>
      %gather3A_2166 = arith.constant 3 : i32
      %gather3A_2167 = arith.constant 0 : i32
      %gather3A_2168 = arith.constant 0 : i32
      %gather3A_2169 = tpu.memref_slice %arg13[%gather3A_2166, %gather3A_2167, %gather3A_2168] : memref<4x64x128xf32, #tpu.memory_space<vmem>> -> memref<1x64x128xf32, #tpu.memory_space<vmem>>
      %gather3A_2170 = tpu.memref_squeeze %gather3A_2169 : memref<1x64x128xf32, #tpu.memory_space<vmem>> -> memref<64x128xf32, #tpu.memory_space<vmem>>
      %gather3A_2171 = tpu.vector_load_idx %gather3A_2170[%add3A_2165, %add3A_2107] : memref<64x128xf32, #tpu.memory_space<vmem>>[vector<16xi32>, vector<16xi32>], vector<16xf32>,
      %gather3A_2172 = arith.constant 3 : i32
      %gather3A_2173 = arith.constant 0 : i32
      %gather3A_2174 = arith.constant 0 : i32
      %gather3A_2175 = tpu.memref_slice %arg14[%gather3A_2172, %gather3A_2173, %gather3A_2174] : memref<4x64x128xf32, #tpu.memory_space<vmem>> -> memref<1x64x128xf32, #tpu.memory_space<vmem>>
      %gather3A_2176 = tpu.memref_squeeze %gather3A_2175 : memref<1x64x128xf32, #tpu.memory_space<vmem>> -> memref<64x128xf32, #tpu.memory_space<vmem>>
      %gather3A_2177 = tpu.vector_load_idx %gather3A_2176[%add3A_2165, %add3A_2112] : memref<64x128xf32, #tpu.memory_space<vmem>>[vector<16xi32>, vector<16xi32>], vector<16xf32>,
      %mul3A_2178 = arith.mulf %gather3A_2171, %gather3A_2177 : vector<16xf32>
      %add3A_2179 = arith.addf %add3A_2162, %mul3A_2178 : vector<16xf32>
      %swap3A_2180 = arith.constant 7 : i32
      %swap3A_2181 = arith.index_cast %swap3A_2180 : i32 to index
      %swap3A_2182 = arith.constant 0 : index
      %swap3A_2183 = tpu.vector_load %arg15[%swap3A_2181, %swap3A_2182] {strides = array<i32>} : memref<16x16xf32, #tpu.memory_space<vmem>>, vector<16xf32>,
      tpu.vector_store %arg15[%swap3A_2181, %swap3A_2182], %add3A_2179 {strides = array<i32>} : memref<16x16xf32, #tpu.memory_space<vmem>>, vector<16xf32>,
      %add3A_2184 = arith.constant 4 : i32
      %add3A_2185 = arith.addi %add3A_2034, %add3A_2184 : i32
      %min3A_2186 = arith.constant 511 : i32
      %min3A_2187 = arith.minsi %add3A_2185, %min3A_2186 : i32
      %get3A_2188 = arith.index_cast %min3A_2187 : i32 to index
      %get3A_2189 = tpu.vector_load %arg9[%get3A_2188] {strides = array<i32>} : memref<528xi32, #tpu.memory_space<vmem>>, vector<16xi32>,
      %slice3A_2190 = vector.extract_strided_slice %get3A_2189 {offsets = [0], sizes = [1], strides = [1]} : vector<16xi32> to vector<1xi32>
      %squeeze3A_2191 = vector.extract %slice3A_2190[0] : i32 from vector<1xi32>
      %get3A_2192 = arith.index_cast %min3A_2187 : i32 to index
      %get3A_2193 = tpu.vector_load %arg11[%get3A_2192] {strides = array<i32>} : memref<528xi32, #tpu.memory_space<vmem>>, vector<16xi32>,
      %slice3A_2194 = vector.extract_strided_slice %get3A_2193 {offsets = [0], sizes = [1], strides = [1]} : vector<16xi32> to vector<1xi32>
      %squeeze3A_2195 = vector.extract %slice3A_2194[0] : i32 from vector<1xi32>
      %multiple_of3A_2196 = tpu.assume_multiple %squeeze3A_2191, 128 : i32
      %dma_start3A_2197 = arith.constant 3 : i32
      %dma_start3A_2198 = arith.constant 0 : i32
      %dma_start3A_2199 = arith.constant 0 : i32
      %dma_start3A_2200 = tpu.memref_slice %arg13[%dma_start3A_2197, %dma_start3A_2198, %dma_start3A_2199] : memref<4x64x128xf32, #tpu.memory_space<vmem>> -> memref<1x32x128xf32, #tpu.memory_space<vmem>>
      %dma_start3A_2201 = tpu.memref_squeeze %dma_start3A_2200 : memref<1x32x128xf32, #tpu.memory_space<vmem>> -> memref<32x128xf32, #tpu.memory_space<vmem>>
      %dma_start3A_2202 = arith.constant 0 : i32
      %dma_start3A_2203 = tpu.memref_slice %arg6[%dma_start3A_2202, %multiple_of3A_2196] : memref<64x1000000xf32, #tpu.memory_space<hbm>> -> memref<32x128xf32, #tpu.memory_space<hbm>>
      %dma_start3A_2204 = arith.constant 0 : i32
      %dma_start3A_2205 = arith.constant 0 : i32
      %dma_start3A_2206 = tpu.memref_slice %arg13[%dma_start3A_2197, %dma_start3A_2204, %dma_start3A_2205] : memref<4x64x128xf32, #tpu.memory_space<vmem>> -> memref<1x32x128xf32, #tpu.memory_space<vmem>>
      %dma_start3A_2207 = tpu.memref_squeeze %dma_start3A_2206 : memref<1x32x128xf32, #tpu.memory_space<vmem>> -> memref<32x128xf32, #tpu.memory_space<vmem>>
      %dma_start3A_2208 = arith.constant 0 : i32
      %dma_start3A_2209 = tpu.memref_slice %arg6[%dma_start3A_2208, %multiple_of3A_2196] : memref<64x1000000xf32, #tpu.memory_space<hbm>> -> memref<32x128xf32, #tpu.memory_space<hbm>>
      tpu.enqueue_dma source(%dma_start3A_2209 : memref<32x128xf32, #tpu.memory_space<hbm>>) target(%dma_start3A_2207 : memref<32x128xf32, #tpu.memory_space<vmem>>) target_semaphore(%arg20 : memref<!tpu.dma_semaphore, #tpu.memory_space<semaphore_mem>>)
      %multiple_of3A_2210 = tpu.assume_multiple %squeeze3A_2195, 128 : i32
      %dma_start3A_2211 = arith.constant 3 : i32
      %dma_start3A_2212 = arith.constant 0 : i32
      %dma_start3A_2213 = arith.constant 0 : i32
      %dma_start3A_2214 = tpu.memref_slice %arg14[%dma_start3A_2211, %dma_start3A_2212, %dma_start3A_2213] : memref<4x64x128xf32, #tpu.memory_space<vmem>> -> memref<1x32x128xf32, #tpu.memory_space<vmem>>
      %dma_start3A_2215 = tpu.memref_squeeze %dma_start3A_2214 : memref<1x32x128xf32, #tpu.memory_space<vmem>> -> memref<32x128xf32, #tpu.memory_space<vmem>>
      %dma_start3A_2216 = arith.constant 0 : i32
      %dma_start3A_2217 = tpu.memref_slice %arg7[%dma_start3A_2216, %multiple_of3A_2210] : memref<64x1000000xf32, #tpu.memory_space<hbm>> -> memref<32x128xf32, #tpu.memory_space<hbm>>
      %dma_start3A_2218 = arith.constant 0 : i32
      %dma_start3A_2219 = arith.constant 0 : i32
      %dma_start3A_2220 = tpu.memref_slice %arg14[%dma_start3A_2211, %dma_start3A_2218, %dma_start3A_2219] : memref<4x64x128xf32, #tpu.memory_space<vmem>> -> memref<1x32x128xf32, #tpu.memory_space<vmem>>
      %dma_start3A_2221 = tpu.memref_squeeze %dma_start3A_2220 : memref<1x32x128xf32, #tpu.memory_space<vmem>> -> memref<32x128xf32, #tpu.memory_space<vmem>>
      %dma_start3A_2222 = arith.constant 0 : i32
      %dma_start3A_2223 = tpu.memref_slice %arg7[%dma_start3A_2222, %multiple_of3A_2210] : memref<64x1000000xf32, #tpu.memory_space<hbm>> -> memref<32x128xf32, #tpu.memory_space<hbm>>
      tpu.enqueue_dma source(%dma_start3A_2223 : memref<32x128xf32, #tpu.memory_space<hbm>>) target(%dma_start3A_2221 : memref<32x128xf32, #tpu.memory_space<vmem>>) target_semaphore(%arg20 : memref<!tpu.dma_semaphore, #tpu.memory_space<semaphore_mem>>)
      %multiple_of3A_2224 = tpu.assume_multiple %squeeze3A_2191, 128 : i32
      %dma_start3A_2225 = arith.constant 3 : i32
      %dma_start3A_2226 = arith.constant 32 : i32
      %dma_start3A_2227 = arith.constant 0 : i32
      %dma_start3A_2228 = tpu.memref_slice %arg13[%dma_start3A_2225, %dma_start3A_2226, %dma_start3A_2227] : memref<4x64x128xf32, #tpu.memory_space<vmem>> -> memref<1x32x128xf32, #tpu.memory_space<vmem>>
      %dma_start3A_2229 = tpu.memref_squeeze %dma_start3A_2228 : memref<1x32x128xf32, #tpu.memory_space<vmem>> -> memref<32x128xf32, #tpu.memory_space<vmem>>
      %dma_start3A_2230 = arith.constant 32 : i32
      %dma_start3A_2231 = tpu.memref_slice %arg6[%dma_start3A_2230, %multiple_of3A_2224] : memref<64x1000000xf32, #tpu.memory_space<hbm>> -> memref<32x128xf32, #tpu.memory_space<hbm>>
      %dma_start3A_2232 = arith.constant 32 : i32
      %dma_start3A_2233 = arith.constant 0 : i32
      %dma_start3A_2234 = tpu.memref_slice %arg13[%dma_start3A_2225, %dma_start3A_2232, %dma_start3A_2233] : memref<4x64x128xf32, #tpu.memory_space<vmem>> -> memref<1x32x128xf32, #tpu.memory_space<vmem>>
      %dma_start3A_2235 = tpu.memref_squeeze %dma_start3A_2234 : memref<1x32x128xf32, #tpu.memory_space<vmem>> -> memref<32x128xf32, #tpu.memory_space<vmem>>
      %dma_start3A_2236 = arith.constant 32 : i32
      %dma_start3A_2237 = tpu.memref_slice %arg6[%dma_start3A_2236, %multiple_of3A_2224] : memref<64x1000000xf32, #tpu.memory_space<hbm>> -> memref<32x128xf32, #tpu.memory_space<hbm>>
      tpu.enqueue_dma source(%dma_start3A_2237 : memref<32x128xf32, #tpu.memory_space<hbm>>) target(%dma_start3A_2235 : memref<32x128xf32, #tpu.memory_space<vmem>>) target_semaphore(%arg20 : memref<!tpu.dma_semaphore, #tpu.memory_space<semaphore_mem>>)
      %multiple_of3A_2238 = tpu.assume_multiple %squeeze3A_2195, 128 : i32
      %dma_start3A_2239 = arith.constant 3 : i32
      %dma_start3A_2240 = arith.constant 32 : i32
      %dma_start3A_2241 = arith.constant 0 : i32
      %dma_start3A_2242 = tpu.memref_slice %arg14[%dma_start3A_2239, %dma_start3A_2240, %dma_start3A_2241] : memref<4x64x128xf32, #tpu.memory_space<vmem>> -> memref<1x32x128xf32, #tpu.memory_space<vmem>>
      %dma_start3A_2243 = tpu.memref_squeeze %dma_start3A_2242 : memref<1x32x128xf32, #tpu.memory_space<vmem>> -> memref<32x128xf32, #tpu.memory_space<vmem>>
      %dma_start3A_2244 = arith.constant 32 : i32
      %dma_start3A_2245 = tpu.memref_slice %arg7[%dma_start3A_2244, %multiple_of3A_2238] : memref<64x1000000xf32, #tpu.memory_space<hbm>> -> memref<32x128xf32, #tpu.memory_space<hbm>>
      %dma_start3A_2246 = arith.constant 32 : i32
      %dma_start3A_2247 = arith.constant 0 : i32
      %dma_start3A_2248 = tpu.memref_slice %arg14[%dma_start3A_2239, %dma_start3A_2246, %dma_start3A_2247] : memref<4x64x128xf32, #tpu.memory_space<vmem>> -> memref<1x32x128xf32, #tpu.memory_space<vmem>>
      %dma_start3A_2249 = tpu.memref_squeeze %dma_start3A_2248 : memref<1x32x128xf32, #tpu.memory_space<vmem>> -> memref<32x128xf32, #tpu.memory_space<vmem>>
      %dma_start3A_2250 = arith.constant 32 : i32
      %dma_start3A_2251 = tpu.memref_slice %arg7[%dma_start3A_2250, %multiple_of3A_2238] : memref<64x1000000xf32, #tpu.memory_space<hbm>> -> memref<32x128xf32, #tpu.memory_space<hbm>>
      tpu.enqueue_dma source(%dma_start3A_2251 : memref<32x128xf32, #tpu.memory_space<hbm>>) target(%dma_start3A_2249 : memref<32x128xf32, #tpu.memory_space<vmem>>) target_semaphore(%arg20 : memref<!tpu.dma_semaphore, #tpu.memory_space<semaphore_mem>>)
      %add3A_2252 = arith.constant 8 : i32
      %add3A_2253 = arith.addi %mul3A_502, %add3A_2252 : i32
      %dma_wait3A_2254 = arith.constant 0 : i32
      %dma_wait3A_2255 = arith.constant 0 : i32
      %dma_wait3A_2256 = arith.constant 0 : i32
      %dma_wait3A_2257 = tpu.memref_slice %arg13[%dma_wait3A_2254, %dma_wait3A_2255, %dma_wait3A_2256] : memref<4x64x128xf32, #tpu.memory_space<vmem>> -> memref<1x32x128xf32, #tpu.memory_space<vmem>>
      %dma_wait3A_2258 = tpu.memref_squeeze %dma_wait3A_2257 : memref<1x32x128xf32, #tpu.memory_space<vmem>> -> memref<32x128xf32, #tpu.memory_space<vmem>>
      %dma_wait3A_2259 = arith.constant 0 : i32
      %dma_wait3A_2260 = arith.constant 0 : i32
      %dma_wait3A_2261 = tpu.memref_slice %arg6[%dma_wait3A_2259, %dma_wait3A_2260] : memref<64x1000000xf32, #tpu.memory_space<hbm>> -> memref<32x128xf32, #tpu.memory_space<hbm>>
      %dma_wait3A_2262 = arith.constant 0 : i32
      %dma_wait3A_2263 = arith.constant 0 : i32
      %dma_wait3A_2264 = tpu.memref_slice %arg13[%dma_wait3A_2254, %dma_wait3A_2262, %dma_wait3A_2263] : memref<4x64x128xf32, #tpu.memory_space<vmem>> -> memref<1x32x128xf32, #tpu.memory_space<vmem>>
      %dma_wait3A_2265 = tpu.memref_squeeze %dma_wait3A_2264 : memref<1x32x128xf32, #tpu.memory_space<vmem>> -> memref<32x128xf32, #tpu.memory_space<vmem>>
      %dma_wait3A_2266 = arith.constant 0 : i32
      %dma_wait3A_2267 = arith.constant 0 : i32
      %dma_wait3A_2268 = tpu.memref_slice %arg6[%dma_wait3A_2266, %dma_wait3A_2267] : memref<64x1000000xf32, #tpu.memory_space<hbm>> -> memref<32x128xf32, #tpu.memory_space<hbm>>
      tpu.wait_dma2 semaphore(%arg17 : memref<!tpu.dma_semaphore, #tpu.memory_space<semaphore_mem>>) src(%dma_wait3A_2268 : memref<32x128xf32, #tpu.memory_space<hbm>>) dst(%dma_wait3A_2265 : memref<32x128xf32, #tpu.memory_space<vmem>>)
      %dma_wait3A_2269 = arith.constant 0 : i32
      %dma_wait3A_2270 = arith.constant 0 : i32
      %dma_wait3A_2271 = arith.constant 0 : i32
      %dma_wait3A_2272 = tpu.memref_slice %arg13[%dma_wait3A_2269, %dma_wait3A_2270, %dma_wait3A_2271] : memref<4x64x128xf32, #tpu.memory_space<vmem>> -> memref<1x32x128xf32, #tpu.memory_space<vmem>>
      %dma_wait3A_2273 = tpu.memref_squeeze %dma_wait3A_2272 : memref<1x32x128xf32, #tpu.memory_space<vmem>> -> memref<32x128xf32, #tpu.memory_space<vmem>>
      %dma_wait3A_2274 = arith.constant 0 : i32
      %dma_wait3A_2275 = arith.constant 0 : i32
      %dma_wait3A_2276 = tpu.memref_slice %arg6[%dma_wait3A_2274, %dma_wait3A_2275] : memref<64x1000000xf32, #tpu.memory_space<hbm>> -> memref<32x128xf32, #tpu.memory_space<hbm>>
      %dma_wait3A_2277 = arith.constant 0 : i32
      %dma_wait3A_2278 = arith.constant 0 : i32
      %dma_wait3A_2279 = tpu.memref_slice %arg13[%dma_wait3A_2269, %dma_wait3A_2277, %dma_wait3A_2278] : memref<4x64x128xf32, #tpu.memory_space<vmem>> -> memref<1x32x128xf32, #tpu.memory_space<vmem>>
      %dma_wait3A_2280 = tpu.memref_squeeze %dma_wait3A_2279 : memref<1x32x128xf32, #tpu.memory_space<vmem>> -> memref<32x128xf32, #tpu.memory_space<vmem>>
      %dma_wait3A_2281 = arith.constant 0 : i32
      %dma_wait3A_2282 = arith.constant 0 : i32
      %dma_wait3A_2283 = tpu.memref_slice %arg6[%dma_wait3A_2281, %dma_wait3A_2282] : memref<64x1000000xf32, #tpu.memory_space<hbm>> -> memref<32x128xf32, #tpu.memory_space<hbm>>
      tpu.wait_dma2 semaphore(%arg17 : memref<!tpu.dma_semaphore, #tpu.memory_space<semaphore_mem>>) src(%dma_wait3A_2283 : memref<32x128xf32, #tpu.memory_space<hbm>>) dst(%dma_wait3A_2280 : memref<32x128xf32, #tpu.memory_space<vmem>>)
      %dma_wait3A_2284 = arith.constant 0 : i32
      %dma_wait3A_2285 = arith.constant 0 : i32
      %dma_wait3A_2286 = arith.constant 0 : i32
      %dma_wait3A_2287 = tpu.memref_slice %arg13[%dma_wait3A_2284, %dma_wait3A_2285, %dma_wait3A_2286] : memref<4x64x128xf32, #tpu.memory_space<vmem>> -> memref<1x32x128xf32, #tpu.memory_space<vmem>>
      %dma_wait3A_2288 = tpu.memref_squeeze %dma_wait3A_2287 : memref<1x32x128xf32, #tpu.memory_space<vmem>> -> memref<32x128xf32, #tpu.memory_space<vmem>>
      %dma_wait3A_2289 = arith.constant 0 : i32
      %dma_wait3A_2290 = arith.constant 0 : i32
      %dma_wait3A_2291 = tpu.memref_slice %arg6[%dma_wait3A_2289, %dma_wait3A_2290] : memref<64x1000000xf32, #tpu.memory_space<hbm>> -> memref<32x128xf32, #tpu.memory_space<hbm>>
      %dma_wait3A_2292 = arith.constant 0 : i32
      %dma_wait3A_2293 = arith.constant 0 : i32
      %dma_wait3A_2294 = tpu.memref_slice %arg13[%dma_wait3A_2284, %dma_wait3A_2292, %dma_wait3A_2293] : memref<4x64x128xf32, #tpu.memory_space<vmem>> -> memref<1x32x128xf32, #tpu.memory_space<vmem>>
      %dma_wait3A_2295 = tpu.memref_squeeze %dma_wait3A_2294 : memref<1x32x128xf32, #tpu.memory_space<vmem>> -> memref<32x128xf32, #tpu.memory_space<vmem>>
      %dma_wait3A_2296 = arith.constant 0 : i32
      %dma_wait3A_2297 = arith.constant 0 : i32
      %dma_wait3A_2298 = tpu.memref_slice %arg6[%dma_wait3A_2296, %dma_wait3A_2297] : memref<64x1000000xf32, #tpu.memory_space<hbm>> -> memref<32x128xf32, #tpu.memory_space<hbm>>
      tpu.wait_dma2 semaphore(%arg17 : memref<!tpu.dma_semaphore, #tpu.memory_space<semaphore_mem>>) src(%dma_wait3A_2298 : memref<32x128xf32, #tpu.memory_space<hbm>>) dst(%dma_wait3A_2295 : memref<32x128xf32, #tpu.memory_space<vmem>>)
      %dma_wait3A_2299 = arith.constant 0 : i32
      %dma_wait3A_2300 = arith.constant 0 : i32
      %dma_wait3A_2301 = arith.constant 0 : i32
      %dma_wait3A_2302 = tpu.memref_slice %arg13[%dma_wait3A_2299, %dma_wait3A_2300, %dma_wait3A_2301] : memref<4x64x128xf32, #tpu.memory_space<vmem>> -> memref<1x32x128xf32, #tpu.memory_space<vmem>>
      %dma_wait3A_2303 = tpu.memref_squeeze %dma_wait3A_2302 : memref<1x32x128xf32, #tpu.memory_space<vmem>> -> memref<32x128xf32, #tpu.memory_space<vmem>>
      %dma_wait3A_2304 = arith.constant 0 : i32
      %dma_wait3A_2305 = arith.constant 0 : i32
      %dma_wait3A_2306 = tpu.memref_slice %arg6[%dma_wait3A_2304, %dma_wait3A_2305] : memref<64x1000000xf32, #tpu.memory_space<hbm>> -> memref<32x128xf32, #tpu.memory_space<hbm>>
      %dma_wait3A_2307 = arith.constant 0 : i32
      %dma_wait3A_2308 = arith.constant 0 : i32
      %dma_wait3A_2309 = tpu.memref_slice %arg13[%dma_wait3A_2299, %dma_wait3A_2307, %dma_wait3A_2308] : memref<4x64x128xf32, #tpu.memory_space<vmem>> -> memref<1x32x128xf32, #tpu.memory_space<vmem>>
      %dma_wait3A_2310 = tpu.memref_squeeze %dma_wait3A_2309 : memref<1x32x128xf32, #tpu.memory_space<vmem>> -> memref<32x128xf32, #tpu.memory_space<vmem>>
      %dma_wait3A_2311 = arith.constant 0 : i32
      %dma_wait3A_2312 = arith.constant 0 : i32
      %dma_wait3A_2313 = tpu.memref_slice %arg6[%dma_wait3A_2311, %dma_wait3A_2312] : memref<64x1000000xf32, #tpu.memory_space<hbm>> -> memref<32x128xf32, #tpu.memory_space<hbm>>
      tpu.wait_dma2 semaphore(%arg17 : memref<!tpu.dma_semaphore, #tpu.memory_space<semaphore_mem>>) src(%dma_wait3A_2313 : memref<32x128xf32, #tpu.memory_space<hbm>>) dst(%dma_wait3A_2310 : memref<32x128xf32, #tpu.memory_space<vmem>>)
      %get3A_2314 = arith.index_cast %add3A_2253 : i32 to index
      %get3A_2315 = tpu.vector_load %arg10[%get3A_2314] {strides = array<i32>} : memref<528xi32, #tpu.memory_space<vmem>>, vector<16xi32>,
      %slice3A_2316 = vector.extract_strided_slice %get3A_2315 {offsets = [0], sizes = [1], strides = [1]} : vector<16xi32> to vector<1xi32>
      %squeeze3A_2317 = vector.extract %slice3A_2316[0] : i32 from vector<1xi32>
      %get3A_2318 = arith.index_cast %add3A_2253 : i32 to index
      %get3A_2319 = tpu.vector_load %arg12[%get3A_2318] {strides = array<i32>} : memref<528xi32, #tpu.memory_space<vmem>>, vector<16xi32>,
      %slice3A_2320 = vector.extract_strided_slice %get3A_2319 {offsets = [0], sizes = [1], strides = [1]} : vector<16xi32> to vector<1xi32>
      %squeeze3A_2321 = vector.extract %slice3A_2320[0] : i32 from vector<1xi32>
      %mul3A_2322 = arith.constant 0 : i32
      %mul3A_2323 = vector.broadcast %mul3A_2322 : i32 to vector<16xi32>
      %mul3A_2324 = arith.muli %iota3A, %mul3A_2323 : vector<16xi32>
      %add3A_2325 = vector.broadcast %squeeze3A_2317 : i32 to vector<16xi32>
      %add3A_2326 = arith.addi %mul3A_2324, %add3A_2325 : vector<16xi32>
      %mul3A_2327 = arith.constant 0 : i32
      %mul3A_2328 = vector.broadcast %mul3A_2327 : i32 to vector<16xi32>
      %mul3A_2329 = arith.muli %iota3A, %mul3A_2328 : vector<16xi32>
      %add3A_2330 = vector.broadcast %squeeze3A_2321 : i32 to vector<16xi32>
      %add3A_2331 = arith.addi %mul3A_2329, %add3A_2330 : vector<16xi32>
      %add3A_2332 = arith.constant 0 : i32
      %add3A_2333 = vector.broadcast %add3A_2332 : i32 to vector<16xi32>
      %add3A_2334 = arith.addi %add3A_2333, %iota3A : vector<16xi32>
      %gather3A_2335 = arith.constant 0 : i32
      %gather3A_2336 = arith.constant 0 : i32
      %gather3A_2337 = arith.constant 0 : i32
      %gather3A_2338 = tpu.memref_slice %arg13[%gather3A_2335, %gather3A_2336, %gather3A_2337] : memref<4x64x128xf32, #tpu.memory_space<vmem>> -> memref<1x64x128xf32, #tpu.memory_space<vmem>>
      %gather3A_2339 = tpu.memref_squeeze %gather3A_2338 : memref<1x64x128xf32, #tpu.memory_space<vmem>> -> memref<64x128xf32, #tpu.memory_space<vmem>>
      %gather3A_2340 = tpu.vector_load_idx %gather3A_2339[%add3A_2334, %add3A_2326] : memref<64x128xf32, #tpu.memory_space<vmem>>[vector<16xi32>, vector<16xi32>], vector<16xf32>,
      %gather3A_2341 = arith.constant 0 : i32
      %gather3A_2342 = arith.constant 0 : i32
      %gather3A_2343 = arith.constant 0 : i32
      %gather3A_2344 = tpu.memref_slice %arg14[%gather3A_2341, %gather3A_2342, %gather3A_2343] : memref<4x64x128xf32, #tpu.memory_space<vmem>> -> memref<1x64x128xf32, #tpu.memory_space<vmem>>
      %gather3A_2345 = tpu.memref_squeeze %gather3A_2344 : memref<1x64x128xf32, #tpu.memory_space<vmem>> -> memref<64x128xf32, #tpu.memory_space<vmem>>
      %gather3A_2346 = tpu.vector_load_idx %gather3A_2345[%add3A_2334, %add3A_2331] : memref<64x128xf32, #tpu.memory_space<vmem>>[vector<16xi32>, vector<16xi32>], vector<16xf32>,
      %mul3A_2347 = arith.mulf %gather3A_2340, %gather3A_2346 : vector<16xf32>
      %add3A_2348 = arith.constant 16 : i32
      %add3A_2349 = vector.broadcast %add3A_2348 : i32 to vector<16xi32>
      %add3A_2350 = arith.addi %add3A_2349, %iota3A : vector<16xi32>
      %gather3A_2351 = arith.constant 0 : i32
      %gather3A_2352 = arith.constant 0 : i32
      %gather3A_2353 = arith.constant 0 : i32
      %gather3A_2354 = tpu.memref_slice %arg13[%gather3A_2351, %gather3A_2352, %gather3A_2353] : memref<4x64x128xf32, #tpu.memory_space<vmem>> -> memref<1x64x128xf32, #tpu.memory_space<vmem>>
      %gather3A_2355 = tpu.memref_squeeze %gather3A_2354 : memref<1x64x128xf32, #tpu.memory_space<vmem>> -> memref<64x128xf32, #tpu.memory_space<vmem>>
      %gather3A_2356 = tpu.vector_load_idx %gather3A_2355[%add3A_2350, %add3A_2326] : memref<64x128xf32, #tpu.memory_space<vmem>>[vector<16xi32>, vector<16xi32>], vector<16xf32>,
      %gather3A_2357 = arith.constant 0 : i32
      %gather3A_2358 = arith.constant 0 : i32
      %gather3A_2359 = arith.constant 0 : i32
      %gather3A_2360 = tpu.memref_slice %arg14[%gather3A_2357, %gather3A_2358, %gather3A_2359] : memref<4x64x128xf32, #tpu.memory_space<vmem>> -> memref<1x64x128xf32, #tpu.memory_space<vmem>>
      %gather3A_2361 = tpu.memref_squeeze %gather3A_2360 : memref<1x64x128xf32, #tpu.memory_space<vmem>> -> memref<64x128xf32, #tpu.memory_space<vmem>>
      %gather3A_2362 = tpu.vector_load_idx %gather3A_2361[%add3A_2350, %add3A_2331] : memref<64x128xf32, #tpu.memory_space<vmem>>[vector<16xi32>, vector<16xi32>], vector<16xf32>,
      %mul3A_2363 = arith.mulf %gather3A_2356, %gather3A_2362 : vector<16xf32>
      %add3A_2364 = arith.addf %mul3A_2347, %mul3A_2363 : vector<16xf32>
      %add3A_2365 = arith.constant 32 : i32
      %add3A_2366 = vector.broadcast %add3A_2365 : i32 to vector<16xi32>
      %add3A_2367 = arith.addi %add3A_2366, %iota3A : vector<16xi32>
      %gather3A_2368 = arith.constant 0 : i32
      %gather3A_2369 = arith.constant 0 : i32
      %gather3A_2370 = arith.constant 0 : i32
      %gather3A_2371 = tpu.memref_slice %arg13[%gather3A_2368, %gather3A_2369, %gather3A_2370] : memref<4x64x128xf32, #tpu.memory_space<vmem>> -> memref<1x64x128xf32, #tpu.memory_space<vmem>>
      %gather3A_2372 = tpu.memref_squeeze %gather3A_2371 : memref<1x64x128xf32, #tpu.memory_space<vmem>> -> memref<64x128xf32, #tpu.memory_space<vmem>>
      %gather3A_2373 = tpu.vector_load_idx %gather3A_2372[%add3A_2367, %add3A_2326] : memref<64x128xf32, #tpu.memory_space<vmem>>[vector<16xi32>, vector<16xi32>], vector<16xf32>,
      %gather3A_2374 = arith.constant 0 : i32
      %gather3A_2375 = arith.constant 0 : i32
      %gather3A_2376 = arith.constant 0 : i32
      %gather3A_2377 = tpu.memref_slice %arg14[%gather3A_2374, %gather3A_2375, %gather3A_2376] : memref<4x64x128xf32, #tpu.memory_space<vmem>> -> memref<1x64x128xf32, #tpu.memory_space<vmem>>
      %gather3A_2378 = tpu.memref_squeeze %gather3A_2377 : memref<1x64x128xf32, #tpu.memory_space<vmem>> -> memref<64x128xf32, #tpu.memory_space<vmem>>
      %gather3A_2379 = tpu.vector_load_idx %gather3A_2378[%add3A_2367, %add3A_2331] : memref<64x128xf32, #tpu.memory_space<vmem>>[vector<16xi32>, vector<16xi32>], vector<16xf32>,
      %mul3A_2380 = arith.mulf %gather3A_2373, %gather3A_2379 : vector<16xf32>
      %add3A_2381 = arith.addf %add3A_2364, %mul3A_2380 : vector<16xf32>
      %add3A_2382 = arith.constant 48 : i32
      %add3A_2383 = vector.broadcast %add3A_2382 : i32 to vector<16xi32>
      %add3A_2384 = arith.addi %add3A_2383, %iota3A : vector<16xi32>
      %gather3A_2385 = arith.constant 0 : i32
      %gather3A_2386 = arith.constant 0 : i32
      %gather3A_2387 = arith.constant 0 : i32
      %gather3A_2388 = tpu.memref_slice %arg13[%gather3A_2385, %gather3A_2386, %gather3A_2387] : memref<4x64x128xf32, #tpu.memory_space<vmem>> -> memref<1x64x128xf32, #tpu.memory_space<vmem>>
      %gather3A_2389 = tpu.memref_squeeze %gather3A_2388 : memref<1x64x128xf32, #tpu.memory_space<vmem>> -> memref<64x128xf32, #tpu.memory_space<vmem>>
      %gather3A_2390 = tpu.vector_load_idx %gather3A_2389[%add3A_2384, %add3A_2326] : memref<64x128xf32, #tpu.memory_space<vmem>>[vector<16xi32>, vector<16xi32>], vector<16xf32>,
      %gather3A_2391 = arith.constant 0 : i32
      %gather3A_2392 = arith.constant 0 : i32
      %gather3A_2393 = arith.constant 0 : i32
      %gather3A_2394 = tpu.memref_slice %arg14[%gather3A_2391, %gather3A_2392, %gather3A_2393] : memref<4x64x128xf32, #tpu.memory_space<vmem>> -> memref<1x64x128xf32, #tpu.memory_space<vmem>>
      %gather3A_2395 = tpu.memref_squeeze %gather3A_2394 : memref<1x64x128xf32, #tpu.memory_space<vmem>> -> memref<64x128xf32, #tpu.memory_space<vmem>>
      %gather3A_2396 = tpu.vector_load_idx %gather3A_2395[%add3A_2384, %add3A_2331] : memref<64x128xf32, #tpu.memory_space<vmem>>[vector<16xi32>, vector<16xi32>], vector<16xf32>,
      %mul3A_2397 = arith.mulf %gather3A_2390, %gather3A_2396 : vector<16xf32>
      %add3A_2398 = arith.addf %add3A_2381, %mul3A_2397 : vector<16xf32>
      %swap3A_2399 = arith.constant 8 : i32
      %swap3A_2400 = arith.index_cast %swap3A_2399 : i32 to index
      %swap3A_2401 = arith.constant 0 : index
      %swap3A_2402 = tpu.vector_load %arg15[%swap3A_2400, %swap3A_2401] {strides = array<i32>} : memref<16x16xf32, #tpu.memory_space<vmem>>, vector<16xf32>,
      tpu.vector_store %arg15[%swap3A_2400, %swap3A_2401], %add3A_2398 {strides = array<i32>} : memref<16x16xf32, #tpu.memory_space<vmem>>, vector<16xf32>,
      %add3A_2403 = arith.constant 4 : i32
      %add3A_2404 = arith.addi %add3A_2253, %add3A_2403 : i32
      %min3A_2405 = arith.constant 511 : i32
      %min3A_2406 = arith.minsi %add3A_2404, %min3A_2405 : i32
      %get3A_2407 = arith.index_cast %min3A_2406 : i32 to index
      %get3A_2408 = tpu.vector_load %arg9[%get3A_2407] {strides = array<i32>} : memref<528xi32, #tpu.memory_space<vmem>>, vector<16xi32>,
      %slice3A_2409 = vector.extract_strided_slice %get3A_2408 {offsets = [0], sizes = [1], strides = [1]} : vector<16xi32> to vector<1xi32>
      %squeeze3A_2410 = vector.extract %slice3A_2409[0] : i32 from vector<1xi32>
      %get3A_2411 = arith.index_cast %min3A_2406 : i32 to index
      %get3A_2412 = tpu.vector_load %arg11[%get3A_2411] {strides = array<i32>} : memref<528xi32, #tpu.memory_space<vmem>>, vector<16xi32>,
      %slice3A_2413 = vector.extract_strided_slice %get3A_2412 {offsets = [0], sizes = [1], strides = [1]} : vector<16xi32> to vector<1xi32>
      %squeeze3A_2414 = vector.extract %slice3A_2413[0] : i32 from vector<1xi32>
      %multiple_of3A_2415 = tpu.assume_multiple %squeeze3A_2410, 128 : i32
      %dma_start3A_2416 = arith.constant 0 : i32
      %dma_start3A_2417 = arith.constant 0 : i32
      %dma_start3A_2418 = arith.constant 0 : i32
      %dma_start3A_2419 = tpu.memref_slice %arg13[%dma_start3A_2416, %dma_start3A_2417, %dma_start3A_2418] : memref<4x64x128xf32, #tpu.memory_space<vmem>> -> memref<1x32x128xf32, #tpu.memory_space<vmem>>
      %dma_start3A_2420 = tpu.memref_squeeze %dma_start3A_2419 : memref<1x32x128xf32, #tpu.memory_space<vmem>> -> memref<32x128xf32, #tpu.memory_space<vmem>>
      %dma_start3A_2421 = arith.constant 0 : i32
      %dma_start3A_2422 = tpu.memref_slice %arg6[%dma_start3A_2421, %multiple_of3A_2415] : memref<64x1000000xf32, #tpu.memory_space<hbm>> -> memref<32x128xf32, #tpu.memory_space<hbm>>
      %dma_start3A_2423 = arith.constant 0 : i32
      %dma_start3A_2424 = arith.constant 0 : i32
      %dma_start3A_2425 = tpu.memref_slice %arg13[%dma_start3A_2416, %dma_start3A_2423, %dma_start3A_2424] : memref<4x64x128xf32, #tpu.memory_space<vmem>> -> memref<1x32x128xf32, #tpu.memory_space<vmem>>
      %dma_start3A_2426 = tpu.memref_squeeze %dma_start3A_2425 : memref<1x32x128xf32, #tpu.memory_space<vmem>> -> memref<32x128xf32, #tpu.memory_space<vmem>>
      %dma_start3A_2427 = arith.constant 0 : i32
      %dma_start3A_2428 = tpu.memref_slice %arg6[%dma_start3A_2427, %multiple_of3A_2415] : memref<64x1000000xf32, #tpu.memory_space<hbm>> -> memref<32x128xf32, #tpu.memory_space<hbm>>
      tpu.enqueue_dma source(%dma_start3A_2428 : memref<32x128xf32, #tpu.memory_space<hbm>>) target(%dma_start3A_2426 : memref<32x128xf32, #tpu.memory_space<vmem>>) target_semaphore(%arg17 : memref<!tpu.dma_semaphore, #tpu.memory_space<semaphore_mem>>)
      %multiple_of3A_2429 = tpu.assume_multiple %squeeze3A_2414, 128 : i32
      %dma_start3A_2430 = arith.constant 0 : i32
      %dma_start3A_2431 = arith.constant 0 : i32
      %dma_start3A_2432 = arith.constant 0 : i32
      %dma_start3A_2433 = tpu.memref_slice %arg14[%dma_start3A_2430, %dma_start3A_2431, %dma_start3A_2432] : memref<4x64x128xf32, #tpu.memory_space<vmem>> -> memref<1x32x128xf32, #tpu.memory_space<vmem>>
      %dma_start3A_2434 = tpu.memref_squeeze %dma_start3A_2433 : memref<1x32x128xf32, #tpu.memory_space<vmem>> -> memref<32x128xf32, #tpu.memory_space<vmem>>
      %dma_start3A_2435 = arith.constant 0 : i32
      %dma_start3A_2436 = tpu.memref_slice %arg7[%dma_start3A_2435, %multiple_of3A_2429] : memref<64x1000000xf32, #tpu.memory_space<hbm>> -> memref<32x128xf32, #tpu.memory_space<hbm>>
      %dma_start3A_2437 = arith.constant 0 : i32
      %dma_start3A_2438 = arith.constant 0 : i32
      %dma_start3A_2439 = tpu.memref_slice %arg14[%dma_start3A_2430, %dma_start3A_2437, %dma_start3A_2438] : memref<4x64x128xf32, #tpu.memory_space<vmem>> -> memref<1x32x128xf32, #tpu.memory_space<vmem>>
      %dma_start3A_2440 = tpu.memref_squeeze %dma_start3A_2439 : memref<1x32x128xf32, #tpu.memory_space<vmem>> -> memref<32x128xf32, #tpu.memory_space<vmem>>
      %dma_start3A_2441 = arith.constant 0 : i32
      %dma_start3A_2442 = tpu.memref_slice %arg7[%dma_start3A_2441, %multiple_of3A_2429] : memref<64x1000000xf32, #tpu.memory_space<hbm>> -> memref<32x128xf32, #tpu.memory_space<hbm>>
      tpu.enqueue_dma source(%dma_start3A_2442 : memref<32x128xf32, #tpu.memory_space<hbm>>) target(%dma_start3A_2440 : memref<32x128xf32, #tpu.memory_space<vmem>>) target_semaphore(%arg17 : memref<!tpu.dma_semaphore, #tpu.memory_space<semaphore_mem>>)
      %multiple_of3A_2443 = tpu.assume_multiple %squeeze3A_2410, 128 : i32
      %dma_start3A_2444 = arith.constant 0 : i32
      %dma_start3A_2445 = arith.constant 32 : i32
      %dma_start3A_2446 = arith.constant 0 : i32
      %dma_start3A_2447 = tpu.memref_slice %arg13[%dma_start3A_2444, %dma_start3A_2445, %dma_start3A_2446] : memref<4x64x128xf32, #tpu.memory_space<vmem>> -> memref<1x32x128xf32, #tpu.memory_space<vmem>>
      %dma_start3A_2448 = tpu.memref_squeeze %dma_start3A_2447 : memref<1x32x128xf32, #tpu.memory_space<vmem>> -> memref<32x128xf32, #tpu.memory_space<vmem>>
      %dma_start3A_2449 = arith.constant 32 : i32
      %dma_start3A_2450 = tpu.memref_slice %arg6[%dma_start3A_2449, %multiple_of3A_2443] : memref<64x1000000xf32, #tpu.memory_space<hbm>> -> memref<32x128xf32, #tpu.memory_space<hbm>>
      %dma_start3A_2451 = arith.constant 32 : i32
      %dma_start3A_2452 = arith.constant 0 : i32
      %dma_start3A_2453 = tpu.memref_slice %arg13[%dma_start3A_2444, %dma_start3A_2451, %dma_start3A_2452] : memref<4x64x128xf32, #tpu.memory_space<vmem>> -> memref<1x32x128xf32, #tpu.memory_space<vmem>>
      %dma_start3A_2454 = tpu.memref_squeeze %dma_start3A_2453 : memref<1x32x128xf32, #tpu.memory_space<vmem>> -> memref<32x128xf32, #tpu.memory_space<vmem>>
      %dma_start3A_2455 = arith.constant 32 : i32
      %dma_start3A_2456 = tpu.memref_slice %arg6[%dma_start3A_2455, %multiple_of3A_2443] : memref<64x1000000xf32, #tpu.memory_space<hbm>> -> memref<32x128xf32, #tpu.memory_space<hbm>>
      tpu.enqueue_dma source(%dma_start3A_2456 : memref<32x128xf32, #tpu.memory_space<hbm>>) target(%dma_start3A_2454 : memref<32x128xf32, #tpu.memory_space<vmem>>) target_semaphore(%arg17 : memref<!tpu.dma_semaphore, #tpu.memory_space<semaphore_mem>>)
      %multiple_of3A_2457 = tpu.assume_multiple %squeeze3A_2414, 128 : i32
      %dma_start3A_2458 = arith.constant 0 : i32
      %dma_start3A_2459 = arith.constant 32 : i32
      %dma_start3A_2460 = arith.constant 0 : i32
      %dma_start3A_2461 = tpu.memref_slice %arg14[%dma_start3A_2458, %dma_start3A_2459, %dma_start3A_2460] : memref<4x64x128xf32, #tpu.memory_space<vmem>> -> memref<1x32x128xf32, #tpu.memory_space<vmem>>
      %dma_start3A_2462 = tpu.memref_squeeze %dma_start3A_2461 : memref<1x32x128xf32, #tpu.memory_space<vmem>> -> memref<32x128xf32, #tpu.memory_space<vmem>>
      %dma_start3A_2463 = arith.constant 32 : i32
      %dma_start3A_2464 = tpu.memref_slice %arg7[%dma_start3A_2463, %multiple_of3A_2457] : memref<64x1000000xf32, #tpu.memory_space<hbm>> -> memref<32x128xf32, #tpu.memory_space<hbm>>
      %dma_start3A_2465 = arith.constant 32 : i32
      %dma_start3A_2466 = arith.constant 0 : i32
      %dma_start3A_2467 = tpu.memref_slice %arg14[%dma_start3A_2458, %dma_start3A_2465, %dma_start3A_2466] : memref<4x64x128xf32, #tpu.memory_space<vmem>> -> memref<1x32x128xf32, #tpu.memory_space<vmem>>
      %dma_start3A_2468 = tpu.memref_squeeze %dma_start3A_2467 : memref<1x32x128xf32, #tpu.memory_space<vmem>> -> memref<32x128xf32, #tpu.memory_space<vmem>>
      %dma_start3A_2469 = arith.constant 32 : i32
      %dma_start3A_2470 = tpu.memref_slice %arg7[%dma_start3A_2469, %multiple_of3A_2457] : memref<64x1000000xf32, #tpu.memory_space<hbm>> -> memref<32x128xf32, #tpu.memory_space<hbm>>
      tpu.enqueue_dma source(%dma_start3A_2470 : memref<32x128xf32, #tpu.memory_space<hbm>>) target(%dma_start3A_2468 : memref<32x128xf32, #tpu.memory_space<vmem>>) target_semaphore(%arg17 : memref<!tpu.dma_semaphore, #tpu.memory_space<semaphore_mem>>)
      %add3A_2471 = arith.constant 9 : i32
      %add3A_2472 = arith.addi %mul3A_502, %add3A_2471 : i32
      %dma_wait3A_2473 = arith.constant 1 : i32
      %dma_wait3A_2474 = arith.constant 0 : i32
      %dma_wait3A_2475 = arith.constant 0 : i32
      %dma_wait3A_2476 = tpu.memref_slice %arg13[%dma_wait3A_2473, %dma_wait3A_2474, %dma_wait3A_2475] : memref<4x64x128xf32, #tpu.memory_space<vmem>> -> memref<1x32x128xf32, #tpu.memory_space<vmem>>
      %dma_wait3A_2477 = tpu.memref_squeeze %dma_wait3A_2476 : memref<1x32x128xf32, #tpu.memory_space<vmem>> -> memref<32x128xf32, #tpu.memory_space<vmem>>
      %dma_wait3A_2478 = arith.constant 0 : i32
      %dma_wait3A_2479 = arith.constant 0 : i32
      %dma_wait3A_2480 = tpu.memref_slice %arg6[%dma_wait3A_2478, %dma_wait3A_2479] : memref<64x1000000xf32, #tpu.memory_space<hbm>> -> memref<32x128xf32, #tpu.memory_space<hbm>>
      %dma_wait3A_2481 = arith.constant 0 : i32
      %dma_wait3A_2482 = arith.constant 0 : i32
      %dma_wait3A_2483 = tpu.memref_slice %arg13[%dma_wait3A_2473, %dma_wait3A_2481, %dma_wait3A_2482] : memref<4x64x128xf32, #tpu.memory_space<vmem>> -> memref<1x32x128xf32, #tpu.memory_space<vmem>>
      %dma_wait3A_2484 = tpu.memref_squeeze %dma_wait3A_2483 : memref<1x32x128xf32, #tpu.memory_space<vmem>> -> memref<32x128xf32, #tpu.memory_space<vmem>>
      %dma_wait3A_2485 = arith.constant 0 : i32
      %dma_wait3A_2486 = arith.constant 0 : i32
      %dma_wait3A_2487 = tpu.memref_slice %arg6[%dma_wait3A_2485, %dma_wait3A_2486] : memref<64x1000000xf32, #tpu.memory_space<hbm>> -> memref<32x128xf32, #tpu.memory_space<hbm>>
      tpu.wait_dma2 semaphore(%arg18 : memref<!tpu.dma_semaphore, #tpu.memory_space<semaphore_mem>>) src(%dma_wait3A_2487 : memref<32x128xf32, #tpu.memory_space<hbm>>) dst(%dma_wait3A_2484 : memref<32x128xf32, #tpu.memory_space<vmem>>)
      %dma_wait3A_2488 = arith.constant 1 : i32
      %dma_wait3A_2489 = arith.constant 0 : i32
      %dma_wait3A_2490 = arith.constant 0 : i32
      %dma_wait3A_2491 = tpu.memref_slice %arg13[%dma_wait3A_2488, %dma_wait3A_2489, %dma_wait3A_2490] : memref<4x64x128xf32, #tpu.memory_space<vmem>> -> memref<1x32x128xf32, #tpu.memory_space<vmem>>
      %dma_wait3A_2492 = tpu.memref_squeeze %dma_wait3A_2491 : memref<1x32x128xf32, #tpu.memory_space<vmem>> -> memref<32x128xf32, #tpu.memory_space<vmem>>
      %dma_wait3A_2493 = arith.constant 0 : i32
      %dma_wait3A_2494 = arith.constant 0 : i32
      %dma_wait3A_2495 = tpu.memref_slice %arg6[%dma_wait3A_2493, %dma_wait3A_2494] : memref<64x1000000xf32, #tpu.memory_space<hbm>> -> memref<32x128xf32, #tpu.memory_space<hbm>>
      %dma_wait3A_2496 = arith.constant 0 : i32
      %dma_wait3A_2497 = arith.constant 0 : i32
      %dma_wait3A_2498 = tpu.memref_slice %arg13[%dma_wait3A_2488, %dma_wait3A_2496, %dma_wait3A_2497] : memref<4x64x128xf32, #tpu.memory_space<vmem>> -> memref<1x32x128xf32, #tpu.memory_space<vmem>>
      %dma_wait3A_2499 = tpu.memref_squeeze %dma_wait3A_2498 : memref<1x32x128xf32, #tpu.memory_space<vmem>> -> memref<32x128xf32, #tpu.memory_space<vmem>>
      %dma_wait3A_2500 = arith.constant 0 : i32
      %dma_wait3A_2501 = arith.constant 0 : i32
      %dma_wait3A_2502 = tpu.memref_slice %arg6[%dma_wait3A_2500, %dma_wait3A_2501] : memref<64x1000000xf32, #tpu.memory_space<hbm>> -> memref<32x128xf32, #tpu.memory_space<hbm>>
      tpu.wait_dma2 semaphore(%arg18 : memref<!tpu.dma_semaphore, #tpu.memory_space<semaphore_mem>>) src(%dma_wait3A_2502 : memref<32x128xf32, #tpu.memory_space<hbm>>) dst(%dma_wait3A_2499 : memref<32x128xf32, #tpu.memory_space<vmem>>)
      %dma_wait3A_2503 = arith.constant 1 : i32
      %dma_wait3A_2504 = arith.constant 0 : i32
      %dma_wait3A_2505 = arith.constant 0 : i32
      %dma_wait3A_2506 = tpu.memref_slice %arg13[%dma_wait3A_2503, %dma_wait3A_2504, %dma_wait3A_2505] : memref<4x64x128xf32, #tpu.memory_space<vmem>> -> memref<1x32x128xf32, #tpu.memory_space<vmem>>
      %dma_wait3A_2507 = tpu.memref_squeeze %dma_wait3A_2506 : memref<1x32x128xf32, #tpu.memory_space<vmem>> -> memref<32x128xf32, #tpu.memory_space<vmem>>
      %dma_wait3A_2508 = arith.constant 0 : i32
      %dma_wait3A_2509 = arith.constant 0 : i32
      %dma_wait3A_2510 = tpu.memref_slice %arg6[%dma_wait3A_2508, %dma_wait3A_2509] : memref<64x1000000xf32, #tpu.memory_space<hbm>> -> memref<32x128xf32, #tpu.memory_space<hbm>>
      %dma_wait3A_2511 = arith.constant 0 : i32
      %dma_wait3A_2512 = arith.constant 0 : i32
      %dma_wait3A_2513 = tpu.memref_slice %arg13[%dma_wait3A_2503, %dma_wait3A_2511, %dma_wait3A_2512] : memref<4x64x128xf32, #tpu.memory_space<vmem>> -> memref<1x32x128xf32, #tpu.memory_space<vmem>>
      %dma_wait3A_2514 = tpu.memref_squeeze %dma_wait3A_2513 : memref<1x32x128xf32, #tpu.memory_space<vmem>> -> memref<32x128xf32, #tpu.memory_space<vmem>>
      %dma_wait3A_2515 = arith.constant 0 : i32
      %dma_wait3A_2516 = arith.constant 0 : i32
      %dma_wait3A_2517 = tpu.memref_slice %arg6[%dma_wait3A_2515, %dma_wait3A_2516] : memref<64x1000000xf32, #tpu.memory_space<hbm>> -> memref<32x128xf32, #tpu.memory_space<hbm>>
      tpu.wait_dma2 semaphore(%arg18 : memref<!tpu.dma_semaphore, #tpu.memory_space<semaphore_mem>>) src(%dma_wait3A_2517 : memref<32x128xf32, #tpu.memory_space<hbm>>) dst(%dma_wait3A_2514 : memref<32x128xf32, #tpu.memory_space<vmem>>)
      %dma_wait3A_2518 = arith.constant 1 : i32
      %dma_wait3A_2519 = arith.constant 0 : i32
      %dma_wait3A_2520 = arith.constant 0 : i32
      %dma_wait3A_2521 = tpu.memref_slice %arg13[%dma_wait3A_2518, %dma_wait3A_2519, %dma_wait3A_2520] : memref<4x64x128xf32, #tpu.memory_space<vmem>> -> memref<1x32x128xf32, #tpu.memory_space<vmem>>
      %dma_wait3A_2522 = tpu.memref_squeeze %dma_wait3A_2521 : memref<1x32x128xf32, #tpu.memory_space<vmem>> -> memref<32x128xf32, #tpu.memory_space<vmem>>
      %dma_wait3A_2523 = arith.constant 0 : i32
      %dma_wait3A_2524 = arith.constant 0 : i32
      %dma_wait3A_2525 = tpu.memref_slice %arg6[%dma_wait3A_2523, %dma_wait3A_2524] : memref<64x1000000xf32, #tpu.memory_space<hbm>> -> memref<32x128xf32, #tpu.memory_space<hbm>>
      %dma_wait3A_2526 = arith.constant 0 : i32
      %dma_wait3A_2527 = arith.constant 0 : i32
      %dma_wait3A_2528 = tpu.memref_slice %arg13[%dma_wait3A_2518, %dma_wait3A_2526, %dma_wait3A_2527] : memref<4x64x128xf32, #tpu.memory_space<vmem>> -> memref<1x32x128xf32, #tpu.memory_space<vmem>>
      %dma_wait3A_2529 = tpu.memref_squeeze %dma_wait3A_2528 : memref<1x32x128xf32, #tpu.memory_space<vmem>> -> memref<32x128xf32, #tpu.memory_space<vmem>>
      %dma_wait3A_2530 = arith.constant 0 : i32
      %dma_wait3A_2531 = arith.constant 0 : i32
      %dma_wait3A_2532 = tpu.memref_slice %arg6[%dma_wait3A_2530, %dma_wait3A_2531] : memref<64x1000000xf32, #tpu.memory_space<hbm>> -> memref<32x128xf32, #tpu.memory_space<hbm>>
      tpu.wait_dma2 semaphore(%arg18 : memref<!tpu.dma_semaphore, #tpu.memory_space<semaphore_mem>>) src(%dma_wait3A_2532 : memref<32x128xf32, #tpu.memory_space<hbm>>) dst(%dma_wait3A_2529 : memref<32x128xf32, #tpu.memory_space<vmem>>)
      %get3A_2533 = arith.index_cast %add3A_2472 : i32 to index
      %get3A_2534 = tpu.vector_load %arg10[%get3A_2533] {strides = array<i32>} : memref<528xi32, #tpu.memory_space<vmem>>, vector<16xi32>,
      %slice3A_2535 = vector.extract_strided_slice %get3A_2534 {offsets = [0], sizes = [1], strides = [1]} : vector<16xi32> to vector<1xi32>
      %squeeze3A_2536 = vector.extract %slice3A_2535[0] : i32 from vector<1xi32>
      %get3A_2537 = arith.index_cast %add3A_2472 : i32 to index
      %get3A_2538 = tpu.vector_load %arg12[%get3A_2537] {strides = array<i32>} : memref<528xi32, #tpu.memory_space<vmem>>, vector<16xi32>,
      %slice3A_2539 = vector.extract_strided_slice %get3A_2538 {offsets = [0], sizes = [1], strides = [1]} : vector<16xi32> to vector<1xi32>
      %squeeze3A_2540 = vector.extract %slice3A_2539[0] : i32 from vector<1xi32>
      %mul3A_2541 = arith.constant 0 : i32
      %mul3A_2542 = vector.broadcast %mul3A_2541 : i32 to vector<16xi32>
      %mul3A_2543 = arith.muli %iota3A, %mul3A_2542 : vector<16xi32>
      %add3A_2544 = vector.broadcast %squeeze3A_2536 : i32 to vector<16xi32>
      %add3A_2545 = arith.addi %mul3A_2543, %add3A_2544 : vector<16xi32>
      %mul3A_2546 = arith.constant 0 : i32
      %mul3A_2547 = vector.broadcast %mul3A_2546 : i32 to vector<16xi32>
      %mul3A_2548 = arith.muli %iota3A, %mul3A_2547 : vector<16xi32>
      %add3A_2549 = vector.broadcast %squeeze3A_2540 : i32 to vector<16xi32>
      %add3A_2550 = arith.addi %mul3A_2548, %add3A_2549 : vector<16xi32>
      %add3A_2551 = arith.constant 0 : i32
      %add3A_2552 = vector.broadcast %add3A_2551 : i32 to vector<16xi32>
      %add3A_2553 = arith.addi %add3A_2552, %iota3A : vector<16xi32>
      %gather3A_2554 = arith.constant 1 : i32
      %gather3A_2555 = arith.constant 0 : i32
      %gather3A_2556 = arith.constant 0 : i32
      %gather3A_2557 = tpu.memref_slice %arg13[%gather3A_2554, %gather3A_2555, %gather3A_2556] : memref<4x64x128xf32, #tpu.memory_space<vmem>> -> memref<1x64x128xf32, #tpu.memory_space<vmem>>
      %gather3A_2558 = tpu.memref_squeeze %gather3A_2557 : memref<1x64x128xf32, #tpu.memory_space<vmem>> -> memref<64x128xf32, #tpu.memory_space<vmem>>
      %gather3A_2559 = tpu.vector_load_idx %gather3A_2558[%add3A_2553, %add3A_2545] : memref<64x128xf32, #tpu.memory_space<vmem>>[vector<16xi32>, vector<16xi32>], vector<16xf32>,
      %gather3A_2560 = arith.constant 1 : i32
      %gather3A_2561 = arith.constant 0 : i32
      %gather3A_2562 = arith.constant 0 : i32
      %gather3A_2563 = tpu.memref_slice %arg14[%gather3A_2560, %gather3A_2561, %gather3A_2562] : memref<4x64x128xf32, #tpu.memory_space<vmem>> -> memref<1x64x128xf32, #tpu.memory_space<vmem>>
      %gather3A_2564 = tpu.memref_squeeze %gather3A_2563 : memref<1x64x128xf32, #tpu.memory_space<vmem>> -> memref<64x128xf32, #tpu.memory_space<vmem>>
      %gather3A_2565 = tpu.vector_load_idx %gather3A_2564[%add3A_2553, %add3A_2550] : memref<64x128xf32, #tpu.memory_space<vmem>>[vector<16xi32>, vector<16xi32>], vector<16xf32>,
      %mul3A_2566 = arith.mulf %gather3A_2559, %gather3A_2565 : vector<16xf32>
      %add3A_2567 = arith.constant 16 : i32
      %add3A_2568 = vector.broadcast %add3A_2567 : i32 to vector<16xi32>
      %add3A_2569 = arith.addi %add3A_2568, %iota3A : vector<16xi32>
      %gather3A_2570 = arith.constant 1 : i32
      %gather3A_2571 = arith.constant 0 : i32
      %gather3A_2572 = arith.constant 0 : i32
      %gather3A_2573 = tpu.memref_slice %arg13[%gather3A_2570, %gather3A_2571, %gather3A_2572] : memref<4x64x128xf32, #tpu.memory_space<vmem>> -> memref<1x64x128xf32, #tpu.memory_space<vmem>>
      %gather3A_2574 = tpu.memref_squeeze %gather3A_2573 : memref<1x64x128xf32, #tpu.memory_space<vmem>> -> memref<64x128xf32, #tpu.memory_space<vmem>>
      %gather3A_2575 = tpu.vector_load_idx %gather3A_2574[%add3A_2569, %add3A_2545] : memref<64x128xf32, #tpu.memory_space<vmem>>[vector<16xi32>, vector<16xi32>], vector<16xf32>,
      %gather3A_2576 = arith.constant 1 : i32
      %gather3A_2577 = arith.constant 0 : i32
      %gather3A_2578 = arith.constant 0 : i32
      %gather3A_2579 = tpu.memref_slice %arg14[%gather3A_2576, %gather3A_2577, %gather3A_2578] : memref<4x64x128xf32, #tpu.memory_space<vmem>> -> memref<1x64x128xf32, #tpu.memory_space<vmem>>
      %gather3A_2580 = tpu.memref_squeeze %gather3A_2579 : memref<1x64x128xf32, #tpu.memory_space<vmem>> -> memref<64x128xf32, #tpu.memory_space<vmem>>
      %gather3A_2581 = tpu.vector_load_idx %gather3A_2580[%add3A_2569, %add3A_2550] : memref<64x128xf32, #tpu.memory_space<vmem>>[vector<16xi32>, vector<16xi32>], vector<16xf32>,
      %mul3A_2582 = arith.mulf %gather3A_2575, %gather3A_2581 : vector<16xf32>
      %add3A_2583 = arith.addf %mul3A_2566, %mul3A_2582 : vector<16xf32>
      %add3A_2584 = arith.constant 32 : i32
      %add3A_2585 = vector.broadcast %add3A_2584 : i32 to vector<16xi32>
      %add3A_2586 = arith.addi %add3A_2585, %iota3A : vector<16xi32>
      %gather3A_2587 = arith.constant 1 : i32
      %gather3A_2588 = arith.constant 0 : i32
      %gather3A_2589 = arith.constant 0 : i32
      %gather3A_2590 = tpu.memref_slice %arg13[%gather3A_2587, %gather3A_2588, %gather3A_2589] : memref<4x64x128xf32, #tpu.memory_space<vmem>> -> memref<1x64x128xf32, #tpu.memory_space<vmem>>
      %gather3A_2591 = tpu.memref_squeeze %gather3A_2590 : memref<1x64x128xf32, #tpu.memory_space<vmem>> -> memref<64x128xf32, #tpu.memory_space<vmem>>
      %gather3A_2592 = tpu.vector_load_idx %gather3A_2591[%add3A_2586, %add3A_2545] : memref<64x128xf32, #tpu.memory_space<vmem>>[vector<16xi32>, vector<16xi32>], vector<16xf32>,
      %gather3A_2593 = arith.constant 1 : i32
      %gather3A_2594 = arith.constant 0 : i32
      %gather3A_2595 = arith.constant 0 : i32
      %gather3A_2596 = tpu.memref_slice %arg14[%gather3A_2593, %gather3A_2594, %gather3A_2595] : memref<4x64x128xf32, #tpu.memory_space<vmem>> -> memref<1x64x128xf32, #tpu.memory_space<vmem>>
      %gather3A_2597 = tpu.memref_squeeze %gather3A_2596 : memref<1x64x128xf32, #tpu.memory_space<vmem>> -> memref<64x128xf32, #tpu.memory_space<vmem>>
      %gather3A_2598 = tpu.vector_load_idx %gather3A_2597[%add3A_2586, %add3A_2550] : memref<64x128xf32, #tpu.memory_space<vmem>>[vector<16xi32>, vector<16xi32>], vector<16xf32>,
      %mul3A_2599 = arith.mulf %gather3A_2592, %gather3A_2598 : vector<16xf32>
      %add3A_2600 = arith.addf %add3A_2583, %mul3A_2599 : vector<16xf32>
      %add3A_2601 = arith.constant 48 : i32
      %add3A_2602 = vector.broadcast %add3A_2601 : i32 to vector<16xi32>
      %add3A_2603 = arith.addi %add3A_2602, %iota3A : vector<16xi32>
      %gather3A_2604 = arith.constant 1 : i32
      %gather3A_2605 = arith.constant 0 : i32
      %gather3A_2606 = arith.constant 0 : i32
      %gather3A_2607 = tpu.memref_slice %arg13[%gather3A_2604, %gather3A_2605, %gather3A_2606] : memref<4x64x128xf32, #tpu.memory_space<vmem>> -> memref<1x64x128xf32, #tpu.memory_space<vmem>>
      %gather3A_2608 = tpu.memref_squeeze %gather3A_2607 : memref<1x64x128xf32, #tpu.memory_space<vmem>> -> memref<64x128xf32, #tpu.memory_space<vmem>>
      %gather3A_2609 = tpu.vector_load_idx %gather3A_2608[%add3A_2603, %add3A_2545] : memref<64x128xf32, #tpu.memory_space<vmem>>[vector<16xi32>, vector<16xi32>], vector<16xf32>,
      %gather3A_2610 = arith.constant 1 : i32
      %gather3A_2611 = arith.constant 0 : i32
      %gather3A_2612 = arith.constant 0 : i32
      %gather3A_2613 = tpu.memref_slice %arg14[%gather3A_2610, %gather3A_2611, %gather3A_2612] : memref<4x64x128xf32, #tpu.memory_space<vmem>> -> memref<1x64x128xf32, #tpu.memory_space<vmem>>
      %gather3A_2614 = tpu.memref_squeeze %gather3A_2613 : memref<1x64x128xf32, #tpu.memory_space<vmem>> -> memref<64x128xf32, #tpu.memory_space<vmem>>
      %gather3A_2615 = tpu.vector_load_idx %gather3A_2614[%add3A_2603, %add3A_2550] : memref<64x128xf32, #tpu.memory_space<vmem>>[vector<16xi32>, vector<16xi32>], vector<16xf32>,
      %mul3A_2616 = arith.mulf %gather3A_2609, %gather3A_2615 : vector<16xf32>
      %add3A_2617 = arith.addf %add3A_2600, %mul3A_2616 : vector<16xf32>
      %swap3A_2618 = arith.constant 9 : i32
      %swap3A_2619 = arith.index_cast %swap3A_2618 : i32 to index
      %swap3A_2620 = arith.constant 0 : index
      %swap3A_2621 = tpu.vector_load %arg15[%swap3A_2619, %swap3A_2620] {strides = array<i32>} : memref<16x16xf32, #tpu.memory_space<vmem>>, vector<16xf32>,
      tpu.vector_store %arg15[%swap3A_2619, %swap3A_2620], %add3A_2617 {strides = array<i32>} : memref<16x16xf32, #tpu.memory_space<vmem>>, vector<16xf32>,
      %add3A_2622 = arith.constant 4 : i32
      %add3A_2623 = arith.addi %add3A_2472, %add3A_2622 : i32
      %min3A_2624 = arith.constant 511 : i32
      %min3A_2625 = arith.minsi %add3A_2623, %min3A_2624 : i32
      %get3A_2626 = arith.index_cast %min3A_2625 : i32 to index
      %get3A_2627 = tpu.vector_load %arg9[%get3A_2626] {strides = array<i32>} : memref<528xi32, #tpu.memory_space<vmem>>, vector<16xi32>,
      %slice3A_2628 = vector.extract_strided_slice %get3A_2627 {offsets = [0], sizes = [1], strides = [1]} : vector<16xi32> to vector<1xi32>
      %squeeze3A_2629 = vector.extract %slice3A_2628[0] : i32 from vector<1xi32>
      %get3A_2630 = arith.index_cast %min3A_2625 : i32 to index
      %get3A_2631 = tpu.vector_load %arg11[%get3A_2630] {strides = array<i32>} : memref<528xi32, #tpu.memory_space<vmem>>, vector<16xi32>,
      %slice3A_2632 = vector.extract_strided_slice %get3A_2631 {offsets = [0], sizes = [1], strides = [1]} : vector<16xi32> to vector<1xi32>
      %squeeze3A_2633 = vector.extract %slice3A_2632[0] : i32 from vector<1xi32>
      %multiple_of3A_2634 = tpu.assume_multiple %squeeze3A_2629, 128 : i32
      %dma_start3A_2635 = arith.constant 1 : i32
      %dma_start3A_2636 = arith.constant 0 : i32
      %dma_start3A_2637 = arith.constant 0 : i32
      %dma_start3A_2638 = tpu.memref_slice %arg13[%dma_start3A_2635, %dma_start3A_2636, %dma_start3A_2637] : memref<4x64x128xf32, #tpu.memory_space<vmem>> -> memref<1x32x128xf32, #tpu.memory_space<vmem>>
      %dma_start3A_2639 = tpu.memref_squeeze %dma_start3A_2638 : memref<1x32x128xf32, #tpu.memory_space<vmem>> -> memref<32x128xf32, #tpu.memory_space<vmem>>
      %dma_start3A_2640 = arith.constant 0 : i32
      %dma_start3A_2641 = tpu.memref_slice %arg6[%dma_start3A_2640, %multiple_of3A_2634] : memref<64x1000000xf32, #tpu.memory_space<hbm>> -> memref<32x128xf32, #tpu.memory_space<hbm>>
      %dma_start3A_2642 = arith.constant 0 : i32
      %dma_start3A_2643 = arith.constant 0 : i32
      %dma_start3A_2644 = tpu.memref_slice %arg13[%dma_start3A_2635, %dma_start3A_2642, %dma_start3A_2643] : memref<4x64x128xf32, #tpu.memory_space<vmem>> -> memref<1x32x128xf32, #tpu.memory_space<vmem>>
      %dma_start3A_2645 = tpu.memref_squeeze %dma_start3A_2644 : memref<1x32x128xf32, #tpu.memory_space<vmem>> -> memref<32x128xf32, #tpu.memory_space<vmem>>
      %dma_start3A_2646 = arith.constant 0 : i32
      %dma_start3A_2647 = tpu.memref_slice %arg6[%dma_start3A_2646, %multiple_of3A_2634] : memref<64x1000000xf32, #tpu.memory_space<hbm>> -> memref<32x128xf32, #tpu.memory_space<hbm>>
      tpu.enqueue_dma source(%dma_start3A_2647 : memref<32x128xf32, #tpu.memory_space<hbm>>) target(%dma_start3A_2645 : memref<32x128xf32, #tpu.memory_space<vmem>>) target_semaphore(%arg18 : memref<!tpu.dma_semaphore, #tpu.memory_space<semaphore_mem>>)
      %multiple_of3A_2648 = tpu.assume_multiple %squeeze3A_2633, 128 : i32
      %dma_start3A_2649 = arith.constant 1 : i32
      %dma_start3A_2650 = arith.constant 0 : i32
      %dma_start3A_2651 = arith.constant 0 : i32
      %dma_start3A_2652 = tpu.memref_slice %arg14[%dma_start3A_2649, %dma_start3A_2650, %dma_start3A_2651] : memref<4x64x128xf32, #tpu.memory_space<vmem>> -> memref<1x32x128xf32, #tpu.memory_space<vmem>>
      %dma_start3A_2653 = tpu.memref_squeeze %dma_start3A_2652 : memref<1x32x128xf32, #tpu.memory_space<vmem>> -> memref<32x128xf32, #tpu.memory_space<vmem>>
      %dma_start3A_2654 = arith.constant 0 : i32
      %dma_start3A_2655 = tpu.memref_slice %arg7[%dma_start3A_2654, %multiple_of3A_2648] : memref<64x1000000xf32, #tpu.memory_space<hbm>> -> memref<32x128xf32, #tpu.memory_space<hbm>>
      %dma_start3A_2656 = arith.constant 0 : i32
      %dma_start3A_2657 = arith.constant 0 : i32
      %dma_start3A_2658 = tpu.memref_slice %arg14[%dma_start3A_2649, %dma_start3A_2656, %dma_start3A_2657] : memref<4x64x128xf32, #tpu.memory_space<vmem>> -> memref<1x32x128xf32, #tpu.memory_space<vmem>>
      %dma_start3A_2659 = tpu.memref_squeeze %dma_start3A_2658 : memref<1x32x128xf32, #tpu.memory_space<vmem>> -> memref<32x128xf32, #tpu.memory_space<vmem>>
      %dma_start3A_2660 = arith.constant 0 : i32
      %dma_start3A_2661 = tpu.memref_slice %arg7[%dma_start3A_2660, %multiple_of3A_2648] : memref<64x1000000xf32, #tpu.memory_space<hbm>> -> memref<32x128xf32, #tpu.memory_space<hbm>>
      tpu.enqueue_dma source(%dma_start3A_2661 : memref<32x128xf32, #tpu.memory_space<hbm>>) target(%dma_start3A_2659 : memref<32x128xf32, #tpu.memory_space<vmem>>) target_semaphore(%arg18 : memref<!tpu.dma_semaphore, #tpu.memory_space<semaphore_mem>>)
      %multiple_of3A_2662 = tpu.assume_multiple %squeeze3A_2629, 128 : i32
      %dma_start3A_2663 = arith.constant 1 : i32
      %dma_start3A_2664 = arith.constant 32 : i32
      %dma_start3A_2665 = arith.constant 0 : i32
      %dma_start3A_2666 = tpu.memref_slice %arg13[%dma_start3A_2663, %dma_start3A_2664, %dma_start3A_2665] : memref<4x64x128xf32, #tpu.memory_space<vmem>> -> memref<1x32x128xf32, #tpu.memory_space<vmem>>
      %dma_start3A_2667 = tpu.memref_squeeze %dma_start3A_2666 : memref<1x32x128xf32, #tpu.memory_space<vmem>> -> memref<32x128xf32, #tpu.memory_space<vmem>>
      %dma_start3A_2668 = arith.constant 32 : i32
      %dma_start3A_2669 = tpu.memref_slice %arg6[%dma_start3A_2668, %multiple_of3A_2662] : memref<64x1000000xf32, #tpu.memory_space<hbm>> -> memref<32x128xf32, #tpu.memory_space<hbm>>
      %dma_start3A_2670 = arith.constant 32 : i32
      %dma_start3A_2671 = arith.constant 0 : i32
      %dma_start3A_2672 = tpu.memref_slice %arg13[%dma_start3A_2663, %dma_start3A_2670, %dma_start3A_2671] : memref<4x64x128xf32, #tpu.memory_space<vmem>> -> memref<1x32x128xf32, #tpu.memory_space<vmem>>
      %dma_start3A_2673 = tpu.memref_squeeze %dma_start3A_2672 : memref<1x32x128xf32, #tpu.memory_space<vmem>> -> memref<32x128xf32, #tpu.memory_space<vmem>>
      %dma_start3A_2674 = arith.constant 32 : i32
      %dma_start3A_2675 = tpu.memref_slice %arg6[%dma_start3A_2674, %multiple_of3A_2662] : memref<64x1000000xf32, #tpu.memory_space<hbm>> -> memref<32x128xf32, #tpu.memory_space<hbm>>
      tpu.enqueue_dma source(%dma_start3A_2675 : memref<32x128xf32, #tpu.memory_space<hbm>>) target(%dma_start3A_2673 : memref<32x128xf32, #tpu.memory_space<vmem>>) target_semaphore(%arg18 : memref<!tpu.dma_semaphore, #tpu.memory_space<semaphore_mem>>)
      %multiple_of3A_2676 = tpu.assume_multiple %squeeze3A_2633, 128 : i32
      %dma_start3A_2677 = arith.constant 1 : i32
      %dma_start3A_2678 = arith.constant 32 : i32
      %dma_start3A_2679 = arith.constant 0 : i32
      %dma_start3A_2680 = tpu.memref_slice %arg14[%dma_start3A_2677, %dma_start3A_2678, %dma_start3A_2679] : memref<4x64x128xf32, #tpu.memory_space<vmem>> -> memref<1x32x128xf32, #tpu.memory_space<vmem>>
      %dma_start3A_2681 = tpu.memref_squeeze %dma_start3A_2680 : memref<1x32x128xf32, #tpu.memory_space<vmem>> -> memref<32x128xf32, #tpu.memory_space<vmem>>
      %dma_start3A_2682 = arith.constant 32 : i32
      %dma_start3A_2683 = tpu.memref_slice %arg7[%dma_start3A_2682, %multiple_of3A_2676] : memref<64x1000000xf32, #tpu.memory_space<hbm>> -> memref<32x128xf32, #tpu.memory_space<hbm>>
      %dma_start3A_2684 = arith.constant 32 : i32
      %dma_start3A_2685 = arith.constant 0 : i32
      %dma_start3A_2686 = tpu.memref_slice %arg14[%dma_start3A_2677, %dma_start3A_2684, %dma_start3A_2685] : memref<4x64x128xf32, #tpu.memory_space<vmem>> -> memref<1x32x128xf32, #tpu.memory_space<vmem>>
      %dma_start3A_2687 = tpu.memref_squeeze %dma_start3A_2686 : memref<1x32x128xf32, #tpu.memory_space<vmem>> -> memref<32x128xf32, #tpu.memory_space<vmem>>
      %dma_start3A_2688 = arith.constant 32 : i32
      %dma_start3A_2689 = tpu.memref_slice %arg7[%dma_start3A_2688, %multiple_of3A_2676] : memref<64x1000000xf32, #tpu.memory_space<hbm>> -> memref<32x128xf32, #tpu.memory_space<hbm>>
      tpu.enqueue_dma source(%dma_start3A_2689 : memref<32x128xf32, #tpu.memory_space<hbm>>) target(%dma_start3A_2687 : memref<32x128xf32, #tpu.memory_space<vmem>>) target_semaphore(%arg18 : memref<!tpu.dma_semaphore, #tpu.memory_space<semaphore_mem>>)
      %add3A_2690 = arith.constant 10 : i32
      %add3A_2691 = arith.addi %mul3A_502, %add3A_2690 : i32
      %dma_wait3A_2692 = arith.constant 2 : i32
      %dma_wait3A_2693 = arith.constant 0 : i32
      %dma_wait3A_2694 = arith.constant 0 : i32
      %dma_wait3A_2695 = tpu.memref_slice %arg13[%dma_wait3A_2692, %dma_wait3A_2693, %dma_wait3A_2694] : memref<4x64x128xf32, #tpu.memory_space<vmem>> -> memref<1x32x128xf32, #tpu.memory_space<vmem>>
      %dma_wait3A_2696 = tpu.memref_squeeze %dma_wait3A_2695 : memref<1x32x128xf32, #tpu.memory_space<vmem>> -> memref<32x128xf32, #tpu.memory_space<vmem>>
      %dma_wait3A_2697 = arith.constant 0 : i32
      %dma_wait3A_2698 = arith.constant 0 : i32
      %dma_wait3A_2699 = tpu.memref_slice %arg6[%dma_wait3A_2697, %dma_wait3A_2698] : memref<64x1000000xf32, #tpu.memory_space<hbm>> -> memref<32x128xf32, #tpu.memory_space<hbm>>
      %dma_wait3A_2700 = arith.constant 0 : i32
      %dma_wait3A_2701 = arith.constant 0 : i32
      %dma_wait3A_2702 = tpu.memref_slice %arg13[%dma_wait3A_2692, %dma_wait3A_2700, %dma_wait3A_2701] : memref<4x64x128xf32, #tpu.memory_space<vmem>> -> memref<1x32x128xf32, #tpu.memory_space<vmem>>
      %dma_wait3A_2703 = tpu.memref_squeeze %dma_wait3A_2702 : memref<1x32x128xf32, #tpu.memory_space<vmem>> -> memref<32x128xf32, #tpu.memory_space<vmem>>
      %dma_wait3A_2704 = arith.constant 0 : i32
      %dma_wait3A_2705 = arith.constant 0 : i32
      %dma_wait3A_2706 = tpu.memref_slice %arg6[%dma_wait3A_2704, %dma_wait3A_2705] : memref<64x1000000xf32, #tpu.memory_space<hbm>> -> memref<32x128xf32, #tpu.memory_space<hbm>>
      tpu.wait_dma2 semaphore(%arg19 : memref<!tpu.dma_semaphore, #tpu.memory_space<semaphore_mem>>) src(%dma_wait3A_2706 : memref<32x128xf32, #tpu.memory_space<hbm>>) dst(%dma_wait3A_2703 : memref<32x128xf32, #tpu.memory_space<vmem>>)
      %dma_wait3A_2707 = arith.constant 2 : i32
      %dma_wait3A_2708 = arith.constant 0 : i32
      %dma_wait3A_2709 = arith.constant 0 : i32
      %dma_wait3A_2710 = tpu.memref_slice %arg13[%dma_wait3A_2707, %dma_wait3A_2708, %dma_wait3A_2709] : memref<4x64x128xf32, #tpu.memory_space<vmem>> -> memref<1x32x128xf32, #tpu.memory_space<vmem>>
      %dma_wait3A_2711 = tpu.memref_squeeze %dma_wait3A_2710 : memref<1x32x128xf32, #tpu.memory_space<vmem>> -> memref<32x128xf32, #tpu.memory_space<vmem>>
      %dma_wait3A_2712 = arith.constant 0 : i32
      %dma_wait3A_2713 = arith.constant 0 : i32
      %dma_wait3A_2714 = tpu.memref_slice %arg6[%dma_wait3A_2712, %dma_wait3A_2713] : memref<64x1000000xf32, #tpu.memory_space<hbm>> -> memref<32x128xf32, #tpu.memory_space<hbm>>
      %dma_wait3A_2715 = arith.constant 0 : i32
      %dma_wait3A_2716 = arith.constant 0 : i32
      %dma_wait3A_2717 = tpu.memref_slice %arg13[%dma_wait3A_2707, %dma_wait3A_2715, %dma_wait3A_2716] : memref<4x64x128xf32, #tpu.memory_space<vmem>> -> memref<1x32x128xf32, #tpu.memory_space<vmem>>
      %dma_wait3A_2718 = tpu.memref_squeeze %dma_wait3A_2717 : memref<1x32x128xf32, #tpu.memory_space<vmem>> -> memref<32x128xf32, #tpu.memory_space<vmem>>
      %dma_wait3A_2719 = arith.constant 0 : i32
      %dma_wait3A_2720 = arith.constant 0 : i32
      %dma_wait3A_2721 = tpu.memref_slice %arg6[%dma_wait3A_2719, %dma_wait3A_2720] : memref<64x1000000xf32, #tpu.memory_space<hbm>> -> memref<32x128xf32, #tpu.memory_space<hbm>>
      tpu.wait_dma2 semaphore(%arg19 : memref<!tpu.dma_semaphore, #tpu.memory_space<semaphore_mem>>) src(%dma_wait3A_2721 : memref<32x128xf32, #tpu.memory_space<hbm>>) dst(%dma_wait3A_2718 : memref<32x128xf32, #tpu.memory_space<vmem>>)
      %dma_wait3A_2722 = arith.constant 2 : i32
      %dma_wait3A_2723 = arith.constant 0 : i32
      %dma_wait3A_2724 = arith.constant 0 : i32
      %dma_wait3A_2725 = tpu.memref_slice %arg13[%dma_wait3A_2722, %dma_wait3A_2723, %dma_wait3A_2724] : memref<4x64x128xf32, #tpu.memory_space<vmem>> -> memref<1x32x128xf32, #tpu.memory_space<vmem>>
      %dma_wait3A_2726 = tpu.memref_squeeze %dma_wait3A_2725 : memref<1x32x128xf32, #tpu.memory_space<vmem>> -> memref<32x128xf32, #tpu.memory_space<vmem>>
      %dma_wait3A_2727 = arith.constant 0 : i32
      %dma_wait3A_2728 = arith.constant 0 : i32
      %dma_wait3A_2729 = tpu.memref_slice %arg6[%dma_wait3A_2727, %dma_wait3A_2728] : memref<64x1000000xf32, #tpu.memory_space<hbm>> -> memref<32x128xf32, #tpu.memory_space<hbm>>
      %dma_wait3A_2730 = arith.constant 0 : i32
      %dma_wait3A_2731 = arith.constant 0 : i32
      %dma_wait3A_2732 = tpu.memref_slice %arg13[%dma_wait3A_2722, %dma_wait3A_2730, %dma_wait3A_2731] : memref<4x64x128xf32, #tpu.memory_space<vmem>> -> memref<1x32x128xf32, #tpu.memory_space<vmem>>
      %dma_wait3A_2733 = tpu.memref_squeeze %dma_wait3A_2732 : memref<1x32x128xf32, #tpu.memory_space<vmem>> -> memref<32x128xf32, #tpu.memory_space<vmem>>
      %dma_wait3A_2734 = arith.constant 0 : i32
      %dma_wait3A_2735 = arith.constant 0 : i32
      %dma_wait3A_2736 = tpu.memref_slice %arg6[%dma_wait3A_2734, %dma_wait3A_2735] : memref<64x1000000xf32, #tpu.memory_space<hbm>> -> memref<32x128xf32, #tpu.memory_space<hbm>>
      tpu.wait_dma2 semaphore(%arg19 : memref<!tpu.dma_semaphore, #tpu.memory_space<semaphore_mem>>) src(%dma_wait3A_2736 : memref<32x128xf32, #tpu.memory_space<hbm>>) dst(%dma_wait3A_2733 : memref<32x128xf32, #tpu.memory_space<vmem>>)
      %dma_wait3A_2737 = arith.constant 2 : i32
      %dma_wait3A_2738 = arith.constant 0 : i32
      %dma_wait3A_2739 = arith.constant 0 : i32
      %dma_wait3A_2740 = tpu.memref_slice %arg13[%dma_wait3A_2737, %dma_wait3A_2738, %dma_wait3A_2739] : memref<4x64x128xf32, #tpu.memory_space<vmem>> -> memref<1x32x128xf32, #tpu.memory_space<vmem>>
      %dma_wait3A_2741 = tpu.memref_squeeze %dma_wait3A_2740 : memref<1x32x128xf32, #tpu.memory_space<vmem>> -> memref<32x128xf32, #tpu.memory_space<vmem>>
      %dma_wait3A_2742 = arith.constant 0 : i32
      %dma_wait3A_2743 = arith.constant 0 : i32
      %dma_wait3A_2744 = tpu.memref_slice %arg6[%dma_wait3A_2742, %dma_wait3A_2743] : memref<64x1000000xf32, #tpu.memory_space<hbm>> -> memref<32x128xf32, #tpu.memory_space<hbm>>
      %dma_wait3A_2745 = arith.constant 0 : i32
      %dma_wait3A_2746 = arith.constant 0 : i32
      %dma_wait3A_2747 = tpu.memref_slice %arg13[%dma_wait3A_2737, %dma_wait3A_2745, %dma_wait3A_2746] : memref<4x64x128xf32, #tpu.memory_space<vmem>> -> memref<1x32x128xf32, #tpu.memory_space<vmem>>
      %dma_wait3A_2748 = tpu.memref_squeeze %dma_wait3A_2747 : memref<1x32x128xf32, #tpu.memory_space<vmem>> -> memref<32x128xf32, #tpu.memory_space<vmem>>
      %dma_wait3A_2749 = arith.constant 0 : i32
      %dma_wait3A_2750 = arith.constant 0 : i32
      %dma_wait3A_2751 = tpu.memref_slice %arg6[%dma_wait3A_2749, %dma_wait3A_2750] : memref<64x1000000xf32, #tpu.memory_space<hbm>> -> memref<32x128xf32, #tpu.memory_space<hbm>>
      tpu.wait_dma2 semaphore(%arg19 : memref<!tpu.dma_semaphore, #tpu.memory_space<semaphore_mem>>) src(%dma_wait3A_2751 : memref<32x128xf32, #tpu.memory_space<hbm>>) dst(%dma_wait3A_2748 : memref<32x128xf32, #tpu.memory_space<vmem>>)
      %get3A_2752 = arith.index_cast %add3A_2691 : i32 to index
      %get3A_2753 = tpu.vector_load %arg10[%get3A_2752] {strides = array<i32>} : memref<528xi32, #tpu.memory_space<vmem>>, vector<16xi32>,
      %slice3A_2754 = vector.extract_strided_slice %get3A_2753 {offsets = [0], sizes = [1], strides = [1]} : vector<16xi32> to vector<1xi32>
      %squeeze3A_2755 = vector.extract %slice3A_2754[0] : i32 from vector<1xi32>
      %get3A_2756 = arith.index_cast %add3A_2691 : i32 to index
      %get3A_2757 = tpu.vector_load %arg12[%get3A_2756] {strides = array<i32>} : memref<528xi32, #tpu.memory_space<vmem>>, vector<16xi32>,
      %slice3A_2758 = vector.extract_strided_slice %get3A_2757 {offsets = [0], sizes = [1], strides = [1]} : vector<16xi32> to vector<1xi32>
      %squeeze3A_2759 = vector.extract %slice3A_2758[0] : i32 from vector<1xi32>
      %mul3A_2760 = arith.constant 0 : i32
      %mul3A_2761 = vector.broadcast %mul3A_2760 : i32 to vector<16xi32>
      %mul3A_2762 = arith.muli %iota3A, %mul3A_2761 : vector<16xi32>
      %add3A_2763 = vector.broadcast %squeeze3A_2755 : i32 to vector<16xi32>
      %add3A_2764 = arith.addi %mul3A_2762, %add3A_2763 : vector<16xi32>
      %mul3A_2765 = arith.constant 0 : i32
      %mul3A_2766 = vector.broadcast %mul3A_2765 : i32 to vector<16xi32>
      %mul3A_2767 = arith.muli %iota3A, %mul3A_2766 : vector<16xi32>
      %add3A_2768 = vector.broadcast %squeeze3A_2759 : i32 to vector<16xi32>
      %add3A_2769 = arith.addi %mul3A_2767, %add3A_2768 : vector<16xi32>
      %add3A_2770 = arith.constant 0 : i32
      %add3A_2771 = vector.broadcast %add3A_2770 : i32 to vector<16xi32>
      %add3A_2772 = arith.addi %add3A_2771, %iota3A : vector<16xi32>
      %gather3A_2773 = arith.constant 2 : i32
      %gather3A_2774 = arith.constant 0 : i32
      %gather3A_2775 = arith.constant 0 : i32
      %gather3A_2776 = tpu.memref_slice %arg13[%gather3A_2773, %gather3A_2774, %gather3A_2775] : memref<4x64x128xf32, #tpu.memory_space<vmem>> -> memref<1x64x128xf32, #tpu.memory_space<vmem>>
      %gather3A_2777 = tpu.memref_squeeze %gather3A_2776 : memref<1x64x128xf32, #tpu.memory_space<vmem>> -> memref<64x128xf32, #tpu.memory_space<vmem>>
      %gather3A_2778 = tpu.vector_load_idx %gather3A_2777[%add3A_2772, %add3A_2764] : memref<64x128xf32, #tpu.memory_space<vmem>>[vector<16xi32>, vector<16xi32>], vector<16xf32>,
      %gather3A_2779 = arith.constant 2 : i32
      %gather3A_2780 = arith.constant 0 : i32
      %gather3A_2781 = arith.constant 0 : i32
      %gather3A_2782 = tpu.memref_slice %arg14[%gather3A_2779, %gather3A_2780, %gather3A_2781] : memref<4x64x128xf32, #tpu.memory_space<vmem>> -> memref<1x64x128xf32, #tpu.memory_space<vmem>>
      %gather3A_2783 = tpu.memref_squeeze %gather3A_2782 : memref<1x64x128xf32, #tpu.memory_space<vmem>> -> memref<64x128xf32, #tpu.memory_space<vmem>>
      %gather3A_2784 = tpu.vector_load_idx %gather3A_2783[%add3A_2772, %add3A_2769] : memref<64x128xf32, #tpu.memory_space<vmem>>[vector<16xi32>, vector<16xi32>], vector<16xf32>,
      %mul3A_2785 = arith.mulf %gather3A_2778, %gather3A_2784 : vector<16xf32>
      %add3A_2786 = arith.constant 16 : i32
      %add3A_2787 = vector.broadcast %add3A_2786 : i32 to vector<16xi32>
      %add3A_2788 = arith.addi %add3A_2787, %iota3A : vector<16xi32>
      %gather3A_2789 = arith.constant 2 : i32
      %gather3A_2790 = arith.constant 0 : i32
      %gather3A_2791 = arith.constant 0 : i32
      %gather3A_2792 = tpu.memref_slice %arg13[%gather3A_2789, %gather3A_2790, %gather3A_2791] : memref<4x64x128xf32, #tpu.memory_space<vmem>> -> memref<1x64x128xf32, #tpu.memory_space<vmem>>
      %gather3A_2793 = tpu.memref_squeeze %gather3A_2792 : memref<1x64x128xf32, #tpu.memory_space<vmem>> -> memref<64x128xf32, #tpu.memory_space<vmem>>
      %gather3A_2794 = tpu.vector_load_idx %gather3A_2793[%add3A_2788, %add3A_2764] : memref<64x128xf32, #tpu.memory_space<vmem>>[vector<16xi32>, vector<16xi32>], vector<16xf32>,
      %gather3A_2795 = arith.constant 2 : i32
      %gather3A_2796 = arith.constant 0 : i32
      %gather3A_2797 = arith.constant 0 : i32
      %gather3A_2798 = tpu.memref_slice %arg14[%gather3A_2795, %gather3A_2796, %gather3A_2797] : memref<4x64x128xf32, #tpu.memory_space<vmem>> -> memref<1x64x128xf32, #tpu.memory_space<vmem>>
      %gather3A_2799 = tpu.memref_squeeze %gather3A_2798 : memref<1x64x128xf32, #tpu.memory_space<vmem>> -> memref<64x128xf32, #tpu.memory_space<vmem>>
      %gather3A_2800 = tpu.vector_load_idx %gather3A_2799[%add3A_2788, %add3A_2769] : memref<64x128xf32, #tpu.memory_space<vmem>>[vector<16xi32>, vector<16xi32>], vector<16xf32>,
      %mul3A_2801 = arith.mulf %gather3A_2794, %gather3A_2800 : vector<16xf32>
      %add3A_2802 = arith.addf %mul3A_2785, %mul3A_2801 : vector<16xf32>
      %add3A_2803 = arith.constant 32 : i32
      %add3A_2804 = vector.broadcast %add3A_2803 : i32 to vector<16xi32>
      %add3A_2805 = arith.addi %add3A_2804, %iota3A : vector<16xi32>
      %gather3A_2806 = arith.constant 2 : i32
      %gather3A_2807 = arith.constant 0 : i32
      %gather3A_2808 = arith.constant 0 : i32
      %gather3A_2809 = tpu.memref_slice %arg13[%gather3A_2806, %gather3A_2807, %gather3A_2808] : memref<4x64x128xf32, #tpu.memory_space<vmem>> -> memref<1x64x128xf32, #tpu.memory_space<vmem>>
      %gather3A_2810 = tpu.memref_squeeze %gather3A_2809 : memref<1x64x128xf32, #tpu.memory_space<vmem>> -> memref<64x128xf32, #tpu.memory_space<vmem>>
      %gather3A_2811 = tpu.vector_load_idx %gather3A_2810[%add3A_2805, %add3A_2764] : memref<64x128xf32, #tpu.memory_space<vmem>>[vector<16xi32>, vector<16xi32>], vector<16xf32>,
      %gather3A_2812 = arith.constant 2 : i32
      %gather3A_2813 = arith.constant 0 : i32
      %gather3A_2814 = arith.constant 0 : i32
      %gather3A_2815 = tpu.memref_slice %arg14[%gather3A_2812, %gather3A_2813, %gather3A_2814] : memref<4x64x128xf32, #tpu.memory_space<vmem>> -> memref<1x64x128xf32, #tpu.memory_space<vmem>>
      %gather3A_2816 = tpu.memref_squeeze %gather3A_2815 : memref<1x64x128xf32, #tpu.memory_space<vmem>> -> memref<64x128xf32, #tpu.memory_space<vmem>>
      %gather3A_2817 = tpu.vector_load_idx %gather3A_2816[%add3A_2805, %add3A_2769] : memref<64x128xf32, #tpu.memory_space<vmem>>[vector<16xi32>, vector<16xi32>], vector<16xf32>,
      %mul3A_2818 = arith.mulf %gather3A_2811, %gather3A_2817 : vector<16xf32>
      %add3A_2819 = arith.addf %add3A_2802, %mul3A_2818 : vector<16xf32>
      %add3A_2820 = arith.constant 48 : i32
      %add3A_2821 = vector.broadcast %add3A_2820 : i32 to vector<16xi32>
      %add3A_2822 = arith.addi %add3A_2821, %iota3A : vector<16xi32>
      %gather3A_2823 = arith.constant 2 : i32
      %gather3A_2824 = arith.constant 0 : i32
      %gather3A_2825 = arith.constant 0 : i32
      %gather3A_2826 = tpu.memref_slice %arg13[%gather3A_2823, %gather3A_2824, %gather3A_2825] : memref<4x64x128xf32, #tpu.memory_space<vmem>> -> memref<1x64x128xf32, #tpu.memory_space<vmem>>
      %gather3A_2827 = tpu.memref_squeeze %gather3A_2826 : memref<1x64x128xf32, #tpu.memory_space<vmem>> -> memref<64x128xf32, #tpu.memory_space<vmem>>
      %gather3A_2828 = tpu.vector_load_idx %gather3A_2827[%add3A_2822, %add3A_2764] : memref<64x128xf32, #tpu.memory_space<vmem>>[vector<16xi32>, vector<16xi32>], vector<16xf32>,
      %gather3A_2829 = arith.constant 2 : i32
      %gather3A_2830 = arith.constant 0 : i32
      %gather3A_2831 = arith.constant 0 : i32
      %gather3A_2832 = tpu.memref_slice %arg14[%gather3A_2829, %gather3A_2830, %gather3A_2831] : memref<4x64x128xf32, #tpu.memory_space<vmem>> -> memref<1x64x128xf32, #tpu.memory_space<vmem>>
      %gather3A_2833 = tpu.memref_squeeze %gather3A_2832 : memref<1x64x128xf32, #tpu.memory_space<vmem>> -> memref<64x128xf32, #tpu.memory_space<vmem>>
      %gather3A_2834 = tpu.vector_load_idx %gather3A_2833[%add3A_2822, %add3A_2769] : memref<64x128xf32, #tpu.memory_space<vmem>>[vector<16xi32>, vector<16xi32>], vector<16xf32>,
      %mul3A_2835 = arith.mulf %gather3A_2828, %gather3A_2834 : vector<16xf32>
      %add3A_2836 = arith.addf %add3A_2819, %mul3A_2835 : vector<16xf32>
      %swap3A_2837 = arith.constant 10 : i32
      %swap3A_2838 = arith.index_cast %swap3A_2837 : i32 to index
      %swap3A_2839 = arith.constant 0 : index
      %swap3A_2840 = tpu.vector_load %arg15[%swap3A_2838, %swap3A_2839] {strides = array<i32>} : memref<16x16xf32, #tpu.memory_space<vmem>>, vector<16xf32>,
      tpu.vector_store %arg15[%swap3A_2838, %swap3A_2839], %add3A_2836 {strides = array<i32>} : memref<16x16xf32, #tpu.memory_space<vmem>>, vector<16xf32>,
      %add3A_2841 = arith.constant 4 : i32
      %add3A_2842 = arith.addi %add3A_2691, %add3A_2841 : i32
      %min3A_2843 = arith.constant 511 : i32
      %min3A_2844 = arith.minsi %add3A_2842, %min3A_2843 : i32
      %get3A_2845 = arith.index_cast %min3A_2844 : i32 to index
      %get3A_2846 = tpu.vector_load %arg9[%get3A_2845] {strides = array<i32>} : memref<528xi32, #tpu.memory_space<vmem>>, vector<16xi32>,
      %slice3A_2847 = vector.extract_strided_slice %get3A_2846 {offsets = [0], sizes = [1], strides = [1]} : vector<16xi32> to vector<1xi32>
      %squeeze3A_2848 = vector.extract %slice3A_2847[0] : i32 from vector<1xi32>
      %get3A_2849 = arith.index_cast %min3A_2844 : i32 to index
      %get3A_2850 = tpu.vector_load %arg11[%get3A_2849] {strides = array<i32>} : memref<528xi32, #tpu.memory_space<vmem>>, vector<16xi32>,
      %slice3A_2851 = vector.extract_strided_slice %get3A_2850 {offsets = [0], sizes = [1], strides = [1]} : vector<16xi32> to vector<1xi32>
      %squeeze3A_2852 = vector.extract %slice3A_2851[0] : i32 from vector<1xi32>
      %multiple_of3A_2853 = tpu.assume_multiple %squeeze3A_2848, 128 : i32
      %dma_start3A_2854 = arith.constant 2 : i32
      %dma_start3A_2855 = arith.constant 0 : i32
      %dma_start3A_2856 = arith.constant 0 : i32
      %dma_start3A_2857 = tpu.memref_slice %arg13[%dma_start3A_2854, %dma_start3A_2855, %dma_start3A_2856] : memref<4x64x128xf32, #tpu.memory_space<vmem>> -> memref<1x32x128xf32, #tpu.memory_space<vmem>>
      %dma_start3A_2858 = tpu.memref_squeeze %dma_start3A_2857 : memref<1x32x128xf32, #tpu.memory_space<vmem>> -> memref<32x128xf32, #tpu.memory_space<vmem>>
      %dma_start3A_2859 = arith.constant 0 : i32
      %dma_start3A_2860 = tpu.memref_slice %arg6[%dma_start3A_2859, %multiple_of3A_2853] : memref<64x1000000xf32, #tpu.memory_space<hbm>> -> memref<32x128xf32, #tpu.memory_space<hbm>>
      %dma_start3A_2861 = arith.constant 0 : i32
      %dma_start3A_2862 = arith.constant 0 : i32
      %dma_start3A_2863 = tpu.memref_slice %arg13[%dma_start3A_2854, %dma_start3A_2861, %dma_start3A_2862] : memref<4x64x128xf32, #tpu.memory_space<vmem>> -> memref<1x32x128xf32, #tpu.memory_space<vmem>>
      %dma_start3A_2864 = tpu.memref_squeeze %dma_start3A_2863 : memref<1x32x128xf32, #tpu.memory_space<vmem>> -> memref<32x128xf32, #tpu.memory_space<vmem>>
      %dma_start3A_2865 = arith.constant 0 : i32
      %dma_start3A_2866 = tpu.memref_slice %arg6[%dma_start3A_2865, %multiple_of3A_2853] : memref<64x1000000xf32, #tpu.memory_space<hbm>> -> memref<32x128xf32, #tpu.memory_space<hbm>>
      tpu.enqueue_dma source(%dma_start3A_2866 : memref<32x128xf32, #tpu.memory_space<hbm>>) target(%dma_start3A_2864 : memref<32x128xf32, #tpu.memory_space<vmem>>) target_semaphore(%arg19 : memref<!tpu.dma_semaphore, #tpu.memory_space<semaphore_mem>>)
      %multiple_of3A_2867 = tpu.assume_multiple %squeeze3A_2852, 128 : i32
      %dma_start3A_2868 = arith.constant 2 : i32
      %dma_start3A_2869 = arith.constant 0 : i32
      %dma_start3A_2870 = arith.constant 0 : i32
      %dma_start3A_2871 = tpu.memref_slice %arg14[%dma_start3A_2868, %dma_start3A_2869, %dma_start3A_2870] : memref<4x64x128xf32, #tpu.memory_space<vmem>> -> memref<1x32x128xf32, #tpu.memory_space<vmem>>
      %dma_start3A_2872 = tpu.memref_squeeze %dma_start3A_2871 : memref<1x32x128xf32, #tpu.memory_space<vmem>> -> memref<32x128xf32, #tpu.memory_space<vmem>>
      %dma_start3A_2873 = arith.constant 0 : i32
      %dma_start3A_2874 = tpu.memref_slice %arg7[%dma_start3A_2873, %multiple_of3A_2867] : memref<64x1000000xf32, #tpu.memory_space<hbm>> -> memref<32x128xf32, #tpu.memory_space<hbm>>
      %dma_start3A_2875 = arith.constant 0 : i32
      %dma_start3A_2876 = arith.constant 0 : i32
      %dma_start3A_2877 = tpu.memref_slice %arg14[%dma_start3A_2868, %dma_start3A_2875, %dma_start3A_2876] : memref<4x64x128xf32, #tpu.memory_space<vmem>> -> memref<1x32x128xf32, #tpu.memory_space<vmem>>
      %dma_start3A_2878 = tpu.memref_squeeze %dma_start3A_2877 : memref<1x32x128xf32, #tpu.memory_space<vmem>> -> memref<32x128xf32, #tpu.memory_space<vmem>>
      %dma_start3A_2879 = arith.constant 0 : i32
      %dma_start3A_2880 = tpu.memref_slice %arg7[%dma_start3A_2879, %multiple_of3A_2867] : memref<64x1000000xf32, #tpu.memory_space<hbm>> -> memref<32x128xf32, #tpu.memory_space<hbm>>
      tpu.enqueue_dma source(%dma_start3A_2880 : memref<32x128xf32, #tpu.memory_space<hbm>>) target(%dma_start3A_2878 : memref<32x128xf32, #tpu.memory_space<vmem>>) target_semaphore(%arg19 : memref<!tpu.dma_semaphore, #tpu.memory_space<semaphore_mem>>)
      %multiple_of3A_2881 = tpu.assume_multiple %squeeze3A_2848, 128 : i32
      %dma_start3A_2882 = arith.constant 2 : i32
      %dma_start3A_2883 = arith.constant 32 : i32
      %dma_start3A_2884 = arith.constant 0 : i32
      %dma_start3A_2885 = tpu.memref_slice %arg13[%dma_start3A_2882, %dma_start3A_2883, %dma_start3A_2884] : memref<4x64x128xf32, #tpu.memory_space<vmem>> -> memref<1x32x128xf32, #tpu.memory_space<vmem>>
      %dma_start3A_2886 = tpu.memref_squeeze %dma_start3A_2885 : memref<1x32x128xf32, #tpu.memory_space<vmem>> -> memref<32x128xf32, #tpu.memory_space<vmem>>
      %dma_start3A_2887 = arith.constant 32 : i32
      %dma_start3A_2888 = tpu.memref_slice %arg6[%dma_start3A_2887, %multiple_of3A_2881] : memref<64x1000000xf32, #tpu.memory_space<hbm>> -> memref<32x128xf32, #tpu.memory_space<hbm>>
      %dma_start3A_2889 = arith.constant 32 : i32
      %dma_start3A_2890 = arith.constant 0 : i32
      %dma_start3A_2891 = tpu.memref_slice %arg13[%dma_start3A_2882, %dma_start3A_2889, %dma_start3A_2890] : memref<4x64x128xf32, #tpu.memory_space<vmem>> -> memref<1x32x128xf32, #tpu.memory_space<vmem>>
      %dma_start3A_2892 = tpu.memref_squeeze %dma_start3A_2891 : memref<1x32x128xf32, #tpu.memory_space<vmem>> -> memref<32x128xf32, #tpu.memory_space<vmem>>
      %dma_start3A_2893 = arith.constant 32 : i32
      %dma_start3A_2894 = tpu.memref_slice %arg6[%dma_start3A_2893, %multiple_of3A_2881] : memref<64x1000000xf32, #tpu.memory_space<hbm>> -> memref<32x128xf32, #tpu.memory_space<hbm>>
      tpu.enqueue_dma source(%dma_start3A_2894 : memref<32x128xf32, #tpu.memory_space<hbm>>) target(%dma_start3A_2892 : memref<32x128xf32, #tpu.memory_space<vmem>>) target_semaphore(%arg19 : memref<!tpu.dma_semaphore, #tpu.memory_space<semaphore_mem>>)
      %multiple_of3A_2895 = tpu.assume_multiple %squeeze3A_2852, 128 : i32
      %dma_start3A_2896 = arith.constant 2 : i32
      %dma_start3A_2897 = arith.constant 32 : i32
      %dma_start3A_2898 = arith.constant 0 : i32
      %dma_start3A_2899 = tpu.memref_slice %arg14[%dma_start3A_2896, %dma_start3A_2897, %dma_start3A_2898] : memref<4x64x128xf32, #tpu.memory_space<vmem>> -> memref<1x32x128xf32, #tpu.memory_space<vmem>>
      %dma_start3A_2900 = tpu.memref_squeeze %dma_start3A_2899 : memref<1x32x128xf32, #tpu.memory_space<vmem>> -> memref<32x128xf32, #tpu.memory_space<vmem>>
      %dma_start3A_2901 = arith.constant 32 : i32
      %dma_start3A_2902 = tpu.memref_slice %arg7[%dma_start3A_2901, %multiple_of3A_2895] : memref<64x1000000xf32, #tpu.memory_space<hbm>> -> memref<32x128xf32, #tpu.memory_space<hbm>>
      %dma_start3A_2903 = arith.constant 32 : i32
      %dma_start3A_2904 = arith.constant 0 : i32
      %dma_start3A_2905 = tpu.memref_slice %arg14[%dma_start3A_2896, %dma_start3A_2903, %dma_start3A_2904] : memref<4x64x128xf32, #tpu.memory_space<vmem>> -> memref<1x32x128xf32, #tpu.memory_space<vmem>>
      %dma_start3A_2906 = tpu.memref_squeeze %dma_start3A_2905 : memref<1x32x128xf32, #tpu.memory_space<vmem>> -> memref<32x128xf32, #tpu.memory_space<vmem>>
      %dma_start3A_2907 = arith.constant 32 : i32
      %dma_start3A_2908 = tpu.memref_slice %arg7[%dma_start3A_2907, %multiple_of3A_2895] : memref<64x1000000xf32, #tpu.memory_space<hbm>> -> memref<32x128xf32, #tpu.memory_space<hbm>>
      tpu.enqueue_dma source(%dma_start3A_2908 : memref<32x128xf32, #tpu.memory_space<hbm>>) target(%dma_start3A_2906 : memref<32x128xf32, #tpu.memory_space<vmem>>) target_semaphore(%arg19 : memref<!tpu.dma_semaphore, #tpu.memory_space<semaphore_mem>>)
      %add3A_2909 = arith.constant 11 : i32
      %add3A_2910 = arith.addi %mul3A_502, %add3A_2909 : i32
      %dma_wait3A_2911 = arith.constant 3 : i32
      %dma_wait3A_2912 = arith.constant 0 : i32
      %dma_wait3A_2913 = arith.constant 0 : i32
      %dma_wait3A_2914 = tpu.memref_slice %arg13[%dma_wait3A_2911, %dma_wait3A_2912, %dma_wait3A_2913] : memref<4x64x128xf32, #tpu.memory_space<vmem>> -> memref<1x32x128xf32, #tpu.memory_space<vmem>>
      %dma_wait3A_2915 = tpu.memref_squeeze %dma_wait3A_2914 : memref<1x32x128xf32, #tpu.memory_space<vmem>> -> memref<32x128xf32, #tpu.memory_space<vmem>>
      %dma_wait3A_2916 = arith.constant 0 : i32
      %dma_wait3A_2917 = arith.constant 0 : i32
      %dma_wait3A_2918 = tpu.memref_slice %arg6[%dma_wait3A_2916, %dma_wait3A_2917] : memref<64x1000000xf32, #tpu.memory_space<hbm>> -> memref<32x128xf32, #tpu.memory_space<hbm>>
      %dma_wait3A_2919 = arith.constant 0 : i32
      %dma_wait3A_2920 = arith.constant 0 : i32
      %dma_wait3A_2921 = tpu.memref_slice %arg13[%dma_wait3A_2911, %dma_wait3A_2919, %dma_wait3A_2920] : memref<4x64x128xf32, #tpu.memory_space<vmem>> -> memref<1x32x128xf32, #tpu.memory_space<vmem>>
      %dma_wait3A_2922 = tpu.memref_squeeze %dma_wait3A_2921 : memref<1x32x128xf32, #tpu.memory_space<vmem>> -> memref<32x128xf32, #tpu.memory_space<vmem>>
      %dma_wait3A_2923 = arith.constant 0 : i32
      %dma_wait3A_2924 = arith.constant 0 : i32
      %dma_wait3A_2925 = tpu.memref_slice %arg6[%dma_wait3A_2923, %dma_wait3A_2924] : memref<64x1000000xf32, #tpu.memory_space<hbm>> -> memref<32x128xf32, #tpu.memory_space<hbm>>
      tpu.wait_dma2 semaphore(%arg20 : memref<!tpu.dma_semaphore, #tpu.memory_space<semaphore_mem>>) src(%dma_wait3A_2925 : memref<32x128xf32, #tpu.memory_space<hbm>>) dst(%dma_wait3A_2922 : memref<32x128xf32, #tpu.memory_space<vmem>>)
      %dma_wait3A_2926 = arith.constant 3 : i32
      %dma_wait3A_2927 = arith.constant 0 : i32
      %dma_wait3A_2928 = arith.constant 0 : i32
      %dma_wait3A_2929 = tpu.memref_slice %arg13[%dma_wait3A_2926, %dma_wait3A_2927, %dma_wait3A_2928] : memref<4x64x128xf32, #tpu.memory_space<vmem>> -> memref<1x32x128xf32, #tpu.memory_space<vmem>>
      %dma_wait3A_2930 = tpu.memref_squeeze %dma_wait3A_2929 : memref<1x32x128xf32, #tpu.memory_space<vmem>> -> memref<32x128xf32, #tpu.memory_space<vmem>>
      %dma_wait3A_2931 = arith.constant 0 : i32
      %dma_wait3A_2932 = arith.constant 0 : i32
      %dma_wait3A_2933 = tpu.memref_slice %arg6[%dma_wait3A_2931, %dma_wait3A_2932] : memref<64x1000000xf32, #tpu.memory_space<hbm>> -> memref<32x128xf32, #tpu.memory_space<hbm>>
      %dma_wait3A_2934 = arith.constant 0 : i32
      %dma_wait3A_2935 = arith.constant 0 : i32
      %dma_wait3A_2936 = tpu.memref_slice %arg13[%dma_wait3A_2926, %dma_wait3A_2934, %dma_wait3A_2935] : memref<4x64x128xf32, #tpu.memory_space<vmem>> -> memref<1x32x128xf32, #tpu.memory_space<vmem>>
      %dma_wait3A_2937 = tpu.memref_squeeze %dma_wait3A_2936 : memref<1x32x128xf32, #tpu.memory_space<vmem>> -> memref<32x128xf32, #tpu.memory_space<vmem>>
      %dma_wait3A_2938 = arith.constant 0 : i32
      %dma_wait3A_2939 = arith.constant 0 : i32
      %dma_wait3A_2940 = tpu.memref_slice %arg6[%dma_wait3A_2938, %dma_wait3A_2939] : memref<64x1000000xf32, #tpu.memory_space<hbm>> -> memref<32x128xf32, #tpu.memory_space<hbm>>
      tpu.wait_dma2 semaphore(%arg20 : memref<!tpu.dma_semaphore, #tpu.memory_space<semaphore_mem>>) src(%dma_wait3A_2940 : memref<32x128xf32, #tpu.memory_space<hbm>>) dst(%dma_wait3A_2937 : memref<32x128xf32, #tpu.memory_space<vmem>>)
      %dma_wait3A_2941 = arith.constant 3 : i32
      %dma_wait3A_2942 = arith.constant 0 : i32
      %dma_wait3A_2943 = arith.constant 0 : i32
      %dma_wait3A_2944 = tpu.memref_slice %arg13[%dma_wait3A_2941, %dma_wait3A_2942, %dma_wait3A_2943] : memref<4x64x128xf32, #tpu.memory_space<vmem>> -> memref<1x32x128xf32, #tpu.memory_space<vmem>>
      %dma_wait3A_2945 = tpu.memref_squeeze %dma_wait3A_2944 : memref<1x32x128xf32, #tpu.memory_space<vmem>> -> memref<32x128xf32, #tpu.memory_space<vmem>>
      %dma_wait3A_2946 = arith.constant 0 : i32
      %dma_wait3A_2947 = arith.constant 0 : i32
      %dma_wait3A_2948 = tpu.memref_slice %arg6[%dma_wait3A_2946, %dma_wait3A_2947] : memref<64x1000000xf32, #tpu.memory_space<hbm>> -> memref<32x128xf32, #tpu.memory_space<hbm>>
      %dma_wait3A_2949 = arith.constant 0 : i32
      %dma_wait3A_2950 = arith.constant 0 : i32
      %dma_wait3A_2951 = tpu.memref_slice %arg13[%dma_wait3A_2941, %dma_wait3A_2949, %dma_wait3A_2950] : memref<4x64x128xf32, #tpu.memory_space<vmem>> -> memref<1x32x128xf32, #tpu.memory_space<vmem>>
      %dma_wait3A_2952 = tpu.memref_squeeze %dma_wait3A_2951 : memref<1x32x128xf32, #tpu.memory_space<vmem>> -> memref<32x128xf32, #tpu.memory_space<vmem>>
      %dma_wait3A_2953 = arith.constant 0 : i32
      %dma_wait3A_2954 = arith.constant 0 : i32
      %dma_wait3A_2955 = tpu.memref_slice %arg6[%dma_wait3A_2953, %dma_wait3A_2954] : memref<64x1000000xf32, #tpu.memory_space<hbm>> -> memref<32x128xf32, #tpu.memory_space<hbm>>
      tpu.wait_dma2 semaphore(%arg20 : memref<!tpu.dma_semaphore, #tpu.memory_space<semaphore_mem>>) src(%dma_wait3A_2955 : memref<32x128xf32, #tpu.memory_space<hbm>>) dst(%dma_wait3A_2952 : memref<32x128xf32, #tpu.memory_space<vmem>>)
      %dma_wait3A_2956 = arith.constant 3 : i32
      %dma_wait3A_2957 = arith.constant 0 : i32
      %dma_wait3A_2958 = arith.constant 0 : i32
      %dma_wait3A_2959 = tpu.memref_slice %arg13[%dma_wait3A_2956, %dma_wait3A_2957, %dma_wait3A_2958] : memref<4x64x128xf32, #tpu.memory_space<vmem>> -> memref<1x32x128xf32, #tpu.memory_space<vmem>>
      %dma_wait3A_2960 = tpu.memref_squeeze %dma_wait3A_2959 : memref<1x32x128xf32, #tpu.memory_space<vmem>> -> memref<32x128xf32, #tpu.memory_space<vmem>>
      %dma_wait3A_2961 = arith.constant 0 : i32
      %dma_wait3A_2962 = arith.constant 0 : i32
      %dma_wait3A_2963 = tpu.memref_slice %arg6[%dma_wait3A_2961, %dma_wait3A_2962] : memref<64x1000000xf32, #tpu.memory_space<hbm>> -> memref<32x128xf32, #tpu.memory_space<hbm>>
      %dma_wait3A_2964 = arith.constant 0 : i32
      %dma_wait3A_2965 = arith.constant 0 : i32
      %dma_wait3A_2966 = tpu.memref_slice %arg13[%dma_wait3A_2956, %dma_wait3A_2964, %dma_wait3A_2965] : memref<4x64x128xf32, #tpu.memory_space<vmem>> -> memref<1x32x128xf32, #tpu.memory_space<vmem>>
      %dma_wait3A_2967 = tpu.memref_squeeze %dma_wait3A_2966 : memref<1x32x128xf32, #tpu.memory_space<vmem>> -> memref<32x128xf32, #tpu.memory_space<vmem>>
      %dma_wait3A_2968 = arith.constant 0 : i32
      %dma_wait3A_2969 = arith.constant 0 : i32
      %dma_wait3A_2970 = tpu.memref_slice %arg6[%dma_wait3A_2968, %dma_wait3A_2969] : memref<64x1000000xf32, #tpu.memory_space<hbm>> -> memref<32x128xf32, #tpu.memory_space<hbm>>
      tpu.wait_dma2 semaphore(%arg20 : memref<!tpu.dma_semaphore, #tpu.memory_space<semaphore_mem>>) src(%dma_wait3A_2970 : memref<32x128xf32, #tpu.memory_space<hbm>>) dst(%dma_wait3A_2967 : memref<32x128xf32, #tpu.memory_space<vmem>>)
      %get3A_2971 = arith.index_cast %add3A_2910 : i32 to index
      %get3A_2972 = tpu.vector_load %arg10[%get3A_2971] {strides = array<i32>} : memref<528xi32, #tpu.memory_space<vmem>>, vector<16xi32>,
      %slice3A_2973 = vector.extract_strided_slice %get3A_2972 {offsets = [0], sizes = [1], strides = [1]} : vector<16xi32> to vector<1xi32>
      %squeeze3A_2974 = vector.extract %slice3A_2973[0] : i32 from vector<1xi32>
      %get3A_2975 = arith.index_cast %add3A_2910 : i32 to index
      %get3A_2976 = tpu.vector_load %arg12[%get3A_2975] {strides = array<i32>} : memref<528xi32, #tpu.memory_space<vmem>>, vector<16xi32>,
      %slice3A_2977 = vector.extract_strided_slice %get3A_2976 {offsets = [0], sizes = [1], strides = [1]} : vector<16xi32> to vector<1xi32>
      %squeeze3A_2978 = vector.extract %slice3A_2977[0] : i32 from vector<1xi32>
      %mul3A_2979 = arith.constant 0 : i32
      %mul3A_2980 = vector.broadcast %mul3A_2979 : i32 to vector<16xi32>
      %mul3A_2981 = arith.muli %iota3A, %mul3A_2980 : vector<16xi32>
      %add3A_2982 = vector.broadcast %squeeze3A_2974 : i32 to vector<16xi32>
      %add3A_2983 = arith.addi %mul3A_2981, %add3A_2982 : vector<16xi32>
      %mul3A_2984 = arith.constant 0 : i32
      %mul3A_2985 = vector.broadcast %mul3A_2984 : i32 to vector<16xi32>
      %mul3A_2986 = arith.muli %iota3A, %mul3A_2985 : vector<16xi32>
      %add3A_2987 = vector.broadcast %squeeze3A_2978 : i32 to vector<16xi32>
      %add3A_2988 = arith.addi %mul3A_2986, %add3A_2987 : vector<16xi32>
      %add3A_2989 = arith.constant 0 : i32
      %add3A_2990 = vector.broadcast %add3A_2989 : i32 to vector<16xi32>
      %add3A_2991 = arith.addi %add3A_2990, %iota3A : vector<16xi32>
      %gather3A_2992 = arith.constant 3 : i32
      %gather3A_2993 = arith.constant 0 : i32
      %gather3A_2994 = arith.constant 0 : i32
      %gather3A_2995 = tpu.memref_slice %arg13[%gather3A_2992, %gather3A_2993, %gather3A_2994] : memref<4x64x128xf32, #tpu.memory_space<vmem>> -> memref<1x64x128xf32, #tpu.memory_space<vmem>>
      %gather3A_2996 = tpu.memref_squeeze %gather3A_2995 : memref<1x64x128xf32, #tpu.memory_space<vmem>> -> memref<64x128xf32, #tpu.memory_space<vmem>>
      %gather3A_2997 = tpu.vector_load_idx %gather3A_2996[%add3A_2991, %add3A_2983] : memref<64x128xf32, #tpu.memory_space<vmem>>[vector<16xi32>, vector<16xi32>], vector<16xf32>,
      %gather3A_2998 = arith.constant 3 : i32
      %gather3A_2999 = arith.constant 0 : i32
      %gather3A_3000 = arith.constant 0 : i32
      %gather3A_3001 = tpu.memref_slice %arg14[%gather3A_2998, %gather3A_2999, %gather3A_3000] : memref<4x64x128xf32, #tpu.memory_space<vmem>> -> memref<1x64x128xf32, #tpu.memory_space<vmem>>
      %gather3A_3002 = tpu.memref_squeeze %gather3A_3001 : memref<1x64x128xf32, #tpu.memory_space<vmem>> -> memref<64x128xf32, #tpu.memory_space<vmem>>
      %gather3A_3003 = tpu.vector_load_idx %gather3A_3002[%add3A_2991, %add3A_2988] : memref<64x128xf32, #tpu.memory_space<vmem>>[vector<16xi32>, vector<16xi32>], vector<16xf32>,
      %mul3A_3004 = arith.mulf %gather3A_2997, %gather3A_3003 : vector<16xf32>
      %add3A_3005 = arith.constant 16 : i32
      %add3A_3006 = vector.broadcast %add3A_3005 : i32 to vector<16xi32>
      %add3A_3007 = arith.addi %add3A_3006, %iota3A : vector<16xi32>
      %gather3A_3008 = arith.constant 3 : i32
      %gather3A_3009 = arith.constant 0 : i32
      %gather3A_3010 = arith.constant 0 : i32
      %gather3A_3011 = tpu.memref_slice %arg13[%gather3A_3008, %gather3A_3009, %gather3A_3010] : memref<4x64x128xf32, #tpu.memory_space<vmem>> -> memref<1x64x128xf32, #tpu.memory_space<vmem>>
      %gather3A_3012 = tpu.memref_squeeze %gather3A_3011 : memref<1x64x128xf32, #tpu.memory_space<vmem>> -> memref<64x128xf32, #tpu.memory_space<vmem>>
      %gather3A_3013 = tpu.vector_load_idx %gather3A_3012[%add3A_3007, %add3A_2983] : memref<64x128xf32, #tpu.memory_space<vmem>>[vector<16xi32>, vector<16xi32>], vector<16xf32>,
      %gather3A_3014 = arith.constant 3 : i32
      %gather3A_3015 = arith.constant 0 : i32
      %gather3A_3016 = arith.constant 0 : i32
      %gather3A_3017 = tpu.memref_slice %arg14[%gather3A_3014, %gather3A_3015, %gather3A_3016] : memref<4x64x128xf32, #tpu.memory_space<vmem>> -> memref<1x64x128xf32, #tpu.memory_space<vmem>>
      %gather3A_3018 = tpu.memref_squeeze %gather3A_3017 : memref<1x64x128xf32, #tpu.memory_space<vmem>> -> memref<64x128xf32, #tpu.memory_space<vmem>>
      %gather3A_3019 = tpu.vector_load_idx %gather3A_3018[%add3A_3007, %add3A_2988] : memref<64x128xf32, #tpu.memory_space<vmem>>[vector<16xi32>, vector<16xi32>], vector<16xf32>,
      %mul3A_3020 = arith.mulf %gather3A_3013, %gather3A_3019 : vector<16xf32>
      %add3A_3021 = arith.addf %mul3A_3004, %mul3A_3020 : vector<16xf32>
      %add3A_3022 = arith.constant 32 : i32
      %add3A_3023 = vector.broadcast %add3A_3022 : i32 to vector<16xi32>
      %add3A_3024 = arith.addi %add3A_3023, %iota3A : vector<16xi32>
      %gather3A_3025 = arith.constant 3 : i32
      %gather3A_3026 = arith.constant 0 : i32
      %gather3A_3027 = arith.constant 0 : i32
      %gather3A_3028 = tpu.memref_slice %arg13[%gather3A_3025, %gather3A_3026, %gather3A_3027] : memref<4x64x128xf32, #tpu.memory_space<vmem>> -> memref<1x64x128xf32, #tpu.memory_space<vmem>>
      %gather3A_3029 = tpu.memref_squeeze %gather3A_3028 : memref<1x64x128xf32, #tpu.memory_space<vmem>> -> memref<64x128xf32, #tpu.memory_space<vmem>>
      %gather3A_3030 = tpu.vector_load_idx %gather3A_3029[%add3A_3024, %add3A_2983] : memref<64x128xf32, #tpu.memory_space<vmem>>[vector<16xi32>, vector<16xi32>], vector<16xf32>,
      %gather3A_3031 = arith.constant 3 : i32
      %gather3A_3032 = arith.constant 0 : i32
      %gather3A_3033 = arith.constant 0 : i32
      %gather3A_3034 = tpu.memref_slice %arg14[%gather3A_3031, %gather3A_3032, %gather3A_3033] : memref<4x64x128xf32, #tpu.memory_space<vmem>> -> memref<1x64x128xf32, #tpu.memory_space<vmem>>
      %gather3A_3035 = tpu.memref_squeeze %gather3A_3034 : memref<1x64x128xf32, #tpu.memory_space<vmem>> -> memref<64x128xf32, #tpu.memory_space<vmem>>
      %gather3A_3036 = tpu.vector_load_idx %gather3A_3035[%add3A_3024, %add3A_2988] : memref<64x128xf32, #tpu.memory_space<vmem>>[vector<16xi32>, vector<16xi32>], vector<16xf32>,
      %mul3A_3037 = arith.mulf %gather3A_3030, %gather3A_3036 : vector<16xf32>
      %add3A_3038 = arith.addf %add3A_3021, %mul3A_3037 : vector<16xf32>
      %add3A_3039 = arith.constant 48 : i32
      %add3A_3040 = vector.broadcast %add3A_3039 : i32 to vector<16xi32>
      %add3A_3041 = arith.addi %add3A_3040, %iota3A : vector<16xi32>
      %gather3A_3042 = arith.constant 3 : i32
      %gather3A_3043 = arith.constant 0 : i32
      %gather3A_3044 = arith.constant 0 : i32
      %gather3A_3045 = tpu.memref_slice %arg13[%gather3A_3042, %gather3A_3043, %gather3A_3044] : memref<4x64x128xf32, #tpu.memory_space<vmem>> -> memref<1x64x128xf32, #tpu.memory_space<vmem>>
      %gather3A_3046 = tpu.memref_squeeze %gather3A_3045 : memref<1x64x128xf32, #tpu.memory_space<vmem>> -> memref<64x128xf32, #tpu.memory_space<vmem>>
      %gather3A_3047 = tpu.vector_load_idx %gather3A_3046[%add3A_3041, %add3A_2983] : memref<64x128xf32, #tpu.memory_space<vmem>>[vector<16xi32>, vector<16xi32>], vector<16xf32>,
      %gather3A_3048 = arith.constant 3 : i32
      %gather3A_3049 = arith.constant 0 : i32
      %gather3A_3050 = arith.constant 0 : i32
      %gather3A_3051 = tpu.memref_slice %arg14[%gather3A_3048, %gather3A_3049, %gather3A_3050] : memref<4x64x128xf32, #tpu.memory_space<vmem>> -> memref<1x64x128xf32, #tpu.memory_space<vmem>>
      %gather3A_3052 = tpu.memref_squeeze %gather3A_3051 : memref<1x64x128xf32, #tpu.memory_space<vmem>> -> memref<64x128xf32, #tpu.memory_space<vmem>>
      %gather3A_3053 = tpu.vector_load_idx %gather3A_3052[%add3A_3041, %add3A_2988] : memref<64x128xf32, #tpu.memory_space<vmem>>[vector<16xi32>, vector<16xi32>], vector<16xf32>,
      %mul3A_3054 = arith.mulf %gather3A_3047, %gather3A_3053 : vector<16xf32>
      %add3A_3055 = arith.addf %add3A_3038, %mul3A_3054 : vector<16xf32>
      %swap3A_3056 = arith.constant 11 : i32
      %swap3A_3057 = arith.index_cast %swap3A_3056 : i32 to index
      %swap3A_3058 = arith.constant 0 : index
      %swap3A_3059 = tpu.vector_load %arg15[%swap3A_3057, %swap3A_3058] {strides = array<i32>} : memref<16x16xf32, #tpu.memory_space<vmem>>, vector<16xf32>,
      tpu.vector_store %arg15[%swap3A_3057, %swap3A_3058], %add3A_3055 {strides = array<i32>} : memref<16x16xf32, #tpu.memory_space<vmem>>, vector<16xf32>,
      %add3A_3060 = arith.constant 4 : i32
      %add3A_3061 = arith.addi %add3A_2910, %add3A_3060 : i32
      %min3A_3062 = arith.constant 511 : i32
      %min3A_3063 = arith.minsi %add3A_3061, %min3A_3062 : i32
      %get3A_3064 = arith.index_cast %min3A_3063 : i32 to index
      %get3A_3065 = tpu.vector_load %arg9[%get3A_3064] {strides = array<i32>} : memref<528xi32, #tpu.memory_space<vmem>>, vector<16xi32>,
      %slice3A_3066 = vector.extract_strided_slice %get3A_3065 {offsets = [0], sizes = [1], strides = [1]} : vector<16xi32> to vector<1xi32>
      %squeeze3A_3067 = vector.extract %slice3A_3066[0] : i32 from vector<1xi32>
      %get3A_3068 = arith.index_cast %min3A_3063 : i32 to index
      %get3A_3069 = tpu.vector_load %arg11[%get3A_3068] {strides = array<i32>} : memref<528xi32, #tpu.memory_space<vmem>>, vector<16xi32>,
      %slice3A_3070 = vector.extract_strided_slice %get3A_3069 {offsets = [0], sizes = [1], strides = [1]} : vector<16xi32> to vector<1xi32>
      %squeeze3A_3071 = vector.extract %slice3A_3070[0] : i32 from vector<1xi32>
      %multiple_of3A_3072 = tpu.assume_multiple %squeeze3A_3067, 128 : i32
      %dma_start3A_3073 = arith.constant 3 : i32
      %dma_start3A_3074 = arith.constant 0 : i32
      %dma_start3A_3075 = arith.constant 0 : i32
      %dma_start3A_3076 = tpu.memref_slice %arg13[%dma_start3A_3073, %dma_start3A_3074, %dma_start3A_3075] : memref<4x64x128xf32, #tpu.memory_space<vmem>> -> memref<1x32x128xf32, #tpu.memory_space<vmem>>
      %dma_start3A_3077 = tpu.memref_squeeze %dma_start3A_3076 : memref<1x32x128xf32, #tpu.memory_space<vmem>> -> memref<32x128xf32, #tpu.memory_space<vmem>>
      %dma_start3A_3078 = arith.constant 0 : i32
      %dma_start3A_3079 = tpu.memref_slice %arg6[%dma_start3A_3078, %multiple_of3A_3072] : memref<64x1000000xf32, #tpu.memory_space<hbm>> -> memref<32x128xf32, #tpu.memory_space<hbm>>
      %dma_start3A_3080 = arith.constant 0 : i32
      %dma_start3A_3081 = arith.constant 0 : i32
      %dma_start3A_3082 = tpu.memref_slice %arg13[%dma_start3A_3073, %dma_start3A_3080, %dma_start3A_3081] : memref<4x64x128xf32, #tpu.memory_space<vmem>> -> memref<1x32x128xf32, #tpu.memory_space<vmem>>
      %dma_start3A_3083 = tpu.memref_squeeze %dma_start3A_3082 : memref<1x32x128xf32, #tpu.memory_space<vmem>> -> memref<32x128xf32, #tpu.memory_space<vmem>>
      %dma_start3A_3084 = arith.constant 0 : i32
      %dma_start3A_3085 = tpu.memref_slice %arg6[%dma_start3A_3084, %multiple_of3A_3072] : memref<64x1000000xf32, #tpu.memory_space<hbm>> -> memref<32x128xf32, #tpu.memory_space<hbm>>
      tpu.enqueue_dma source(%dma_start3A_3085 : memref<32x128xf32, #tpu.memory_space<hbm>>) target(%dma_start3A_3083 : memref<32x128xf32, #tpu.memory_space<vmem>>) target_semaphore(%arg20 : memref<!tpu.dma_semaphore, #tpu.memory_space<semaphore_mem>>)
      %multiple_of3A_3086 = tpu.assume_multiple %squeeze3A_3071, 128 : i32
      %dma_start3A_3087 = arith.constant 3 : i32
      %dma_start3A_3088 = arith.constant 0 : i32
      %dma_start3A_3089 = arith.constant 0 : i32
      %dma_start3A_3090 = tpu.memref_slice %arg14[%dma_start3A_3087, %dma_start3A_3088, %dma_start3A_3089] : memref<4x64x128xf32, #tpu.memory_space<vmem>> -> memref<1x32x128xf32, #tpu.memory_space<vmem>>
      %dma_start3A_3091 = tpu.memref_squeeze %dma_start3A_3090 : memref<1x32x128xf32, #tpu.memory_space<vmem>> -> memref<32x128xf32, #tpu.memory_space<vmem>>
      %dma_start3A_3092 = arith.constant 0 : i32
      %dma_start3A_3093 = tpu.memref_slice %arg7[%dma_start3A_3092, %multiple_of3A_3086] : memref<64x1000000xf32, #tpu.memory_space<hbm>> -> memref<32x128xf32, #tpu.memory_space<hbm>>
      %dma_start3A_3094 = arith.constant 0 : i32
      %dma_start3A_3095 = arith.constant 0 : i32
      %dma_start3A_3096 = tpu.memref_slice %arg14[%dma_start3A_3087, %dma_start3A_3094, %dma_start3A_3095] : memref<4x64x128xf32, #tpu.memory_space<vmem>> -> memref<1x32x128xf32, #tpu.memory_space<vmem>>
      %dma_start3A_3097 = tpu.memref_squeeze %dma_start3A_3096 : memref<1x32x128xf32, #tpu.memory_space<vmem>> -> memref<32x128xf32, #tpu.memory_space<vmem>>
      %dma_start3A_3098 = arith.constant 0 : i32
      %dma_start3A_3099 = tpu.memref_slice %arg7[%dma_start3A_3098, %multiple_of3A_3086] : memref<64x1000000xf32, #tpu.memory_space<hbm>> -> memref<32x128xf32, #tpu.memory_space<hbm>>
      tpu.enqueue_dma source(%dma_start3A_3099 : memref<32x128xf32, #tpu.memory_space<hbm>>) target(%dma_start3A_3097 : memref<32x128xf32, #tpu.memory_space<vmem>>) target_semaphore(%arg20 : memref<!tpu.dma_semaphore, #tpu.memory_space<semaphore_mem>>)
      %multiple_of3A_3100 = tpu.assume_multiple %squeeze3A_3067, 128 : i32
      %dma_start3A_3101 = arith.constant 3 : i32
      %dma_start3A_3102 = arith.constant 32 : i32
      %dma_start3A_3103 = arith.constant 0 : i32
      %dma_start3A_3104 = tpu.memref_slice %arg13[%dma_start3A_3101, %dma_start3A_3102, %dma_start3A_3103] : memref<4x64x128xf32, #tpu.memory_space<vmem>> -> memref<1x32x128xf32, #tpu.memory_space<vmem>>
      %dma_start3A_3105 = tpu.memref_squeeze %dma_start3A_3104 : memref<1x32x128xf32, #tpu.memory_space<vmem>> -> memref<32x128xf32, #tpu.memory_space<vmem>>
      %dma_start3A_3106 = arith.constant 32 : i32
      %dma_start3A_3107 = tpu.memref_slice %arg6[%dma_start3A_3106, %multiple_of3A_3100] : memref<64x1000000xf32, #tpu.memory_space<hbm>> -> memref<32x128xf32, #tpu.memory_space<hbm>>
      %dma_start3A_3108 = arith.constant 32 : i32
      %dma_start3A_3109 = arith.constant 0 : i32
      %dma_start3A_3110 = tpu.memref_slice %arg13[%dma_start3A_3101, %dma_start3A_3108, %dma_start3A_3109] : memref<4x64x128xf32, #tpu.memory_space<vmem>> -> memref<1x32x128xf32, #tpu.memory_space<vmem>>
      %dma_start3A_3111 = tpu.memref_squeeze %dma_start3A_3110 : memref<1x32x128xf32, #tpu.memory_space<vmem>> -> memref<32x128xf32, #tpu.memory_space<vmem>>
      %dma_start3A_3112 = arith.constant 32 : i32
      %dma_start3A_3113 = tpu.memref_slice %arg6[%dma_start3A_3112, %multiple_of3A_3100] : memref<64x1000000xf32, #tpu.memory_space<hbm>> -> memref<32x128xf32, #tpu.memory_space<hbm>>
      tpu.enqueue_dma source(%dma_start3A_3113 : memref<32x128xf32, #tpu.memory_space<hbm>>) target(%dma_start3A_3111 : memref<32x128xf32, #tpu.memory_space<vmem>>) target_semaphore(%arg20 : memref<!tpu.dma_semaphore, #tpu.memory_space<semaphore_mem>>)
      %multiple_of3A_3114 = tpu.assume_multiple %squeeze3A_3071, 128 : i32
      %dma_start3A_3115 = arith.constant 3 : i32
      %dma_start3A_3116 = arith.constant 32 : i32
      %dma_start3A_3117 = arith.constant 0 : i32
      %dma_start3A_3118 = tpu.memref_slice %arg14[%dma_start3A_3115, %dma_start3A_3116, %dma_start3A_3117] : memref<4x64x128xf32, #tpu.memory_space<vmem>> -> memref<1x32x128xf32, #tpu.memory_space<vmem>>
      %dma_start3A_3119 = tpu.memref_squeeze %dma_start3A_3118 : memref<1x32x128xf32, #tpu.memory_space<vmem>> -> memref<32x128xf32, #tpu.memory_space<vmem>>
      %dma_start3A_3120 = arith.constant 32 : i32
      %dma_start3A_3121 = tpu.memref_slice %arg7[%dma_start3A_3120, %multiple_of3A_3114] : memref<64x1000000xf32, #tpu.memory_space<hbm>> -> memref<32x128xf32, #tpu.memory_space<hbm>>
      %dma_start3A_3122 = arith.constant 32 : i32
      %dma_start3A_3123 = arith.constant 0 : i32
      %dma_start3A_3124 = tpu.memref_slice %arg14[%dma_start3A_3115, %dma_start3A_3122, %dma_start3A_3123] : memref<4x64x128xf32, #tpu.memory_space<vmem>> -> memref<1x32x128xf32, #tpu.memory_space<vmem>>
      %dma_start3A_3125 = tpu.memref_squeeze %dma_start3A_3124 : memref<1x32x128xf32, #tpu.memory_space<vmem>> -> memref<32x128xf32, #tpu.memory_space<vmem>>
      %dma_start3A_3126 = arith.constant 32 : i32
      %dma_start3A_3127 = tpu.memref_slice %arg7[%dma_start3A_3126, %multiple_of3A_3114] : memref<64x1000000xf32, #tpu.memory_space<hbm>> -> memref<32x128xf32, #tpu.memory_space<hbm>>
      tpu.enqueue_dma source(%dma_start3A_3127 : memref<32x128xf32, #tpu.memory_space<hbm>>) target(%dma_start3A_3125 : memref<32x128xf32, #tpu.memory_space<vmem>>) target_semaphore(%arg20 : memref<!tpu.dma_semaphore, #tpu.memory_space<semaphore_mem>>)
      %add3A_3128 = arith.constant 12 : i32
      %add3A_3129 = arith.addi %mul3A_502, %add3A_3128 : i32
      %dma_wait3A_3130 = arith.constant 0 : i32
      %dma_wait3A_3131 = arith.constant 0 : i32
      %dma_wait3A_3132 = arith.constant 0 : i32
      %dma_wait3A_3133 = tpu.memref_slice %arg13[%dma_wait3A_3130, %dma_wait3A_3131, %dma_wait3A_3132] : memref<4x64x128xf32, #tpu.memory_space<vmem>> -> memref<1x32x128xf32, #tpu.memory_space<vmem>>
      %dma_wait3A_3134 = tpu.memref_squeeze %dma_wait3A_3133 : memref<1x32x128xf32, #tpu.memory_space<vmem>> -> memref<32x128xf32, #tpu.memory_space<vmem>>
      %dma_wait3A_3135 = arith.constant 0 : i32
      %dma_wait3A_3136 = arith.constant 0 : i32
      %dma_wait3A_3137 = tpu.memref_slice %arg6[%dma_wait3A_3135, %dma_wait3A_3136] : memref<64x1000000xf32, #tpu.memory_space<hbm>> -> memref<32x128xf32, #tpu.memory_space<hbm>>
      %dma_wait3A_3138 = arith.constant 0 : i32
      %dma_wait3A_3139 = arith.constant 0 : i32
      %dma_wait3A_3140 = tpu.memref_slice %arg13[%dma_wait3A_3130, %dma_wait3A_3138, %dma_wait3A_3139] : memref<4x64x128xf32, #tpu.memory_space<vmem>> -> memref<1x32x128xf32, #tpu.memory_space<vmem>>
      %dma_wait3A_3141 = tpu.memref_squeeze %dma_wait3A_3140 : memref<1x32x128xf32, #tpu.memory_space<vmem>> -> memref<32x128xf32, #tpu.memory_space<vmem>>
      %dma_wait3A_3142 = arith.constant 0 : i32
      %dma_wait3A_3143 = arith.constant 0 : i32
      %dma_wait3A_3144 = tpu.memref_slice %arg6[%dma_wait3A_3142, %dma_wait3A_3143] : memref<64x1000000xf32, #tpu.memory_space<hbm>> -> memref<32x128xf32, #tpu.memory_space<hbm>>
      tpu.wait_dma2 semaphore(%arg17 : memref<!tpu.dma_semaphore, #tpu.memory_space<semaphore_mem>>) src(%dma_wait3A_3144 : memref<32x128xf32, #tpu.memory_space<hbm>>) dst(%dma_wait3A_3141 : memref<32x128xf32, #tpu.memory_space<vmem>>)
      %dma_wait3A_3145 = arith.constant 0 : i32
      %dma_wait3A_3146 = arith.constant 0 : i32
      %dma_wait3A_3147 = arith.constant 0 : i32
      %dma_wait3A_3148 = tpu.memref_slice %arg13[%dma_wait3A_3145, %dma_wait3A_3146, %dma_wait3A_3147] : memref<4x64x128xf32, #tpu.memory_space<vmem>> -> memref<1x32x128xf32, #tpu.memory_space<vmem>>
      %dma_wait3A_3149 = tpu.memref_squeeze %dma_wait3A_3148 : memref<1x32x128xf32, #tpu.memory_space<vmem>> -> memref<32x128xf32, #tpu.memory_space<vmem>>
      %dma_wait3A_3150 = arith.constant 0 : i32
      %dma_wait3A_3151 = arith.constant 0 : i32
      %dma_wait3A_3152 = tpu.memref_slice %arg6[%dma_wait3A_3150, %dma_wait3A_3151] : memref<64x1000000xf32, #tpu.memory_space<hbm>> -> memref<32x128xf32, #tpu.memory_space<hbm>>
      %dma_wait3A_3153 = arith.constant 0 : i32
      %dma_wait3A_3154 = arith.constant 0 : i32
      %dma_wait3A_3155 = tpu.memref_slice %arg13[%dma_wait3A_3145, %dma_wait3A_3153, %dma_wait3A_3154] : memref<4x64x128xf32, #tpu.memory_space<vmem>> -> memref<1x32x128xf32, #tpu.memory_space<vmem>>
      %dma_wait3A_3156 = tpu.memref_squeeze %dma_wait3A_3155 : memref<1x32x128xf32, #tpu.memory_space<vmem>> -> memref<32x128xf32, #tpu.memory_space<vmem>>
      %dma_wait3A_3157 = arith.constant 0 : i32
      %dma_wait3A_3158 = arith.constant 0 : i32
      %dma_wait3A_3159 = tpu.memref_slice %arg6[%dma_wait3A_3157, %dma_wait3A_3158] : memref<64x1000000xf32, #tpu.memory_space<hbm>> -> memref<32x128xf32, #tpu.memory_space<hbm>>
      tpu.wait_dma2 semaphore(%arg17 : memref<!tpu.dma_semaphore, #tpu.memory_space<semaphore_mem>>) src(%dma_wait3A_3159 : memref<32x128xf32, #tpu.memory_space<hbm>>) dst(%dma_wait3A_3156 : memref<32x128xf32, #tpu.memory_space<vmem>>)
      %dma_wait3A_3160 = arith.constant 0 : i32
      %dma_wait3A_3161 = arith.constant 0 : i32
      %dma_wait3A_3162 = arith.constant 0 : i32
      %dma_wait3A_3163 = tpu.memref_slice %arg13[%dma_wait3A_3160, %dma_wait3A_3161, %dma_wait3A_3162] : memref<4x64x128xf32, #tpu.memory_space<vmem>> -> memref<1x32x128xf32, #tpu.memory_space<vmem>>
      %dma_wait3A_3164 = tpu.memref_squeeze %dma_wait3A_3163 : memref<1x32x128xf32, #tpu.memory_space<vmem>> -> memref<32x128xf32, #tpu.memory_space<vmem>>
      %dma_wait3A_3165 = arith.constant 0 : i32
      %dma_wait3A_3166 = arith.constant 0 : i32
      %dma_wait3A_3167 = tpu.memref_slice %arg6[%dma_wait3A_3165, %dma_wait3A_3166] : memref<64x1000000xf32, #tpu.memory_space<hbm>> -> memref<32x128xf32, #tpu.memory_space<hbm>>
      %dma_wait3A_3168 = arith.constant 0 : i32
      %dma_wait3A_3169 = arith.constant 0 : i32
      %dma_wait3A_3170 = tpu.memref_slice %arg13[%dma_wait3A_3160, %dma_wait3A_3168, %dma_wait3A_3169] : memref<4x64x128xf32, #tpu.memory_space<vmem>> -> memref<1x32x128xf32, #tpu.memory_space<vmem>>
      %dma_wait3A_3171 = tpu.memref_squeeze %dma_wait3A_3170 : memref<1x32x128xf32, #tpu.memory_space<vmem>> -> memref<32x128xf32, #tpu.memory_space<vmem>>
      %dma_wait3A_3172 = arith.constant 0 : i32
      %dma_wait3A_3173 = arith.constant 0 : i32
      %dma_wait3A_3174 = tpu.memref_slice %arg6[%dma_wait3A_3172, %dma_wait3A_3173] : memref<64x1000000xf32, #tpu.memory_space<hbm>> -> memref<32x128xf32, #tpu.memory_space<hbm>>
      tpu.wait_dma2 semaphore(%arg17 : memref<!tpu.dma_semaphore, #tpu.memory_space<semaphore_mem>>) src(%dma_wait3A_3174 : memref<32x128xf32, #tpu.memory_space<hbm>>) dst(%dma_wait3A_3171 : memref<32x128xf32, #tpu.memory_space<vmem>>)
      %dma_wait3A_3175 = arith.constant 0 : i32
      %dma_wait3A_3176 = arith.constant 0 : i32
      %dma_wait3A_3177 = arith.constant 0 : i32
      %dma_wait3A_3178 = tpu.memref_slice %arg13[%dma_wait3A_3175, %dma_wait3A_3176, %dma_wait3A_3177] : memref<4x64x128xf32, #tpu.memory_space<vmem>> -> memref<1x32x128xf32, #tpu.memory_space<vmem>>
      %dma_wait3A_3179 = tpu.memref_squeeze %dma_wait3A_3178 : memref<1x32x128xf32, #tpu.memory_space<vmem>> -> memref<32x128xf32, #tpu.memory_space<vmem>>
      %dma_wait3A_3180 = arith.constant 0 : i32
      %dma_wait3A_3181 = arith.constant 0 : i32
      %dma_wait3A_3182 = tpu.memref_slice %arg6[%dma_wait3A_3180, %dma_wait3A_3181] : memref<64x1000000xf32, #tpu.memory_space<hbm>> -> memref<32x128xf32, #tpu.memory_space<hbm>>
      %dma_wait3A_3183 = arith.constant 0 : i32
      %dma_wait3A_3184 = arith.constant 0 : i32
      %dma_wait3A_3185 = tpu.memref_slice %arg13[%dma_wait3A_3175, %dma_wait3A_3183, %dma_wait3A_3184] : memref<4x64x128xf32, #tpu.memory_space<vmem>> -> memref<1x32x128xf32, #tpu.memory_space<vmem>>
      %dma_wait3A_3186 = tpu.memref_squeeze %dma_wait3A_3185 : memref<1x32x128xf32, #tpu.memory_space<vmem>> -> memref<32x128xf32, #tpu.memory_space<vmem>>
      %dma_wait3A_3187 = arith.constant 0 : i32
      %dma_wait3A_3188 = arith.constant 0 : i32
      %dma_wait3A_3189 = tpu.memref_slice %arg6[%dma_wait3A_3187, %dma_wait3A_3188] : memref<64x1000000xf32, #tpu.memory_space<hbm>> -> memref<32x128xf32, #tpu.memory_space<hbm>>
      tpu.wait_dma2 semaphore(%arg17 : memref<!tpu.dma_semaphore, #tpu.memory_space<semaphore_mem>>) src(%dma_wait3A_3189 : memref<32x128xf32, #tpu.memory_space<hbm>>) dst(%dma_wait3A_3186 : memref<32x128xf32, #tpu.memory_space<vmem>>)
      %get3A_3190 = arith.index_cast %add3A_3129 : i32 to index
      %get3A_3191 = tpu.vector_load %arg10[%get3A_3190] {strides = array<i32>} : memref<528xi32, #tpu.memory_space<vmem>>, vector<16xi32>,
      %slice3A_3192 = vector.extract_strided_slice %get3A_3191 {offsets = [0], sizes = [1], strides = [1]} : vector<16xi32> to vector<1xi32>
      %squeeze3A_3193 = vector.extract %slice3A_3192[0] : i32 from vector<1xi32>
      %get3A_3194 = arith.index_cast %add3A_3129 : i32 to index
      %get3A_3195 = tpu.vector_load %arg12[%get3A_3194] {strides = array<i32>} : memref<528xi32, #tpu.memory_space<vmem>>, vector<16xi32>,
      %slice3A_3196 = vector.extract_strided_slice %get3A_3195 {offsets = [0], sizes = [1], strides = [1]} : vector<16xi32> to vector<1xi32>
      %squeeze3A_3197 = vector.extract %slice3A_3196[0] : i32 from vector<1xi32>
      %mul3A_3198 = arith.constant 0 : i32
      %mul3A_3199 = vector.broadcast %mul3A_3198 : i32 to vector<16xi32>
      %mul3A_3200 = arith.muli %iota3A, %mul3A_3199 : vector<16xi32>
      %add3A_3201 = vector.broadcast %squeeze3A_3193 : i32 to vector<16xi32>
      %add3A_3202 = arith.addi %mul3A_3200, %add3A_3201 : vector<16xi32>
      %mul3A_3203 = arith.constant 0 : i32
      %mul3A_3204 = vector.broadcast %mul3A_3203 : i32 to vector<16xi32>
      %mul3A_3205 = arith.muli %iota3A, %mul3A_3204 : vector<16xi32>
      %add3A_3206 = vector.broadcast %squeeze3A_3197 : i32 to vector<16xi32>
      %add3A_3207 = arith.addi %mul3A_3205, %add3A_3206 : vector<16xi32>
      %add3A_3208 = arith.constant 0 : i32
      %add3A_3209 = vector.broadcast %add3A_3208 : i32 to vector<16xi32>
      %add3A_3210 = arith.addi %add3A_3209, %iota3A : vector<16xi32>
      %gather3A_3211 = arith.constant 0 : i32
      %gather3A_3212 = arith.constant 0 : i32
      %gather3A_3213 = arith.constant 0 : i32
      %gather3A_3214 = tpu.memref_slice %arg13[%gather3A_3211, %gather3A_3212, %gather3A_3213] : memref<4x64x128xf32, #tpu.memory_space<vmem>> -> memref<1x64x128xf32, #tpu.memory_space<vmem>>
      %gather3A_3215 = tpu.memref_squeeze %gather3A_3214 : memref<1x64x128xf32, #tpu.memory_space<vmem>> -> memref<64x128xf32, #tpu.memory_space<vmem>>
      %gather3A_3216 = tpu.vector_load_idx %gather3A_3215[%add3A_3210, %add3A_3202] : memref<64x128xf32, #tpu.memory_space<vmem>>[vector<16xi32>, vector<16xi32>], vector<16xf32>,
      %gather3A_3217 = arith.constant 0 : i32
      %gather3A_3218 = arith.constant 0 : i32
      %gather3A_3219 = arith.constant 0 : i32
      %gather3A_3220 = tpu.memref_slice %arg14[%gather3A_3217, %gather3A_3218, %gather3A_3219] : memref<4x64x128xf32, #tpu.memory_space<vmem>> -> memref<1x64x128xf32, #tpu.memory_space<vmem>>
      %gather3A_3221 = tpu.memref_squeeze %gather3A_3220 : memref<1x64x128xf32, #tpu.memory_space<vmem>> -> memref<64x128xf32, #tpu.memory_space<vmem>>
      %gather3A_3222 = tpu.vector_load_idx %gather3A_3221[%add3A_3210, %add3A_3207] : memref<64x128xf32, #tpu.memory_space<vmem>>[vector<16xi32>, vector<16xi32>], vector<16xf32>,
      %mul3A_3223 = arith.mulf %gather3A_3216, %gather3A_3222 : vector<16xf32>
      %add3A_3224 = arith.constant 16 : i32
      %add3A_3225 = vector.broadcast %add3A_3224 : i32 to vector<16xi32>
      %add3A_3226 = arith.addi %add3A_3225, %iota3A : vector<16xi32>
      %gather3A_3227 = arith.constant 0 : i32
      %gather3A_3228 = arith.constant 0 : i32
      %gather3A_3229 = arith.constant 0 : i32
      %gather3A_3230 = tpu.memref_slice %arg13[%gather3A_3227, %gather3A_3228, %gather3A_3229] : memref<4x64x128xf32, #tpu.memory_space<vmem>> -> memref<1x64x128xf32, #tpu.memory_space<vmem>>
      %gather3A_3231 = tpu.memref_squeeze %gather3A_3230 : memref<1x64x128xf32, #tpu.memory_space<vmem>> -> memref<64x128xf32, #tpu.memory_space<vmem>>
      %gather3A_3232 = tpu.vector_load_idx %gather3A_3231[%add3A_3226, %add3A_3202] : memref<64x128xf32, #tpu.memory_space<vmem>>[vector<16xi32>, vector<16xi32>], vector<16xf32>,
      %gather3A_3233 = arith.constant 0 : i32
      %gather3A_3234 = arith.constant 0 : i32
      %gather3A_3235 = arith.constant 0 : i32
      %gather3A_3236 = tpu.memref_slice %arg14[%gather3A_3233, %gather3A_3234, %gather3A_3235] : memref<4x64x128xf32, #tpu.memory_space<vmem>> -> memref<1x64x128xf32, #tpu.memory_space<vmem>>
      %gather3A_3237 = tpu.memref_squeeze %gather3A_3236 : memref<1x64x128xf32, #tpu.memory_space<vmem>> -> memref<64x128xf32, #tpu.memory_space<vmem>>
      %gather3A_3238 = tpu.vector_load_idx %gather3A_3237[%add3A_3226, %add3A_3207] : memref<64x128xf32, #tpu.memory_space<vmem>>[vector<16xi32>, vector<16xi32>], vector<16xf32>,
      %mul3A_3239 = arith.mulf %gather3A_3232, %gather3A_3238 : vector<16xf32>
      %add3A_3240 = arith.addf %mul3A_3223, %mul3A_3239 : vector<16xf32>
      %add3A_3241 = arith.constant 32 : i32
      %add3A_3242 = vector.broadcast %add3A_3241 : i32 to vector<16xi32>
      %add3A_3243 = arith.addi %add3A_3242, %iota3A : vector<16xi32>
      %gather3A_3244 = arith.constant 0 : i32
      %gather3A_3245 = arith.constant 0 : i32
      %gather3A_3246 = arith.constant 0 : i32
      %gather3A_3247 = tpu.memref_slice %arg13[%gather3A_3244, %gather3A_3245, %gather3A_3246] : memref<4x64x128xf32, #tpu.memory_space<vmem>> -> memref<1x64x128xf32, #tpu.memory_space<vmem>>
      %gather3A_3248 = tpu.memref_squeeze %gather3A_3247 : memref<1x64x128xf32, #tpu.memory_space<vmem>> -> memref<64x128xf32, #tpu.memory_space<vmem>>
      %gather3A_3249 = tpu.vector_load_idx %gather3A_3248[%add3A_3243, %add3A_3202] : memref<64x128xf32, #tpu.memory_space<vmem>>[vector<16xi32>, vector<16xi32>], vector<16xf32>,
      %gather3A_3250 = arith.constant 0 : i32
      %gather3A_3251 = arith.constant 0 : i32
      %gather3A_3252 = arith.constant 0 : i32
      %gather3A_3253 = tpu.memref_slice %arg14[%gather3A_3250, %gather3A_3251, %gather3A_3252] : memref<4x64x128xf32, #tpu.memory_space<vmem>> -> memref<1x64x128xf32, #tpu.memory_space<vmem>>
      %gather3A_3254 = tpu.memref_squeeze %gather3A_3253 : memref<1x64x128xf32, #tpu.memory_space<vmem>> -> memref<64x128xf32, #tpu.memory_space<vmem>>
      %gather3A_3255 = tpu.vector_load_idx %gather3A_3254[%add3A_3243, %add3A_3207] : memref<64x128xf32, #tpu.memory_space<vmem>>[vector<16xi32>, vector<16xi32>], vector<16xf32>,
      %mul3A_3256 = arith.mulf %gather3A_3249, %gather3A_3255 : vector<16xf32>
      %add3A_3257 = arith.addf %add3A_3240, %mul3A_3256 : vector<16xf32>
      %add3A_3258 = arith.constant 48 : i32
      %add3A_3259 = vector.broadcast %add3A_3258 : i32 to vector<16xi32>
      %add3A_3260 = arith.addi %add3A_3259, %iota3A : vector<16xi32>
      %gather3A_3261 = arith.constant 0 : i32
      %gather3A_3262 = arith.constant 0 : i32
      %gather3A_3263 = arith.constant 0 : i32
      %gather3A_3264 = tpu.memref_slice %arg13[%gather3A_3261, %gather3A_3262, %gather3A_3263] : memref<4x64x128xf32, #tpu.memory_space<vmem>> -> memref<1x64x128xf32, #tpu.memory_space<vmem>>
      %gather3A_3265 = tpu.memref_squeeze %gather3A_3264 : memref<1x64x128xf32, #tpu.memory_space<vmem>> -> memref<64x128xf32, #tpu.memory_space<vmem>>
      %gather3A_3266 = tpu.vector_load_idx %gather3A_3265[%add3A_3260, %add3A_3202] : memref<64x128xf32, #tpu.memory_space<vmem>>[vector<16xi32>, vector<16xi32>], vector<16xf32>,
      %gather3A_3267 = arith.constant 0 : i32
      %gather3A_3268 = arith.constant 0 : i32
      %gather3A_3269 = arith.constant 0 : i32
      %gather3A_3270 = tpu.memref_slice %arg14[%gather3A_3267, %gather3A_3268, %gather3A_3269] : memref<4x64x128xf32, #tpu.memory_space<vmem>> -> memref<1x64x128xf32, #tpu.memory_space<vmem>>
      %gather3A_3271 = tpu.memref_squeeze %gather3A_3270 : memref<1x64x128xf32, #tpu.memory_space<vmem>> -> memref<64x128xf32, #tpu.memory_space<vmem>>
      %gather3A_3272 = tpu.vector_load_idx %gather3A_3271[%add3A_3260, %add3A_3207] : memref<64x128xf32, #tpu.memory_space<vmem>>[vector<16xi32>, vector<16xi32>], vector<16xf32>,
      %mul3A_3273 = arith.mulf %gather3A_3266, %gather3A_3272 : vector<16xf32>
      %add3A_3274 = arith.addf %add3A_3257, %mul3A_3273 : vector<16xf32>
      %swap3A_3275 = arith.constant 12 : i32
      %swap3A_3276 = arith.index_cast %swap3A_3275 : i32 to index
      %swap3A_3277 = arith.constant 0 : index
      %swap3A_3278 = tpu.vector_load %arg15[%swap3A_3276, %swap3A_3277] {strides = array<i32>} : memref<16x16xf32, #tpu.memory_space<vmem>>, vector<16xf32>,
      tpu.vector_store %arg15[%swap3A_3276, %swap3A_3277], %add3A_3274 {strides = array<i32>} : memref<16x16xf32, #tpu.memory_space<vmem>>, vector<16xf32>,
      %add3A_3279 = arith.constant 4 : i32
      %add3A_3280 = arith.addi %add3A_3129, %add3A_3279 : i32
      %min3A_3281 = arith.constant 511 : i32
      %min3A_3282 = arith.minsi %add3A_3280, %min3A_3281 : i32
      %get3A_3283 = arith.index_cast %min3A_3282 : i32 to index
      %get3A_3284 = tpu.vector_load %arg9[%get3A_3283] {strides = array<i32>} : memref<528xi32, #tpu.memory_space<vmem>>, vector<16xi32>,
      %slice3A_3285 = vector.extract_strided_slice %get3A_3284 {offsets = [0], sizes = [1], strides = [1]} : vector<16xi32> to vector<1xi32>
      %squeeze3A_3286 = vector.extract %slice3A_3285[0] : i32 from vector<1xi32>
      %get3A_3287 = arith.index_cast %min3A_3282 : i32 to index
      %get3A_3288 = tpu.vector_load %arg11[%get3A_3287] {strides = array<i32>} : memref<528xi32, #tpu.memory_space<vmem>>, vector<16xi32>,
      %slice3A_3289 = vector.extract_strided_slice %get3A_3288 {offsets = [0], sizes = [1], strides = [1]} : vector<16xi32> to vector<1xi32>
      %squeeze3A_3290 = vector.extract %slice3A_3289[0] : i32 from vector<1xi32>
      %multiple_of3A_3291 = tpu.assume_multiple %squeeze3A_3286, 128 : i32
      %dma_start3A_3292 = arith.constant 0 : i32
      %dma_start3A_3293 = arith.constant 0 : i32
      %dma_start3A_3294 = arith.constant 0 : i32
      %dma_start3A_3295 = tpu.memref_slice %arg13[%dma_start3A_3292, %dma_start3A_3293, %dma_start3A_3294] : memref<4x64x128xf32, #tpu.memory_space<vmem>> -> memref<1x32x128xf32, #tpu.memory_space<vmem>>
      %dma_start3A_3296 = tpu.memref_squeeze %dma_start3A_3295 : memref<1x32x128xf32, #tpu.memory_space<vmem>> -> memref<32x128xf32, #tpu.memory_space<vmem>>
      %dma_start3A_3297 = arith.constant 0 : i32
      %dma_start3A_3298 = tpu.memref_slice %arg6[%dma_start3A_3297, %multiple_of3A_3291] : memref<64x1000000xf32, #tpu.memory_space<hbm>> -> memref<32x128xf32, #tpu.memory_space<hbm>>
      %dma_start3A_3299 = arith.constant 0 : i32
      %dma_start3A_3300 = arith.constant 0 : i32
      %dma_start3A_3301 = tpu.memref_slice %arg13[%dma_start3A_3292, %dma_start3A_3299, %dma_start3A_3300] : memref<4x64x128xf32, #tpu.memory_space<vmem>> -> memref<1x32x128xf32, #tpu.memory_space<vmem>>
      %dma_start3A_3302 = tpu.memref_squeeze %dma_start3A_3301 : memref<1x32x128xf32, #tpu.memory_space<vmem>> -> memref<32x128xf32, #tpu.memory_space<vmem>>
      %dma_start3A_3303 = arith.constant 0 : i32
      %dma_start3A_3304 = tpu.memref_slice %arg6[%dma_start3A_3303, %multiple_of3A_3291] : memref<64x1000000xf32, #tpu.memory_space<hbm>> -> memref<32x128xf32, #tpu.memory_space<hbm>>
      tpu.enqueue_dma source(%dma_start3A_3304 : memref<32x128xf32, #tpu.memory_space<hbm>>) target(%dma_start3A_3302 : memref<32x128xf32, #tpu.memory_space<vmem>>) target_semaphore(%arg17 : memref<!tpu.dma_semaphore, #tpu.memory_space<semaphore_mem>>)
      %multiple_of3A_3305 = tpu.assume_multiple %squeeze3A_3290, 128 : i32
      %dma_start3A_3306 = arith.constant 0 : i32
      %dma_start3A_3307 = arith.constant 0 : i32
      %dma_start3A_3308 = arith.constant 0 : i32
      %dma_start3A_3309 = tpu.memref_slice %arg14[%dma_start3A_3306, %dma_start3A_3307, %dma_start3A_3308] : memref<4x64x128xf32, #tpu.memory_space<vmem>> -> memref<1x32x128xf32, #tpu.memory_space<vmem>>
      %dma_start3A_3310 = tpu.memref_squeeze %dma_start3A_3309 : memref<1x32x128xf32, #tpu.memory_space<vmem>> -> memref<32x128xf32, #tpu.memory_space<vmem>>
      %dma_start3A_3311 = arith.constant 0 : i32
      %dma_start3A_3312 = tpu.memref_slice %arg7[%dma_start3A_3311, %multiple_of3A_3305] : memref<64x1000000xf32, #tpu.memory_space<hbm>> -> memref<32x128xf32, #tpu.memory_space<hbm>>
      %dma_start3A_3313 = arith.constant 0 : i32
      %dma_start3A_3314 = arith.constant 0 : i32
      %dma_start3A_3315 = tpu.memref_slice %arg14[%dma_start3A_3306, %dma_start3A_3313, %dma_start3A_3314] : memref<4x64x128xf32, #tpu.memory_space<vmem>> -> memref<1x32x128xf32, #tpu.memory_space<vmem>>
      %dma_start3A_3316 = tpu.memref_squeeze %dma_start3A_3315 : memref<1x32x128xf32, #tpu.memory_space<vmem>> -> memref<32x128xf32, #tpu.memory_space<vmem>>
      %dma_start3A_3317 = arith.constant 0 : i32
      %dma_start3A_3318 = tpu.memref_slice %arg7[%dma_start3A_3317, %multiple_of3A_3305] : memref<64x1000000xf32, #tpu.memory_space<hbm>> -> memref<32x128xf32, #tpu.memory_space<hbm>>
      tpu.enqueue_dma source(%dma_start3A_3318 : memref<32x128xf32, #tpu.memory_space<hbm>>) target(%dma_start3A_3316 : memref<32x128xf32, #tpu.memory_space<vmem>>) target_semaphore(%arg17 : memref<!tpu.dma_semaphore, #tpu.memory_space<semaphore_mem>>)
      %multiple_of3A_3319 = tpu.assume_multiple %squeeze3A_3286, 128 : i32
      %dma_start3A_3320 = arith.constant 0 : i32
      %dma_start3A_3321 = arith.constant 32 : i32
      %dma_start3A_3322 = arith.constant 0 : i32
      %dma_start3A_3323 = tpu.memref_slice %arg13[%dma_start3A_3320, %dma_start3A_3321, %dma_start3A_3322] : memref<4x64x128xf32, #tpu.memory_space<vmem>> -> memref<1x32x128xf32, #tpu.memory_space<vmem>>
      %dma_start3A_3324 = tpu.memref_squeeze %dma_start3A_3323 : memref<1x32x128xf32, #tpu.memory_space<vmem>> -> memref<32x128xf32, #tpu.memory_space<vmem>>
      %dma_start3A_3325 = arith.constant 32 : i32
      %dma_start3A_3326 = tpu.memref_slice %arg6[%dma_start3A_3325, %multiple_of3A_3319] : memref<64x1000000xf32, #tpu.memory_space<hbm>> -> memref<32x128xf32, #tpu.memory_space<hbm>>
      %dma_start3A_3327 = arith.constant 32 : i32
      %dma_start3A_3328 = arith.constant 0 : i32
      %dma_start3A_3329 = tpu.memref_slice %arg13[%dma_start3A_3320, %dma_start3A_3327, %dma_start3A_3328] : memref<4x64x128xf32, #tpu.memory_space<vmem>> -> memref<1x32x128xf32, #tpu.memory_space<vmem>>
      %dma_start3A_3330 = tpu.memref_squeeze %dma_start3A_3329 : memref<1x32x128xf32, #tpu.memory_space<vmem>> -> memref<32x128xf32, #tpu.memory_space<vmem>>
      %dma_start3A_3331 = arith.constant 32 : i32
      %dma_start3A_3332 = tpu.memref_slice %arg6[%dma_start3A_3331, %multiple_of3A_3319] : memref<64x1000000xf32, #tpu.memory_space<hbm>> -> memref<32x128xf32, #tpu.memory_space<hbm>>
      tpu.enqueue_dma source(%dma_start3A_3332 : memref<32x128xf32, #tpu.memory_space<hbm>>) target(%dma_start3A_3330 : memref<32x128xf32, #tpu.memory_space<vmem>>) target_semaphore(%arg17 : memref<!tpu.dma_semaphore, #tpu.memory_space<semaphore_mem>>)
      %multiple_of3A_3333 = tpu.assume_multiple %squeeze3A_3290, 128 : i32
      %dma_start3A_3334 = arith.constant 0 : i32
      %dma_start3A_3335 = arith.constant 32 : i32
      %dma_start3A_3336 = arith.constant 0 : i32
      %dma_start3A_3337 = tpu.memref_slice %arg14[%dma_start3A_3334, %dma_start3A_3335, %dma_start3A_3336] : memref<4x64x128xf32, #tpu.memory_space<vmem>> -> memref<1x32x128xf32, #tpu.memory_space<vmem>>
      %dma_start3A_3338 = tpu.memref_squeeze %dma_start3A_3337 : memref<1x32x128xf32, #tpu.memory_space<vmem>> -> memref<32x128xf32, #tpu.memory_space<vmem>>
      %dma_start3A_3339 = arith.constant 32 : i32
      %dma_start3A_3340 = tpu.memref_slice %arg7[%dma_start3A_3339, %multiple_of3A_3333] : memref<64x1000000xf32, #tpu.memory_space<hbm>> -> memref<32x128xf32, #tpu.memory_space<hbm>>
      %dma_start3A_3341 = arith.constant 32 : i32
      %dma_start3A_3342 = arith.constant 0 : i32
      %dma_start3A_3343 = tpu.memref_slice %arg14[%dma_start3A_3334, %dma_start3A_3341, %dma_start3A_3342] : memref<4x64x128xf32, #tpu.memory_space<vmem>> -> memref<1x32x128xf32, #tpu.memory_space<vmem>>
      %dma_start3A_3344 = tpu.memref_squeeze %dma_start3A_3343 : memref<1x32x128xf32, #tpu.memory_space<vmem>> -> memref<32x128xf32, #tpu.memory_space<vmem>>
      %dma_start3A_3345 = arith.constant 32 : i32
      %dma_start3A_3346 = tpu.memref_slice %arg7[%dma_start3A_3345, %multiple_of3A_3333] : memref<64x1000000xf32, #tpu.memory_space<hbm>> -> memref<32x128xf32, #tpu.memory_space<hbm>>
      tpu.enqueue_dma source(%dma_start3A_3346 : memref<32x128xf32, #tpu.memory_space<hbm>>) target(%dma_start3A_3344 : memref<32x128xf32, #tpu.memory_space<vmem>>) target_semaphore(%arg17 : memref<!tpu.dma_semaphore, #tpu.memory_space<semaphore_mem>>)
      %add3A_3347 = arith.constant 13 : i32
      %add3A_3348 = arith.addi %mul3A_502, %add3A_3347 : i32
      %dma_wait3A_3349 = arith.constant 1 : i32
      %dma_wait3A_3350 = arith.constant 0 : i32
      %dma_wait3A_3351 = arith.constant 0 : i32
      %dma_wait3A_3352 = tpu.memref_slice %arg13[%dma_wait3A_3349, %dma_wait3A_3350, %dma_wait3A_3351] : memref<4x64x128xf32, #tpu.memory_space<vmem>> -> memref<1x32x128xf32, #tpu.memory_space<vmem>>
      %dma_wait3A_3353 = tpu.memref_squeeze %dma_wait3A_3352 : memref<1x32x128xf32, #tpu.memory_space<vmem>> -> memref<32x128xf32, #tpu.memory_space<vmem>>
      %dma_wait3A_3354 = arith.constant 0 : i32
      %dma_wait3A_3355 = arith.constant 0 : i32
      %dma_wait3A_3356 = tpu.memref_slice %arg6[%dma_wait3A_3354, %dma_wait3A_3355] : memref<64x1000000xf32, #tpu.memory_space<hbm>> -> memref<32x128xf32, #tpu.memory_space<hbm>>
      %dma_wait3A_3357 = arith.constant 0 : i32
      %dma_wait3A_3358 = arith.constant 0 : i32
      %dma_wait3A_3359 = tpu.memref_slice %arg13[%dma_wait3A_3349, %dma_wait3A_3357, %dma_wait3A_3358] : memref<4x64x128xf32, #tpu.memory_space<vmem>> -> memref<1x32x128xf32, #tpu.memory_space<vmem>>
      %dma_wait3A_3360 = tpu.memref_squeeze %dma_wait3A_3359 : memref<1x32x128xf32, #tpu.memory_space<vmem>> -> memref<32x128xf32, #tpu.memory_space<vmem>>
      %dma_wait3A_3361 = arith.constant 0 : i32
      %dma_wait3A_3362 = arith.constant 0 : i32
      %dma_wait3A_3363 = tpu.memref_slice %arg6[%dma_wait3A_3361, %dma_wait3A_3362] : memref<64x1000000xf32, #tpu.memory_space<hbm>> -> memref<32x128xf32, #tpu.memory_space<hbm>>
      tpu.wait_dma2 semaphore(%arg18 : memref<!tpu.dma_semaphore, #tpu.memory_space<semaphore_mem>>) src(%dma_wait3A_3363 : memref<32x128xf32, #tpu.memory_space<hbm>>) dst(%dma_wait3A_3360 : memref<32x128xf32, #tpu.memory_space<vmem>>)
      %dma_wait3A_3364 = arith.constant 1 : i32
      %dma_wait3A_3365 = arith.constant 0 : i32
      %dma_wait3A_3366 = arith.constant 0 : i32
      %dma_wait3A_3367 = tpu.memref_slice %arg13[%dma_wait3A_3364, %dma_wait3A_3365, %dma_wait3A_3366] : memref<4x64x128xf32, #tpu.memory_space<vmem>> -> memref<1x32x128xf32, #tpu.memory_space<vmem>>
      %dma_wait3A_3368 = tpu.memref_squeeze %dma_wait3A_3367 : memref<1x32x128xf32, #tpu.memory_space<vmem>> -> memref<32x128xf32, #tpu.memory_space<vmem>>
      %dma_wait3A_3369 = arith.constant 0 : i32
      %dma_wait3A_3370 = arith.constant 0 : i32
      %dma_wait3A_3371 = tpu.memref_slice %arg6[%dma_wait3A_3369, %dma_wait3A_3370] : memref<64x1000000xf32, #tpu.memory_space<hbm>> -> memref<32x128xf32, #tpu.memory_space<hbm>>
      %dma_wait3A_3372 = arith.constant 0 : i32
      %dma_wait3A_3373 = arith.constant 0 : i32
      %dma_wait3A_3374 = tpu.memref_slice %arg13[%dma_wait3A_3364, %dma_wait3A_3372, %dma_wait3A_3373] : memref<4x64x128xf32, #tpu.memory_space<vmem>> -> memref<1x32x128xf32, #tpu.memory_space<vmem>>
      %dma_wait3A_3375 = tpu.memref_squeeze %dma_wait3A_3374 : memref<1x32x128xf32, #tpu.memory_space<vmem>> -> memref<32x128xf32, #tpu.memory_space<vmem>>
      %dma_wait3A_3376 = arith.constant 0 : i32
      %dma_wait3A_3377 = arith.constant 0 : i32
      %dma_wait3A_3378 = tpu.memref_slice %arg6[%dma_wait3A_3376, %dma_wait3A_3377] : memref<64x1000000xf32, #tpu.memory_space<hbm>> -> memref<32x128xf32, #tpu.memory_space<hbm>>
      tpu.wait_dma2 semaphore(%arg18 : memref<!tpu.dma_semaphore, #tpu.memory_space<semaphore_mem>>) src(%dma_wait3A_3378 : memref<32x128xf32, #tpu.memory_space<hbm>>) dst(%dma_wait3A_3375 : memref<32x128xf32, #tpu.memory_space<vmem>>)
      %dma_wait3A_3379 = arith.constant 1 : i32
      %dma_wait3A_3380 = arith.constant 0 : i32
      %dma_wait3A_3381 = arith.constant 0 : i32
      %dma_wait3A_3382 = tpu.memref_slice %arg13[%dma_wait3A_3379, %dma_wait3A_3380, %dma_wait3A_3381] : memref<4x64x128xf32, #tpu.memory_space<vmem>> -> memref<1x32x128xf32, #tpu.memory_space<vmem>>
      %dma_wait3A_3383 = tpu.memref_squeeze %dma_wait3A_3382 : memref<1x32x128xf32, #tpu.memory_space<vmem>> -> memref<32x128xf32, #tpu.memory_space<vmem>>
      %dma_wait3A_3384 = arith.constant 0 : i32
      %dma_wait3A_3385 = arith.constant 0 : i32
      %dma_wait3A_3386 = tpu.memref_slice %arg6[%dma_wait3A_3384, %dma_wait3A_3385] : memref<64x1000000xf32, #tpu.memory_space<hbm>> -> memref<32x128xf32, #tpu.memory_space<hbm>>
      %dma_wait3A_3387 = arith.constant 0 : i32
      %dma_wait3A_3388 = arith.constant 0 : i32
      %dma_wait3A_3389 = tpu.memref_slice %arg13[%dma_wait3A_3379, %dma_wait3A_3387, %dma_wait3A_3388] : memref<4x64x128xf32, #tpu.memory_space<vmem>> -> memref<1x32x128xf32, #tpu.memory_space<vmem>>
      %dma_wait3A_3390 = tpu.memref_squeeze %dma_wait3A_3389 : memref<1x32x128xf32, #tpu.memory_space<vmem>> -> memref<32x128xf32, #tpu.memory_space<vmem>>
      %dma_wait3A_3391 = arith.constant 0 : i32
      %dma_wait3A_3392 = arith.constant 0 : i32
      %dma_wait3A_3393 = tpu.memref_slice %arg6[%dma_wait3A_3391, %dma_wait3A_3392] : memref<64x1000000xf32, #tpu.memory_space<hbm>> -> memref<32x128xf32, #tpu.memory_space<hbm>>
      tpu.wait_dma2 semaphore(%arg18 : memref<!tpu.dma_semaphore, #tpu.memory_space<semaphore_mem>>) src(%dma_wait3A_3393 : memref<32x128xf32, #tpu.memory_space<hbm>>) dst(%dma_wait3A_3390 : memref<32x128xf32, #tpu.memory_space<vmem>>)
      %dma_wait3A_3394 = arith.constant 1 : i32
      %dma_wait3A_3395 = arith.constant 0 : i32
      %dma_wait3A_3396 = arith.constant 0 : i32
      %dma_wait3A_3397 = tpu.memref_slice %arg13[%dma_wait3A_3394, %dma_wait3A_3395, %dma_wait3A_3396] : memref<4x64x128xf32, #tpu.memory_space<vmem>> -> memref<1x32x128xf32, #tpu.memory_space<vmem>>
      %dma_wait3A_3398 = tpu.memref_squeeze %dma_wait3A_3397 : memref<1x32x128xf32, #tpu.memory_space<vmem>> -> memref<32x128xf32, #tpu.memory_space<vmem>>
      %dma_wait3A_3399 = arith.constant 0 : i32
      %dma_wait3A_3400 = arith.constant 0 : i32
      %dma_wait3A_3401 = tpu.memref_slice %arg6[%dma_wait3A_3399, %dma_wait3A_3400] : memref<64x1000000xf32, #tpu.memory_space<hbm>> -> memref<32x128xf32, #tpu.memory_space<hbm>>
      %dma_wait3A_3402 = arith.constant 0 : i32
      %dma_wait3A_3403 = arith.constant 0 : i32
      %dma_wait3A_3404 = tpu.memref_slice %arg13[%dma_wait3A_3394, %dma_wait3A_3402, %dma_wait3A_3403] : memref<4x64x128xf32, #tpu.memory_space<vmem>> -> memref<1x32x128xf32, #tpu.memory_space<vmem>>
      %dma_wait3A_3405 = tpu.memref_squeeze %dma_wait3A_3404 : memref<1x32x128xf32, #tpu.memory_space<vmem>> -> memref<32x128xf32, #tpu.memory_space<vmem>>
      %dma_wait3A_3406 = arith.constant 0 : i32
      %dma_wait3A_3407 = arith.constant 0 : i32
      %dma_wait3A_3408 = tpu.memref_slice %arg6[%dma_wait3A_3406, %dma_wait3A_3407] : memref<64x1000000xf32, #tpu.memory_space<hbm>> -> memref<32x128xf32, #tpu.memory_space<hbm>>
      tpu.wait_dma2 semaphore(%arg18 : memref<!tpu.dma_semaphore, #tpu.memory_space<semaphore_mem>>) src(%dma_wait3A_3408 : memref<32x128xf32, #tpu.memory_space<hbm>>) dst(%dma_wait3A_3405 : memref<32x128xf32, #tpu.memory_space<vmem>>)
      %get3A_3409 = arith.index_cast %add3A_3348 : i32 to index
      %get3A_3410 = tpu.vector_load %arg10[%get3A_3409] {strides = array<i32>} : memref<528xi32, #tpu.memory_space<vmem>>, vector<16xi32>,
      %slice3A_3411 = vector.extract_strided_slice %get3A_3410 {offsets = [0], sizes = [1], strides = [1]} : vector<16xi32> to vector<1xi32>
      %squeeze3A_3412 = vector.extract %slice3A_3411[0] : i32 from vector<1xi32>
      %get3A_3413 = arith.index_cast %add3A_3348 : i32 to index
      %get3A_3414 = tpu.vector_load %arg12[%get3A_3413] {strides = array<i32>} : memref<528xi32, #tpu.memory_space<vmem>>, vector<16xi32>,
      %slice3A_3415 = vector.extract_strided_slice %get3A_3414 {offsets = [0], sizes = [1], strides = [1]} : vector<16xi32> to vector<1xi32>
      %squeeze3A_3416 = vector.extract %slice3A_3415[0] : i32 from vector<1xi32>
      %mul3A_3417 = arith.constant 0 : i32
      %mul3A_3418 = vector.broadcast %mul3A_3417 : i32 to vector<16xi32>
      %mul3A_3419 = arith.muli %iota3A, %mul3A_3418 : vector<16xi32>
      %add3A_3420 = vector.broadcast %squeeze3A_3412 : i32 to vector<16xi32>
      %add3A_3421 = arith.addi %mul3A_3419, %add3A_3420 : vector<16xi32>
      %mul3A_3422 = arith.constant 0 : i32
      %mul3A_3423 = vector.broadcast %mul3A_3422 : i32 to vector<16xi32>
      %mul3A_3424 = arith.muli %iota3A, %mul3A_3423 : vector<16xi32>
      %add3A_3425 = vector.broadcast %squeeze3A_3416 : i32 to vector<16xi32>
      %add3A_3426 = arith.addi %mul3A_3424, %add3A_3425 : vector<16xi32>
      %add3A_3427 = arith.constant 0 : i32
      %add3A_3428 = vector.broadcast %add3A_3427 : i32 to vector<16xi32>
      %add3A_3429 = arith.addi %add3A_3428, %iota3A : vector<16xi32>
      %gather3A_3430 = arith.constant 1 : i32
      %gather3A_3431 = arith.constant 0 : i32
      %gather3A_3432 = arith.constant 0 : i32
      %gather3A_3433 = tpu.memref_slice %arg13[%gather3A_3430, %gather3A_3431, %gather3A_3432] : memref<4x64x128xf32, #tpu.memory_space<vmem>> -> memref<1x64x128xf32, #tpu.memory_space<vmem>>
      %gather3A_3434 = tpu.memref_squeeze %gather3A_3433 : memref<1x64x128xf32, #tpu.memory_space<vmem>> -> memref<64x128xf32, #tpu.memory_space<vmem>>
      %gather3A_3435 = tpu.vector_load_idx %gather3A_3434[%add3A_3429, %add3A_3421] : memref<64x128xf32, #tpu.memory_space<vmem>>[vector<16xi32>, vector<16xi32>], vector<16xf32>,
      %gather3A_3436 = arith.constant 1 : i32
      %gather3A_3437 = arith.constant 0 : i32
      %gather3A_3438 = arith.constant 0 : i32
      %gather3A_3439 = tpu.memref_slice %arg14[%gather3A_3436, %gather3A_3437, %gather3A_3438] : memref<4x64x128xf32, #tpu.memory_space<vmem>> -> memref<1x64x128xf32, #tpu.memory_space<vmem>>
      %gather3A_3440 = tpu.memref_squeeze %gather3A_3439 : memref<1x64x128xf32, #tpu.memory_space<vmem>> -> memref<64x128xf32, #tpu.memory_space<vmem>>
      %gather3A_3441 = tpu.vector_load_idx %gather3A_3440[%add3A_3429, %add3A_3426] : memref<64x128xf32, #tpu.memory_space<vmem>>[vector<16xi32>, vector<16xi32>], vector<16xf32>,
      %mul3A_3442 = arith.mulf %gather3A_3435, %gather3A_3441 : vector<16xf32>
      %add3A_3443 = arith.constant 16 : i32
      %add3A_3444 = vector.broadcast %add3A_3443 : i32 to vector<16xi32>
      %add3A_3445 = arith.addi %add3A_3444, %iota3A : vector<16xi32>
      %gather3A_3446 = arith.constant 1 : i32
      %gather3A_3447 = arith.constant 0 : i32
      %gather3A_3448 = arith.constant 0 : i32
      %gather3A_3449 = tpu.memref_slice %arg13[%gather3A_3446, %gather3A_3447, %gather3A_3448] : memref<4x64x128xf32, #tpu.memory_space<vmem>> -> memref<1x64x128xf32, #tpu.memory_space<vmem>>
      %gather3A_3450 = tpu.memref_squeeze %gather3A_3449 : memref<1x64x128xf32, #tpu.memory_space<vmem>> -> memref<64x128xf32, #tpu.memory_space<vmem>>
      %gather3A_3451 = tpu.vector_load_idx %gather3A_3450[%add3A_3445, %add3A_3421] : memref<64x128xf32, #tpu.memory_space<vmem>>[vector<16xi32>, vector<16xi32>], vector<16xf32>,
      %gather3A_3452 = arith.constant 1 : i32
      %gather3A_3453 = arith.constant 0 : i32
      %gather3A_3454 = arith.constant 0 : i32
      %gather3A_3455 = tpu.memref_slice %arg14[%gather3A_3452, %gather3A_3453, %gather3A_3454] : memref<4x64x128xf32, #tpu.memory_space<vmem>> -> memref<1x64x128xf32, #tpu.memory_space<vmem>>
      %gather3A_3456 = tpu.memref_squeeze %gather3A_3455 : memref<1x64x128xf32, #tpu.memory_space<vmem>> -> memref<64x128xf32, #tpu.memory_space<vmem>>
      %gather3A_3457 = tpu.vector_load_idx %gather3A_3456[%add3A_3445, %add3A_3426] : memref<64x128xf32, #tpu.memory_space<vmem>>[vector<16xi32>, vector<16xi32>], vector<16xf32>,
      %mul3A_3458 = arith.mulf %gather3A_3451, %gather3A_3457 : vector<16xf32>
      %add3A_3459 = arith.addf %mul3A_3442, %mul3A_3458 : vector<16xf32>
      %add3A_3460 = arith.constant 32 : i32
      %add3A_3461 = vector.broadcast %add3A_3460 : i32 to vector<16xi32>
      %add3A_3462 = arith.addi %add3A_3461, %iota3A : vector<16xi32>
      %gather3A_3463 = arith.constant 1 : i32
      %gather3A_3464 = arith.constant 0 : i32
      %gather3A_3465 = arith.constant 0 : i32
      %gather3A_3466 = tpu.memref_slice %arg13[%gather3A_3463, %gather3A_3464, %gather3A_3465] : memref<4x64x128xf32, #tpu.memory_space<vmem>> -> memref<1x64x128xf32, #tpu.memory_space<vmem>>
      %gather3A_3467 = tpu.memref_squeeze %gather3A_3466 : memref<1x64x128xf32, #tpu.memory_space<vmem>> -> memref<64x128xf32, #tpu.memory_space<vmem>>
      %gather3A_3468 = tpu.vector_load_idx %gather3A_3467[%add3A_3462, %add3A_3421] : memref<64x128xf32, #tpu.memory_space<vmem>>[vector<16xi32>, vector<16xi32>], vector<16xf32>,
      %gather3A_3469 = arith.constant 1 : i32
      %gather3A_3470 = arith.constant 0 : i32
      %gather3A_3471 = arith.constant 0 : i32
      %gather3A_3472 = tpu.memref_slice %arg14[%gather3A_3469, %gather3A_3470, %gather3A_3471] : memref<4x64x128xf32, #tpu.memory_space<vmem>> -> memref<1x64x128xf32, #tpu.memory_space<vmem>>
      %gather3A_3473 = tpu.memref_squeeze %gather3A_3472 : memref<1x64x128xf32, #tpu.memory_space<vmem>> -> memref<64x128xf32, #tpu.memory_space<vmem>>
      %gather3A_3474 = tpu.vector_load_idx %gather3A_3473[%add3A_3462, %add3A_3426] : memref<64x128xf32, #tpu.memory_space<vmem>>[vector<16xi32>, vector<16xi32>], vector<16xf32>,
      %mul3A_3475 = arith.mulf %gather3A_3468, %gather3A_3474 : vector<16xf32>
      %add3A_3476 = arith.addf %add3A_3459, %mul3A_3475 : vector<16xf32>
      %add3A_3477 = arith.constant 48 : i32
      %add3A_3478 = vector.broadcast %add3A_3477 : i32 to vector<16xi32>
      %add3A_3479 = arith.addi %add3A_3478, %iota3A : vector<16xi32>
      %gather3A_3480 = arith.constant 1 : i32
      %gather3A_3481 = arith.constant 0 : i32
      %gather3A_3482 = arith.constant 0 : i32
      %gather3A_3483 = tpu.memref_slice %arg13[%gather3A_3480, %gather3A_3481, %gather3A_3482] : memref<4x64x128xf32, #tpu.memory_space<vmem>> -> memref<1x64x128xf32, #tpu.memory_space<vmem>>
      %gather3A_3484 = tpu.memref_squeeze %gather3A_3483 : memref<1x64x128xf32, #tpu.memory_space<vmem>> -> memref<64x128xf32, #tpu.memory_space<vmem>>
      %gather3A_3485 = tpu.vector_load_idx %gather3A_3484[%add3A_3479, %add3A_3421] : memref<64x128xf32, #tpu.memory_space<vmem>>[vector<16xi32>, vector<16xi32>], vector<16xf32>,
      %gather3A_3486 = arith.constant 1 : i32
      %gather3A_3487 = arith.constant 0 : i32
      %gather3A_3488 = arith.constant 0 : i32
      %gather3A_3489 = tpu.memref_slice %arg14[%gather3A_3486, %gather3A_3487, %gather3A_3488] : memref<4x64x128xf32, #tpu.memory_space<vmem>> -> memref<1x64x128xf32, #tpu.memory_space<vmem>>
      %gather3A_3490 = tpu.memref_squeeze %gather3A_3489 : memref<1x64x128xf32, #tpu.memory_space<vmem>> -> memref<64x128xf32, #tpu.memory_space<vmem>>
      %gather3A_3491 = tpu.vector_load_idx %gather3A_3490[%add3A_3479, %add3A_3426] : memref<64x128xf32, #tpu.memory_space<vmem>>[vector<16xi32>, vector<16xi32>], vector<16xf32>,
      %mul3A_3492 = arith.mulf %gather3A_3485, %gather3A_3491 : vector<16xf32>
      %add3A_3493 = arith.addf %add3A_3476, %mul3A_3492 : vector<16xf32>
      %swap3A_3494 = arith.constant 13 : i32
      %swap3A_3495 = arith.index_cast %swap3A_3494 : i32 to index
      %swap3A_3496 = arith.constant 0 : index
      %swap3A_3497 = tpu.vector_load %arg15[%swap3A_3495, %swap3A_3496] {strides = array<i32>} : memref<16x16xf32, #tpu.memory_space<vmem>>, vector<16xf32>,
      tpu.vector_store %arg15[%swap3A_3495, %swap3A_3496], %add3A_3493 {strides = array<i32>} : memref<16x16xf32, #tpu.memory_space<vmem>>, vector<16xf32>,
      %add3A_3498 = arith.constant 4 : i32
      %add3A_3499 = arith.addi %add3A_3348, %add3A_3498 : i32
      %min3A_3500 = arith.constant 511 : i32
      %min3A_3501 = arith.minsi %add3A_3499, %min3A_3500 : i32
      %get3A_3502 = arith.index_cast %min3A_3501 : i32 to index
      %get3A_3503 = tpu.vector_load %arg9[%get3A_3502] {strides = array<i32>} : memref<528xi32, #tpu.memory_space<vmem>>, vector<16xi32>,
      %slice3A_3504 = vector.extract_strided_slice %get3A_3503 {offsets = [0], sizes = [1], strides = [1]} : vector<16xi32> to vector<1xi32>
      %squeeze3A_3505 = vector.extract %slice3A_3504[0] : i32 from vector<1xi32>
      %get3A_3506 = arith.index_cast %min3A_3501 : i32 to index
      %get3A_3507 = tpu.vector_load %arg11[%get3A_3506] {strides = array<i32>} : memref<528xi32, #tpu.memory_space<vmem>>, vector<16xi32>,
      %slice3A_3508 = vector.extract_strided_slice %get3A_3507 {offsets = [0], sizes = [1], strides = [1]} : vector<16xi32> to vector<1xi32>
      %squeeze3A_3509 = vector.extract %slice3A_3508[0] : i32 from vector<1xi32>
      %multiple_of3A_3510 = tpu.assume_multiple %squeeze3A_3505, 128 : i32
      %dma_start3A_3511 = arith.constant 1 : i32
      %dma_start3A_3512 = arith.constant 0 : i32
      %dma_start3A_3513 = arith.constant 0 : i32
      %dma_start3A_3514 = tpu.memref_slice %arg13[%dma_start3A_3511, %dma_start3A_3512, %dma_start3A_3513] : memref<4x64x128xf32, #tpu.memory_space<vmem>> -> memref<1x32x128xf32, #tpu.memory_space<vmem>>
      %dma_start3A_3515 = tpu.memref_squeeze %dma_start3A_3514 : memref<1x32x128xf32, #tpu.memory_space<vmem>> -> memref<32x128xf32, #tpu.memory_space<vmem>>
      %dma_start3A_3516 = arith.constant 0 : i32
      %dma_start3A_3517 = tpu.memref_slice %arg6[%dma_start3A_3516, %multiple_of3A_3510] : memref<64x1000000xf32, #tpu.memory_space<hbm>> -> memref<32x128xf32, #tpu.memory_space<hbm>>
      %dma_start3A_3518 = arith.constant 0 : i32
      %dma_start3A_3519 = arith.constant 0 : i32
      %dma_start3A_3520 = tpu.memref_slice %arg13[%dma_start3A_3511, %dma_start3A_3518, %dma_start3A_3519] : memref<4x64x128xf32, #tpu.memory_space<vmem>> -> memref<1x32x128xf32, #tpu.memory_space<vmem>>
      %dma_start3A_3521 = tpu.memref_squeeze %dma_start3A_3520 : memref<1x32x128xf32, #tpu.memory_space<vmem>> -> memref<32x128xf32, #tpu.memory_space<vmem>>
      %dma_start3A_3522 = arith.constant 0 : i32
      %dma_start3A_3523 = tpu.memref_slice %arg6[%dma_start3A_3522, %multiple_of3A_3510] : memref<64x1000000xf32, #tpu.memory_space<hbm>> -> memref<32x128xf32, #tpu.memory_space<hbm>>
      tpu.enqueue_dma source(%dma_start3A_3523 : memref<32x128xf32, #tpu.memory_space<hbm>>) target(%dma_start3A_3521 : memref<32x128xf32, #tpu.memory_space<vmem>>) target_semaphore(%arg18 : memref<!tpu.dma_semaphore, #tpu.memory_space<semaphore_mem>>)
      %multiple_of3A_3524 = tpu.assume_multiple %squeeze3A_3509, 128 : i32
      %dma_start3A_3525 = arith.constant 1 : i32
      %dma_start3A_3526 = arith.constant 0 : i32
      %dma_start3A_3527 = arith.constant 0 : i32
      %dma_start3A_3528 = tpu.memref_slice %arg14[%dma_start3A_3525, %dma_start3A_3526, %dma_start3A_3527] : memref<4x64x128xf32, #tpu.memory_space<vmem>> -> memref<1x32x128xf32, #tpu.memory_space<vmem>>
      %dma_start3A_3529 = tpu.memref_squeeze %dma_start3A_3528 : memref<1x32x128xf32, #tpu.memory_space<vmem>> -> memref<32x128xf32, #tpu.memory_space<vmem>>
      %dma_start3A_3530 = arith.constant 0 : i32
      %dma_start3A_3531 = tpu.memref_slice %arg7[%dma_start3A_3530, %multiple_of3A_3524] : memref<64x1000000xf32, #tpu.memory_space<hbm>> -> memref<32x128xf32, #tpu.memory_space<hbm>>
      %dma_start3A_3532 = arith.constant 0 : i32
      %dma_start3A_3533 = arith.constant 0 : i32
      %dma_start3A_3534 = tpu.memref_slice %arg14[%dma_start3A_3525, %dma_start3A_3532, %dma_start3A_3533] : memref<4x64x128xf32, #tpu.memory_space<vmem>> -> memref<1x32x128xf32, #tpu.memory_space<vmem>>
      %dma_start3A_3535 = tpu.memref_squeeze %dma_start3A_3534 : memref<1x32x128xf32, #tpu.memory_space<vmem>> -> memref<32x128xf32, #tpu.memory_space<vmem>>
      %dma_start3A_3536 = arith.constant 0 : i32
      %dma_start3A_3537 = tpu.memref_slice %arg7[%dma_start3A_3536, %multiple_of3A_3524] : memref<64x1000000xf32, #tpu.memory_space<hbm>> -> memref<32x128xf32, #tpu.memory_space<hbm>>
      tpu.enqueue_dma source(%dma_start3A_3537 : memref<32x128xf32, #tpu.memory_space<hbm>>) target(%dma_start3A_3535 : memref<32x128xf32, #tpu.memory_space<vmem>>) target_semaphore(%arg18 : memref<!tpu.dma_semaphore, #tpu.memory_space<semaphore_mem>>)
      %multiple_of3A_3538 = tpu.assume_multiple %squeeze3A_3505, 128 : i32
      %dma_start3A_3539 = arith.constant 1 : i32
      %dma_start3A_3540 = arith.constant 32 : i32
      %dma_start3A_3541 = arith.constant 0 : i32
      %dma_start3A_3542 = tpu.memref_slice %arg13[%dma_start3A_3539, %dma_start3A_3540, %dma_start3A_3541] : memref<4x64x128xf32, #tpu.memory_space<vmem>> -> memref<1x32x128xf32, #tpu.memory_space<vmem>>
      %dma_start3A_3543 = tpu.memref_squeeze %dma_start3A_3542 : memref<1x32x128xf32, #tpu.memory_space<vmem>> -> memref<32x128xf32, #tpu.memory_space<vmem>>
      %dma_start3A_3544 = arith.constant 32 : i32
      %dma_start3A_3545 = tpu.memref_slice %arg6[%dma_start3A_3544, %multiple_of3A_3538] : memref<64x1000000xf32, #tpu.memory_space<hbm>> -> memref<32x128xf32, #tpu.memory_space<hbm>>
      %dma_start3A_3546 = arith.constant 32 : i32
      %dma_start3A_3547 = arith.constant 0 : i32
      %dma_start3A_3548 = tpu.memref_slice %arg13[%dma_start3A_3539, %dma_start3A_3546, %dma_start3A_3547] : memref<4x64x128xf32, #tpu.memory_space<vmem>> -> memref<1x32x128xf32, #tpu.memory_space<vmem>>
      %dma_start3A_3549 = tpu.memref_squeeze %dma_start3A_3548 : memref<1x32x128xf32, #tpu.memory_space<vmem>> -> memref<32x128xf32, #tpu.memory_space<vmem>>
      %dma_start3A_3550 = arith.constant 32 : i32
      %dma_start3A_3551 = tpu.memref_slice %arg6[%dma_start3A_3550, %multiple_of3A_3538] : memref<64x1000000xf32, #tpu.memory_space<hbm>> -> memref<32x128xf32, #tpu.memory_space<hbm>>
      tpu.enqueue_dma source(%dma_start3A_3551 : memref<32x128xf32, #tpu.memory_space<hbm>>) target(%dma_start3A_3549 : memref<32x128xf32, #tpu.memory_space<vmem>>) target_semaphore(%arg18 : memref<!tpu.dma_semaphore, #tpu.memory_space<semaphore_mem>>)
      %multiple_of3A_3552 = tpu.assume_multiple %squeeze3A_3509, 128 : i32
      %dma_start3A_3553 = arith.constant 1 : i32
      %dma_start3A_3554 = arith.constant 32 : i32
      %dma_start3A_3555 = arith.constant 0 : i32
      %dma_start3A_3556 = tpu.memref_slice %arg14[%dma_start3A_3553, %dma_start3A_3554, %dma_start3A_3555] : memref<4x64x128xf32, #tpu.memory_space<vmem>> -> memref<1x32x128xf32, #tpu.memory_space<vmem>>
      %dma_start3A_3557 = tpu.memref_squeeze %dma_start3A_3556 : memref<1x32x128xf32, #tpu.memory_space<vmem>> -> memref<32x128xf32, #tpu.memory_space<vmem>>
      %dma_start3A_3558 = arith.constant 32 : i32
      %dma_start3A_3559 = tpu.memref_slice %arg7[%dma_start3A_3558, %multiple_of3A_3552] : memref<64x1000000xf32, #tpu.memory_space<hbm>> -> memref<32x128xf32, #tpu.memory_space<hbm>>
      %dma_start3A_3560 = arith.constant 32 : i32
      %dma_start3A_3561 = arith.constant 0 : i32
      %dma_start3A_3562 = tpu.memref_slice %arg14[%dma_start3A_3553, %dma_start3A_3560, %dma_start3A_3561] : memref<4x64x128xf32, #tpu.memory_space<vmem>> -> memref<1x32x128xf32, #tpu.memory_space<vmem>>
      %dma_start3A_3563 = tpu.memref_squeeze %dma_start3A_3562 : memref<1x32x128xf32, #tpu.memory_space<vmem>> -> memref<32x128xf32, #tpu.memory_space<vmem>>
      %dma_start3A_3564 = arith.constant 32 : i32
      %dma_start3A_3565 = tpu.memref_slice %arg7[%dma_start3A_3564, %multiple_of3A_3552] : memref<64x1000000xf32, #tpu.memory_space<hbm>> -> memref<32x128xf32, #tpu.memory_space<hbm>>
      tpu.enqueue_dma source(%dma_start3A_3565 : memref<32x128xf32, #tpu.memory_space<hbm>>) target(%dma_start3A_3563 : memref<32x128xf32, #tpu.memory_space<vmem>>) target_semaphore(%arg18 : memref<!tpu.dma_semaphore, #tpu.memory_space<semaphore_mem>>)
      %add3A_3566 = arith.constant 14 : i32
      %add3A_3567 = arith.addi %mul3A_502, %add3A_3566 : i32
      %dma_wait3A_3568 = arith.constant 2 : i32
      %dma_wait3A_3569 = arith.constant 0 : i32
      %dma_wait3A_3570 = arith.constant 0 : i32
      %dma_wait3A_3571 = tpu.memref_slice %arg13[%dma_wait3A_3568, %dma_wait3A_3569, %dma_wait3A_3570] : memref<4x64x128xf32, #tpu.memory_space<vmem>> -> memref<1x32x128xf32, #tpu.memory_space<vmem>>
      %dma_wait3A_3572 = tpu.memref_squeeze %dma_wait3A_3571 : memref<1x32x128xf32, #tpu.memory_space<vmem>> -> memref<32x128xf32, #tpu.memory_space<vmem>>
      %dma_wait3A_3573 = arith.constant 0 : i32
      %dma_wait3A_3574 = arith.constant 0 : i32
      %dma_wait3A_3575 = tpu.memref_slice %arg6[%dma_wait3A_3573, %dma_wait3A_3574] : memref<64x1000000xf32, #tpu.memory_space<hbm>> -> memref<32x128xf32, #tpu.memory_space<hbm>>
      %dma_wait3A_3576 = arith.constant 0 : i32
      %dma_wait3A_3577 = arith.constant 0 : i32
      %dma_wait3A_3578 = tpu.memref_slice %arg13[%dma_wait3A_3568, %dma_wait3A_3576, %dma_wait3A_3577] : memref<4x64x128xf32, #tpu.memory_space<vmem>> -> memref<1x32x128xf32, #tpu.memory_space<vmem>>
      %dma_wait3A_3579 = tpu.memref_squeeze %dma_wait3A_3578 : memref<1x32x128xf32, #tpu.memory_space<vmem>> -> memref<32x128xf32, #tpu.memory_space<vmem>>
      %dma_wait3A_3580 = arith.constant 0 : i32
      %dma_wait3A_3581 = arith.constant 0 : i32
      %dma_wait3A_3582 = tpu.memref_slice %arg6[%dma_wait3A_3580, %dma_wait3A_3581] : memref<64x1000000xf32, #tpu.memory_space<hbm>> -> memref<32x128xf32, #tpu.memory_space<hbm>>
      tpu.wait_dma2 semaphore(%arg19 : memref<!tpu.dma_semaphore, #tpu.memory_space<semaphore_mem>>) src(%dma_wait3A_3582 : memref<32x128xf32, #tpu.memory_space<hbm>>) dst(%dma_wait3A_3579 : memref<32x128xf32, #tpu.memory_space<vmem>>)
      %dma_wait3A_3583 = arith.constant 2 : i32
      %dma_wait3A_3584 = arith.constant 0 : i32
      %dma_wait3A_3585 = arith.constant 0 : i32
      %dma_wait3A_3586 = tpu.memref_slice %arg13[%dma_wait3A_3583, %dma_wait3A_3584, %dma_wait3A_3585] : memref<4x64x128xf32, #tpu.memory_space<vmem>> -> memref<1x32x128xf32, #tpu.memory_space<vmem>>
      %dma_wait3A_3587 = tpu.memref_squeeze %dma_wait3A_3586 : memref<1x32x128xf32, #tpu.memory_space<vmem>> -> memref<32x128xf32, #tpu.memory_space<vmem>>
      %dma_wait3A_3588 = arith.constant 0 : i32
      %dma_wait3A_3589 = arith.constant 0 : i32
      %dma_wait3A_3590 = tpu.memref_slice %arg6[%dma_wait3A_3588, %dma_wait3A_3589] : memref<64x1000000xf32, #tpu.memory_space<hbm>> -> memref<32x128xf32, #tpu.memory_space<hbm>>
      %dma_wait3A_3591 = arith.constant 0 : i32
      %dma_wait3A_3592 = arith.constant 0 : i32
      %dma_wait3A_3593 = tpu.memref_slice %arg13[%dma_wait3A_3583, %dma_wait3A_3591, %dma_wait3A_3592] : memref<4x64x128xf32, #tpu.memory_space<vmem>> -> memref<1x32x128xf32, #tpu.memory_space<vmem>>
      %dma_wait3A_3594 = tpu.memref_squeeze %dma_wait3A_3593 : memref<1x32x128xf32, #tpu.memory_space<vmem>> -> memref<32x128xf32, #tpu.memory_space<vmem>>
      %dma_wait3A_3595 = arith.constant 0 : i32
      %dma_wait3A_3596 = arith.constant 0 : i32
      %dma_wait3A_3597 = tpu.memref_slice %arg6[%dma_wait3A_3595, %dma_wait3A_3596] : memref<64x1000000xf32, #tpu.memory_space<hbm>> -> memref<32x128xf32, #tpu.memory_space<hbm>>
      tpu.wait_dma2 semaphore(%arg19 : memref<!tpu.dma_semaphore, #tpu.memory_space<semaphore_mem>>) src(%dma_wait3A_3597 : memref<32x128xf32, #tpu.memory_space<hbm>>) dst(%dma_wait3A_3594 : memref<32x128xf32, #tpu.memory_space<vmem>>)
      %dma_wait3A_3598 = arith.constant 2 : i32
      %dma_wait3A_3599 = arith.constant 0 : i32
      %dma_wait3A_3600 = arith.constant 0 : i32
      %dma_wait3A_3601 = tpu.memref_slice %arg13[%dma_wait3A_3598, %dma_wait3A_3599, %dma_wait3A_3600] : memref<4x64x128xf32, #tpu.memory_space<vmem>> -> memref<1x32x128xf32, #tpu.memory_space<vmem>>
      %dma_wait3A_3602 = tpu.memref_squeeze %dma_wait3A_3601 : memref<1x32x128xf32, #tpu.memory_space<vmem>> -> memref<32x128xf32, #tpu.memory_space<vmem>>
      %dma_wait3A_3603 = arith.constant 0 : i32
      %dma_wait3A_3604 = arith.constant 0 : i32
      %dma_wait3A_3605 = tpu.memref_slice %arg6[%dma_wait3A_3603, %dma_wait3A_3604] : memref<64x1000000xf32, #tpu.memory_space<hbm>> -> memref<32x128xf32, #tpu.memory_space<hbm>>
      %dma_wait3A_3606 = arith.constant 0 : i32
      %dma_wait3A_3607 = arith.constant 0 : i32
      %dma_wait3A_3608 = tpu.memref_slice %arg13[%dma_wait3A_3598, %dma_wait3A_3606, %dma_wait3A_3607] : memref<4x64x128xf32, #tpu.memory_space<vmem>> -> memref<1x32x128xf32, #tpu.memory_space<vmem>>
      %dma_wait3A_3609 = tpu.memref_squeeze %dma_wait3A_3608 : memref<1x32x128xf32, #tpu.memory_space<vmem>> -> memref<32x128xf32, #tpu.memory_space<vmem>>
      %dma_wait3A_3610 = arith.constant 0 : i32
      %dma_wait3A_3611 = arith.constant 0 : i32
      %dma_wait3A_3612 = tpu.memref_slice %arg6[%dma_wait3A_3610, %dma_wait3A_3611] : memref<64x1000000xf32, #tpu.memory_space<hbm>> -> memref<32x128xf32, #tpu.memory_space<hbm>>
      tpu.wait_dma2 semaphore(%arg19 : memref<!tpu.dma_semaphore, #tpu.memory_space<semaphore_mem>>) src(%dma_wait3A_3612 : memref<32x128xf32, #tpu.memory_space<hbm>>) dst(%dma_wait3A_3609 : memref<32x128xf32, #tpu.memory_space<vmem>>)
      %dma_wait3A_3613 = arith.constant 2 : i32
      %dma_wait3A_3614 = arith.constant 0 : i32
      %dma_wait3A_3615 = arith.constant 0 : i32
      %dma_wait3A_3616 = tpu.memref_slice %arg13[%dma_wait3A_3613, %dma_wait3A_3614, %dma_wait3A_3615] : memref<4x64x128xf32, #tpu.memory_space<vmem>> -> memref<1x32x128xf32, #tpu.memory_space<vmem>>
      %dma_wait3A_3617 = tpu.memref_squeeze %dma_wait3A_3616 : memref<1x32x128xf32, #tpu.memory_space<vmem>> -> memref<32x128xf32, #tpu.memory_space<vmem>>
      %dma_wait3A_3618 = arith.constant 0 : i32
      %dma_wait3A_3619 = arith.constant 0 : i32
      %dma_wait3A_3620 = tpu.memref_slice %arg6[%dma_wait3A_3618, %dma_wait3A_3619] : memref<64x1000000xf32, #tpu.memory_space<hbm>> -> memref<32x128xf32, #tpu.memory_space<hbm>>
      %dma_wait3A_3621 = arith.constant 0 : i32
      %dma_wait3A_3622 = arith.constant 0 : i32
      %dma_wait3A_3623 = tpu.memref_slice %arg13[%dma_wait3A_3613, %dma_wait3A_3621, %dma_wait3A_3622] : memref<4x64x128xf32, #tpu.memory_space<vmem>> -> memref<1x32x128xf32, #tpu.memory_space<vmem>>
      %dma_wait3A_3624 = tpu.memref_squeeze %dma_wait3A_3623 : memref<1x32x128xf32, #tpu.memory_space<vmem>> -> memref<32x128xf32, #tpu.memory_space<vmem>>
      %dma_wait3A_3625 = arith.constant 0 : i32
      %dma_wait3A_3626 = arith.constant 0 : i32
      %dma_wait3A_3627 = tpu.memref_slice %arg6[%dma_wait3A_3625, %dma_wait3A_3626] : memref<64x1000000xf32, #tpu.memory_space<hbm>> -> memref<32x128xf32, #tpu.memory_space<hbm>>
      tpu.wait_dma2 semaphore(%arg19 : memref<!tpu.dma_semaphore, #tpu.memory_space<semaphore_mem>>) src(%dma_wait3A_3627 : memref<32x128xf32, #tpu.memory_space<hbm>>) dst(%dma_wait3A_3624 : memref<32x128xf32, #tpu.memory_space<vmem>>)
      %get3A_3628 = arith.index_cast %add3A_3567 : i32 to index
      %get3A_3629 = tpu.vector_load %arg10[%get3A_3628] {strides = array<i32>} : memref<528xi32, #tpu.memory_space<vmem>>, vector<16xi32>,
      %slice3A_3630 = vector.extract_strided_slice %get3A_3629 {offsets = [0], sizes = [1], strides = [1]} : vector<16xi32> to vector<1xi32>
      %squeeze3A_3631 = vector.extract %slice3A_3630[0] : i32 from vector<1xi32>
      %get3A_3632 = arith.index_cast %add3A_3567 : i32 to index
      %get3A_3633 = tpu.vector_load %arg12[%get3A_3632] {strides = array<i32>} : memref<528xi32, #tpu.memory_space<vmem>>, vector<16xi32>,
      %slice3A_3634 = vector.extract_strided_slice %get3A_3633 {offsets = [0], sizes = [1], strides = [1]} : vector<16xi32> to vector<1xi32>
      %squeeze3A_3635 = vector.extract %slice3A_3634[0] : i32 from vector<1xi32>
      %mul3A_3636 = arith.constant 0 : i32
      %mul3A_3637 = vector.broadcast %mul3A_3636 : i32 to vector<16xi32>
      %mul3A_3638 = arith.muli %iota3A, %mul3A_3637 : vector<16xi32>
      %add3A_3639 = vector.broadcast %squeeze3A_3631 : i32 to vector<16xi32>
      %add3A_3640 = arith.addi %mul3A_3638, %add3A_3639 : vector<16xi32>
      %mul3A_3641 = arith.constant 0 : i32
      %mul3A_3642 = vector.broadcast %mul3A_3641 : i32 to vector<16xi32>
      %mul3A_3643 = arith.muli %iota3A, %mul3A_3642 : vector<16xi32>
      %add3A_3644 = vector.broadcast %squeeze3A_3635 : i32 to vector<16xi32>
      %add3A_3645 = arith.addi %mul3A_3643, %add3A_3644 : vector<16xi32>
      %add3A_3646 = arith.constant 0 : i32
      %add3A_3647 = vector.broadcast %add3A_3646 : i32 to vector<16xi32>
      %add3A_3648 = arith.addi %add3A_3647, %iota3A : vector<16xi32>
      %gather3A_3649 = arith.constant 2 : i32
      %gather3A_3650 = arith.constant 0 : i32
      %gather3A_3651 = arith.constant 0 : i32
      %gather3A_3652 = tpu.memref_slice %arg13[%gather3A_3649, %gather3A_3650, %gather3A_3651] : memref<4x64x128xf32, #tpu.memory_space<vmem>> -> memref<1x64x128xf32, #tpu.memory_space<vmem>>
      %gather3A_3653 = tpu.memref_squeeze %gather3A_3652 : memref<1x64x128xf32, #tpu.memory_space<vmem>> -> memref<64x128xf32, #tpu.memory_space<vmem>>
      %gather3A_3654 = tpu.vector_load_idx %gather3A_3653[%add3A_3648, %add3A_3640] : memref<64x128xf32, #tpu.memory_space<vmem>>[vector<16xi32>, vector<16xi32>], vector<16xf32>,
      %gather3A_3655 = arith.constant 2 : i32
      %gather3A_3656 = arith.constant 0 : i32
      %gather3A_3657 = arith.constant 0 : i32
      %gather3A_3658 = tpu.memref_slice %arg14[%gather3A_3655, %gather3A_3656, %gather3A_3657] : memref<4x64x128xf32, #tpu.memory_space<vmem>> -> memref<1x64x128xf32, #tpu.memory_space<vmem>>
      %gather3A_3659 = tpu.memref_squeeze %gather3A_3658 : memref<1x64x128xf32, #tpu.memory_space<vmem>> -> memref<64x128xf32, #tpu.memory_space<vmem>>
      %gather3A_3660 = tpu.vector_load_idx %gather3A_3659[%add3A_3648, %add3A_3645] : memref<64x128xf32, #tpu.memory_space<vmem>>[vector<16xi32>, vector<16xi32>], vector<16xf32>,
      %mul3A_3661 = arith.mulf %gather3A_3654, %gather3A_3660 : vector<16xf32>
      %add3A_3662 = arith.constant 16 : i32
      %add3A_3663 = vector.broadcast %add3A_3662 : i32 to vector<16xi32>
      %add3A_3664 = arith.addi %add3A_3663, %iota3A : vector<16xi32>
      %gather3A_3665 = arith.constant 2 : i32
      %gather3A_3666 = arith.constant 0 : i32
      %gather3A_3667 = arith.constant 0 : i32
      %gather3A_3668 = tpu.memref_slice %arg13[%gather3A_3665, %gather3A_3666, %gather3A_3667] : memref<4x64x128xf32, #tpu.memory_space<vmem>> -> memref<1x64x128xf32, #tpu.memory_space<vmem>>
      %gather3A_3669 = tpu.memref_squeeze %gather3A_3668 : memref<1x64x128xf32, #tpu.memory_space<vmem>> -> memref<64x128xf32, #tpu.memory_space<vmem>>
      %gather3A_3670 = tpu.vector_load_idx %gather3A_3669[%add3A_3664, %add3A_3640] : memref<64x128xf32, #tpu.memory_space<vmem>>[vector<16xi32>, vector<16xi32>], vector<16xf32>,
      %gather3A_3671 = arith.constant 2 : i32
      %gather3A_3672 = arith.constant 0 : i32
      %gather3A_3673 = arith.constant 0 : i32
      %gather3A_3674 = tpu.memref_slice %arg14[%gather3A_3671, %gather3A_3672, %gather3A_3673] : memref<4x64x128xf32, #tpu.memory_space<vmem>> -> memref<1x64x128xf32, #tpu.memory_space<vmem>>
      %gather3A_3675 = tpu.memref_squeeze %gather3A_3674 : memref<1x64x128xf32, #tpu.memory_space<vmem>> -> memref<64x128xf32, #tpu.memory_space<vmem>>
      %gather3A_3676 = tpu.vector_load_idx %gather3A_3675[%add3A_3664, %add3A_3645] : memref<64x128xf32, #tpu.memory_space<vmem>>[vector<16xi32>, vector<16xi32>], vector<16xf32>,
      %mul3A_3677 = arith.mulf %gather3A_3670, %gather3A_3676 : vector<16xf32>
      %add3A_3678 = arith.addf %mul3A_3661, %mul3A_3677 : vector<16xf32>
      %add3A_3679 = arith.constant 32 : i32
      %add3A_3680 = vector.broadcast %add3A_3679 : i32 to vector<16xi32>
      %add3A_3681 = arith.addi %add3A_3680, %iota3A : vector<16xi32>
      %gather3A_3682 = arith.constant 2 : i32
      %gather3A_3683 = arith.constant 0 : i32
      %gather3A_3684 = arith.constant 0 : i32
      %gather3A_3685 = tpu.memref_slice %arg13[%gather3A_3682, %gather3A_3683, %gather3A_3684] : memref<4x64x128xf32, #tpu.memory_space<vmem>> -> memref<1x64x128xf32, #tpu.memory_space<vmem>>
      %gather3A_3686 = tpu.memref_squeeze %gather3A_3685 : memref<1x64x128xf32, #tpu.memory_space<vmem>> -> memref<64x128xf32, #tpu.memory_space<vmem>>
      %gather3A_3687 = tpu.vector_load_idx %gather3A_3686[%add3A_3681, %add3A_3640] : memref<64x128xf32, #tpu.memory_space<vmem>>[vector<16xi32>, vector<16xi32>], vector<16xf32>,
      %gather3A_3688 = arith.constant 2 : i32
      %gather3A_3689 = arith.constant 0 : i32
      %gather3A_3690 = arith.constant 0 : i32
      %gather3A_3691 = tpu.memref_slice %arg14[%gather3A_3688, %gather3A_3689, %gather3A_3690] : memref<4x64x128xf32, #tpu.memory_space<vmem>> -> memref<1x64x128xf32, #tpu.memory_space<vmem>>
      %gather3A_3692 = tpu.memref_squeeze %gather3A_3691 : memref<1x64x128xf32, #tpu.memory_space<vmem>> -> memref<64x128xf32, #tpu.memory_space<vmem>>
      %gather3A_3693 = tpu.vector_load_idx %gather3A_3692[%add3A_3681, %add3A_3645] : memref<64x128xf32, #tpu.memory_space<vmem>>[vector<16xi32>, vector<16xi32>], vector<16xf32>,
      %mul3A_3694 = arith.mulf %gather3A_3687, %gather3A_3693 : vector<16xf32>
      %add3A_3695 = arith.addf %add3A_3678, %mul3A_3694 : vector<16xf32>
      %add3A_3696 = arith.constant 48 : i32
      %add3A_3697 = vector.broadcast %add3A_3696 : i32 to vector<16xi32>
      %add3A_3698 = arith.addi %add3A_3697, %iota3A : vector<16xi32>
      %gather3A_3699 = arith.constant 2 : i32
      %gather3A_3700 = arith.constant 0 : i32
      %gather3A_3701 = arith.constant 0 : i32
      %gather3A_3702 = tpu.memref_slice %arg13[%gather3A_3699, %gather3A_3700, %gather3A_3701] : memref<4x64x128xf32, #tpu.memory_space<vmem>> -> memref<1x64x128xf32, #tpu.memory_space<vmem>>
      %gather3A_3703 = tpu.memref_squeeze %gather3A_3702 : memref<1x64x128xf32, #tpu.memory_space<vmem>> -> memref<64x128xf32, #tpu.memory_space<vmem>>
      %gather3A_3704 = tpu.vector_load_idx %gather3A_3703[%add3A_3698, %add3A_3640] : memref<64x128xf32, #tpu.memory_space<vmem>>[vector<16xi32>, vector<16xi32>], vector<16xf32>,
      %gather3A_3705 = arith.constant 2 : i32
      %gather3A_3706 = arith.constant 0 : i32
      %gather3A_3707 = arith.constant 0 : i32
      %gather3A_3708 = tpu.memref_slice %arg14[%gather3A_3705, %gather3A_3706, %gather3A_3707] : memref<4x64x128xf32, #tpu.memory_space<vmem>> -> memref<1x64x128xf32, #tpu.memory_space<vmem>>
      %gather3A_3709 = tpu.memref_squeeze %gather3A_3708 : memref<1x64x128xf32, #tpu.memory_space<vmem>> -> memref<64x128xf32, #tpu.memory_space<vmem>>
      %gather3A_3710 = tpu.vector_load_idx %gather3A_3709[%add3A_3698, %add3A_3645] : memref<64x128xf32, #tpu.memory_space<vmem>>[vector<16xi32>, vector<16xi32>], vector<16xf32>,
      %mul3A_3711 = arith.mulf %gather3A_3704, %gather3A_3710 : vector<16xf32>
      %add3A_3712 = arith.addf %add3A_3695, %mul3A_3711 : vector<16xf32>
      %swap3A_3713 = arith.constant 14 : i32
      %swap3A_3714 = arith.index_cast %swap3A_3713 : i32 to index
      %swap3A_3715 = arith.constant 0 : index
      %swap3A_3716 = tpu.vector_load %arg15[%swap3A_3714, %swap3A_3715] {strides = array<i32>} : memref<16x16xf32, #tpu.memory_space<vmem>>, vector<16xf32>,
      tpu.vector_store %arg15[%swap3A_3714, %swap3A_3715], %add3A_3712 {strides = array<i32>} : memref<16x16xf32, #tpu.memory_space<vmem>>, vector<16xf32>,
      %add3A_3717 = arith.constant 4 : i32
      %add3A_3718 = arith.addi %add3A_3567, %add3A_3717 : i32
      %min3A_3719 = arith.constant 511 : i32
      %min3A_3720 = arith.minsi %add3A_3718, %min3A_3719 : i32
      %get3A_3721 = arith.index_cast %min3A_3720 : i32 to index
      %get3A_3722 = tpu.vector_load %arg9[%get3A_3721] {strides = array<i32>} : memref<528xi32, #tpu.memory_space<vmem>>, vector<16xi32>,
      %slice3A_3723 = vector.extract_strided_slice %get3A_3722 {offsets = [0], sizes = [1], strides = [1]} : vector<16xi32> to vector<1xi32>
      %squeeze3A_3724 = vector.extract %slice3A_3723[0] : i32 from vector<1xi32>
      %get3A_3725 = arith.index_cast %min3A_3720 : i32 to index
      %get3A_3726 = tpu.vector_load %arg11[%get3A_3725] {strides = array<i32>} : memref<528xi32, #tpu.memory_space<vmem>>, vector<16xi32>,
      %slice3A_3727 = vector.extract_strided_slice %get3A_3726 {offsets = [0], sizes = [1], strides = [1]} : vector<16xi32> to vector<1xi32>
      %squeeze3A_3728 = vector.extract %slice3A_3727[0] : i32 from vector<1xi32>
      %multiple_of3A_3729 = tpu.assume_multiple %squeeze3A_3724, 128 : i32
      %dma_start3A_3730 = arith.constant 2 : i32
      %dma_start3A_3731 = arith.constant 0 : i32
      %dma_start3A_3732 = arith.constant 0 : i32
      %dma_start3A_3733 = tpu.memref_slice %arg13[%dma_start3A_3730, %dma_start3A_3731, %dma_start3A_3732] : memref<4x64x128xf32, #tpu.memory_space<vmem>> -> memref<1x32x128xf32, #tpu.memory_space<vmem>>
      %dma_start3A_3734 = tpu.memref_squeeze %dma_start3A_3733 : memref<1x32x128xf32, #tpu.memory_space<vmem>> -> memref<32x128xf32, #tpu.memory_space<vmem>>
      %dma_start3A_3735 = arith.constant 0 : i32
      %dma_start3A_3736 = tpu.memref_slice %arg6[%dma_start3A_3735, %multiple_of3A_3729] : memref<64x1000000xf32, #tpu.memory_space<hbm>> -> memref<32x128xf32, #tpu.memory_space<hbm>>
      %dma_start3A_3737 = arith.constant 0 : i32
      %dma_start3A_3738 = arith.constant 0 : i32
      %dma_start3A_3739 = tpu.memref_slice %arg13[%dma_start3A_3730, %dma_start3A_3737, %dma_start3A_3738] : memref<4x64x128xf32, #tpu.memory_space<vmem>> -> memref<1x32x128xf32, #tpu.memory_space<vmem>>
      %dma_start3A_3740 = tpu.memref_squeeze %dma_start3A_3739 : memref<1x32x128xf32, #tpu.memory_space<vmem>> -> memref<32x128xf32, #tpu.memory_space<vmem>>
      %dma_start3A_3741 = arith.constant 0 : i32
      %dma_start3A_3742 = tpu.memref_slice %arg6[%dma_start3A_3741, %multiple_of3A_3729] : memref<64x1000000xf32, #tpu.memory_space<hbm>> -> memref<32x128xf32, #tpu.memory_space<hbm>>
      tpu.enqueue_dma source(%dma_start3A_3742 : memref<32x128xf32, #tpu.memory_space<hbm>>) target(%dma_start3A_3740 : memref<32x128xf32, #tpu.memory_space<vmem>>) target_semaphore(%arg19 : memref<!tpu.dma_semaphore, #tpu.memory_space<semaphore_mem>>)
      %multiple_of3A_3743 = tpu.assume_multiple %squeeze3A_3728, 128 : i32
      %dma_start3A_3744 = arith.constant 2 : i32
      %dma_start3A_3745 = arith.constant 0 : i32
      %dma_start3A_3746 = arith.constant 0 : i32
      %dma_start3A_3747 = tpu.memref_slice %arg14[%dma_start3A_3744, %dma_start3A_3745, %dma_start3A_3746] : memref<4x64x128xf32, #tpu.memory_space<vmem>> -> memref<1x32x128xf32, #tpu.memory_space<vmem>>
      %dma_start3A_3748 = tpu.memref_squeeze %dma_start3A_3747 : memref<1x32x128xf32, #tpu.memory_space<vmem>> -> memref<32x128xf32, #tpu.memory_space<vmem>>
      %dma_start3A_3749 = arith.constant 0 : i32
      %dma_start3A_3750 = tpu.memref_slice %arg7[%dma_start3A_3749, %multiple_of3A_3743] : memref<64x1000000xf32, #tpu.memory_space<hbm>> -> memref<32x128xf32, #tpu.memory_space<hbm>>
      %dma_start3A_3751 = arith.constant 0 : i32
      %dma_start3A_3752 = arith.constant 0 : i32
      %dma_start3A_3753 = tpu.memref_slice %arg14[%dma_start3A_3744, %dma_start3A_3751, %dma_start3A_3752] : memref<4x64x128xf32, #tpu.memory_space<vmem>> -> memref<1x32x128xf32, #tpu.memory_space<vmem>>
      %dma_start3A_3754 = tpu.memref_squeeze %dma_start3A_3753 : memref<1x32x128xf32, #tpu.memory_space<vmem>> -> memref<32x128xf32, #tpu.memory_space<vmem>>
      %dma_start3A_3755 = arith.constant 0 : i32
      %dma_start3A_3756 = tpu.memref_slice %arg7[%dma_start3A_3755, %multiple_of3A_3743] : memref<64x1000000xf32, #tpu.memory_space<hbm>> -> memref<32x128xf32, #tpu.memory_space<hbm>>
      tpu.enqueue_dma source(%dma_start3A_3756 : memref<32x128xf32, #tpu.memory_space<hbm>>) target(%dma_start3A_3754 : memref<32x128xf32, #tpu.memory_space<vmem>>) target_semaphore(%arg19 : memref<!tpu.dma_semaphore, #tpu.memory_space<semaphore_mem>>)
      %multiple_of3A_3757 = tpu.assume_multiple %squeeze3A_3724, 128 : i32
      %dma_start3A_3758 = arith.constant 2 : i32
      %dma_start3A_3759 = arith.constant 32 : i32
      %dma_start3A_3760 = arith.constant 0 : i32
      %dma_start3A_3761 = tpu.memref_slice %arg13[%dma_start3A_3758, %dma_start3A_3759, %dma_start3A_3760] : memref<4x64x128xf32, #tpu.memory_space<vmem>> -> memref<1x32x128xf32, #tpu.memory_space<vmem>>
      %dma_start3A_3762 = tpu.memref_squeeze %dma_start3A_3761 : memref<1x32x128xf32, #tpu.memory_space<vmem>> -> memref<32x128xf32, #tpu.memory_space<vmem>>
      %dma_start3A_3763 = arith.constant 32 : i32
      %dma_start3A_3764 = tpu.memref_slice %arg6[%dma_start3A_3763, %multiple_of3A_3757] : memref<64x1000000xf32, #tpu.memory_space<hbm>> -> memref<32x128xf32, #tpu.memory_space<hbm>>
      %dma_start3A_3765 = arith.constant 32 : i32
      %dma_start3A_3766 = arith.constant 0 : i32
      %dma_start3A_3767 = tpu.memref_slice %arg13[%dma_start3A_3758, %dma_start3A_3765, %dma_start3A_3766] : memref<4x64x128xf32, #tpu.memory_space<vmem>> -> memref<1x32x128xf32, #tpu.memory_space<vmem>>
      %dma_start3A_3768 = tpu.memref_squeeze %dma_start3A_3767 : memref<1x32x128xf32, #tpu.memory_space<vmem>> -> memref<32x128xf32, #tpu.memory_space<vmem>>
      %dma_start3A_3769 = arith.constant 32 : i32
      %dma_start3A_3770 = tpu.memref_slice %arg6[%dma_start3A_3769, %multiple_of3A_3757] : memref<64x1000000xf32, #tpu.memory_space<hbm>> -> memref<32x128xf32, #tpu.memory_space<hbm>>
      tpu.enqueue_dma source(%dma_start3A_3770 : memref<32x128xf32, #tpu.memory_space<hbm>>) target(%dma_start3A_3768 : memref<32x128xf32, #tpu.memory_space<vmem>>) target_semaphore(%arg19 : memref<!tpu.dma_semaphore, #tpu.memory_space<semaphore_mem>>)
      %multiple_of3A_3771 = tpu.assume_multiple %squeeze3A_3728, 128 : i32
      %dma_start3A_3772 = arith.constant 2 : i32
      %dma_start3A_3773 = arith.constant 32 : i32
      %dma_start3A_3774 = arith.constant 0 : i32
      %dma_start3A_3775 = tpu.memref_slice %arg14[%dma_start3A_3772, %dma_start3A_3773, %dma_start3A_3774] : memref<4x64x128xf32, #tpu.memory_space<vmem>> -> memref<1x32x128xf32, #tpu.memory_space<vmem>>
      %dma_start3A_3776 = tpu.memref_squeeze %dma_start3A_3775 : memref<1x32x128xf32, #tpu.memory_space<vmem>> -> memref<32x128xf32, #tpu.memory_space<vmem>>
      %dma_start3A_3777 = arith.constant 32 : i32
      %dma_start3A_3778 = tpu.memref_slice %arg7[%dma_start3A_3777, %multiple_of3A_3771] : memref<64x1000000xf32, #tpu.memory_space<hbm>> -> memref<32x128xf32, #tpu.memory_space<hbm>>
      %dma_start3A_3779 = arith.constant 32 : i32
      %dma_start3A_3780 = arith.constant 0 : i32
      %dma_start3A_3781 = tpu.memref_slice %arg14[%dma_start3A_3772, %dma_start3A_3779, %dma_start3A_3780] : memref<4x64x128xf32, #tpu.memory_space<vmem>> -> memref<1x32x128xf32, #tpu.memory_space<vmem>>
      %dma_start3A_3782 = tpu.memref_squeeze %dma_start3A_3781 : memref<1x32x128xf32, #tpu.memory_space<vmem>> -> memref<32x128xf32, #tpu.memory_space<vmem>>
      %dma_start3A_3783 = arith.constant 32 : i32
      %dma_start3A_3784 = tpu.memref_slice %arg7[%dma_start3A_3783, %multiple_of3A_3771] : memref<64x1000000xf32, #tpu.memory_space<hbm>> -> memref<32x128xf32, #tpu.memory_space<hbm>>
      tpu.enqueue_dma source(%dma_start3A_3784 : memref<32x128xf32, #tpu.memory_space<hbm>>) target(%dma_start3A_3782 : memref<32x128xf32, #tpu.memory_space<vmem>>) target_semaphore(%arg19 : memref<!tpu.dma_semaphore, #tpu.memory_space<semaphore_mem>>)
      %add3A_3785 = arith.constant 15 : i32
      %add3A_3786 = arith.addi %mul3A_502, %add3A_3785 : i32
      %dma_wait3A_3787 = arith.constant 3 : i32
      %dma_wait3A_3788 = arith.constant 0 : i32
      %dma_wait3A_3789 = arith.constant 0 : i32
      %dma_wait3A_3790 = tpu.memref_slice %arg13[%dma_wait3A_3787, %dma_wait3A_3788, %dma_wait3A_3789] : memref<4x64x128xf32, #tpu.memory_space<vmem>> -> memref<1x32x128xf32, #tpu.memory_space<vmem>>
      %dma_wait3A_3791 = tpu.memref_squeeze %dma_wait3A_3790 : memref<1x32x128xf32, #tpu.memory_space<vmem>> -> memref<32x128xf32, #tpu.memory_space<vmem>>
      %dma_wait3A_3792 = arith.constant 0 : i32
      %dma_wait3A_3793 = arith.constant 0 : i32
      %dma_wait3A_3794 = tpu.memref_slice %arg6[%dma_wait3A_3792, %dma_wait3A_3793] : memref<64x1000000xf32, #tpu.memory_space<hbm>> -> memref<32x128xf32, #tpu.memory_space<hbm>>
      %dma_wait3A_3795 = arith.constant 0 : i32
      %dma_wait3A_3796 = arith.constant 0 : i32
      %dma_wait3A_3797 = tpu.memref_slice %arg13[%dma_wait3A_3787, %dma_wait3A_3795, %dma_wait3A_3796] : memref<4x64x128xf32, #tpu.memory_space<vmem>> -> memref<1x32x128xf32, #tpu.memory_space<vmem>>
      %dma_wait3A_3798 = tpu.memref_squeeze %dma_wait3A_3797 : memref<1x32x128xf32, #tpu.memory_space<vmem>> -> memref<32x128xf32, #tpu.memory_space<vmem>>
      %dma_wait3A_3799 = arith.constant 0 : i32
      %dma_wait3A_3800 = arith.constant 0 : i32
      %dma_wait3A_3801 = tpu.memref_slice %arg6[%dma_wait3A_3799, %dma_wait3A_3800] : memref<64x1000000xf32, #tpu.memory_space<hbm>> -> memref<32x128xf32, #tpu.memory_space<hbm>>
      tpu.wait_dma2 semaphore(%arg20 : memref<!tpu.dma_semaphore, #tpu.memory_space<semaphore_mem>>) src(%dma_wait3A_3801 : memref<32x128xf32, #tpu.memory_space<hbm>>) dst(%dma_wait3A_3798 : memref<32x128xf32, #tpu.memory_space<vmem>>)
      %dma_wait3A_3802 = arith.constant 3 : i32
      %dma_wait3A_3803 = arith.constant 0 : i32
      %dma_wait3A_3804 = arith.constant 0 : i32
      %dma_wait3A_3805 = tpu.memref_slice %arg13[%dma_wait3A_3802, %dma_wait3A_3803, %dma_wait3A_3804] : memref<4x64x128xf32, #tpu.memory_space<vmem>> -> memref<1x32x128xf32, #tpu.memory_space<vmem>>
      %dma_wait3A_3806 = tpu.memref_squeeze %dma_wait3A_3805 : memref<1x32x128xf32, #tpu.memory_space<vmem>> -> memref<32x128xf32, #tpu.memory_space<vmem>>
      %dma_wait3A_3807 = arith.constant 0 : i32
      %dma_wait3A_3808 = arith.constant 0 : i32
      %dma_wait3A_3809 = tpu.memref_slice %arg6[%dma_wait3A_3807, %dma_wait3A_3808] : memref<64x1000000xf32, #tpu.memory_space<hbm>> -> memref<32x128xf32, #tpu.memory_space<hbm>>
      %dma_wait3A_3810 = arith.constant 0 : i32
      %dma_wait3A_3811 = arith.constant 0 : i32
      %dma_wait3A_3812 = tpu.memref_slice %arg13[%dma_wait3A_3802, %dma_wait3A_3810, %dma_wait3A_3811] : memref<4x64x128xf32, #tpu.memory_space<vmem>> -> memref<1x32x128xf32, #tpu.memory_space<vmem>>
      %dma_wait3A_3813 = tpu.memref_squeeze %dma_wait3A_3812 : memref<1x32x128xf32, #tpu.memory_space<vmem>> -> memref<32x128xf32, #tpu.memory_space<vmem>>
      %dma_wait3A_3814 = arith.constant 0 : i32
      %dma_wait3A_3815 = arith.constant 0 : i32
      %dma_wait3A_3816 = tpu.memref_slice %arg6[%dma_wait3A_3814, %dma_wait3A_3815] : memref<64x1000000xf32, #tpu.memory_space<hbm>> -> memref<32x128xf32, #tpu.memory_space<hbm>>
      tpu.wait_dma2 semaphore(%arg20 : memref<!tpu.dma_semaphore, #tpu.memory_space<semaphore_mem>>) src(%dma_wait3A_3816 : memref<32x128xf32, #tpu.memory_space<hbm>>) dst(%dma_wait3A_3813 : memref<32x128xf32, #tpu.memory_space<vmem>>)
      %dma_wait3A_3817 = arith.constant 3 : i32
      %dma_wait3A_3818 = arith.constant 0 : i32
      %dma_wait3A_3819 = arith.constant 0 : i32
      %dma_wait3A_3820 = tpu.memref_slice %arg13[%dma_wait3A_3817, %dma_wait3A_3818, %dma_wait3A_3819] : memref<4x64x128xf32, #tpu.memory_space<vmem>> -> memref<1x32x128xf32, #tpu.memory_space<vmem>>
      %dma_wait3A_3821 = tpu.memref_squeeze %dma_wait3A_3820 : memref<1x32x128xf32, #tpu.memory_space<vmem>> -> memref<32x128xf32, #tpu.memory_space<vmem>>
      %dma_wait3A_3822 = arith.constant 0 : i32
      %dma_wait3A_3823 = arith.constant 0 : i32
      %dma_wait3A_3824 = tpu.memref_slice %arg6[%dma_wait3A_3822, %dma_wait3A_3823] : memref<64x1000000xf32, #tpu.memory_space<hbm>> -> memref<32x128xf32, #tpu.memory_space<hbm>>
      %dma_wait3A_3825 = arith.constant 0 : i32
      %dma_wait3A_3826 = arith.constant 0 : i32
      %dma_wait3A_3827 = tpu.memref_slice %arg13[%dma_wait3A_3817, %dma_wait3A_3825, %dma_wait3A_3826] : memref<4x64x128xf32, #tpu.memory_space<vmem>> -> memref<1x32x128xf32, #tpu.memory_space<vmem>>
      %dma_wait3A_3828 = tpu.memref_squeeze %dma_wait3A_3827 : memref<1x32x128xf32, #tpu.memory_space<vmem>> -> memref<32x128xf32, #tpu.memory_space<vmem>>
      %dma_wait3A_3829 = arith.constant 0 : i32
      %dma_wait3A_3830 = arith.constant 0 : i32
      %dma_wait3A_3831 = tpu.memref_slice %arg6[%dma_wait3A_3829, %dma_wait3A_3830] : memref<64x1000000xf32, #tpu.memory_space<hbm>> -> memref<32x128xf32, #tpu.memory_space<hbm>>
      tpu.wait_dma2 semaphore(%arg20 : memref<!tpu.dma_semaphore, #tpu.memory_space<semaphore_mem>>) src(%dma_wait3A_3831 : memref<32x128xf32, #tpu.memory_space<hbm>>) dst(%dma_wait3A_3828 : memref<32x128xf32, #tpu.memory_space<vmem>>)
      %dma_wait3A_3832 = arith.constant 3 : i32
      %dma_wait3A_3833 = arith.constant 0 : i32
      %dma_wait3A_3834 = arith.constant 0 : i32
      %dma_wait3A_3835 = tpu.memref_slice %arg13[%dma_wait3A_3832, %dma_wait3A_3833, %dma_wait3A_3834] : memref<4x64x128xf32, #tpu.memory_space<vmem>> -> memref<1x32x128xf32, #tpu.memory_space<vmem>>
      %dma_wait3A_3836 = tpu.memref_squeeze %dma_wait3A_3835 : memref<1x32x128xf32, #tpu.memory_space<vmem>> -> memref<32x128xf32, #tpu.memory_space<vmem>>
      %dma_wait3A_3837 = arith.constant 0 : i32
      %dma_wait3A_3838 = arith.constant 0 : i32
      %dma_wait3A_3839 = tpu.memref_slice %arg6[%dma_wait3A_3837, %dma_wait3A_3838] : memref<64x1000000xf32, #tpu.memory_space<hbm>> -> memref<32x128xf32, #tpu.memory_space<hbm>>
      %dma_wait3A_3840 = arith.constant 0 : i32
      %dma_wait3A_3841 = arith.constant 0 : i32
      %dma_wait3A_3842 = tpu.memref_slice %arg13[%dma_wait3A_3832, %dma_wait3A_3840, %dma_wait3A_3841] : memref<4x64x128xf32, #tpu.memory_space<vmem>> -> memref<1x32x128xf32, #tpu.memory_space<vmem>>
      %dma_wait3A_3843 = tpu.memref_squeeze %dma_wait3A_3842 : memref<1x32x128xf32, #tpu.memory_space<vmem>> -> memref<32x128xf32, #tpu.memory_space<vmem>>
      %dma_wait3A_3844 = arith.constant 0 : i32
      %dma_wait3A_3845 = arith.constant 0 : i32
      %dma_wait3A_3846 = tpu.memref_slice %arg6[%dma_wait3A_3844, %dma_wait3A_3845] : memref<64x1000000xf32, #tpu.memory_space<hbm>> -> memref<32x128xf32, #tpu.memory_space<hbm>>
      tpu.wait_dma2 semaphore(%arg20 : memref<!tpu.dma_semaphore, #tpu.memory_space<semaphore_mem>>) src(%dma_wait3A_3846 : memref<32x128xf32, #tpu.memory_space<hbm>>) dst(%dma_wait3A_3843 : memref<32x128xf32, #tpu.memory_space<vmem>>)
      %get3A_3847 = arith.index_cast %add3A_3786 : i32 to index
      %get3A_3848 = tpu.vector_load %arg10[%get3A_3847] {strides = array<i32>} : memref<528xi32, #tpu.memory_space<vmem>>, vector<16xi32>,
      %slice3A_3849 = vector.extract_strided_slice %get3A_3848 {offsets = [0], sizes = [1], strides = [1]} : vector<16xi32> to vector<1xi32>
      %squeeze3A_3850 = vector.extract %slice3A_3849[0] : i32 from vector<1xi32>
      %get3A_3851 = arith.index_cast %add3A_3786 : i32 to index
      %get3A_3852 = tpu.vector_load %arg12[%get3A_3851] {strides = array<i32>} : memref<528xi32, #tpu.memory_space<vmem>>, vector<16xi32>,
      %slice3A_3853 = vector.extract_strided_slice %get3A_3852 {offsets = [0], sizes = [1], strides = [1]} : vector<16xi32> to vector<1xi32>
      %squeeze3A_3854 = vector.extract %slice3A_3853[0] : i32 from vector<1xi32>
      %mul3A_3855 = arith.constant 0 : i32
      %mul3A_3856 = vector.broadcast %mul3A_3855 : i32 to vector<16xi32>
      %mul3A_3857 = arith.muli %iota3A, %mul3A_3856 : vector<16xi32>
      %add3A_3858 = vector.broadcast %squeeze3A_3850 : i32 to vector<16xi32>
      %add3A_3859 = arith.addi %mul3A_3857, %add3A_3858 : vector<16xi32>
      %mul3A_3860 = arith.constant 0 : i32
      %mul3A_3861 = vector.broadcast %mul3A_3860 : i32 to vector<16xi32>
      %mul3A_3862 = arith.muli %iota3A, %mul3A_3861 : vector<16xi32>
      %add3A_3863 = vector.broadcast %squeeze3A_3854 : i32 to vector<16xi32>
      %add3A_3864 = arith.addi %mul3A_3862, %add3A_3863 : vector<16xi32>
      %add3A_3865 = arith.constant 0 : i32
      %add3A_3866 = vector.broadcast %add3A_3865 : i32 to vector<16xi32>
      %add3A_3867 = arith.addi %add3A_3866, %iota3A : vector<16xi32>
      %gather3A_3868 = arith.constant 3 : i32
      %gather3A_3869 = arith.constant 0 : i32
      %gather3A_3870 = arith.constant 0 : i32
      %gather3A_3871 = tpu.memref_slice %arg13[%gather3A_3868, %gather3A_3869, %gather3A_3870] : memref<4x64x128xf32, #tpu.memory_space<vmem>> -> memref<1x64x128xf32, #tpu.memory_space<vmem>>
      %gather3A_3872 = tpu.memref_squeeze %gather3A_3871 : memref<1x64x128xf32, #tpu.memory_space<vmem>> -> memref<64x128xf32, #tpu.memory_space<vmem>>
      %gather3A_3873 = tpu.vector_load_idx %gather3A_3872[%add3A_3867, %add3A_3859] : memref<64x128xf32, #tpu.memory_space<vmem>>[vector<16xi32>, vector<16xi32>], vector<16xf32>,
      %gather3A_3874 = arith.constant 3 : i32
      %gather3A_3875 = arith.constant 0 : i32
      %gather3A_3876 = arith.constant 0 : i32
      %gather3A_3877 = tpu.memref_slice %arg14[%gather3A_3874, %gather3A_3875, %gather3A_3876] : memref<4x64x128xf32, #tpu.memory_space<vmem>> -> memref<1x64x128xf32, #tpu.memory_space<vmem>>
      %gather3A_3878 = tpu.memref_squeeze %gather3A_3877 : memref<1x64x128xf32, #tpu.memory_space<vmem>> -> memref<64x128xf32, #tpu.memory_space<vmem>>
      %gather3A_3879 = tpu.vector_load_idx %gather3A_3878[%add3A_3867, %add3A_3864] : memref<64x128xf32, #tpu.memory_space<vmem>>[vector<16xi32>, vector<16xi32>], vector<16xf32>,
      %mul3A_3880 = arith.mulf %gather3A_3873, %gather3A_3879 : vector<16xf32>
      %add3A_3881 = arith.constant 16 : i32
      %add3A_3882 = vector.broadcast %add3A_3881 : i32 to vector<16xi32>
      %add3A_3883 = arith.addi %add3A_3882, %iota3A : vector<16xi32>
      %gather3A_3884 = arith.constant 3 : i32
      %gather3A_3885 = arith.constant 0 : i32
      %gather3A_3886 = arith.constant 0 : i32
      %gather3A_3887 = tpu.memref_slice %arg13[%gather3A_3884, %gather3A_3885, %gather3A_3886] : memref<4x64x128xf32, #tpu.memory_space<vmem>> -> memref<1x64x128xf32, #tpu.memory_space<vmem>>
      %gather3A_3888 = tpu.memref_squeeze %gather3A_3887 : memref<1x64x128xf32, #tpu.memory_space<vmem>> -> memref<64x128xf32, #tpu.memory_space<vmem>>
      %gather3A_3889 = tpu.vector_load_idx %gather3A_3888[%add3A_3883, %add3A_3859] : memref<64x128xf32, #tpu.memory_space<vmem>>[vector<16xi32>, vector<16xi32>], vector<16xf32>,
      %gather3A_3890 = arith.constant 3 : i32
      %gather3A_3891 = arith.constant 0 : i32
      %gather3A_3892 = arith.constant 0 : i32
      %gather3A_3893 = tpu.memref_slice %arg14[%gather3A_3890, %gather3A_3891, %gather3A_3892] : memref<4x64x128xf32, #tpu.memory_space<vmem>> -> memref<1x64x128xf32, #tpu.memory_space<vmem>>
      %gather3A_3894 = tpu.memref_squeeze %gather3A_3893 : memref<1x64x128xf32, #tpu.memory_space<vmem>> -> memref<64x128xf32, #tpu.memory_space<vmem>>
      %gather3A_3895 = tpu.vector_load_idx %gather3A_3894[%add3A_3883, %add3A_3864] : memref<64x128xf32, #tpu.memory_space<vmem>>[vector<16xi32>, vector<16xi32>], vector<16xf32>,
      %mul3A_3896 = arith.mulf %gather3A_3889, %gather3A_3895 : vector<16xf32>
      %add3A_3897 = arith.addf %mul3A_3880, %mul3A_3896 : vector<16xf32>
      %add3A_3898 = arith.constant 32 : i32
      %add3A_3899 = vector.broadcast %add3A_3898 : i32 to vector<16xi32>
      %add3A_3900 = arith.addi %add3A_3899, %iota3A : vector<16xi32>
      %gather3A_3901 = arith.constant 3 : i32
      %gather3A_3902 = arith.constant 0 : i32
      %gather3A_3903 = arith.constant 0 : i32
      %gather3A_3904 = tpu.memref_slice %arg13[%gather3A_3901, %gather3A_3902, %gather3A_3903] : memref<4x64x128xf32, #tpu.memory_space<vmem>> -> memref<1x64x128xf32, #tpu.memory_space<vmem>>
      %gather3A_3905 = tpu.memref_squeeze %gather3A_3904 : memref<1x64x128xf32, #tpu.memory_space<vmem>> -> memref<64x128xf32, #tpu.memory_space<vmem>>
      %gather3A_3906 = tpu.vector_load_idx %gather3A_3905[%add3A_3900, %add3A_3859] : memref<64x128xf32, #tpu.memory_space<vmem>>[vector<16xi32>, vector<16xi32>], vector<16xf32>,
      %gather3A_3907 = arith.constant 3 : i32
      %gather3A_3908 = arith.constant 0 : i32
      %gather3A_3909 = arith.constant 0 : i32
      %gather3A_3910 = tpu.memref_slice %arg14[%gather3A_3907, %gather3A_3908, %gather3A_3909] : memref<4x64x128xf32, #tpu.memory_space<vmem>> -> memref<1x64x128xf32, #tpu.memory_space<vmem>>
      %gather3A_3911 = tpu.memref_squeeze %gather3A_3910 : memref<1x64x128xf32, #tpu.memory_space<vmem>> -> memref<64x128xf32, #tpu.memory_space<vmem>>
      %gather3A_3912 = tpu.vector_load_idx %gather3A_3911[%add3A_3900, %add3A_3864] : memref<64x128xf32, #tpu.memory_space<vmem>>[vector<16xi32>, vector<16xi32>], vector<16xf32>,
      %mul3A_3913 = arith.mulf %gather3A_3906, %gather3A_3912 : vector<16xf32>
      %add3A_3914 = arith.addf %add3A_3897, %mul3A_3913 : vector<16xf32>
      %add3A_3915 = arith.constant 48 : i32
      %add3A_3916 = vector.broadcast %add3A_3915 : i32 to vector<16xi32>
      %add3A_3917 = arith.addi %add3A_3916, %iota3A : vector<16xi32>
      %gather3A_3918 = arith.constant 3 : i32
      %gather3A_3919 = arith.constant 0 : i32
      %gather3A_3920 = arith.constant 0 : i32
      %gather3A_3921 = tpu.memref_slice %arg13[%gather3A_3918, %gather3A_3919, %gather3A_3920] : memref<4x64x128xf32, #tpu.memory_space<vmem>> -> memref<1x64x128xf32, #tpu.memory_space<vmem>>
      %gather3A_3922 = tpu.memref_squeeze %gather3A_3921 : memref<1x64x128xf32, #tpu.memory_space<vmem>> -> memref<64x128xf32, #tpu.memory_space<vmem>>
      %gather3A_3923 = tpu.vector_load_idx %gather3A_3922[%add3A_3917, %add3A_3859] : memref<64x128xf32, #tpu.memory_space<vmem>>[vector<16xi32>, vector<16xi32>], vector<16xf32>,
      %gather3A_3924 = arith.constant 3 : i32
      %gather3A_3925 = arith.constant 0 : i32
      %gather3A_3926 = arith.constant 0 : i32
      %gather3A_3927 = tpu.memref_slice %arg14[%gather3A_3924, %gather3A_3925, %gather3A_3926] : memref<4x64x128xf32, #tpu.memory_space<vmem>> -> memref<1x64x128xf32, #tpu.memory_space<vmem>>
      %gather3A_3928 = tpu.memref_squeeze %gather3A_3927 : memref<1x64x128xf32, #tpu.memory_space<vmem>> -> memref<64x128xf32, #tpu.memory_space<vmem>>
      %gather3A_3929 = tpu.vector_load_idx %gather3A_3928[%add3A_3917, %add3A_3864] : memref<64x128xf32, #tpu.memory_space<vmem>>[vector<16xi32>, vector<16xi32>], vector<16xf32>,
      %mul3A_3930 = arith.mulf %gather3A_3923, %gather3A_3929 : vector<16xf32>
      %add3A_3931 = arith.addf %add3A_3914, %mul3A_3930 : vector<16xf32>
      %swap3A_3932 = arith.constant 15 : i32
      %swap3A_3933 = arith.index_cast %swap3A_3932 : i32 to index
      %swap3A_3934 = arith.constant 0 : index
      %swap3A_3935 = tpu.vector_load %arg15[%swap3A_3933, %swap3A_3934] {strides = array<i32>} : memref<16x16xf32, #tpu.memory_space<vmem>>, vector<16xf32>,
      tpu.vector_store %arg15[%swap3A_3933, %swap3A_3934], %add3A_3931 {strides = array<i32>} : memref<16x16xf32, #tpu.memory_space<vmem>>, vector<16xf32>,
      %add3A_3936 = arith.constant 4 : i32
      %add3A_3937 = arith.addi %add3A_3786, %add3A_3936 : i32
      %min3A_3938 = arith.constant 511 : i32
      %min3A_3939 = arith.minsi %add3A_3937, %min3A_3938 : i32
      %get3A_3940 = arith.index_cast %min3A_3939 : i32 to index
      %get3A_3941 = tpu.vector_load %arg9[%get3A_3940] {strides = array<i32>} : memref<528xi32, #tpu.memory_space<vmem>>, vector<16xi32>,
      %slice3A_3942 = vector.extract_strided_slice %get3A_3941 {offsets = [0], sizes = [1], strides = [1]} : vector<16xi32> to vector<1xi32>
      %squeeze3A_3943 = vector.extract %slice3A_3942[0] : i32 from vector<1xi32>
      %get3A_3944 = arith.index_cast %min3A_3939 : i32 to index
      %get3A_3945 = tpu.vector_load %arg11[%get3A_3944] {strides = array<i32>} : memref<528xi32, #tpu.memory_space<vmem>>, vector<16xi32>,
      %slice3A_3946 = vector.extract_strided_slice %get3A_3945 {offsets = [0], sizes = [1], strides = [1]} : vector<16xi32> to vector<1xi32>
      %squeeze3A_3947 = vector.extract %slice3A_3946[0] : i32 from vector<1xi32>
      %multiple_of3A_3948 = tpu.assume_multiple %squeeze3A_3943, 128 : i32
      %dma_start3A_3949 = arith.constant 3 : i32
      %dma_start3A_3950 = arith.constant 0 : i32
      %dma_start3A_3951 = arith.constant 0 : i32
      %dma_start3A_3952 = tpu.memref_slice %arg13[%dma_start3A_3949, %dma_start3A_3950, %dma_start3A_3951] : memref<4x64x128xf32, #tpu.memory_space<vmem>> -> memref<1x32x128xf32, #tpu.memory_space<vmem>>
      %dma_start3A_3953 = tpu.memref_squeeze %dma_start3A_3952 : memref<1x32x128xf32, #tpu.memory_space<vmem>> -> memref<32x128xf32, #tpu.memory_space<vmem>>
      %dma_start3A_3954 = arith.constant 0 : i32
      %dma_start3A_3955 = tpu.memref_slice %arg6[%dma_start3A_3954, %multiple_of3A_3948] : memref<64x1000000xf32, #tpu.memory_space<hbm>> -> memref<32x128xf32, #tpu.memory_space<hbm>>
      %dma_start3A_3956 = arith.constant 0 : i32
      %dma_start3A_3957 = arith.constant 0 : i32
      %dma_start3A_3958 = tpu.memref_slice %arg13[%dma_start3A_3949, %dma_start3A_3956, %dma_start3A_3957] : memref<4x64x128xf32, #tpu.memory_space<vmem>> -> memref<1x32x128xf32, #tpu.memory_space<vmem>>
      %dma_start3A_3959 = tpu.memref_squeeze %dma_start3A_3958 : memref<1x32x128xf32, #tpu.memory_space<vmem>> -> memref<32x128xf32, #tpu.memory_space<vmem>>
      %dma_start3A_3960 = arith.constant 0 : i32
      %dma_start3A_3961 = tpu.memref_slice %arg6[%dma_start3A_3960, %multiple_of3A_3948] : memref<64x1000000xf32, #tpu.memory_space<hbm>> -> memref<32x128xf32, #tpu.memory_space<hbm>>
      tpu.enqueue_dma source(%dma_start3A_3961 : memref<32x128xf32, #tpu.memory_space<hbm>>) target(%dma_start3A_3959 : memref<32x128xf32, #tpu.memory_space<vmem>>) target_semaphore(%arg20 : memref<!tpu.dma_semaphore, #tpu.memory_space<semaphore_mem>>)
      %multiple_of3A_3962 = tpu.assume_multiple %squeeze3A_3947, 128 : i32
      %dma_start3A_3963 = arith.constant 3 : i32
      %dma_start3A_3964 = arith.constant 0 : i32
      %dma_start3A_3965 = arith.constant 0 : i32
      %dma_start3A_3966 = tpu.memref_slice %arg14[%dma_start3A_3963, %dma_start3A_3964, %dma_start3A_3965] : memref<4x64x128xf32, #tpu.memory_space<vmem>> -> memref<1x32x128xf32, #tpu.memory_space<vmem>>
      %dma_start3A_3967 = tpu.memref_squeeze %dma_start3A_3966 : memref<1x32x128xf32, #tpu.memory_space<vmem>> -> memref<32x128xf32, #tpu.memory_space<vmem>>
      %dma_start3A_3968 = arith.constant 0 : i32
      %dma_start3A_3969 = tpu.memref_slice %arg7[%dma_start3A_3968, %multiple_of3A_3962] : memref<64x1000000xf32, #tpu.memory_space<hbm>> -> memref<32x128xf32, #tpu.memory_space<hbm>>
      %dma_start3A_3970 = arith.constant 0 : i32
      %dma_start3A_3971 = arith.constant 0 : i32
      %dma_start3A_3972 = tpu.memref_slice %arg14[%dma_start3A_3963, %dma_start3A_3970, %dma_start3A_3971] : memref<4x64x128xf32, #tpu.memory_space<vmem>> -> memref<1x32x128xf32, #tpu.memory_space<vmem>>
      %dma_start3A_3973 = tpu.memref_squeeze %dma_start3A_3972 : memref<1x32x128xf32, #tpu.memory_space<vmem>> -> memref<32x128xf32, #tpu.memory_space<vmem>>
      %dma_start3A_3974 = arith.constant 0 : i32
      %dma_start3A_3975 = tpu.memref_slice %arg7[%dma_start3A_3974, %multiple_of3A_3962] : memref<64x1000000xf32, #tpu.memory_space<hbm>> -> memref<32x128xf32, #tpu.memory_space<hbm>>
      tpu.enqueue_dma source(%dma_start3A_3975 : memref<32x128xf32, #tpu.memory_space<hbm>>) target(%dma_start3A_3973 : memref<32x128xf32, #tpu.memory_space<vmem>>) target_semaphore(%arg20 : memref<!tpu.dma_semaphore, #tpu.memory_space<semaphore_mem>>)
      %multiple_of3A_3976 = tpu.assume_multiple %squeeze3A_3943, 128 : i32
      %dma_start3A_3977 = arith.constant 3 : i32
      %dma_start3A_3978 = arith.constant 32 : i32
      %dma_start3A_3979 = arith.constant 0 : i32
      %dma_start3A_3980 = tpu.memref_slice %arg13[%dma_start3A_3977, %dma_start3A_3978, %dma_start3A_3979] : memref<4x64x128xf32, #tpu.memory_space<vmem>> -> memref<1x32x128xf32, #tpu.memory_space<vmem>>
      %dma_start3A_3981 = tpu.memref_squeeze %dma_start3A_3980 : memref<1x32x128xf32, #tpu.memory_space<vmem>> -> memref<32x128xf32, #tpu.memory_space<vmem>>
      %dma_start3A_3982 = arith.constant 32 : i32
      %dma_start3A_3983 = tpu.memref_slice %arg6[%dma_start3A_3982, %multiple_of3A_3976] : memref<64x1000000xf32, #tpu.memory_space<hbm>> -> memref<32x128xf32, #tpu.memory_space<hbm>>
      %dma_start3A_3984 = arith.constant 32 : i32
      %dma_start3A_3985 = arith.constant 0 : i32
      %dma_start3A_3986 = tpu.memref_slice %arg13[%dma_start3A_3977, %dma_start3A_3984, %dma_start3A_3985] : memref<4x64x128xf32, #tpu.memory_space<vmem>> -> memref<1x32x128xf32, #tpu.memory_space<vmem>>
      %dma_start3A_3987 = tpu.memref_squeeze %dma_start3A_3986 : memref<1x32x128xf32, #tpu.memory_space<vmem>> -> memref<32x128xf32, #tpu.memory_space<vmem>>
      %dma_start3A_3988 = arith.constant 32 : i32
      %dma_start3A_3989 = tpu.memref_slice %arg6[%dma_start3A_3988, %multiple_of3A_3976] : memref<64x1000000xf32, #tpu.memory_space<hbm>> -> memref<32x128xf32, #tpu.memory_space<hbm>>
      tpu.enqueue_dma source(%dma_start3A_3989 : memref<32x128xf32, #tpu.memory_space<hbm>>) target(%dma_start3A_3987 : memref<32x128xf32, #tpu.memory_space<vmem>>) target_semaphore(%arg20 : memref<!tpu.dma_semaphore, #tpu.memory_space<semaphore_mem>>)
      %multiple_of3A_3990 = tpu.assume_multiple %squeeze3A_3947, 128 : i32
      %dma_start3A_3991 = arith.constant 3 : i32
      %dma_start3A_3992 = arith.constant 32 : i32
      %dma_start3A_3993 = arith.constant 0 : i32
      %dma_start3A_3994 = tpu.memref_slice %arg14[%dma_start3A_3991, %dma_start3A_3992, %dma_start3A_3993] : memref<4x64x128xf32, #tpu.memory_space<vmem>> -> memref<1x32x128xf32, #tpu.memory_space<vmem>>
      %dma_start3A_3995 = tpu.memref_squeeze %dma_start3A_3994 : memref<1x32x128xf32, #tpu.memory_space<vmem>> -> memref<32x128xf32, #tpu.memory_space<vmem>>
      %dma_start3A_3996 = arith.constant 32 : i32
      %dma_start3A_3997 = tpu.memref_slice %arg7[%dma_start3A_3996, %multiple_of3A_3990] : memref<64x1000000xf32, #tpu.memory_space<hbm>> -> memref<32x128xf32, #tpu.memory_space<hbm>>
      %dma_start3A_3998 = arith.constant 32 : i32
      %dma_start3A_3999 = arith.constant 0 : i32
      %dma_start3A_4000 = tpu.memref_slice %arg14[%dma_start3A_3991, %dma_start3A_3998, %dma_start3A_3999] : memref<4x64x128xf32, #tpu.memory_space<vmem>> -> memref<1x32x128xf32, #tpu.memory_space<vmem>>
      %dma_start3A_4001 = tpu.memref_squeeze %dma_start3A_4000 : memref<1x32x128xf32, #tpu.memory_space<vmem>> -> memref<32x128xf32, #tpu.memory_space<vmem>>
      %dma_start3A_4002 = arith.constant 32 : i32
      %dma_start3A_4003 = tpu.memref_slice %arg7[%dma_start3A_4002, %multiple_of3A_3990] : memref<64x1000000xf32, #tpu.memory_space<hbm>> -> memref<32x128xf32, #tpu.memory_space<hbm>>
      tpu.enqueue_dma source(%dma_start3A_4003 : memref<32x128xf32, #tpu.memory_space<hbm>>) target(%dma_start3A_4001 : memref<32x128xf32, #tpu.memory_space<vmem>>) target_semaphore(%arg20 : memref<!tpu.dma_semaphore, #tpu.memory_space<semaphore_mem>>)
      %mul3A_4004 = arith.constant 0 : i32
      %mul3A_4005 = vector.broadcast %mul3A_4004 : i32 to vector<16xi32>
      %mul3A_4006 = arith.muli %iota3A, %mul3A_4005 : vector<16xi32>
      %add3A_4007 = arith.constant 0 : i32
      %add3A_4008 = vector.broadcast %add3A_4007 : i32 to vector<16xi32>
      %add3A_4009 = arith.addi %mul3A_4006, %add3A_4008 : vector<16xi32>
      %gather3A_4010 = tpu.vector_load_idx %arg15[%iota3A, %add3A_4009] : memref<16x16xf32, #tpu.memory_space<vmem>>[vector<16xi32>, vector<16xi32>], vector<16xf32>,
      %mul3A_4011 = arith.constant 0 : i32
      %mul3A_4012 = vector.broadcast %mul3A_4011 : i32 to vector<16xi32>
      %mul3A_4013 = arith.muli %iota3A, %mul3A_4012 : vector<16xi32>
      %add3A_4014 = arith.constant 1 : i32
      %add3A_4015 = vector.broadcast %add3A_4014 : i32 to vector<16xi32>
      %add3A_4016 = arith.addi %mul3A_4013, %add3A_4015 : vector<16xi32>
      %gather3A_4017 = tpu.vector_load_idx %arg15[%iota3A, %add3A_4016] : memref<16x16xf32, #tpu.memory_space<vmem>>[vector<16xi32>, vector<16xi32>], vector<16xf32>,
      %add3A_4018 = arith.addf %gather3A_4010, %gather3A_4017 : vector<16xf32>
      %mul3A_4019 = arith.constant 0 : i32
      %mul3A_4020 = vector.broadcast %mul3A_4019 : i32 to vector<16xi32>
      %mul3A_4021 = arith.muli %iota3A, %mul3A_4020 : vector<16xi32>
      %add3A_4022 = arith.constant 2 : i32
      %add3A_4023 = vector.broadcast %add3A_4022 : i32 to vector<16xi32>
      %add3A_4024 = arith.addi %mul3A_4021, %add3A_4023 : vector<16xi32>
      %gather3A_4025 = tpu.vector_load_idx %arg15[%iota3A, %add3A_4024] : memref<16x16xf32, #tpu.memory_space<vmem>>[vector<16xi32>, vector<16xi32>], vector<16xf32>,
      %add3A_4026 = arith.addf %add3A_4018, %gather3A_4025 : vector<16xf32>
      %mul3A_4027 = arith.constant 0 : i32
      %mul3A_4028 = vector.broadcast %mul3A_4027 : i32 to vector<16xi32>
      %mul3A_4029 = arith.muli %iota3A, %mul3A_4028 : vector<16xi32>
      %add3A_4030 = arith.constant 3 : i32
      %add3A_4031 = vector.broadcast %add3A_4030 : i32 to vector<16xi32>
      %add3A_4032 = arith.addi %mul3A_4029, %add3A_4031 : vector<16xi32>
      %gather3A_4033 = tpu.vector_load_idx %arg15[%iota3A, %add3A_4032] : memref<16x16xf32, #tpu.memory_space<vmem>>[vector<16xi32>, vector<16xi32>], vector<16xf32>,
      %add3A_4034 = arith.addf %add3A_4026, %gather3A_4033 : vector<16xf32>
      %mul3A_4035 = arith.constant 0 : i32
      %mul3A_4036 = vector.broadcast %mul3A_4035 : i32 to vector<16xi32>
      %mul3A_4037 = arith.muli %iota3A, %mul3A_4036 : vector<16xi32>
      %add3A_4038 = arith.constant 4 : i32
      %add3A_4039 = vector.broadcast %add3A_4038 : i32 to vector<16xi32>
      %add3A_4040 = arith.addi %mul3A_4037, %add3A_4039 : vector<16xi32>
      %gather3A_4041 = tpu.vector_load_idx %arg15[%iota3A, %add3A_4040] : memref<16x16xf32, #tpu.memory_space<vmem>>[vector<16xi32>, vector<16xi32>], vector<16xf32>,
      %add3A_4042 = arith.addf %add3A_4034, %gather3A_4041 : vector<16xf32>
      %mul3A_4043 = arith.constant 0 : i32
      %mul3A_4044 = vector.broadcast %mul3A_4043 : i32 to vector<16xi32>
      %mul3A_4045 = arith.muli %iota3A, %mul3A_4044 : vector<16xi32>
      %add3A_4046 = arith.constant 5 : i32
      %add3A_4047 = vector.broadcast %add3A_4046 : i32 to vector<16xi32>
      %add3A_4048 = arith.addi %mul3A_4045, %add3A_4047 : vector<16xi32>
      %gather3A_4049 = tpu.vector_load_idx %arg15[%iota3A, %add3A_4048] : memref<16x16xf32, #tpu.memory_space<vmem>>[vector<16xi32>, vector<16xi32>], vector<16xf32>,
      %add3A_4050 = arith.addf %add3A_4042, %gather3A_4049 : vector<16xf32>
      %mul3A_4051 = arith.constant 0 : i32
      %mul3A_4052 = vector.broadcast %mul3A_4051 : i32 to vector<16xi32>
      %mul3A_4053 = arith.muli %iota3A, %mul3A_4052 : vector<16xi32>
      %add3A_4054 = arith.constant 6 : i32
      %add3A_4055 = vector.broadcast %add3A_4054 : i32 to vector<16xi32>
      %add3A_4056 = arith.addi %mul3A_4053, %add3A_4055 : vector<16xi32>
      %gather3A_4057 = tpu.vector_load_idx %arg15[%iota3A, %add3A_4056] : memref<16x16xf32, #tpu.memory_space<vmem>>[vector<16xi32>, vector<16xi32>], vector<16xf32>,
      %add3A_4058 = arith.addf %add3A_4050, %gather3A_4057 : vector<16xf32>
      %mul3A_4059 = arith.constant 0 : i32
      %mul3A_4060 = vector.broadcast %mul3A_4059 : i32 to vector<16xi32>
      %mul3A_4061 = arith.muli %iota3A, %mul3A_4060 : vector<16xi32>
      %add3A_4062 = arith.constant 7 : i32
      %add3A_4063 = vector.broadcast %add3A_4062 : i32 to vector<16xi32>
      %add3A_4064 = arith.addi %mul3A_4061, %add3A_4063 : vector<16xi32>
      %gather3A_4065 = tpu.vector_load_idx %arg15[%iota3A, %add3A_4064] : memref<16x16xf32, #tpu.memory_space<vmem>>[vector<16xi32>, vector<16xi32>], vector<16xf32>,
      %add3A_4066 = arith.addf %add3A_4058, %gather3A_4065 : vector<16xf32>
      %mul3A_4067 = arith.constant 0 : i32
      %mul3A_4068 = vector.broadcast %mul3A_4067 : i32 to vector<16xi32>
      %mul3A_4069 = arith.muli %iota3A, %mul3A_4068 : vector<16xi32>
      %add3A_4070 = arith.constant 8 : i32
      %add3A_4071 = vector.broadcast %add3A_4070 : i32 to vector<16xi32>
      %add3A_4072 = arith.addi %mul3A_4069, %add3A_4071 : vector<16xi32>
      %gather3A_4073 = tpu.vector_load_idx %arg15[%iota3A, %add3A_4072] : memref<16x16xf32, #tpu.memory_space<vmem>>[vector<16xi32>, vector<16xi32>], vector<16xf32>,
      %add3A_4074 = arith.addf %add3A_4066, %gather3A_4073 : vector<16xf32>
      %mul3A_4075 = arith.constant 0 : i32
      %mul3A_4076 = vector.broadcast %mul3A_4075 : i32 to vector<16xi32>
      %mul3A_4077 = arith.muli %iota3A, %mul3A_4076 : vector<16xi32>
      %add3A_4078 = arith.constant 9 : i32
      %add3A_4079 = vector.broadcast %add3A_4078 : i32 to vector<16xi32>
      %add3A_4080 = arith.addi %mul3A_4077, %add3A_4079 : vector<16xi32>
      %gather3A_4081 = tpu.vector_load_idx %arg15[%iota3A, %add3A_4080] : memref<16x16xf32, #tpu.memory_space<vmem>>[vector<16xi32>, vector<16xi32>], vector<16xf32>,
      %add3A_4082 = arith.addf %add3A_4074, %gather3A_4081 : vector<16xf32>
      %mul3A_4083 = arith.constant 0 : i32
      %mul3A_4084 = vector.broadcast %mul3A_4083 : i32 to vector<16xi32>
      %mul3A_4085 = arith.muli %iota3A, %mul3A_4084 : vector<16xi32>
      %add3A_4086 = arith.constant 10 : i32
      %add3A_4087 = vector.broadcast %add3A_4086 : i32 to vector<16xi32>
      %add3A_4088 = arith.addi %mul3A_4085, %add3A_4087 : vector<16xi32>
      %gather3A_4089 = tpu.vector_load_idx %arg15[%iota3A, %add3A_4088] : memref<16x16xf32, #tpu.memory_space<vmem>>[vector<16xi32>, vector<16xi32>], vector<16xf32>,
      %add3A_4090 = arith.addf %add3A_4082, %gather3A_4089 : vector<16xf32>
      %mul3A_4091 = arith.constant 0 : i32
      %mul3A_4092 = vector.broadcast %mul3A_4091 : i32 to vector<16xi32>
      %mul3A_4093 = arith.muli %iota3A, %mul3A_4092 : vector<16xi32>
      %add3A_4094 = arith.constant 11 : i32
      %add3A_4095 = vector.broadcast %add3A_4094 : i32 to vector<16xi32>
      %add3A_4096 = arith.addi %mul3A_4093, %add3A_4095 : vector<16xi32>
      %gather3A_4097 = tpu.vector_load_idx %arg15[%iota3A, %add3A_4096] : memref<16x16xf32, #tpu.memory_space<vmem>>[vector<16xi32>, vector<16xi32>], vector<16xf32>,
      %add3A_4098 = arith.addf %add3A_4090, %gather3A_4097 : vector<16xf32>
      %mul3A_4099 = arith.constant 0 : i32
      %mul3A_4100 = vector.broadcast %mul3A_4099 : i32 to vector<16xi32>
      %mul3A_4101 = arith.muli %iota3A, %mul3A_4100 : vector<16xi32>
      %add3A_4102 = arith.constant 12 : i32
      %add3A_4103 = vector.broadcast %add3A_4102 : i32 to vector<16xi32>
      %add3A_4104 = arith.addi %mul3A_4101, %add3A_4103 : vector<16xi32>
      %gather3A_4105 = tpu.vector_load_idx %arg15[%iota3A, %add3A_4104] : memref<16x16xf32, #tpu.memory_space<vmem>>[vector<16xi32>, vector<16xi32>], vector<16xf32>,
      %add3A_4106 = arith.addf %add3A_4098, %gather3A_4105 : vector<16xf32>
      %mul3A_4107 = arith.constant 0 : i32
      %mul3A_4108 = vector.broadcast %mul3A_4107 : i32 to vector<16xi32>
      %mul3A_4109 = arith.muli %iota3A, %mul3A_4108 : vector<16xi32>
      %add3A_4110 = arith.constant 13 : i32
      %add3A_4111 = vector.broadcast %add3A_4110 : i32 to vector<16xi32>
      %add3A_4112 = arith.addi %mul3A_4109, %add3A_4111 : vector<16xi32>
      %gather3A_4113 = tpu.vector_load_idx %arg15[%iota3A, %add3A_4112] : memref<16x16xf32, #tpu.memory_space<vmem>>[vector<16xi32>, vector<16xi32>], vector<16xf32>,
      %add3A_4114 = arith.addf %add3A_4106, %gather3A_4113 : vector<16xf32>
      %mul3A_4115 = arith.constant 0 : i32
      %mul3A_4116 = vector.broadcast %mul3A_4115 : i32 to vector<16xi32>
      %mul3A_4117 = arith.muli %iota3A, %mul3A_4116 : vector<16xi32>
      %add3A_4118 = arith.constant 14 : i32
      %add3A_4119 = vector.broadcast %add3A_4118 : i32 to vector<16xi32>
      %add3A_4120 = arith.addi %mul3A_4117, %add3A_4119 : vector<16xi32>
      %gather3A_4121 = tpu.vector_load_idx %arg15[%iota3A, %add3A_4120] : memref<16x16xf32, #tpu.memory_space<vmem>>[vector<16xi32>, vector<16xi32>], vector<16xf32>,
      %add3A_4122 = arith.addf %add3A_4114, %gather3A_4121 : vector<16xf32>
      %mul3A_4123 = arith.constant 0 : i32
      %mul3A_4124 = vector.broadcast %mul3A_4123 : i32 to vector<16xi32>
      %mul3A_4125 = arith.muli %iota3A, %mul3A_4124 : vector<16xi32>
      %add3A_4126 = arith.constant 15 : i32
      %add3A_4127 = vector.broadcast %add3A_4126 : i32 to vector<16xi32>
      %add3A_4128 = arith.addi %mul3A_4125, %add3A_4127 : vector<16xi32>
      %gather3A_4129 = tpu.vector_load_idx %arg15[%iota3A, %add3A_4128] : memref<16x16xf32, #tpu.memory_space<vmem>>[vector<16xi32>, vector<16xi32>], vector<16xf32>,
      %add3A_4130 = arith.addf %add3A_4122, %gather3A_4129 : vector<16xf32>
      %swap3A_4131 = arith.index_cast %mul3A_502 : i32 to index
      %swap3A_4132 = tpu.vector_load %arg16[%swap3A_4131] {strides = array<i32>} : memref<512xf32, #tpu.memory_space<vmem>>, vector<16xf32>,
      tpu.vector_store %arg16[%swap3A_4131], %add3A_4130 {strides = array<i32>} : memref<512xf32, #tpu.memory_space<vmem>>, vector<16xf32>,
      %scan3A_4133 = arith.constant 0 : i32
      scf.yield %scan3A_4133 : i32
    }
    %scan3A_259 = arith.constant 32 : i32
    %dma_wait3A = arith.constant 0 : i32
    %dma_wait3A_260 = arith.constant 0 : i32
    %dma_wait3A_261 = arith.constant 0 : i32
    %dma_wait3A_262 = tpu.memref_slice %arg13[%dma_wait3A, %dma_wait3A_260, %dma_wait3A_261] : memref<4x64x128xf32, #tpu.memory_space<vmem>> -> memref<1x32x128xf32, #tpu.memory_space<vmem>>
    %dma_wait3A_263 = tpu.memref_squeeze %dma_wait3A_262 : memref<1x32x128xf32, #tpu.memory_space<vmem>> -> memref<32x128xf32, #tpu.memory_space<vmem>>
    %dma_wait3A_264 = arith.constant 0 : i32
    %dma_wait3A_265 = arith.constant 0 : i32
    %dma_wait3A_266 = tpu.memref_slice %arg6[%dma_wait3A_264, %dma_wait3A_265] : memref<64x1000000xf32, #tpu.memory_space<hbm>> -> memref<32x128xf32, #tpu.memory_space<hbm>>
    %dma_wait3A_267 = arith.constant 0 : i32
    %dma_wait3A_268 = arith.constant 0 : i32
    %dma_wait3A_269 = tpu.memref_slice %arg13[%dma_wait3A, %dma_wait3A_267, %dma_wait3A_268] : memref<4x64x128xf32, #tpu.memory_space<vmem>> -> memref<1x32x128xf32, #tpu.memory_space<vmem>>
    %dma_wait3A_270 = tpu.memref_squeeze %dma_wait3A_269 : memref<1x32x128xf32, #tpu.memory_space<vmem>> -> memref<32x128xf32, #tpu.memory_space<vmem>>
    %dma_wait3A_271 = arith.constant 0 : i32
    %dma_wait3A_272 = arith.constant 0 : i32
    %dma_wait3A_273 = tpu.memref_slice %arg6[%dma_wait3A_271, %dma_wait3A_272] : memref<64x1000000xf32, #tpu.memory_space<hbm>> -> memref<32x128xf32, #tpu.memory_space<hbm>>
    tpu.wait_dma2 semaphore(%arg17 : memref<!tpu.dma_semaphore, #tpu.memory_space<semaphore_mem>>) src(%dma_wait3A_273 : memref<32x128xf32, #tpu.memory_space<hbm>>) dst(%dma_wait3A_270 : memref<32x128xf32, #tpu.memory_space<vmem>>)
    %dma_wait3A_274 = arith.constant 0 : i32
    %dma_wait3A_275 = arith.constant 0 : i32
    %dma_wait3A_276 = arith.constant 0 : i32
    %dma_wait3A_277 = tpu.memref_slice %arg13[%dma_wait3A_274, %dma_wait3A_275, %dma_wait3A_276] : memref<4x64x128xf32, #tpu.memory_space<vmem>> -> memref<1x32x128xf32, #tpu.memory_space<vmem>>
    %dma_wait3A_278 = tpu.memref_squeeze %dma_wait3A_277 : memref<1x32x128xf32, #tpu.memory_space<vmem>> -> memref<32x128xf32, #tpu.memory_space<vmem>>
    %dma_wait3A_279 = arith.constant 0 : i32
    %dma_wait3A_280 = arith.constant 0 : i32
    %dma_wait3A_281 = tpu.memref_slice %arg6[%dma_wait3A_279, %dma_wait3A_280] : memref<64x1000000xf32, #tpu.memory_space<hbm>> -> memref<32x128xf32, #tpu.memory_space<hbm>>
    %dma_wait3A_282 = arith.constant 0 : i32
    %dma_wait3A_283 = arith.constant 0 : i32
    %dma_wait3A_284 = tpu.memref_slice %arg13[%dma_wait3A_274, %dma_wait3A_282, %dma_wait3A_283] : memref<4x64x128xf32, #tpu.memory_space<vmem>> -> memref<1x32x128xf32, #tpu.memory_space<vmem>>
    %dma_wait3A_285 = tpu.memref_squeeze %dma_wait3A_284 : memref<1x32x128xf32, #tpu.memory_space<vmem>> -> memref<32x128xf32, #tpu.memory_space<vmem>>
    %dma_wait3A_286 = arith.constant 0 : i32
    %dma_wait3A_287 = arith.constant 0 : i32
    %dma_wait3A_288 = tpu.memref_slice %arg6[%dma_wait3A_286, %dma_wait3A_287] : memref<64x1000000xf32, #tpu.memory_space<hbm>> -> memref<32x128xf32, #tpu.memory_space<hbm>>
    tpu.wait_dma2 semaphore(%arg17 : memref<!tpu.dma_semaphore, #tpu.memory_space<semaphore_mem>>) src(%dma_wait3A_288 : memref<32x128xf32, #tpu.memory_space<hbm>>) dst(%dma_wait3A_285 : memref<32x128xf32, #tpu.memory_space<vmem>>)
    %dma_wait3A_289 = arith.constant 0 : i32
    %dma_wait3A_290 = arith.constant 0 : i32
    %dma_wait3A_291 = arith.constant 0 : i32
    %dma_wait3A_292 = tpu.memref_slice %arg13[%dma_wait3A_289, %dma_wait3A_290, %dma_wait3A_291] : memref<4x64x128xf32, #tpu.memory_space<vmem>> -> memref<1x32x128xf32, #tpu.memory_space<vmem>>
    %dma_wait3A_293 = tpu.memref_squeeze %dma_wait3A_292 : memref<1x32x128xf32, #tpu.memory_space<vmem>> -> memref<32x128xf32, #tpu.memory_space<vmem>>
    %dma_wait3A_294 = arith.constant 0 : i32
    %dma_wait3A_295 = arith.constant 0 : i32
    %dma_wait3A_296 = tpu.memref_slice %arg6[%dma_wait3A_294, %dma_wait3A_295] : memref<64x1000000xf32, #tpu.memory_space<hbm>> -> memref<32x128xf32, #tpu.memory_space<hbm>>
    %dma_wait3A_297 = arith.constant 0 : i32
    %dma_wait3A_298 = arith.constant 0 : i32
    %dma_wait3A_299 = tpu.memref_slice %arg13[%dma_wait3A_289, %dma_wait3A_297, %dma_wait3A_298] : memref<4x64x128xf32, #tpu.memory_space<vmem>> -> memref<1x32x128xf32, #tpu.memory_space<vmem>>
    %dma_wait3A_300 = tpu.memref_squeeze %dma_wait3A_299 : memref<1x32x128xf32, #tpu.memory_space<vmem>> -> memref<32x128xf32, #tpu.memory_space<vmem>>
    %dma_wait3A_301 = arith.constant 0 : i32
    %dma_wait3A_302 = arith.constant 0 : i32
    %dma_wait3A_303 = tpu.memref_slice %arg6[%dma_wait3A_301, %dma_wait3A_302] : memref<64x1000000xf32, #tpu.memory_space<hbm>> -> memref<32x128xf32, #tpu.memory_space<hbm>>
    tpu.wait_dma2 semaphore(%arg17 : memref<!tpu.dma_semaphore, #tpu.memory_space<semaphore_mem>>) src(%dma_wait3A_303 : memref<32x128xf32, #tpu.memory_space<hbm>>) dst(%dma_wait3A_300 : memref<32x128xf32, #tpu.memory_space<vmem>>)
    %dma_wait3A_304 = arith.constant 0 : i32
    %dma_wait3A_305 = arith.constant 0 : i32
    %dma_wait3A_306 = arith.constant 0 : i32
    %dma_wait3A_307 = tpu.memref_slice %arg13[%dma_wait3A_304, %dma_wait3A_305, %dma_wait3A_306] : memref<4x64x128xf32, #tpu.memory_space<vmem>> -> memref<1x32x128xf32, #tpu.memory_space<vmem>>
    %dma_wait3A_308 = tpu.memref_squeeze %dma_wait3A_307 : memref<1x32x128xf32, #tpu.memory_space<vmem>> -> memref<32x128xf32, #tpu.memory_space<vmem>>
    %dma_wait3A_309 = arith.constant 0 : i32
    %dma_wait3A_310 = arith.constant 0 : i32
    %dma_wait3A_311 = tpu.memref_slice %arg6[%dma_wait3A_309, %dma_wait3A_310] : memref<64x1000000xf32, #tpu.memory_space<hbm>> -> memref<32x128xf32, #tpu.memory_space<hbm>>
    %dma_wait3A_312 = arith.constant 0 : i32
    %dma_wait3A_313 = arith.constant 0 : i32
    %dma_wait3A_314 = tpu.memref_slice %arg13[%dma_wait3A_304, %dma_wait3A_312, %dma_wait3A_313] : memref<4x64x128xf32, #tpu.memory_space<vmem>> -> memref<1x32x128xf32, #tpu.memory_space<vmem>>
    %dma_wait3A_315 = tpu.memref_squeeze %dma_wait3A_314 : memref<1x32x128xf32, #tpu.memory_space<vmem>> -> memref<32x128xf32, #tpu.memory_space<vmem>>
    %dma_wait3A_316 = arith.constant 0 : i32
    %dma_wait3A_317 = arith.constant 0 : i32
    %dma_wait3A_318 = tpu.memref_slice %arg6[%dma_wait3A_316, %dma_wait3A_317] : memref<64x1000000xf32, #tpu.memory_space<hbm>> -> memref<32x128xf32, #tpu.memory_space<hbm>>
    tpu.wait_dma2 semaphore(%arg17 : memref<!tpu.dma_semaphore, #tpu.memory_space<semaphore_mem>>) src(%dma_wait3A_318 : memref<32x128xf32, #tpu.memory_space<hbm>>) dst(%dma_wait3A_315 : memref<32x128xf32, #tpu.memory_space<vmem>>)
    %dma_wait3A_319 = arith.constant 1 : i32
    %dma_wait3A_320 = arith.constant 0 : i32
    %dma_wait3A_321 = arith.constant 0 : i32
    %dma_wait3A_322 = tpu.memref_slice %arg13[%dma_wait3A_319, %dma_wait3A_320, %dma_wait3A_321] : memref<4x64x128xf32, #tpu.memory_space<vmem>> -> memref<1x32x128xf32, #tpu.memory_space<vmem>>
    %dma_wait3A_323 = tpu.memref_squeeze %dma_wait3A_322 : memref<1x32x128xf32, #tpu.memory_space<vmem>> -> memref<32x128xf32, #tpu.memory_space<vmem>>
    %dma_wait3A_324 = arith.constant 0 : i32
    %dma_wait3A_325 = arith.constant 0 : i32
    %dma_wait3A_326 = tpu.memref_slice %arg6[%dma_wait3A_324, %dma_wait3A_325] : memref<64x1000000xf32, #tpu.memory_space<hbm>> -> memref<32x128xf32, #tpu.memory_space<hbm>>
    %dma_wait3A_327 = arith.constant 0 : i32
    %dma_wait3A_328 = arith.constant 0 : i32
    %dma_wait3A_329 = tpu.memref_slice %arg13[%dma_wait3A_319, %dma_wait3A_327, %dma_wait3A_328] : memref<4x64x128xf32, #tpu.memory_space<vmem>> -> memref<1x32x128xf32, #tpu.memory_space<vmem>>
    %dma_wait3A_330 = tpu.memref_squeeze %dma_wait3A_329 : memref<1x32x128xf32, #tpu.memory_space<vmem>> -> memref<32x128xf32, #tpu.memory_space<vmem>>
    %dma_wait3A_331 = arith.constant 0 : i32
    %dma_wait3A_332 = arith.constant 0 : i32
    %dma_wait3A_333 = tpu.memref_slice %arg6[%dma_wait3A_331, %dma_wait3A_332] : memref<64x1000000xf32, #tpu.memory_space<hbm>> -> memref<32x128xf32, #tpu.memory_space<hbm>>
    tpu.wait_dma2 semaphore(%arg18 : memref<!tpu.dma_semaphore, #tpu.memory_space<semaphore_mem>>) src(%dma_wait3A_333 : memref<32x128xf32, #tpu.memory_space<hbm>>) dst(%dma_wait3A_330 : memref<32x128xf32, #tpu.memory_space<vmem>>)
    %dma_wait3A_334 = arith.constant 1 : i32
    %dma_wait3A_335 = arith.constant 0 : i32
    %dma_wait3A_336 = arith.constant 0 : i32
    %dma_wait3A_337 = tpu.memref_slice %arg13[%dma_wait3A_334, %dma_wait3A_335, %dma_wait3A_336] : memref<4x64x128xf32, #tpu.memory_space<vmem>> -> memref<1x32x128xf32, #tpu.memory_space<vmem>>
    %dma_wait3A_338 = tpu.memref_squeeze %dma_wait3A_337 : memref<1x32x128xf32, #tpu.memory_space<vmem>> -> memref<32x128xf32, #tpu.memory_space<vmem>>
    %dma_wait3A_339 = arith.constant 0 : i32
    %dma_wait3A_340 = arith.constant 0 : i32
    %dma_wait3A_341 = tpu.memref_slice %arg6[%dma_wait3A_339, %dma_wait3A_340] : memref<64x1000000xf32, #tpu.memory_space<hbm>> -> memref<32x128xf32, #tpu.memory_space<hbm>>
    %dma_wait3A_342 = arith.constant 0 : i32
    %dma_wait3A_343 = arith.constant 0 : i32
    %dma_wait3A_344 = tpu.memref_slice %arg13[%dma_wait3A_334, %dma_wait3A_342, %dma_wait3A_343] : memref<4x64x128xf32, #tpu.memory_space<vmem>> -> memref<1x32x128xf32, #tpu.memory_space<vmem>>
    %dma_wait3A_345 = tpu.memref_squeeze %dma_wait3A_344 : memref<1x32x128xf32, #tpu.memory_space<vmem>> -> memref<32x128xf32, #tpu.memory_space<vmem>>
    %dma_wait3A_346 = arith.constant 0 : i32
    %dma_wait3A_347 = arith.constant 0 : i32
    %dma_wait3A_348 = tpu.memref_slice %arg6[%dma_wait3A_346, %dma_wait3A_347] : memref<64x1000000xf32, #tpu.memory_space<hbm>> -> memref<32x128xf32, #tpu.memory_space<hbm>>
    tpu.wait_dma2 semaphore(%arg18 : memref<!tpu.dma_semaphore, #tpu.memory_space<semaphore_mem>>) src(%dma_wait3A_348 : memref<32x128xf32, #tpu.memory_space<hbm>>) dst(%dma_wait3A_345 : memref<32x128xf32, #tpu.memory_space<vmem>>)
    %dma_wait3A_349 = arith.constant 1 : i32
    %dma_wait3A_350 = arith.constant 0 : i32
    %dma_wait3A_351 = arith.constant 0 : i32
    %dma_wait3A_352 = tpu.memref_slice %arg13[%dma_wait3A_349, %dma_wait3A_350, %dma_wait3A_351] : memref<4x64x128xf32, #tpu.memory_space<vmem>> -> memref<1x32x128xf32, #tpu.memory_space<vmem>>
    %dma_wait3A_353 = tpu.memref_squeeze %dma_wait3A_352 : memref<1x32x128xf32, #tpu.memory_space<vmem>> -> memref<32x128xf32, #tpu.memory_space<vmem>>
    %dma_wait3A_354 = arith.constant 0 : i32
    %dma_wait3A_355 = arith.constant 0 : i32
    %dma_wait3A_356 = tpu.memref_slice %arg6[%dma_wait3A_354, %dma_wait3A_355] : memref<64x1000000xf32, #tpu.memory_space<hbm>> -> memref<32x128xf32, #tpu.memory_space<hbm>>
    %dma_wait3A_357 = arith.constant 0 : i32
    %dma_wait3A_358 = arith.constant 0 : i32
    %dma_wait3A_359 = tpu.memref_slice %arg13[%dma_wait3A_349, %dma_wait3A_357, %dma_wait3A_358] : memref<4x64x128xf32, #tpu.memory_space<vmem>> -> memref<1x32x128xf32, #tpu.memory_space<vmem>>
    %dma_wait3A_360 = tpu.memref_squeeze %dma_wait3A_359 : memref<1x32x128xf32, #tpu.memory_space<vmem>> -> memref<32x128xf32, #tpu.memory_space<vmem>>
    %dma_wait3A_361 = arith.constant 0 : i32
    %dma_wait3A_362 = arith.constant 0 : i32
    %dma_wait3A_363 = tpu.memref_slice %arg6[%dma_wait3A_361, %dma_wait3A_362] : memref<64x1000000xf32, #tpu.memory_space<hbm>> -> memref<32x128xf32, #tpu.memory_space<hbm>>
    tpu.wait_dma2 semaphore(%arg18 : memref<!tpu.dma_semaphore, #tpu.memory_space<semaphore_mem>>) src(%dma_wait3A_363 : memref<32x128xf32, #tpu.memory_space<hbm>>) dst(%dma_wait3A_360 : memref<32x128xf32, #tpu.memory_space<vmem>>)
    %dma_wait3A_364 = arith.constant 1 : i32
    %dma_wait3A_365 = arith.constant 0 : i32
    %dma_wait3A_366 = arith.constant 0 : i32
    %dma_wait3A_367 = tpu.memref_slice %arg13[%dma_wait3A_364, %dma_wait3A_365, %dma_wait3A_366] : memref<4x64x128xf32, #tpu.memory_space<vmem>> -> memref<1x32x128xf32, #tpu.memory_space<vmem>>
    %dma_wait3A_368 = tpu.memref_squeeze %dma_wait3A_367 : memref<1x32x128xf32, #tpu.memory_space<vmem>> -> memref<32x128xf32, #tpu.memory_space<vmem>>
    %dma_wait3A_369 = arith.constant 0 : i32
    %dma_wait3A_370 = arith.constant 0 : i32
    %dma_wait3A_371 = tpu.memref_slice %arg6[%dma_wait3A_369, %dma_wait3A_370] : memref<64x1000000xf32, #tpu.memory_space<hbm>> -> memref<32x128xf32, #tpu.memory_space<hbm>>
    %dma_wait3A_372 = arith.constant 0 : i32
    %dma_wait3A_373 = arith.constant 0 : i32
    %dma_wait3A_374 = tpu.memref_slice %arg13[%dma_wait3A_364, %dma_wait3A_372, %dma_wait3A_373] : memref<4x64x128xf32, #tpu.memory_space<vmem>> -> memref<1x32x128xf32, #tpu.memory_space<vmem>>
    %dma_wait3A_375 = tpu.memref_squeeze %dma_wait3A_374 : memref<1x32x128xf32, #tpu.memory_space<vmem>> -> memref<32x128xf32, #tpu.memory_space<vmem>>
    %dma_wait3A_376 = arith.constant 0 : i32
    %dma_wait3A_377 = arith.constant 0 : i32
    %dma_wait3A_378 = tpu.memref_slice %arg6[%dma_wait3A_376, %dma_wait3A_377] : memref<64x1000000xf32, #tpu.memory_space<hbm>> -> memref<32x128xf32, #tpu.memory_space<hbm>>
    tpu.wait_dma2 semaphore(%arg18 : memref<!tpu.dma_semaphore, #tpu.memory_space<semaphore_mem>>) src(%dma_wait3A_378 : memref<32x128xf32, #tpu.memory_space<hbm>>) dst(%dma_wait3A_375 : memref<32x128xf32, #tpu.memory_space<vmem>>)
    %dma_wait3A_379 = arith.constant 2 : i32
    %dma_wait3A_380 = arith.constant 0 : i32
    %dma_wait3A_381 = arith.constant 0 : i32
    %dma_wait3A_382 = tpu.memref_slice %arg13[%dma_wait3A_379, %dma_wait3A_380, %dma_wait3A_381] : memref<4x64x128xf32, #tpu.memory_space<vmem>> -> memref<1x32x128xf32, #tpu.memory_space<vmem>>
    %dma_wait3A_383 = tpu.memref_squeeze %dma_wait3A_382 : memref<1x32x128xf32, #tpu.memory_space<vmem>> -> memref<32x128xf32, #tpu.memory_space<vmem>>
    %dma_wait3A_384 = arith.constant 0 : i32
    %dma_wait3A_385 = arith.constant 0 : i32
    %dma_wait3A_386 = tpu.memref_slice %arg6[%dma_wait3A_384, %dma_wait3A_385] : memref<64x1000000xf32, #tpu.memory_space<hbm>> -> memref<32x128xf32, #tpu.memory_space<hbm>>
    %dma_wait3A_387 = arith.constant 0 : i32
    %dma_wait3A_388 = arith.constant 0 : i32
    %dma_wait3A_389 = tpu.memref_slice %arg13[%dma_wait3A_379, %dma_wait3A_387, %dma_wait3A_388] : memref<4x64x128xf32, #tpu.memory_space<vmem>> -> memref<1x32x128xf32, #tpu.memory_space<vmem>>
    %dma_wait3A_390 = tpu.memref_squeeze %dma_wait3A_389 : memref<1x32x128xf32, #tpu.memory_space<vmem>> -> memref<32x128xf32, #tpu.memory_space<vmem>>
    %dma_wait3A_391 = arith.constant 0 : i32
    %dma_wait3A_392 = arith.constant 0 : i32
    %dma_wait3A_393 = tpu.memref_slice %arg6[%dma_wait3A_391, %dma_wait3A_392] : memref<64x1000000xf32, #tpu.memory_space<hbm>> -> memref<32x128xf32, #tpu.memory_space<hbm>>
    tpu.wait_dma2 semaphore(%arg19 : memref<!tpu.dma_semaphore, #tpu.memory_space<semaphore_mem>>) src(%dma_wait3A_393 : memref<32x128xf32, #tpu.memory_space<hbm>>) dst(%dma_wait3A_390 : memref<32x128xf32, #tpu.memory_space<vmem>>)
    %dma_wait3A_394 = arith.constant 2 : i32
    %dma_wait3A_395 = arith.constant 0 : i32
    %dma_wait3A_396 = arith.constant 0 : i32
    %dma_wait3A_397 = tpu.memref_slice %arg13[%dma_wait3A_394, %dma_wait3A_395, %dma_wait3A_396] : memref<4x64x128xf32, #tpu.memory_space<vmem>> -> memref<1x32x128xf32, #tpu.memory_space<vmem>>
    %dma_wait3A_398 = tpu.memref_squeeze %dma_wait3A_397 : memref<1x32x128xf32, #tpu.memory_space<vmem>> -> memref<32x128xf32, #tpu.memory_space<vmem>>
    %dma_wait3A_399 = arith.constant 0 : i32
    %dma_wait3A_400 = arith.constant 0 : i32
    %dma_wait3A_401 = tpu.memref_slice %arg6[%dma_wait3A_399, %dma_wait3A_400] : memref<64x1000000xf32, #tpu.memory_space<hbm>> -> memref<32x128xf32, #tpu.memory_space<hbm>>
    %dma_wait3A_402 = arith.constant 0 : i32
    %dma_wait3A_403 = arith.constant 0 : i32
    %dma_wait3A_404 = tpu.memref_slice %arg13[%dma_wait3A_394, %dma_wait3A_402, %dma_wait3A_403] : memref<4x64x128xf32, #tpu.memory_space<vmem>> -> memref<1x32x128xf32, #tpu.memory_space<vmem>>
    %dma_wait3A_405 = tpu.memref_squeeze %dma_wait3A_404 : memref<1x32x128xf32, #tpu.memory_space<vmem>> -> memref<32x128xf32, #tpu.memory_space<vmem>>
    %dma_wait3A_406 = arith.constant 0 : i32
    %dma_wait3A_407 = arith.constant 0 : i32
    %dma_wait3A_408 = tpu.memref_slice %arg6[%dma_wait3A_406, %dma_wait3A_407] : memref<64x1000000xf32, #tpu.memory_space<hbm>> -> memref<32x128xf32, #tpu.memory_space<hbm>>
    tpu.wait_dma2 semaphore(%arg19 : memref<!tpu.dma_semaphore, #tpu.memory_space<semaphore_mem>>) src(%dma_wait3A_408 : memref<32x128xf32, #tpu.memory_space<hbm>>) dst(%dma_wait3A_405 : memref<32x128xf32, #tpu.memory_space<vmem>>)
    %dma_wait3A_409 = arith.constant 2 : i32
    %dma_wait3A_410 = arith.constant 0 : i32
    %dma_wait3A_411 = arith.constant 0 : i32
    %dma_wait3A_412 = tpu.memref_slice %arg13[%dma_wait3A_409, %dma_wait3A_410, %dma_wait3A_411] : memref<4x64x128xf32, #tpu.memory_space<vmem>> -> memref<1x32x128xf32, #tpu.memory_space<vmem>>
    %dma_wait3A_413 = tpu.memref_squeeze %dma_wait3A_412 : memref<1x32x128xf32, #tpu.memory_space<vmem>> -> memref<32x128xf32, #tpu.memory_space<vmem>>
    %dma_wait3A_414 = arith.constant 0 : i32
    %dma_wait3A_415 = arith.constant 0 : i32
    %dma_wait3A_416 = tpu.memref_slice %arg6[%dma_wait3A_414, %dma_wait3A_415] : memref<64x1000000xf32, #tpu.memory_space<hbm>> -> memref<32x128xf32, #tpu.memory_space<hbm>>
    %dma_wait3A_417 = arith.constant 0 : i32
    %dma_wait3A_418 = arith.constant 0 : i32
    %dma_wait3A_419 = tpu.memref_slice %arg13[%dma_wait3A_409, %dma_wait3A_417, %dma_wait3A_418] : memref<4x64x128xf32, #tpu.memory_space<vmem>> -> memref<1x32x128xf32, #tpu.memory_space<vmem>>
    %dma_wait3A_420 = tpu.memref_squeeze %dma_wait3A_419 : memref<1x32x128xf32, #tpu.memory_space<vmem>> -> memref<32x128xf32, #tpu.memory_space<vmem>>
    %dma_wait3A_421 = arith.constant 0 : i32
    %dma_wait3A_422 = arith.constant 0 : i32
    %dma_wait3A_423 = tpu.memref_slice %arg6[%dma_wait3A_421, %dma_wait3A_422] : memref<64x1000000xf32, #tpu.memory_space<hbm>> -> memref<32x128xf32, #tpu.memory_space<hbm>>
    tpu.wait_dma2 semaphore(%arg19 : memref<!tpu.dma_semaphore, #tpu.memory_space<semaphore_mem>>) src(%dma_wait3A_423 : memref<32x128xf32, #tpu.memory_space<hbm>>) dst(%dma_wait3A_420 : memref<32x128xf32, #tpu.memory_space<vmem>>)
    %dma_wait3A_424 = arith.constant 2 : i32
    %dma_wait3A_425 = arith.constant 0 : i32
    %dma_wait3A_426 = arith.constant 0 : i32
    %dma_wait3A_427 = tpu.memref_slice %arg13[%dma_wait3A_424, %dma_wait3A_425, %dma_wait3A_426] : memref<4x64x128xf32, #tpu.memory_space<vmem>> -> memref<1x32x128xf32, #tpu.memory_space<vmem>>
    %dma_wait3A_428 = tpu.memref_squeeze %dma_wait3A_427 : memref<1x32x128xf32, #tpu.memory_space<vmem>> -> memref<32x128xf32, #tpu.memory_space<vmem>>
    %dma_wait3A_429 = arith.constant 0 : i32
    %dma_wait3A_430 = arith.constant 0 : i32
    %dma_wait3A_431 = tpu.memref_slice %arg6[%dma_wait3A_429, %dma_wait3A_430] : memref<64x1000000xf32, #tpu.memory_space<hbm>> -> memref<32x128xf32, #tpu.memory_space<hbm>>
    %dma_wait3A_432 = arith.constant 0 : i32
    %dma_wait3A_433 = arith.constant 0 : i32
    %dma_wait3A_434 = tpu.memref_slice %arg13[%dma_wait3A_424, %dma_wait3A_432, %dma_wait3A_433] : memref<4x64x128xf32, #tpu.memory_space<vmem>> -> memref<1x32x128xf32, #tpu.memory_space<vmem>>
    %dma_wait3A_435 = tpu.memref_squeeze %dma_wait3A_434 : memref<1x32x128xf32, #tpu.memory_space<vmem>> -> memref<32x128xf32, #tpu.memory_space<vmem>>
    %dma_wait3A_436 = arith.constant 0 : i32
    %dma_wait3A_437 = arith.constant 0 : i32
    %dma_wait3A_438 = tpu.memref_slice %arg6[%dma_wait3A_436, %dma_wait3A_437] : memref<64x1000000xf32, #tpu.memory_space<hbm>> -> memref<32x128xf32, #tpu.memory_space<hbm>>
    tpu.wait_dma2 semaphore(%arg19 : memref<!tpu.dma_semaphore, #tpu.memory_space<semaphore_mem>>) src(%dma_wait3A_438 : memref<32x128xf32, #tpu.memory_space<hbm>>) dst(%dma_wait3A_435 : memref<32x128xf32, #tpu.memory_space<vmem>>)
    %dma_wait3A_439 = arith.constant 3 : i32
    %dma_wait3A_440 = arith.constant 0 : i32
    %dma_wait3A_441 = arith.constant 0 : i32
    %dma_wait3A_442 = tpu.memref_slice %arg13[%dma_wait3A_439, %dma_wait3A_440, %dma_wait3A_441] : memref<4x64x128xf32, #tpu.memory_space<vmem>> -> memref<1x32x128xf32, #tpu.memory_space<vmem>>
    %dma_wait3A_443 = tpu.memref_squeeze %dma_wait3A_442 : memref<1x32x128xf32, #tpu.memory_space<vmem>> -> memref<32x128xf32, #tpu.memory_space<vmem>>
    %dma_wait3A_444 = arith.constant 0 : i32
    %dma_wait3A_445 = arith.constant 0 : i32
    %dma_wait3A_446 = tpu.memref_slice %arg6[%dma_wait3A_444, %dma_wait3A_445] : memref<64x1000000xf32, #tpu.memory_space<hbm>> -> memref<32x128xf32, #tpu.memory_space<hbm>>
    %dma_wait3A_447 = arith.constant 0 : i32
    %dma_wait3A_448 = arith.constant 0 : i32
    %dma_wait3A_449 = tpu.memref_slice %arg13[%dma_wait3A_439, %dma_wait3A_447, %dma_wait3A_448] : memref<4x64x128xf32, #tpu.memory_space<vmem>> -> memref<1x32x128xf32, #tpu.memory_space<vmem>>
    %dma_wait3A_450 = tpu.memref_squeeze %dma_wait3A_449 : memref<1x32x128xf32, #tpu.memory_space<vmem>> -> memref<32x128xf32, #tpu.memory_space<vmem>>
    %dma_wait3A_451 = arith.constant 0 : i32
    %dma_wait3A_452 = arith.constant 0 : i32
    %dma_wait3A_453 = tpu.memref_slice %arg6[%dma_wait3A_451, %dma_wait3A_452] : memref<64x1000000xf32, #tpu.memory_space<hbm>> -> memref<32x128xf32, #tpu.memory_space<hbm>>
    tpu.wait_dma2 semaphore(%arg20 : memref<!tpu.dma_semaphore, #tpu.memory_space<semaphore_mem>>) src(%dma_wait3A_453 : memref<32x128xf32, #tpu.memory_space<hbm>>) dst(%dma_wait3A_450 : memref<32x128xf32, #tpu.memory_space<vmem>>)
    %dma_wait3A_454 = arith.constant 3 : i32
    %dma_wait3A_455 = arith.constant 0 : i32
    %dma_wait3A_456 = arith.constant 0 : i32
    %dma_wait3A_457 = tpu.memref_slice %arg13[%dma_wait3A_454, %dma_wait3A_455, %dma_wait3A_456] : memref<4x64x128xf32, #tpu.memory_space<vmem>> -> memref<1x32x128xf32, #tpu.memory_space<vmem>>
    %dma_wait3A_458 = tpu.memref_squeeze %dma_wait3A_457 : memref<1x32x128xf32, #tpu.memory_space<vmem>> -> memref<32x128xf32, #tpu.memory_space<vmem>>
    %dma_wait3A_459 = arith.constant 0 : i32
    %dma_wait3A_460 = arith.constant 0 : i32
    %dma_wait3A_461 = tpu.memref_slice %arg6[%dma_wait3A_459, %dma_wait3A_460] : memref<64x1000000xf32, #tpu.memory_space<hbm>> -> memref<32x128xf32, #tpu.memory_space<hbm>>
    %dma_wait3A_462 = arith.constant 0 : i32
    %dma_wait3A_463 = arith.constant 0 : i32
    %dma_wait3A_464 = tpu.memref_slice %arg13[%dma_wait3A_454, %dma_wait3A_462, %dma_wait3A_463] : memref<4x64x128xf32, #tpu.memory_space<vmem>> -> memref<1x32x128xf32, #tpu.memory_space<vmem>>
    %dma_wait3A_465 = tpu.memref_squeeze %dma_wait3A_464 : memref<1x32x128xf32, #tpu.memory_space<vmem>> -> memref<32x128xf32, #tpu.memory_space<vmem>>
    %dma_wait3A_466 = arith.constant 0 : i32
    %dma_wait3A_467 = arith.constant 0 : i32
    %dma_wait3A_468 = tpu.memref_slice %arg6[%dma_wait3A_466, %dma_wait3A_467] : memref<64x1000000xf32, #tpu.memory_space<hbm>> -> memref<32x128xf32, #tpu.memory_space<hbm>>
    tpu.wait_dma2 semaphore(%arg20 : memref<!tpu.dma_semaphore, #tpu.memory_space<semaphore_mem>>) src(%dma_wait3A_468 : memref<32x128xf32, #tpu.memory_space<hbm>>) dst(%dma_wait3A_465 : memref<32x128xf32, #tpu.memory_space<vmem>>)
    %dma_wait3A_469 = arith.constant 3 : i32
    %dma_wait3A_470 = arith.constant 0 : i32
    %dma_wait3A_471 = arith.constant 0 : i32
    %dma_wait3A_472 = tpu.memref_slice %arg13[%dma_wait3A_469, %dma_wait3A_470, %dma_wait3A_471] : memref<4x64x128xf32, #tpu.memory_space<vmem>> -> memref<1x32x128xf32, #tpu.memory_space<vmem>>
    %dma_wait3A_473 = tpu.memref_squeeze %dma_wait3A_472 : memref<1x32x128xf32, #tpu.memory_space<vmem>> -> memref<32x128xf32, #tpu.memory_space<vmem>>
    %dma_wait3A_474 = arith.constant 0 : i32
    %dma_wait3A_475 = arith.constant 0 : i32
    %dma_wait3A_476 = tpu.memref_slice %arg6[%dma_wait3A_474, %dma_wait3A_475] : memref<64x1000000xf32, #tpu.memory_space<hbm>> -> memref<32x128xf32, #tpu.memory_space<hbm>>
    %dma_wait3A_477 = arith.constant 0 : i32
    %dma_wait3A_478 = arith.constant 0 : i32
    %dma_wait3A_479 = tpu.memref_slice %arg13[%dma_wait3A_469, %dma_wait3A_477, %dma_wait3A_478] : memref<4x64x128xf32, #tpu.memory_space<vmem>> -> memref<1x32x128xf32, #tpu.memory_space<vmem>>
    %dma_wait3A_480 = tpu.memref_squeeze %dma_wait3A_479 : memref<1x32x128xf32, #tpu.memory_space<vmem>> -> memref<32x128xf32, #tpu.memory_space<vmem>>
    %dma_wait3A_481 = arith.constant 0 : i32
    %dma_wait3A_482 = arith.constant 0 : i32
    %dma_wait3A_483 = tpu.memref_slice %arg6[%dma_wait3A_481, %dma_wait3A_482] : memref<64x1000000xf32, #tpu.memory_space<hbm>> -> memref<32x128xf32, #tpu.memory_space<hbm>>
    tpu.wait_dma2 semaphore(%arg20 : memref<!tpu.dma_semaphore, #tpu.memory_space<semaphore_mem>>) src(%dma_wait3A_483 : memref<32x128xf32, #tpu.memory_space<hbm>>) dst(%dma_wait3A_480 : memref<32x128xf32, #tpu.memory_space<vmem>>)
    %dma_wait3A_484 = arith.constant 3 : i32
    %dma_wait3A_485 = arith.constant 0 : i32
    %dma_wait3A_486 = arith.constant 0 : i32
    %dma_wait3A_487 = tpu.memref_slice %arg13[%dma_wait3A_484, %dma_wait3A_485, %dma_wait3A_486] : memref<4x64x128xf32, #tpu.memory_space<vmem>> -> memref<1x32x128xf32, #tpu.memory_space<vmem>>
    %dma_wait3A_488 = tpu.memref_squeeze %dma_wait3A_487 : memref<1x32x128xf32, #tpu.memory_space<vmem>> -> memref<32x128xf32, #tpu.memory_space<vmem>>
    %dma_wait3A_489 = arith.constant 0 : i32
    %dma_wait3A_490 = arith.constant 0 : i32
    %dma_wait3A_491 = tpu.memref_slice %arg6[%dma_wait3A_489, %dma_wait3A_490] : memref<64x1000000xf32, #tpu.memory_space<hbm>> -> memref<32x128xf32, #tpu.memory_space<hbm>>
    %dma_wait3A_492 = arith.constant 0 : i32
    %dma_wait3A_493 = arith.constant 0 : i32
    %dma_wait3A_494 = tpu.memref_slice %arg13[%dma_wait3A_484, %dma_wait3A_492, %dma_wait3A_493] : memref<4x64x128xf32, #tpu.memory_space<vmem>> -> memref<1x32x128xf32, #tpu.memory_space<vmem>>
    %dma_wait3A_495 = tpu.memref_squeeze %dma_wait3A_494 : memref<1x32x128xf32, #tpu.memory_space<vmem>> -> memref<32x128xf32, #tpu.memory_space<vmem>>
    %dma_wait3A_496 = arith.constant 0 : i32
    %dma_wait3A_497 = arith.constant 0 : i32
    %dma_wait3A_498 = tpu.memref_slice %arg6[%dma_wait3A_496, %dma_wait3A_497] : memref<64x1000000xf32, #tpu.memory_space<hbm>> -> memref<32x128xf32, #tpu.memory_space<hbm>>
    tpu.wait_dma2 semaphore(%arg20 : memref<!tpu.dma_semaphore, #tpu.memory_space<semaphore_mem>>) src(%dma_wait3A_498 : memref<32x128xf32, #tpu.memory_space<hbm>>) dst(%dma_wait3A_495 : memref<32x128xf32, #tpu.memory_space<vmem>>)
    "tpu.region"() ({
      %run_scoped3A = tpu.sem_alloc : memref<!tpu.dma_semaphore, #tpu.memory_space<semaphore_mem>>
      %dma_start3A_499 = tpu.memref_slice %arg8[%mul3A_2] : memref<16384xf32, #tpu.memory_space<hbm>> -> memref<512xf32, #tpu.memory_space<hbm>>
      %dma_start3A_500 = tpu.memref_slice %arg8[%mul3A_2] : memref<16384xf32, #tpu.memory_space<hbm>> -> memref<512xf32, #tpu.memory_space<hbm>>
      tpu.enqueue_dma source(%arg16 : memref<512xf32, #tpu.memory_space<vmem>>) target(%dma_start3A_500 : memref<512xf32, #tpu.memory_space<hbm>>) target_semaphore(%run_scoped3A : memref<!tpu.dma_semaphore, #tpu.memory_space<semaphore_mem>>)
      %dma_wait3A_501 = tpu.memref_slice %arg8[%mul3A_2] : memref<16384xf32, #tpu.memory_space<hbm>> -> memref<512xf32, #tpu.memory_space<hbm>>
      %dma_wait3A_502 = tpu.memref_slice %arg8[%mul3A_2] : memref<16384xf32, #tpu.memory_space<hbm>> -> memref<512xf32, #tpu.memory_space<hbm>>
      tpu.wait_dma2 semaphore(%run_scoped3A : memref<!tpu.dma_semaphore, #tpu.memory_space<semaphore_mem>>) src(%arg16 : memref<512xf32, #tpu.memory_space<vmem>>) dst(%dma_wait3A_502 : memref<512xf32, #tpu.memory_space<hbm>>)
      tpu.yield
    }) : () -> ()
    return
  }
}

</mosaic_0001>

<sc_bundles>
// kernel: _mf_forward.3.cloned.1.call-start
scs
__scs_entry_jumppad:
0x0: {  	(pc) =	sbr.rel $0x88, $3  }
0x1: {  	(tag) =	ssettag $0x0;
	lr =	simm.s32 $0x1  }
0x2: {  	[smem:$0x3F9B] =	sst lr;
	_ =	strace $0xD0000000  }
0x3: {  	_ = 	snop  }
0x4: {  	_ = 	snop  }
0x5: {  	_ = 	snop  }
0x6: {  	_ = 	snop  }
0x7: {  	_ = 	snop  }
__scs_overlays_trampoline_lowered:
0x8: {  	[smem:$0x3FAA] =	sst s0  }
0x9: {  	[smem:$0x3FAB] =	sst s1  }
0xa: {  	[smem:$0x3FAC] =	sst s2  }
0xb: {  	[smem:$0x3FAD] =	sst s3  }
0xc: {  	[smem:$0x3FAE] =	sst s4  }
0xd: {  	[smem:$0x3FAF] =	sst s5  }
0xe: {  	[smem:$0x3FB0] =	sst s6  }
0xf: {  	[smem:$0x3FB1] =	sst s7  }
0x10: {  	[smem:$0x3FB2] =	sst s8  }
0x11: {  	[smem:$0x3FB3] =	sst s9;
	s0 =	simm.s32 @!p0 $0x0  }
0x12: {  	s1 =	sld [smem:$0x3F99];
	s0 =	simm.s32 @p0 $0x1  }
0x13: {  	[smem:$0x3FB4] =	sst s0;
	s0 =	simm.s32 @!p1 $0x0  }
0x14: {  	s2 =	sld [smem:$0x3F98];
	s0 =	simm.s32 @p1 $0x1  }
0x15: {  	[smem:$0x3FB5] =	sst s0;
	s0 =	simm.s32 @!p2 $0x0  }
0x16: {  	s3 =	sld [smem:$0x3FDB];
	s0 =	simm.s32 @p2 $0x1  }
0x17: {  	s4 =	simm.s32 $0x1BF5;
	[smem:$0x3FB7] =	sst s0  }
0x18: {  	s0 =	sld [smem:$0x3F9A];
	_ =	swait.ge [sflag:s4], $0x0  }
0x19: {  	s7 =	sld [smem:$0x3F9B]  }
0x1a: {  	s8 =	sadd.s32 $0xFFFFE003, lr  }
0x1b: {  	s9 =	sadd.s32 $0xFFFFFEF7, lr;
	s5 =	simm.s32 $0xFFFFFFFF;
	p2 =	slt.u32 s8, $0xFFFFF086  }
0x1c: {  	p1 =	slt.u32 s9, $0xF7A;
	s5 =	simm.s32 @!p2 $0x0  }
0x1d: {  	s5 =	simm.s32 @p1 $0x1;
	p0 =	seq.s32 s7, s2  }
0x1e: {  	s7 =	smul.u32 @!p0 $0xF7A, s2;
	p2 =	seq.s32 @!p0 s5, $0x0  }
0x1f: {  	s9 =	smul.u32 $0xF7A, s1;
	s8 =	simm.s32 @!p0 $0x1BF5;
	p2 =	por !p2, p0  }
0x20: {  	[sflag:s8] =	ssyncset.s32 @!p0 $0xFFFFF086;
	s6 =	sadd.s32 @!p0 s3, s7;
	s7 =	simm.s32 @!p0 $0x108  }
0x21: {  	s3 =	sadd.s32 s3, s9;
	s6 =	sadd.s32 @!p0 $0x88, s6;
	s7 =	simm.s32 @p2 $0x1082  }
0x22: {  	[simem:s7], [sflag:s8] =	dma.local @!p0 [hbm:s6], $0xF7A  }
0x23: {  	s9 =	sor.u32 $0xD0000000, s2;
	s6 =	simm.s32 $0x108;
	_ =	swait.ge @!p0 [sflag:s8], $0x0  }
0x24: {  	s3 =	sadd.s32 $0x88, s3;
	s6 =	simm.s32 @!p1 $0x1082;
	[sflag:s4] =	ssyncset.s32 $0xFFFFF086  }
0x25: {  	[simem:s6], [sflag:s4] =	dma.local [hbm:s3], $0xF7A  }
0x26: {  	[smem:$0x3F9B] =	sst s1;
	(tag) =	ssettag s2;
	_ =	strace s9  }
0x27: {  	s1 =	sld [smem:$0x3FAB]  }
0x28: {  	s2 =	sld [smem:$0x3FAC]  }
0x29: {  	s4 =	sld [smem:$0x3FAE]  }
0x2a: {  	p0 =	seq.s32 s5, $0x0;
	s5 =	sld [smem:$0x3FAF]  }
0x2b: {  	s6 =	sld [smem:$0x3FB0]  }
0x2c: {  	s7 =	sld [smem:$0x3FB1]  }
0x2d: {  	s3 =	simm.s32 $0x108;
	s8 =	sld [smem:$0x3FB2]  }
0x2e: {  	s3 =	simm.s32 @!p0 $0x1082;
	s9 =	sld [smem:$0x3FB3]  }
0x2f: {  	lr =	sadd.s32 s0, s3;
	s0 =	sld [smem:$0x3FAA]  }
0x30: {  	s3 =	sld [smem:$0x3FAD]  }
0x31: {  	[smem:$0x3FB6] =	sst s10  }
0x32: {  	s10 =	sld [smem:$0x3FB4];
	_ =	sdelay $0x3  }
0x33: {  	p0 =	seq.s32 s10, $0x1;
	s10 =	sld [smem:$0x3FB6];
	_ =	sdelay $0x3  }
0x34: {  	[smem:$0x3FB6] =	sst s10  }
0x35: {  	s10 =	sld [smem:$0x3FB5];
	_ =	sdelay $0x3  }
0x36: {  	p1 =	seq.s32 s10, $0x1;
	s10 =	sld [smem:$0x3FB6];
	_ =	sdelay $0x3  }
0x37: {  	[smem:$0x3FB6] =	sst s10  }
0x38: {  	s10 =	sld [smem:$0x3FB7]  }
0x39: {  	_ = 	snop;
	(pc) =	sbr.ind lr, $3  }
0x3a: {  	_ = 	snop  }
0x3b: {  	_ = 	snop  }
0x3c: {  	p2 =	seq.s32 s10, $0x1;
	s10 =	sld [smem:$0x3FB6]  }
0x3d: {  	_ =	shalt  }
0x3e: {  	_ =	shalt  }
0x3f: {  	_ =	shalt  }
0x40: {  	_ =	shalt  }
0x41: {  	_ =	shalt  }
0x42: {  	_ =	shalt  }
0x43: {  	_ =	shalt  }
0x44: {  	_ =	shalt  }
0x45: {  	_ =	shalt  }
0x46: {  	_ =	shalt  }
0x47: {  	_ =	shalt  }
0x48: {  	_ =	shalt  }
0x49: {  	_ =	shalt  }
0x4a: {  	_ =	shalt  }
0x4b: {  	_ =	shalt  }
0x4c: {  	_ =	shalt  }
0x4d: {  	_ =	shalt  }
0x4e: {  	_ =	shalt  }
0x4f: {  	_ =	shalt  }
0x50: {  	_ =	shalt  }
0x51: {  	_ =	shalt  }
0x52: {  	_ =	shalt  }
0x53: {  	_ =	shalt  }
0x54: {  	_ =	shalt  }
0x55: {  	_ =	shalt  }
0x56: {  	_ =	shalt  }
0x57: {  	_ =	shalt  }
0x58: {  	_ =	shalt  }
0x59: {  	_ =	shalt  }
0x5a: {  	_ =	shalt  }
0x5b: {  	_ =	shalt  }
0x5c: {  	_ =	shalt  }
0x5d: {  	_ =	shalt  }
0x5e: {  	_ =	shalt  }
0x5f: {  	_ =	shalt  }
0x60: {  	_ =	shalt  }
0x61: {  	_ =	shalt  }
0x62: {  	_ =	shalt  }
0x63: {  	_ =	shalt  }
0x64: {  	_ =	shalt  }
0x65: {  	_ =	shalt  }
0x66: {  	_ =	shalt  }
0x67: {  	_ =	shalt  }
0x68: {  	_ =	shalt  }
0x69: {  	_ =	shalt  }
0x6a: {  	_ =	shalt  }
0x6b: {  	_ =	shalt  }
0x6c: {  	_ =	shalt  }
0x6d: {  	_ =	shalt  }
0x6e: {  	_ =	shalt  }
0x6f: {  	_ =	shalt  }
0x70: {  	_ =	shalt  }
0x71: {  	_ =	shalt  }
0x72: {  	_ =	shalt  }
0x73: {  	_ =	shalt  }
0x74: {  	_ =	shalt  }
0x75: {  	_ =	shalt  }
0x76: {  	_ =	shalt  }
0x77: {  	_ =	shalt  }
0x78: {  	_ =	shalt  }
0x79: {  	_ =	shalt  }
0x7a: {  	_ =	shalt  }
0x7b: {  	_ =	shalt  }
0x7c: {  	_ =	shalt  }
0x7d: {  	_ =	shalt  }
0x7e: {  	_ =	shalt  }
0x7f: {  	_ =	shalt  }
0x80: {  	_ =	shalt  }
0x81: {  	_ =	shalt  }
0x82: {  	_ =	shalt  }
0x83: {  	_ =	shalt  }
0x84: {  	_ =	shalt  }
0x85: {  	_ =	shalt  }
0x86: {  	_ =	shalt  }
0x87: {  	_ =	shalt  }
.Lfunc_end0:
.L_simem_size_0:
called_computation_lowered:
.L_overlay_start_0:
0x88: {  	s2 =	sld [smem:$0x3FD9]  }
0x89: {  	s3 =	sld [smem:$0x3FFE];
	_ =	sdelay $0x1  }
0x8a: {  	s1 =	srdreg.scid  }
0x8b: {  	s0 =	sand.u32 $0x1, s1  }
0x8c: {  	s18 =	sshll.u32 s0, $0xA;
	s2 =	sadd.s32 s3, s2  }
0x8d: {  	s2 =	sadd.s32 s2, s18  }
0x8e: {  	[smem:$0x3FC2] =	sst s2  }
0x8f: {  	_ = 	snop  }
0x90: {  	s2 =	sld [smem:$0x3FC9]  }
0x91: {  	s19 =	sld [smem:$0x3FC8]  }
0x92: {  	s4 =	sld [smem:$0x3FC7]  }
0x93: {  	s5 =	sld [smem:$0x3FC6]  }
0x94: {  	s6 =	sld [smem:$0x3FC5]  }
0x95: {  	s7 =	sld [smem:$0x3FC4]  }
0x96: {  	s8 =	sld [smem:$0x3FD0];
	(tm) =	ssettm $0x1  }
0x97: {  	s9 =	sld [smem:$0x3FFB];
	_ =	sdelay $0x3  }
0x98: {  	_ =	strace s9  }
0x99: {  	s9 =	sld [smem:$0x3FFC];
	_ =	sdelay $0x3  }
0x9a: {  	_ =	strace s9  }
0x9b: {  	s9 =	sld [smem:$0x3FFD];
	_ =	sdelay $0x3  }
0x9c: {  	_ =	strace s9  }
0x9d: {  	_ =	strace $0x8FFFFFFF  }
0x9e: {  	s20 =	sld [smem:$0x3FDB];
	_ =	sdelay $0x1  }
0x9f: {  	s10 =	simm.s32 $_scs_section_size  }
0xa0: {  	s11 =	simm.s32 $_size__tile_overlayer_lowered;
	s12 =	simm.s32 $_tile_overlayer_lowered  }
0xa1: {  	s23 =	simm.s32 $0x1BFF;
	s22 =	sshll.u32 s12, $0x1;
	s9 =	sadd.s32 s10, s20  }
0xa2: {  	s13 =	simm.s32 $0x0;
	s21 =	sshll.u32 s11, $0x1;
	s11 =	sadd.s32 s22, s9  }
0xa3: {  	[timem:s13], [sflag:s23] =	dma.local [hbm:s11], s21  }
0xa4: {  	_ =	swait.ge [sflag:s23], s21  }
0xa5: {  	s10 =	ssub.s32 $0x0, s21;
	[sflag:s23] =	ssyncset.done $0x0  }
0xa6: {  	[sflag:s23] =	ssyncadd.s32 s10;
	_ =	sdelay $0x1  }
0xa7: {  	s24 =	simm.s32 $0x1B8B  }
0xa8: {  	_ =	swait.ge [sflag:s24], $0x1  }
0xa9: {  	[sflag:s24] =	ssyncset.done $0x0  }
0xaa: {  	s25 =	simm.s32 $0x1B8E;
	[sflag:s24] =	ssyncadd.s32 $0xFFFFFFFF  }
0xab: {  	s26 =	simm.s32 $execute0_lowered;
	[smem:$0x3FD2] =	sst s25  }
0xac: {  	s10 =	sshll.u32 s26, $0x1;
	_ =	strace $0x80000046;
	[dreg:$0x1] =	wrdreg $0xFFFFFFFF  }
0xad: {  	s28 =	simm.s32 $_size_execute0_lowered;
	s9 =	sadd.s32 s9, s10;
	[dreg:$0x0] =	wrdreg $0x0  }
0xae: {  	s10 =	sshll.u32 s28, $0x1;
	[dreg:$0x2] =	wrdreg s9  }
0xaf: {  	[dreg:$0x3] =	wrdreg s10  }
0xb0: {  	[dreg:$0x4] =	wrdreg $0xC0  }
0xb1: {  	_ =	task [dreg:s13], $0x5FFFF  }
0xb2: {  	[dreg:$0x1] =	wrdreg $0xFFFFFFFF  }
0xb3: {  	[dreg:$0x0] =	wrdreg $0x60  }
0xb4: {  	[dreg:$0x2] =	wrdreg s2  }
0xb5: {  	[dreg:$0x3] =	wrdreg s19  }
0xb6: {  	[dreg:$0x4] =	wrdreg s4  }
0xb7: {  	[dreg:$0x5] =	wrdreg s5  }
0xb8: {  	[dreg:$0x6] =	wrdreg s6  }
0xb9: {  	[dreg:$0x7] =	wrdreg s7  }
0xba: {  	[dreg:$0x8] =	wrdreg s8  }
0xbb: {  	[dreg:$0x9] =	wrdreg $0x9  }
0xbc: {  	_ =	task.clear_ibuf [dreg:s13], $0xAFFFF;
	_ =	strace $0x90000046  }
0xbd: {  	s29 =	simm.s32 $0x9;
	_ =	strace $0x80000048  }
0xbe: {  	_ =	swait.ge [sflag:s29], $0x1  }
0xbf: {  	[sflag:s29] =	ssyncadd.s32 $0xFFFFFFFF  }
0xc0: {  	_ =	strace $0x90000048  }
0xc1: {  	_ =	sfence  }
0xc2: {  	s30 =	sld [smem:$0x0];
	_ =	sdelay $0x2  }
0xc3: {  	s31 =	sshll.u32 s1, $0xD;
	s1 =	sshrl.u32 s1, $0x2  }
0xc4: {  	s3 =	sand.u32 $0x4000, s31;
	s1 =	sadd.s32 s1, s30  }
0xc5: {  	s0 =	sor.u32 s3, s0;
	s1 =	sshll.u32 s1, $0x11  }
0xc6: {  	s0 =	sor.u32 s1, s0  }
0xc7: {  	s0 =	sadd.s32 $0x8F2B, s0  }
0xc8: {  	[sflag:s0] =	ssyncadd.remote.s32 $0x1  }
0xc9: {  	_ =	sfence.sel $0xFFFF  }
0xca: {  	[dreg:$0x0] =	wrdreg $0xFFFFFFFF;
	(pc) =	sbr.abs _section_cstart, $3  }
0xcb: {  	[dreg:$0x1] =	wrdreg $0xFFFFFFFF  }
0xcc: {  	_ =	task.clear_ibuf [dreg:s13], $0x2FFFF;
	_ =	strace $0x9FFFFFFF  }
0xcd: {  	(tm) =	ssettm $0x7FFFFFFF  }
tec
execute0_lowered:
.L_overlay_start_1:
0x0: {  	(tag) =	ssettag $0x1  }
0x1: {  	s0 =	rddreg [dreg:$0x0]  }
0x2: {  	s3 =	rddreg [dreg:$0x1]  }
0x3: {  	s4 =	rddreg [dreg:$0x2]  }
0x4: {  	s5 =	rddreg [dreg:$0x3]  }
0x5: {  	s1 =	rddreg [dreg:$0x4]  }
0x6: {  	s2 =	rddreg [dreg:$0x5]  }
0x7: {  	s6 =	rddreg [dreg:$0x6];
	s11 =	simm.s32 $0x0  }
0x8: {  	s7 =	srdreg.scid;
	s9 =	stileid.u32;
	s15 =	simm.s32 $0x400  }
0x9: {  	s16 =	simm.s32 $0x7A1400;
	s17 =	simm.s32 $0xA00;
	s18 =	simm.s32 $0x8A00  }
0xa: {  	s21 =	simm.s32 $0x2A00;
	s22 =	simm.s32 $0xAA00;
	s19 =	simm.s32 $0x3A00  }
0xb: {  	s20 =	simm.s32 $0xBA00;
	s30 =	simm.s32 $0x6A00;
	s31 =	simm.s32 $0xEA00  }
0xc: {  	s23 =	simm.s32 $0x7A00;
	s12 =	simm.s32 $0x1;
	s13 =	simm.s32 $0x2  }
0xd: {  	s14 =	simm.s32 $0x3;
	[smem:$0x7FF] =	sst s11;
	s7 =	sand.u32 $0x1, s7  }
0xe: {  	s9 =	sshll.u32 s9, $0x7;
	s8 =	ssub.s32 $0x2, s7;
	s7 =	sshll.u32 s7, $0x6  }
0xf: {  	v0 =	vlaneseq.u32;
	_ =	strace $0x80000047;
	s10 =	sshrl.u32 s8, $0x1;
	s7 =	sor.u32 s7, s9  }
0x10: {  	v0 =	vmul.u32 $0x80, v0;
	s9 =	simm.s32 $0x1A00;
	s8 =	ssub.s32 s8, s10;
	s0 =	sadd.s32 s0, s7  }
0x11: {  	s24 =	sadd.s32 s3, s7;
	s25 =	sadd.s32 s4, s7;
	[dreg:$0x8] =	wrdreg s0  }
0x12: {  	v1 =	vor.u32 $0x800, v0;
	v2 =	vor.u32 $0x1000, v0;
	v3 =	vor.u32 $0x1800, v0;
	s26 =	sadd.s32 s5, s7;
	s28 =	sadd.s32 s6, s7;
	[dreg:$0x9] =	wrdreg s24  }
0x13: {  	v4 =	vor.u32 $0x1, v0;
	v5 =	vor.u32 $0x2, v0;
	v6 =	vor.u32 $0x3, v0;
	s7 =	simm.s32 $0x5;
	s10 =	simm.s32 $0x9A00;
	[dreg:$0xa] =	wrdreg s25  }
0x14: {  	v7 =	vor.u32 $0x4, v0;
	v8 =	vor.u32 $0x5, v0;
	v9 =	vor.u32 $0x6, v0;
	s3 =	simm.s32 $0xDA00;
	s5 =	simm.s32 $0x4;
	[dreg:$0xb] =	wrdreg s26  }
0x15: {  	v10 =	vor.u32 $0x7, v0;
	v11 =	vor.u32 $0x8, v0;
	v12 =	vor.u32 $0x9, v0;
	s6 =	simm.s32 $0x10A00;
	[dreg:$0xc] =	wrdreg s28;
	s29 =	smax.u32 s8, $0x1  }
0x16: {  	v13 =	vor.u32 $0xA, v0;
	v14 =	vor.u32 $0xB, v0;
	v15 =	vor.u32 $0xC, v0;
	s25 =	simm.s32 $0x4A00;
	s26 =	simm.s32 $0xCA00;
	s0 =	simm.s32 $0x5A00  }
0x17: {  	v16 =	vor.u32 $0xD, v0;
	v17 =	vor.u32 $0xE, v0;
	v18 =	vor.u32 $0xF, v0;
	s24 =	simm.s32 $0xFA00;
	s8 =	simm.s32 $0x0;
	[dreg:$0xd] =	wrdreg s29  }
.LBB2_1:
0x18: {  	[dreg:$0xe] =	wrdreg s8  }
0x19: {  	s4 =	rddreg [dreg:$0x8]  }
0x1a: {  	[tilespmem:s11], [sflag:$0x5] =	stream.linear.gather [hbm4b:s4+s11], $0x200, $0x38;
	[tilespmem:$0x11400] =	vst v63  }
0x1b: {  	_ =	swait.ge [sflag:s7], $0x200  }
0x1c: {  	[sflag:s7] =	ssyncset.done $0x0  }
0x1d: {  	s29 =	simm.s32 $0x280;
	s28 =	rddreg [dreg:$0x9];
	[sflag:s7] =	ssyncadd.s32 $0xFFFFFE00  }
0x1e: {  	[tilespmem:s29], [sflag:$0x5] =	stream.linear.gather [hbm4b:s28+s11], $0x200, $0x38;
	[tilespmem:$0x11400] =	vst v63  }
0x1f: {  	_ =	swait.ge [sflag:s7], $0x200  }
0x20: {  	[sflag:s7] =	ssyncset.done $0x0  }
0x21: {  	s29 =	simm.s32 $0x500;
	s28 =	rddreg [dreg:$0xa];
	[sflag:s7] =	ssyncadd.s32 $0xFFFFFE00  }
0x22: {  	[tilespmem:s29], [sflag:$0x5] =	stream.linear.gather [hbm4b:s28+s11], $0x200, $0x38;
	[tilespmem:$0x11400] =	vst v63  }
0x23: {  	_ =	swait.ge [sflag:s7], $0x200  }
0x24: {  	[sflag:s7] =	ssyncset.done $0x0  }
0x25: {  	s29 =	simm.s32 $0x780;
	s28 =	rddreg [dreg:$0xb];
	[sflag:s7] =	ssyncadd.s32 $0xFFFFFE00  }
0x26: {  	[tilespmem:s29], [sflag:$0x5] =	stream.linear.gather [hbm4b:s28+s11], $0x200, $0x38;
	[tilespmem:$0x11400] =	vst v63  }
0x27: {  	_ =	swait.ge [sflag:s7], $0x200  }
0x28: {  	[sflag:s7] =	ssyncset.done $0x0  }
0x29: {  	[sflag:s7] =	ssyncadd.s32 $0xFFFFFE00  }
0x2a: {  	v19 =	vld [tilespmem:$0x0]  }
0x2b: {  	v20 =	vld [tilespmem:$0x500];
	_ =	sdelay $0x3  }
0x2c: {  	(v2sf) =	vpush v19, $0x0  }
0x2d: {  	(v2sf) =	vpush v20, $0x0;
	_ =	sdelay $0xd  }
0x2e: {  	s11 =	spop (v2sf)  }
0x2f: {  	s4 =	sand.u32 $0xFFFFF80, s11;
	s28 =	spop (v2sf)  }
0x30: {  	s4 =	sadd.s32 s1, s4;
	s7 =	sand.u32 $0xFFFFF80, s28  }
0x31: {  	[tilespmem:s17], [sflag:$0x1] =	stream.strided.gather [hbm4b:s4+s15], $0x1000, s16, s15, $0x38;
	[tilespmem:$0x11400] =	vst v63  }
0x32: {  	s7 =	sadd.s32 s2, s7  }
0x33: {  	[tilespmem:s18], [sflag:$0x1] =	stream.strided.gather [hbm4b:s7+s15], $0x1000, s16, s15, $0x38;
	[tilespmem:$0x11400] =	vst v63  }
0x34: {  	s4 =	sadd.s32 $0x3D0A00, s4  }
0x35: {  	[tilespmem:s9], [sflag:$0x1] =	stream.strided.gather [hbm4b:s4+s15], $0x1000, s16, s15, $0x38;
	[tilespmem:$0x11400] =	vst v63  }
0x36: {  	s29 =	sadd.s32 $0x3D0A00, s7  }
0x37: {  	[tilespmem:s10], [sflag:$0x1] =	stream.strided.gather [hbm4b:s29+s15], $0x1000, s16, s15, $0x38;
	[tilespmem:$0x11400] =	vst v63  }
0x38: {  	v19 =	vld [tilespmem:$0x1]  }
0x39: {  	v20 =	vld [tilespmem:$0x501];
	_ =	sdelay $0x3  }
0x3a: {  	(v2sf) =	vpush v19, $0x0  }
0x3b: {  	(v2sf) =	vpush v20, $0x0;
	_ =	sdelay $0xd  }
0x3c: {  	s7 =	spop (v2sf)  }
0x3d: {  	s4 =	sand.u32 $0xFFFFF80, s7;
	s8 =	spop (v2sf)  }
0x3e: {  	s4 =	sadd.s32 s1, s4;
	s7 =	sand.u32 $0xFFFFF80, s8  }
0x3f: {  	[tilespmem:s21], [sflag:$0x2] =	stream.strided.gather [hbm4b:s4+s15], $0x1000, s16, s15, $0x38;
	[tilespmem:$0x11400] =	vst v63  }
0x40: {  	s7 =	sadd.s32 s2, s7  }
0x41: {  	[tilespmem:s22], [sflag:$0x2] =	stream.strided.gather [hbm4b:s7+s15], $0x1000, s16, s15, $0x38;
	[tilespmem:$0x11400] =	vst v63  }
0x42: {  	s4 =	sadd.s32 $0x3D0A00, s4  }
0x43: {  	[tilespmem:s19], [sflag:$0x2] =	stream.strided.gather [hbm4b:s4+s15], $0x1000, s16, s15, $0x38;
	[tilespmem:$0x11400] =	vst v63  }
0x44: {  	s9 =	sadd.s32 $0x3D0A00, s7  }
0x45: {  	[tilespmem:s20], [sflag:$0x2] =	stream.strided.gather [hbm4b:s9+s15], $0x1000, s16, s15, $0x38;
	[tilespmem:$0x11400] =	vst v63  }
0x46: {  	v19 =	vld [tilespmem:$0x2]  }
0x47: {  	v20 =	vld [tilespmem:$0x502];
	_ =	sdelay $0x3  }
0x48: {  	(v2sf) =	vpush v19, $0x0  }
0x49: {  	(v2sf) =	vpush v20, $0x0;
	_ =	sdelay $0xd  }
0x4a: {  	s10 =	spop (v2sf)  }
0x4b: {  	s4 =	sand.u32 $0xFFFFF80, s10;
	s11 =	spop (v2sf)  }
0x4c: {  	s4 =	sadd.s32 s1, s4;
	s7 =	sand.u32 $0xFFFFF80, s11  }
0x4d: {  	[tilespmem:s25], [sflag:$0x3] =	stream.strided.gather [hbm4b:s4+s15], $0x1000, s16, s15, $0x38;
	[tilespmem:$0x11400] =	vst v63  }
0x4e: {  	s7 =	sadd.s32 s2, s7  }
0x4f: {  	[tilespmem:s26], [sflag:$0x3] =	stream.strided.gather [hbm4b:s7+s15], $0x1000, s16, s15, $0x38;
	[tilespmem:$0x11400] =	vst v63  }
0x50: {  	s4 =	sadd.s32 $0x3D0A00, s4  }
0x51: {  	[tilespmem:s0], [sflag:$0x3] =	stream.strided.gather [hbm4b:s4+s15], $0x1000, s16, s15, $0x38;
	[tilespmem:$0x11400] =	vst v63  }
0x52: {  	s19 =	sadd.s32 $0x3D0A00, s7  }
0x53: {  	[tilespmem:s3], [sflag:$0x3] =	stream.strided.gather [hbm4b:s19+s15], $0x1000, s16, s15, $0x38;
	[tilespmem:$0x11400] =	vst v63  }
0x54: {  	v19 =	vld [tilespmem:$0x3]  }
0x55: {  	v20 =	vld [tilespmem:$0x503];
	_ =	sdelay $0x3  }
0x56: {  	(v2sf) =	vpush v19, $0x0  }
0x57: {  	(v2sf) =	vpush v20, $0x0;
	_ =	sdelay $0xd  }
0x58: {  	s20 =	spop (v2sf)  }
0x59: {  	s4 =	sand.u32 $0xFFFFF80, s20;
	s28 =	spop (v2sf)  }
0x5a: {  	s4 =	sadd.s32 s1, s4;
	s7 =	sand.u32 $0xFFFFF80, s28  }
0x5b: {  	[tilespmem:s30], [sflag:$0x4] =	stream.strided.gather [hbm4b:s4+s15], $0x1000, s16, s15, $0x38;
	[tilespmem:$0x11400] =	vst v63  }
0x5c: {  	s8 =	simm.s32 $0x788;
	s9 =	simm.s32 $0x288;
	s7 =	sadd.s32 s2, s7  }
0x5d: {  	[tilespmem:s31], [sflag:$0x4] =	stream.strided.gather [hbm4b:s7+s15], $0x1000, s16, s15, $0x38;
	[tilespmem:$0x11400] =	vst v63  }
0x5e: {  	s10 =	simm.s32 $0x8;
	s11 =	simm.s32 $0x0;
	s4 =	sadd.s32 $0x3D0A00, s4  }
0x5f: {  	[tilespmem:s23], [sflag:$0x4] =	stream.strided.gather [hbm4b:s4+s15], $0x1000, s16, s15, $0x38;
	[tilespmem:$0x11400] =	vst v63  }
0x60: {  	s29 =	sadd.s32 $0x3D0A00, s7;
	s7 =	simm.s32 $0x11200;
	s4 =	simm.s32 $0x508  }
0x61: {  	[tilespmem:s24], [sflag:$0x4] =	stream.strided.gather [hbm4b:s29+s15], $0x1000, s16, s15, $0x38;
	[tilespmem:$0x11400] =	vst v63  }
.LBB2_2:
0x62: {  	_ =	swait.ge [sflag:s12], $0x1000  }
0x63: {  	[sflag:s12] =	ssyncset.done $0x0  }
0x64: {  	[sflag:s12] =	ssyncadd.s32 $0xFFFFF000  }
0x65: {  	_ =	swait.ge [sflag:s12], $0x1000  }
0x66: {  	[sflag:s12] =	ssyncset.done $0x0  }
0x67: {  	[sflag:s12] =	ssyncadd.s32 $0xFFFFF000  }
0x68: {  	_ =	swait.ge [sflag:s12], $0x1000  }
0x69: {  	[sflag:s12] =	ssyncset.done $0x0  }
0x6a: {  	[sflag:s12] =	ssyncadd.s32 $0xFFFFF000  }
0x6b: {  	_ =	swait.ge [sflag:s12], $0x1000  }
0x6c: {  	[sflag:s12] =	ssyncset.done $0x0  }
0x6d: {  	[sflag:s12] =	ssyncadd.s32 $0xFFFFF000  }
0x6e: {  	v19 =	vld.msk [tilespmem:s9+$0xFFFFFFF8 ss:$0x0], $0xffff  }
0x6f: {  	v20 =	vld.msk [tilespmem:s8+$0xFFFFFFF8 ss:$0x0], $0xffff;
	_ =	sdelay $0x3  }
0x70: {  	v21 =	vadd.s32 v0, v19  }
0x71: {  	v22 =	vadd.s32 v0, v20  }
0x72: {  	v23 =	vadd.s32 v1, v19  }
0x73: {  	v24 =	vadd.s32 v1, v20  }
0x74: {  	v25 =	vadd.s32 v2, v19  }
0x75: {  	v26 =	vadd.s32 v2, v20;
	v21 =	vld.idx.msk [tilespmem:v21+s17+$0x0], $0xffff  }
0x76: {  	v19 =	vadd.s32 v3, v19;
	v22 =	vld.idx.msk [tilespmem:v22+s18+$0x0], $0xffff  }
0x77: {  	v20 =	vadd.s32 v3, v20;
	v23 =	vld.idx.msk [tilespmem:v23+s17+$0x0], $0xffff  }
0x78: {  	v24 =	vld.idx.msk [tilespmem:v24+s18+$0x0], $0xffff  }
0x79: {  	v25 =	vld.idx.msk [tilespmem:v25+s17+$0x0], $0xffff  }
0x7a: {  	v26 =	vld.idx.msk [tilespmem:v26+s18+$0x0], $0xffff  }
0x7b: {  	v19 =	vld.idx.msk [tilespmem:v19+s17+$0x0], $0xffff  }
0x7c: {  	v20 =	vld.idx.msk [tilespmem:v20+s18+$0x0], $0xffff  }
0x7d: {  	v21 =	vmul.f32 v22, v21;
	v40 =	vmul.f32 v24, v23;
	_ =	sdelay $0x1  }
0x7e: {  	v41 =	vmul.f32 v26, v25;
	v21 =	vadd.f32 v40, v21;
	_ =	sdelay $0x1  }
0x7f: {  	v19 =	vmul.f32 v20, v19;
	v21 =	vadd.f32 v41, v21;
	_ =	sdelay $0x1  }
0x80: {  	v19 =	vadd.f32 v19, v21;
	_ =	sdelay $0x1  }
0x81: {  	[tilespmem:$0x10A00] =	vst v19  }
0x82: {  	v19 =	vld [tilespmem:s10+$0xFFFFFFFC]  }
0x83: {  	v20 =	vld [tilespmem:s4+$0xFFFFFFFC];
	_ =	sdelay $0x3  }
0x84: {  	(v2sf) =	vpush v19, $0x0  }
0x85: {  	(v2sf) =	vpush v20, $0x0;
	_ =	sdelay $0xd  }
0x86: {  	s19 =	spop (v2sf)  }
0x87: {  	s19 =	sand.u32 $0xFFFFF80, s19;
	s20 =	spop (v2sf)  }
0x88: {  	s19 =	sadd.s32 s1, s19;
	s20 =	sand.u32 $0xFFFFF80, s20  }
0x89: {  	[tilespmem:s17], [sflag:$0x1] =	stream.strided.gather [hbm4b:s19+s15], $0x1000, s16, s15, $0x38;
	[tilespmem:$0x11400] =	vst v63  }
0x8a: {  	s20 =	sadd.s32 s2, s20  }
0x8b: {  	[tilespmem:s18], [sflag:$0x1] =	stream.strided.gather [hbm4b:s20+s15], $0x1000, s16, s15, $0x38;
	[tilespmem:$0x11400] =	vst v63  }
0x8c: {  	s0 =	simm.s32 $0x1A00;
	s19 =	sadd.s32 $0x3D0A00, s19  }
0x8d: {  	[tilespmem:s0], [sflag:$0x1] =	stream.strided.gather [hbm4b:s19+s15], $0x1000, s16, s15, $0x38;
	[tilespmem:$0x11400] =	vst v63  }
0x8e: {  	s23 =	simm.s32 $0x9A00;
	s20 =	sadd.s32 $0x3D0A00, s20  }
0x8f: {  	[tilespmem:s23], [sflag:$0x1] =	stream.strided.gather [hbm4b:s20+s15], $0x1000, s16, s15, $0x38;
	[tilespmem:$0x11400] =	vst v63  }
0x90: {  	_ =	swait.ge [sflag:s13], $0x1000  }
0x91: {  	[sflag:s13] =	ssyncset.done $0x0  }
0x92: {  	[sflag:s13] =	ssyncadd.s32 $0xFFFFF000  }
0x93: {  	_ =	swait.ge [sflag:s13], $0x1000  }
0x94: {  	[sflag:s13] =	ssyncset.done $0x0  }
0x95: {  	[sflag:s13] =	ssyncadd.s32 $0xFFFFF000  }
0x96: {  	_ =	swait.ge [sflag:s13], $0x1000  }
0x97: {  	[sflag:s13] =	ssyncset.done $0x0  }
0x98: {  	[sflag:s13] =	ssyncadd.s32 $0xFFFFF000  }
0x99: {  	_ =	swait.ge [sflag:s13], $0x1000  }
0x9a: {  	[sflag:s13] =	ssyncset.done $0x0  }
0x9b: {  	[sflag:s13] =	ssyncadd.s32 $0xFFFFF000  }
0x9c: {  	v19 =	vld.msk [tilespmem:s9+$0xFFFFFFF9 ss:$0x0], $0xffff  }
0x9d: {  	v20 =	vld.msk [tilespmem:s8+$0xFFFFFFF9 ss:$0x0], $0xffff;
	_ =	sdelay $0x3  }
0x9e: {  	v42 =	vadd.s32 v0, v19  }
0x9f: {  	v43 =	vadd.s32 v0, v20  }
0xa0: {  	v44 =	vadd.s32 v1, v19  }
0xa1: {  	v45 =	vadd.s32 v1, v20  }
0xa2: {  	v46 =	vadd.s32 v2, v19  }
0xa3: {  	v47 =	vadd.s32 v2, v20;
	v21 =	vld.idx.msk [tilespmem:v42+s21+$0x0], $0xffff  }
0xa4: {  	v19 =	vadd.s32 v3, v19;
	v22 =	vld.idx.msk [tilespmem:v43+s22+$0x0], $0xffff  }
0xa5: {  	v20 =	vadd.s32 v3, v20;
	v23 =	vld.idx.msk [tilespmem:v44+s21+$0x0], $0xffff  }
0xa6: {  	v24 =	vld.idx.msk [tilespmem:v45+s22+$0x0], $0xffff  }
0xa7: {  	v25 =	vld.idx.msk [tilespmem:v46+s21+$0x0], $0xffff  }
0xa8: {  	v26 =	vld.idx.msk [tilespmem:v47+s22+$0x0], $0xffff  }
0xa9: {  	v19 =	vld.idx.msk [tilespmem:v19+s21+$0x0], $0xffff  }
0xaa: {  	v20 =	vld.idx.msk [tilespmem:v20+s22+$0x0], $0xffff  }
0xab: {  	v21 =	vmul.f32 v22, v21;
	v48 =	vmul.f32 v24, v23;
	_ =	sdelay $0x1  }
0xac: {  	v49 =	vmul.f32 v26, v25;
	v21 =	vadd.f32 v48, v21;
	_ =	sdelay $0x1  }
0xad: {  	v19 =	vmul.f32 v20, v19;
	v21 =	vadd.f32 v49, v21;
	_ =	sdelay $0x1  }
0xae: {  	v19 =	vadd.f32 v19, v21;
	_ =	sdelay $0x1  }
0xaf: {  	[tilespmem:$0x10A80] =	vst v19  }
0xb0: {  	v19 =	vld [tilespmem:s10+$0xFFFFFFFD]  }
0xb1: {  	v20 =	vld [tilespmem:s4+$0xFFFFFFFD];
	_ =	sdelay $0x3  }
0xb2: {  	(v2sf) =	vpush v19, $0x0  }
0xb3: {  	(v2sf) =	vpush v20, $0x0;
	_ =	sdelay $0xd  }
0xb4: {  	s24 =	spop (v2sf)  }
0xb5: {  	s19 =	sand.u32 $0xFFFFF80, s24;
	s28 =	spop (v2sf)  }
0xb6: {  	s19 =	sadd.s32 s1, s19;
	s20 =	sand.u32 $0xFFFFF80, s28  }
0xb7: {  	[tilespmem:s21], [sflag:$0x2] =	stream.strided.gather [hbm4b:s19+s15], $0x1000, s16, s15, $0x38;
	[tilespmem:$0x11400] =	vst v63  }
0xb8: {  	s20 =	sadd.s32 s2, s20  }
0xb9: {  	[tilespmem:s22], [sflag:$0x2] =	stream.strided.gather [hbm4b:s20+s15], $0x1000, s16, s15, $0x38;
	[tilespmem:$0x11400] =	vst v63  }
0xba: {  	s29 =	simm.s32 $0x3A00;
	s19 =	sadd.s32 $0x3D0A00, s19  }
0xbb: {  	[tilespmem:s29], [sflag:$0x2] =	stream.strided.gather [hbm4b:s19+s15], $0x1000, s16, s15, $0x38;
	[tilespmem:$0x11400] =	vst v63  }
0xbc: {  	s0 =	sadd.s32 $0x3D0A00, s20;
	s20 =	simm.s32 $0xBA00  }
0xbd: {  	[tilespmem:s20], [sflag:$0x2] =	stream.strided.gather [hbm4b:s0+s15], $0x1000, s16, s15, $0x38;
	[tilespmem:$0x11400] =	vst v63  }
0xbe: {  	_ =	swait.ge [sflag:s14], $0x1000  }
0xbf: {  	[sflag:s14] =	ssyncset.done $0x0  }
0xc0: {  	[sflag:s14] =	ssyncadd.s32 $0xFFFFF000  }
0xc1: {  	_ =	swait.ge [sflag:s14], $0x1000  }
0xc2: {  	[sflag:s14] =	ssyncset.done $0x0  }
0xc3: {  	[sflag:s14] =	ssyncadd.s32 $0xFFFFF000  }
0xc4: {  	_ =	swait.ge [sflag:s14], $0x1000  }
0xc5: {  	[sflag:s14] =	ssyncset.done $0x0  }
0xc6: {  	[sflag:s14] =	ssyncadd.s32 $0xFFFFF000  }
0xc7: {  	_ =	swait.ge [sflag:s14], $0x1000  }
0xc8: {  	[sflag:s14] =	ssyncset.done $0x0  }
0xc9: {  	[sflag:s14] =	ssyncadd.s32 $0xFFFFF000  }
0xca: {  	v19 =	vld.msk [tilespmem:s9+$0xFFFFFFFA ss:$0x0], $0xffff  }
0xcb: {  	v20 =	vld.msk [tilespmem:s8+$0xFFFFFFFA ss:$0x0], $0xffff;
	_ =	sdelay $0x3  }
0xcc: {  	v50 =	vadd.s32 v0, v19  }
0xcd: {  	v51 =	vadd.s32 v0, v20  }
0xce: {  	v52 =	vadd.s32 v1, v19  }
0xcf: {  	v53 =	vadd.s32 v1, v20  }
0xd0: {  	v54 =	vadd.s32 v2, v19  }
0xd1: {  	v55 =	vadd.s32 v2, v20;
	v21 =	vld.idx.msk [tilespmem:v50+s25+$0x0], $0xffff  }
0xd2: {  	v19 =	vadd.s32 v3, v19;
	v22 =	vld.idx.msk [tilespmem:v51+s26+$0x0], $0xffff  }
0xd3: {  	v20 =	vadd.s32 v3, v20;
	v23 =	vld.idx.msk [tilespmem:v52+s25+$0x0], $0xffff  }
0xd4: {  	v24 =	vld.idx.msk [tilespmem:v53+s26+$0x0], $0xffff  }
0xd5: {  	v25 =	vld.idx.msk [tilespmem:v54+s25+$0x0], $0xffff  }
0xd6: {  	v26 =	vld.idx.msk [tilespmem:v55+s26+$0x0], $0xffff  }
0xd7: {  	v19 =	vld.idx.msk [tilespmem:v19+s25+$0x0], $0xffff  }
0xd8: {  	v20 =	vld.idx.msk [tilespmem:v20+s26+$0x0], $0xffff  }
0xd9: {  	v21 =	vmul.f32 v22, v21;
	v56 =	vmul.f32 v24, v23;
	_ =	sdelay $0x1  }
0xda: {  	v57 =	vmul.f32 v26, v25;
	v21 =	vadd.f32 v56, v21;
	_ =	sdelay $0x1  }
0xdb: {  	v19 =	vmul.f32 v20, v19;
	v21 =	vadd.f32 v57, v21;
	_ =	sdelay $0x1  }
0xdc: {  	v19 =	vadd.f32 v19, v21;
	_ =	sdelay $0x1  }
0xdd: {  	[tilespmem:$0x10B00] =	vst v19  }
0xde: {  	v19 =	vld [tilespmem:s10+$0xFFFFFFFE]  }
0xdf: {  	v20 =	vld [tilespmem:s4+$0xFFFFFFFE];
	_ =	sdelay $0x3  }
0xe0: {  	(v2sf) =	vpush v19, $0x0  }
0xe1: {  	(v2sf) =	vpush v20, $0x0;
	_ =	sdelay $0xd  }
0xe2: {  	s24 =	spop (v2sf)  }
0xe3: {  	s19 =	sand.u32 $0xFFFFF80, s24;
	s28 =	spop (v2sf)  }
0xe4: {  	s19 =	sadd.s32 s1, s19;
	s20 =	sand.u32 $0xFFFFF80, s28  }
0xe5: {  	[tilespmem:s25], [sflag:$0x3] =	stream.strided.gather [hbm4b:s19+s15], $0x1000, s16, s15, $0x38;
	[tilespmem:$0x11400] =	vst v63  }
0xe6: {  	s20 =	sadd.s32 s2, s20  }
0xe7: {  	[tilespmem:s26], [sflag:$0x3] =	stream.strided.gather [hbm4b:s20+s15], $0x1000, s16, s15, $0x38;
	[tilespmem:$0x11400] =	vst v63  }
0xe8: {  	s29 =	simm.s32 $0x5A00;
	s19 =	sadd.s32 $0x3D0A00, s19  }
0xe9: {  	[tilespmem:s29], [sflag:$0x3] =	stream.strided.gather [hbm4b:s19+s15], $0x1000, s16, s15, $0x38;
	[tilespmem:$0x11400] =	vst v63  }
0xea: {  	s24 =	simm.s32 $0xDA00;
	s20 =	sadd.s32 $0x3D0A00, s20  }
0xeb: {  	[tilespmem:s24], [sflag:$0x3] =	stream.strided.gather [hbm4b:s20+s15], $0x1000, s16, s15, $0x38;
	[tilespmem:$0x11400] =	vst v63  }
0xec: {  	_ =	swait.ge [sflag:s5], $0x1000  }
0xed: {  	[sflag:s5] =	ssyncset.done $0x0  }
0xee: {  	[sflag:s5] =	ssyncadd.s32 $0xFFFFF000  }
0xef: {  	_ =	swait.ge [sflag:s5], $0x1000  }
0xf0: {  	[sflag:s5] =	ssyncset.done $0x0  }
0xf1: {  	[sflag:s5] =	ssyncadd.s32 $0xFFFFF000  }
0xf2: {  	_ =	swait.ge [sflag:s5], $0x1000  }
0xf3: {  	[sflag:s5] =	ssyncset.done $0x0  }
0xf4: {  	[sflag:s5] =	ssyncadd.s32 $0xFFFFF000  }
0xf5: {  	_ =	swait.ge [sflag:s5], $0x1000  }
0xf6: {  	[sflag:s5] =	ssyncset.done $0x0  }
0xf7: {  	[sflag:s5] =	ssyncadd.s32 $0xFFFFF000  }
0xf8: {  	v19 =	vld.msk [tilespmem:s9+$0xFFFFFFFB ss:$0x0], $0xffff  }
0xf9: {  	v20 =	vld.msk [tilespmem:s8+$0xFFFFFFFB ss:$0x0], $0xffff;
	_ =	sdelay $0x3  }
0xfa: {  	v58 =	vadd.s32 v0, v19  }
0xfb: {  	v59 =	vadd.s32 v0, v20  }
0xfc: {  	v60 =	vadd.s32 v1, v19  }
0xfd: {  	v61 =	vadd.s32 v1, v20  }
0xfe: {  	v62 =	vadd.s32 v2, v19  }
0xff: {  	v63 =	vadd.s32 v2, v20;
	v21 =	vld.idx.msk [tilespmem:v58+s30+$0x0], $0xffff  }
0x100: {  	v19 =	vadd.s32 v3, v19;
	v22 =	vld.idx.msk [tilespmem:v59+s31+$0x0], $0xffff  }
0x101: {  	v20 =	vadd.s32 v3, v20;
	v23 =	vld.idx.msk [tilespmem:v60+s30+$0x0], $0xffff  }
0x102: {  	v24 =	vld.idx.msk [tilespmem:v61+s31+$0x0], $0xffff  }
0x103: {  	v25 =	vld.idx.msk [tilespmem:v62+s30+$0x0], $0xffff  }
0x104: {  	v26 =	vld.idx.msk [tilespmem:v63+s31+$0x0], $0xffff  }
0x105: {  	v19 =	vld.idx.msk [tilespmem:v19+s30+$0x0], $0xffff  }
0x106: {  	v20 =	vld.idx.msk [tilespmem:v20+s31+$0x0], $0xffff  }
0x107: {  	v21 =	vmul.f32 v22, v21;
	v28 =	vmul.f32 v24, v23;
	_ =	sdelay $0x1  }
0x108: {  	v29 =	vmul.f32 v26, v25;
	v21 =	vadd.f32 v28, v21;
	_ =	sdelay $0x1  }
0x109: {  	v19 =	vmul.f32 v20, v19;
	v21 =	vadd.f32 v29, v21;
	_ =	sdelay $0x1  }
0x10a: {  	v19 =	vadd.f32 v19, v21;
	_ =	sdelay $0x1  }
0x10b: {  	[tilespmem:$0x10B80] =	vst v19  }
0x10c: {  	v19 =	vld [tilespmem:s10+$0xFFFFFFFF]  }
0x10d: {  	v20 =	vld [tilespmem:s4+$0xFFFFFFFF];
	_ =	sdelay $0x3  }
0x10e: {  	(v2sf) =	vpush v19, $0x0  }
0x10f: {  	(v2sf) =	vpush v20, $0x0;
	_ =	sdelay $0xd  }
0x110: {  	s28 =	spop (v2sf)  }
0x111: {  	s19 =	sand.u32 $0xFFFFF80, s28;
	s29 =	spop (v2sf)  }
0x112: {  	s19 =	sadd.s32 s1, s19;
	s20 =	sand.u32 $0xFFFFF80, s29  }
0x113: {  	[tilespmem:s30], [sflag:$0x4] =	stream.strided.gather [hbm4b:s19+s15], $0x1000, s16, s15, $0x38;
	[tilespmem:$0x11400] =	vst v63  }
0x114: {  	s20 =	sadd.s32 s2, s20  }
0x115: {  	[tilespmem:s31], [sflag:$0x4] =	stream.strided.gather [hbm4b:s20+s15], $0x1000, s16, s15, $0x38;
	[tilespmem:$0x11400] =	vst v63  }
0x116: {  	s24 =	simm.s32 $0x7A00;
	s19 =	sadd.s32 $0x3D0A00, s19  }
0x117: {  	[tilespmem:s24], [sflag:$0x4] =	stream.strided.gather [hbm4b:s19+s15], $0x1000, s16, s15, $0x38;
	[tilespmem:$0x11400] =	vst v63  }
0x118: {  	s0 =	sadd.s32 $0x3D0A00, s20;
	s20 =	simm.s32 $0xFA00  }
0x119: {  	[tilespmem:s20], [sflag:$0x4] =	stream.strided.gather [hbm4b:s0+s15], $0x1000, s16, s15, $0x38;
	[tilespmem:$0x11400] =	vst v63  }
0x11a: {  	_ =	swait.ge [sflag:s12], $0x1000  }
0x11b: {  	[sflag:s12] =	ssyncset.done $0x0  }
0x11c: {  	[sflag:s12] =	ssyncadd.s32 $0xFFFFF000  }
0x11d: {  	_ =	swait.ge [sflag:s12], $0x1000  }
0x11e: {  	[sflag:s12] =	ssyncset.done $0x0  }
0x11f: {  	[sflag:s12] =	ssyncadd.s32 $0xFFFFF000  }
0x120: {  	_ =	swait.ge [sflag:s12], $0x1000  }
0x121: {  	[sflag:s12] =	ssyncset.done $0x0  }
0x122: {  	[sflag:s12] =	ssyncadd.s32 $0xFFFFF000  }
0x123: {  	_ =	swait.ge [sflag:s12], $0x1000  }
0x124: {  	[sflag:s12] =	ssyncset.done $0x0  }
0x125: {  	[sflag:s12] =	ssyncadd.s32 $0xFFFFF000  }
0x126: {  	v19 =	vld.msk [tilespmem:s9+$0xFFFFFFFC ss:$0x0], $0xffff  }
0x127: {  	v20 =	vld.msk [tilespmem:s8+$0xFFFFFFFC ss:$0x0], $0xffff;
	_ =	sdelay $0x3  }
0x128: {  	v30 =	vadd.s32 v0, v19  }
0x129: {  	v31 =	vadd.s32 v0, v20  }
0x12a: {  	v32 =	vadd.s32 v1, v19  }
0x12b: {  	v33 =	vadd.s32 v1, v20  }
0x12c: {  	v34 =	vadd.s32 v2, v19  }
0x12d: {  	v35 =	vadd.s32 v2, v20;
	v21 =	vld.idx.msk [tilespmem:v30+s17+$0x0], $0xffff  }
0x12e: {  	v19 =	vadd.s32 v3, v19;
	v22 =	vld.idx.msk [tilespmem:v31+s18+$0x0], $0xffff  }
0x12f: {  	v20 =	vadd.s32 v3, v20;
	v23 =	vld.idx.msk [tilespmem:v32+s17+$0x0], $0xffff  }
0x130: {  	v24 =	vld.idx.msk [tilespmem:v33+s18+$0x0], $0xffff  }
0x131: {  	v25 =	vld.idx.msk [tilespmem:v34+s17+$0x0], $0xffff  }
0x132: {  	v26 =	vld.idx.msk [tilespmem:v35+s18+$0x0], $0xffff  }
0x133: {  	v19 =	vld.idx.msk [tilespmem:v19+s17+$0x0], $0xffff  }
0x134: {  	v20 =	vld.idx.msk [tilespmem:v20+s18+$0x0], $0xffff  }
0x135: {  	v21 =	vmul.f32 v22, v21;
	v36 =	vmul.f32 v24, v23;
	_ =	sdelay $0x1  }
0x136: {  	v37 =	vmul.f32 v26, v25;
	v21 =	vadd.f32 v36, v21;
	_ =	sdelay $0x1  }
0x137: {  	v19 =	vmul.f32 v20, v19;
	v21 =	vadd.f32 v37, v21;
	_ =	sdelay $0x1  }
0x138: {  	v19 =	vadd.f32 v19, v21;
	_ =	sdelay $0x1  }
0x139: {  	[tilespmem:$0x10C00] =	vst v19  }
0x13a: {  	v19 =	vld [tilespmem:s10+$0x0]  }
0x13b: {  	v20 =	vld [tilespmem:s4+$0x0];
	_ =	sdelay $0x3  }
0x13c: {  	(v2sf) =	vpush v19, $0x0  }
0x13d: {  	(v2sf) =	vpush v20, $0x0;
	_ =	sdelay $0xd  }
0x13e: {  	s24 =	spop (v2sf)  }
0x13f: {  	s19 =	sand.u32 $0xFFFFF80, s24;
	s0 =	spop (v2sf)  }
0x140: {  	s19 =	sadd.s32 s1, s19;
	s20 =	sand.u32 $0xFFFFF80, s0  }
0x141: {  	[tilespmem:s17], [sflag:$0x1] =	stream.strided.gather [hbm4b:s19+s15], $0x1000, s16, s15, $0x38;
	[tilespmem:$0x11400] =	vst v63  }
0x142: {  	s20 =	sadd.s32 s2, s20  }
0x143: {  	[tilespmem:s18], [sflag:$0x1] =	stream.strided.gather [hbm4b:s20+s15], $0x1000, s16, s15, $0x38;
	[tilespmem:$0x11400] =	vst v63  }
0x144: {  	s3 =	simm.s32 $0x1A00;
	s19 =	sadd.s32 $0x3D0A00, s19  }
0x145: {  	[tilespmem:s3], [sflag:$0x1] =	stream.strided.gather [hbm4b:s19+s15], $0x1000, s16, s15, $0x38;
	[tilespmem:$0x11400] =	vst v63  }
0x146: {  	s23 =	simm.s32 $0x9A00;
	s24 =	sadd.s32 $0x3D0A00, s20  }
0x147: {  	[tilespmem:s23], [sflag:$0x1] =	stream.strided.gather [hbm4b:s24+s15], $0x1000, s16, s15, $0x38;
	[tilespmem:$0x11400] =	vst v63  }
0x148: {  	_ =	swait.ge [sflag:s13], $0x1000  }
0x149: {  	[sflag:s13] =	ssyncset.done $0x0  }
0x14a: {  	[sflag:s13] =	ssyncadd.s32 $0xFFFFF000  }
0x14b: {  	_ =	swait.ge [sflag:s13], $0x1000  }
0x14c: {  	[sflag:s13] =	ssyncset.done $0x0  }
0x14d: {  	[sflag:s13] =	ssyncadd.s32 $0xFFFFF000  }
0x14e: {  	_ =	swait.ge [sflag:s13], $0x1000  }
0x14f: {  	[sflag:s13] =	ssyncset.done $0x0  }
0x150: {  	[sflag:s13] =	ssyncadd.s32 $0xFFFFF000  }
0x151: {  	_ =	swait.ge [sflag:s13], $0x1000  }
0x152: {  	[sflag:s13] =	ssyncset.done $0x0  }
0x153: {  	[sflag:s13] =	ssyncadd.s32 $0xFFFFF000  }
0x154: {  	v19 =	vld.msk [tilespmem:s9+$0xFFFFFFFD ss:$0x0], $0xffff  }
0x155: {  	v20 =	vld.msk [tilespmem:s8+$0xFFFFFFFD ss:$0x0], $0xffff;
	_ =	sdelay $0x3  }
0x156: {  	v38 =	vadd.s32 v0, v19  }
0x157: {  	v39 =	vadd.s32 v0, v20  }
0x158: {  	v40 =	vadd.s32 v1, v19  }
0x159: {  	v41 =	vadd.s32 v1, v20  }
0x15a: {  	v42 =	vadd.s32 v2, v19  }
0x15b: {  	v43 =	vadd.s32 v2, v20;
	v21 =	vld.idx.msk [tilespmem:v38+s21+$0x0], $0xffff  }
0x15c: {  	v19 =	vadd.s32 v3, v19;
	v22 =	vld.idx.msk [tilespmem:v39+s22+$0x0], $0xffff  }
0x15d: {  	v20 =	vadd.s32 v3, v20;
	v23 =	vld.idx.msk [tilespmem:v40+s21+$0x0], $0xffff  }
0x15e: {  	v24 =	vld.idx.msk [tilespmem:v41+s22+$0x0], $0xffff  }
0x15f: {  	v25 =	vld.idx.msk [tilespmem:v42+s21+$0x0], $0xffff  }
0x160: {  	v26 =	vld.idx.msk [tilespmem:v43+s22+$0x0], $0xffff  }
0x161: {  	v19 =	vld.idx.msk [tilespmem:v19+s21+$0x0], $0xffff  }
0x162: {  	v20 =	vld.idx.msk [tilespmem:v20+s22+$0x0], $0xffff  }
0x163: {  	v21 =	vmul.f32 v22, v21;
	v44 =	vmul.f32 v24, v23;
	_ =	sdelay $0x1  }
0x164: {  	v45 =	vmul.f32 v26, v25;
	v21 =	vadd.f32 v44, v21;
	_ =	sdelay $0x1  }
0x165: {  	v19 =	vmul.f32 v20, v19;
	v21 =	vadd.f32 v45, v21;
	_ =	sdelay $0x1  }
0x166: {  	v19 =	vadd.f32 v19, v21;
	_ =	sdelay $0x1  }
0x167: {  	[tilespmem:$0x10C80] =	vst v19  }
0x168: {  	v19 =	vld [tilespmem:s10+$0x1]  }
0x169: {  	v20 =	vld [tilespmem:s4+$0x1];
	_ =	sdelay $0x3  }
0x16a: {  	(v2sf) =	vpush v19, $0x0  }
0x16b: {  	(v2sf) =	vpush v20, $0x0;
	_ =	sdelay $0xd  }
0x16c: {  	s0 =	spop (v2sf)  }
0x16d: {  	s19 =	sand.u32 $0xFFFFF80, s0;
	s3 =	spop (v2sf)  }
0x16e: {  	s19 =	sadd.s32 s1, s19;
	s20 =	sand.u32 $0xFFFFF80, s3  }
0x16f: {  	[tilespmem:s21], [sflag:$0x2] =	stream.strided.gather [hbm4b:s19+s15], $0x1000, s16, s15, $0x38;
	[tilespmem:$0x11400] =	vst v63  }
0x170: {  	s20 =	sadd.s32 s2, s20  }
0x171: {  	[tilespmem:s22], [sflag:$0x2] =	stream.strided.gather [hbm4b:s20+s15], $0x1000, s16, s15, $0x38;
	[tilespmem:$0x11400] =	vst v63  }
0x172: {  	s24 =	simm.s32 $0x3A00;
	s19 =	sadd.s32 $0x3D0A00, s19  }
0x173: {  	[tilespmem:s24], [sflag:$0x2] =	stream.strided.gather [hbm4b:s19+s15], $0x1000, s16, s15, $0x38;
	[tilespmem:$0x11400] =	vst v63  }
0x174: {  	s23 =	simm.s32 $0xBA00;
	s20 =	sadd.s32 $0x3D0A00, s20  }
0x175: {  	[tilespmem:s23], [sflag:$0x2] =	stream.strided.gather [hbm4b:s20+s15], $0x1000, s16, s15, $0x38;
	[tilespmem:$0x11400] =	vst v63  }
0x176: {  	_ =	swait.ge [sflag:s14], $0x1000  }
0x177: {  	[sflag:s14] =	ssyncset.done $0x0  }
0x178: {  	[sflag:s14] =	ssyncadd.s32 $0xFFFFF000  }
0x179: {  	_ =	swait.ge [sflag:s14], $0x1000  }
0x17a: {  	[sflag:s14] =	ssyncset.done $0x0  }
0x17b: {  	[sflag:s14] =	ssyncadd.s32 $0xFFFFF000  }
0x17c: {  	_ =	swait.ge [sflag:s14], $0x1000  }
0x17d: {  	[sflag:s14] =	ssyncset.done $0x0  }
0x17e: {  	[sflag:s14] =	ssyncadd.s32 $0xFFFFF000  }
0x17f: {  	_ =	swait.ge [sflag:s14], $0x1000  }
0x180: {  	[sflag:s14] =	ssyncset.done $0x0  }
0x181: {  	[sflag:s14] =	ssyncadd.s32 $0xFFFFF000  }
0x182: {  	v19 =	vld.msk [tilespmem:s9+$0xFFFFFFFE ss:$0x0], $0xffff  }
0x183: {  	v20 =	vld.msk [tilespmem:s8+$0xFFFFFFFE ss:$0x0], $0xffff;
	_ =	sdelay $0x3  }
0x184: {  	v46 =	vadd.s32 v0, v19  }
0x185: {  	v47 =	vadd.s32 v0, v20  }
0x186: {  	v48 =	vadd.s32 v1, v19  }
0x187: {  	v49 =	vadd.s32 v1, v20  }
0x188: {  	v50 =	vadd.s32 v2, v19  }
0x189: {  	v51 =	vadd.s32 v2, v20;
	v21 =	vld.idx.msk [tilespmem:v46+s25+$0x0], $0xffff  }
0x18a: {  	v19 =	vadd.s32 v3, v19;
	v22 =	vld.idx.msk [tilespmem:v47+s26+$0x0], $0xffff  }
0x18b: {  	v20 =	vadd.s32 v3, v20;
	v23 =	vld.idx.msk [tilespmem:v48+s25+$0x0], $0xffff  }
0x18c: {  	v24 =	vld.idx.msk [tilespmem:v49+s26+$0x0], $0xffff  }
0x18d: {  	v25 =	vld.idx.msk [tilespmem:v50+s25+$0x0], $0xffff  }
0x18e: {  	v26 =	vld.idx.msk [tilespmem:v51+s26+$0x0], $0xffff  }
0x18f: {  	v19 =	vld.idx.msk [tilespmem:v19+s25+$0x0], $0xffff  }
0x190: {  	v20 =	vld.idx.msk [tilespmem:v20+s26+$0x0], $0xffff  }
0x191: {  	v21 =	vmul.f32 v22, v21;
	v52 =	vmul.f32 v24, v23;
	_ =	sdelay $0x1  }
0x192: {  	v53 =	vmul.f32 v26, v25;
	v21 =	vadd.f32 v52, v21;
	_ =	sdelay $0x1  }
0x193: {  	v19 =	vmul.f32 v20, v19;
	v21 =	vadd.f32 v53, v21;
	_ =	sdelay $0x1  }
0x194: {  	v19 =	vadd.f32 v19, v21;
	_ =	sdelay $0x1  }
0x195: {  	[tilespmem:$0x10D00] =	vst v19  }
0x196: {  	v19 =	vld [tilespmem:s10+$0x2]  }
0x197: {  	v20 =	vld [tilespmem:s4+$0x2];
	_ =	sdelay $0x3  }
0x198: {  	(v2sf) =	vpush v19, $0x0  }
0x199: {  	(v2sf) =	vpush v20, $0x0;
	_ =	sdelay $0xd  }
0x19a: {  	s0 =	spop (v2sf)  }
0x19b: {  	s19 =	sand.u32 $0xFFFFF80, s0;
	s3 =	spop (v2sf)  }
0x19c: {  	s19 =	sadd.s32 s1, s19;
	s20 =	sand.u32 $0xFFFFF80, s3  }
0x19d: {  	[tilespmem:s25], [sflag:$0x3] =	stream.strided.gather [hbm4b:s19+s15], $0x1000, s16, s15, $0x38;
	[tilespmem:$0x11400] =	vst v63  }
0x19e: {  	s20 =	sadd.s32 s2, s20  }
0x19f: {  	[tilespmem:s26], [sflag:$0x3] =	stream.strided.gather [hbm4b:s20+s15], $0x1000, s16, s15, $0x38;
	[tilespmem:$0x11400] =	vst v63  }
0x1a0: {  	s3 =	simm.s32 $0x5A00;
	s19 =	sadd.s32 $0x3D0A00, s19  }
0x1a1: {  	[tilespmem:s3], [sflag:$0x3] =	stream.strided.gather [hbm4b:s19+s15], $0x1000, s16, s15, $0x38;
	[tilespmem:$0x11400] =	vst v63  }
0x1a2: {  	s0 =	simm.s32 $0xDA00;
	s20 =	sadd.s32 $0x3D0A00, s20  }
0x1a3: {  	[tilespmem:s0], [sflag:$0x3] =	stream.strided.gather [hbm4b:s20+s15], $0x1000, s16, s15, $0x38;
	[tilespmem:$0x11400] =	vst v63  }
0x1a4: {  	_ =	swait.ge [sflag:s5], $0x1000  }
0x1a5: {  	[sflag:s5] =	ssyncset.done $0x0  }
0x1a6: {  	[sflag:s5] =	ssyncadd.s32 $0xFFFFF000  }
0x1a7: {  	_ =	swait.ge [sflag:s5], $0x1000  }
0x1a8: {  	[sflag:s5] =	ssyncset.done $0x0  }
0x1a9: {  	[sflag:s5] =	ssyncadd.s32 $0xFFFFF000  }
0x1aa: {  	_ =	swait.ge [sflag:s5], $0x1000  }
0x1ab: {  	[sflag:s5] =	ssyncset.done $0x0  }
0x1ac: {  	[sflag:s5] =	ssyncadd.s32 $0xFFFFF000  }
0x1ad: {  	_ =	swait.ge [sflag:s5], $0x1000  }
0x1ae: {  	[sflag:s5] =	ssyncset.done $0x0  }
0x1af: {  	[sflag:s5] =	ssyncadd.s32 $0xFFFFF000  }
0x1b0: {  	v19 =	vld.msk [tilespmem:s9+$0xFFFFFFFF ss:$0x0], $0xffff  }
0x1b1: {  	v20 =	vld.msk [tilespmem:s8+$0xFFFFFFFF ss:$0x0], $0xffff;
	_ =	sdelay $0x3  }
0x1b2: {  	v54 =	vadd.s32 v0, v19  }
0x1b3: {  	v55 =	vadd.s32 v0, v20  }
0x1b4: {  	v56 =	vadd.s32 v1, v19  }
0x1b5: {  	v57 =	vadd.s32 v1, v20  }
0x1b6: {  	v58 =	vadd.s32 v2, v19  }
0x1b7: {  	v59 =	vadd.s32 v2, v20;
	v21 =	vld.idx.msk [tilespmem:v54+s30+$0x0], $0xffff  }
0x1b8: {  	v19 =	vadd.s32 v3, v19;
	v22 =	vld.idx.msk [tilespmem:v55+s31+$0x0], $0xffff  }
0x1b9: {  	v20 =	vadd.s32 v3, v20;
	v23 =	vld.idx.msk [tilespmem:v56+s30+$0x0], $0xffff  }
0x1ba: {  	v24 =	vld.idx.msk [tilespmem:v57+s31+$0x0], $0xffff  }
0x1bb: {  	v25 =	vld.idx.msk [tilespmem:v58+s30+$0x0], $0xffff  }
0x1bc: {  	v26 =	vld.idx.msk [tilespmem:v59+s31+$0x0], $0xffff  }
0x1bd: {  	v19 =	vld.idx.msk [tilespmem:v19+s30+$0x0], $0xffff  }
0x1be: {  	v20 =	vld.idx.msk [tilespmem:v20+s31+$0x0], $0xffff  }
0x1bf: {  	v21 =	vmul.f32 v22, v21;
	v60 =	vmul.f32 v24, v23;
	_ =	sdelay $0x1  }
0x1c0: {  	v61 =	vmul.f32 v26, v25;
	v21 =	vadd.f32 v60, v21;
	_ =	sdelay $0x1  }
0x1c1: {  	v19 =	vmul.f32 v20, v19;
	v21 =	vadd.f32 v61, v21;
	_ =	sdelay $0x1  }
0x1c2: {  	v19 =	vadd.f32 v19, v21;
	_ =	sdelay $0x1  }
0x1c3: {  	[tilespmem:$0x10D80] =	vst v19  }
0x1c4: {  	v19 =	vld [tilespmem:s10+$0x3]  }
0x1c5: {  	v20 =	vld [tilespmem:s4+$0x3];
	_ =	sdelay $0x3  }
0x1c6: {  	(v2sf) =	vpush v19, $0x0  }
0x1c7: {  	(v2sf) =	vpush v20, $0x0;
	_ =	sdelay $0xd  }
0x1c8: {  	s20 =	spop (v2sf)  }
0x1c9: {  	s19 =	sand.u32 $0xFFFFF80, s20;
	s20 =	spop (v2sf)  }
0x1ca: {  	s19 =	sadd.s32 s1, s19;
	s20 =	sand.u32 $0xFFFFF80, s20  }
0x1cb: {  	[tilespmem:s30], [sflag:$0x4] =	stream.strided.gather [hbm4b:s19+s15], $0x1000, s16, s15, $0x38;
	[tilespmem:$0x11400] =	vst v63  }
0x1cc: {  	s20 =	sadd.s32 s2, s20  }
0x1cd: {  	[tilespmem:s31], [sflag:$0x4] =	stream.strided.gather [hbm4b:s20+s15], $0x1000, s16, s15, $0x38;
	[tilespmem:$0x11400] =	vst v63  }
0x1ce: {  	s29 =	simm.s32 $0x7A00;
	s19 =	sadd.s32 $0x3D0A00, s19  }
0x1cf: {  	[tilespmem:s29], [sflag:$0x4] =	stream.strided.gather [hbm4b:s19+s15], $0x1000, s16, s15, $0x38;
	[tilespmem:$0x11400] =	vst v63  }
0x1d0: {  	s28 =	simm.s32 $0xFA00;
	s20 =	sadd.s32 $0x3D0A00, s20  }
0x1d1: {  	[tilespmem:s28], [sflag:$0x4] =	stream.strided.gather [hbm4b:s20+s15], $0x1000, s16, s15, $0x38;
	[tilespmem:$0x11400] =	vst v63  }
0x1d2: {  	_ =	swait.ge [sflag:s12], $0x1000  }
0x1d3: {  	[sflag:s12] =	ssyncset.done $0x0  }
0x1d4: {  	[sflag:s12] =	ssyncadd.s32 $0xFFFFF000  }
0x1d5: {  	_ =	swait.ge [sflag:s12], $0x1000  }
0x1d6: {  	[sflag:s12] =	ssyncset.done $0x0  }
0x1d7: {  	[sflag:s12] =	ssyncadd.s32 $0xFFFFF000  }
0x1d8: {  	_ =	swait.ge [sflag:s12], $0x1000  }
0x1d9: {  	[sflag:s12] =	ssyncset.done $0x0  }
0x1da: {  	[sflag:s12] =	ssyncadd.s32 $0xFFFFF000  }
0x1db: {  	_ =	swait.ge [sflag:s12], $0x1000  }
0x1dc: {  	[sflag:s12] =	ssyncset.done $0x0  }
0x1dd: {  	[sflag:s12] =	ssyncadd.s32 $0xFFFFF000  }
0x1de: {  	v19 =	vld.msk [tilespmem:s9+$0x0 ss:$0x0], $0xffff  }
0x1df: {  	v20 =	vld.msk [tilespmem:s8+$0x0 ss:$0x0], $0xffff;
	_ =	sdelay $0x3  }
0x1e0: {  	v62 =	vadd.s32 v0, v19  }
0x1e1: {  	v63 =	vadd.s32 v0, v20  }
0x1e2: {  	v28 =	vadd.s32 v1, v19  }
0x1e3: {  	v29 =	vadd.s32 v1, v20  }
0x1e4: {  	v30 =	vadd.s32 v2, v19  }
0x1e5: {  	v31 =	vadd.s32 v2, v20;
	v21 =	vld.idx.msk [tilespmem:v62+s17+$0x0], $0xffff  }
0x1e6: {  	v19 =	vadd.s32 v3, v19;
	v22 =	vld.idx.msk [tilespmem:v63+s18+$0x0], $0xffff  }
0x1e7: {  	v20 =	vadd.s32 v3, v20;
	v23 =	vld.idx.msk [tilespmem:v28+s17+$0x0], $0xffff  }
0x1e8: {  	v24 =	vld.idx.msk [tilespmem:v29+s18+$0x0], $0xffff  }
0x1e9: {  	v25 =	vld.idx.msk [tilespmem:v30+s17+$0x0], $0xffff  }
0x1ea: {  	v26 =	vld.idx.msk [tilespmem:v31+s18+$0x0], $0xffff  }
0x1eb: {  	v19 =	vld.idx.msk [tilespmem:v19+s17+$0x0], $0xffff  }
0x1ec: {  	v20 =	vld.idx.msk [tilespmem:v20+s18+$0x0], $0xffff  }
0x1ed: {  	v21 =	vmul.f32 v22, v21;
	v32 =	vmul.f32 v24, v23;
	_ =	sdelay $0x1  }
0x1ee: {  	v33 =	vmul.f32 v26, v25;
	v21 =	vadd.f32 v32, v21;
	_ =	sdelay $0x1  }
0x1ef: {  	v19 =	vmul.f32 v20, v19;
	v21 =	vadd.f32 v33, v21;
	_ =	sdelay $0x1  }
0x1f0: {  	v19 =	vadd.f32 v19, v21;
	_ =	sdelay $0x1  }
0x1f1: {  	[tilespmem:$0x10E00] =	vst v19  }
0x1f2: {  	v19 =	vld [tilespmem:s10+$0x4]  }
0x1f3: {  	v20 =	vld [tilespmem:s4+$0x4];
	_ =	sdelay $0x3  }
0x1f4: {  	(v2sf) =	vpush v19, $0x0  }
0x1f5: {  	(v2sf) =	vpush v20, $0x0;
	_ =	sdelay $0xd  }
0x1f6: {  	s28 =	spop (v2sf)  }
0x1f7: {  	s19 =	sand.u32 $0xFFFFF80, s28;
	s29 =	spop (v2sf)  }
0x1f8: {  	s19 =	sadd.s32 s1, s19;
	s20 =	sand.u32 $0xFFFFF80, s29  }
0x1f9: {  	[tilespmem:s17], [sflag:$0x1] =	stream.strided.gather [hbm4b:s19+s15], $0x1000, s16, s15, $0x38;
	[tilespmem:$0x11400] =	vst v63  }
0x1fa: {  	s20 =	sadd.s32 s2, s20  }
0x1fb: {  	[tilespmem:s18], [sflag:$0x1] =	stream.strided.gather [hbm4b:s20+s15], $0x1000, s16, s15, $0x38;
	[tilespmem:$0x11400] =	vst v63  }
0x1fc: {  	s28 =	simm.s32 $0x1A00;
	s19 =	sadd.s32 $0x3D0A00, s19  }
0x1fd: {  	[tilespmem:s28], [sflag:$0x1] =	stream.strided.gather [hbm4b:s19+s15], $0x1000, s16, s15, $0x38;
	[tilespmem:$0x11400] =	vst v63  }
0x1fe: {  	s20 =	sadd.s32 $0x3D0A00, s20;
	s28 =	simm.s32 $0x9A00  }
0x1ff: {  	[tilespmem:s28], [sflag:$0x1] =	stream.strided.gather [hbm4b:s20+s15], $0x1000, s16, s15, $0x38;
	[tilespmem:$0x11400] =	vst v63  }
0x200: {  	_ =	swait.ge [sflag:s13], $0x1000  }
0x201: {  	[sflag:s13] =	ssyncset.done $0x0  }
0x202: {  	[sflag:s13] =	ssyncadd.s32 $0xFFFFF000  }
0x203: {  	_ =	swait.ge [sflag:s13], $0x1000  }
0x204: {  	[sflag:s13] =	ssyncset.done $0x0  }
0x205: {  	[sflag:s13] =	ssyncadd.s32 $0xFFFFF000  }
0x206: {  	_ =	swait.ge [sflag:s13], $0x1000  }
0x207: {  	[sflag:s13] =	ssyncset.done $0x0  }
0x208: {  	[sflag:s13] =	ssyncadd.s32 $0xFFFFF000  }
0x209: {  	_ =	swait.ge [sflag:s13], $0x1000  }
0x20a: {  	[sflag:s13] =	ssyncset.done $0x0  }
0x20b: {  	[sflag:s13] =	ssyncadd.s32 $0xFFFFF000  }
0x20c: {  	v19 =	vld.msk [tilespmem:s9+$0x1 ss:$0x0], $0xffff  }
0x20d: {  	v20 =	vld.msk [tilespmem:s8+$0x1 ss:$0x0], $0xffff;
	_ =	sdelay $0x3  }
0x20e: {  	v34 =	vadd.s32 v0, v19  }
0x20f: {  	v35 =	vadd.s32 v0, v20  }
0x210: {  	v36 =	vadd.s32 v1, v19  }
0x211: {  	v37 =	vadd.s32 v1, v20  }
0x212: {  	v38 =	vadd.s32 v2, v19  }
0x213: {  	v39 =	vadd.s32 v2, v20;
	v21 =	vld.idx.msk [tilespmem:v34+s21+$0x0], $0xffff  }
0x214: {  	v19 =	vadd.s32 v3, v19;
	v22 =	vld.idx.msk [tilespmem:v35+s22+$0x0], $0xffff  }
0x215: {  	v20 =	vadd.s32 v3, v20;
	v23 =	vld.idx.msk [tilespmem:v36+s21+$0x0], $0xffff  }
0x216: {  	v24 =	vld.idx.msk [tilespmem:v37+s22+$0x0], $0xffff  }
0x217: {  	v25 =	vld.idx.msk [tilespmem:v38+s21+$0x0], $0xffff  }
0x218: {  	v26 =	vld.idx.msk [tilespmem:v39+s22+$0x0], $0xffff  }
0x219: {  	v19 =	vld.idx.msk [tilespmem:v19+s21+$0x0], $0xffff  }
0x21a: {  	v20 =	vld.idx.msk [tilespmem:v20+s22+$0x0], $0xffff  }
0x21b: {  	v21 =	vmul.f32 v22, v21;
	v40 =	vmul.f32 v24, v23;
	_ =	sdelay $0x1  }
0x21c: {  	v41 =	vmul.f32 v26, v25;
	v21 =	vadd.f32 v40, v21;
	_ =	sdelay $0x1  }
0x21d: {  	v19 =	vmul.f32 v20, v19;
	v21 =	vadd.f32 v41, v21;
	_ =	sdelay $0x1  }
0x21e: {  	v19 =	vadd.f32 v19, v21;
	_ =	sdelay $0x1  }
0x21f: {  	[tilespmem:$0x10E80] =	vst v19  }
0x220: {  	v19 =	vld [tilespmem:s10+$0x5]  }
0x221: {  	v20 =	vld [tilespmem:s4+$0x5];
	_ =	sdelay $0x3  }
0x222: {  	(v2sf) =	vpush v19, $0x0  }
0x223: {  	(v2sf) =	vpush v20, $0x0;
	_ =	sdelay $0xd  }
0x224: {  	s20 =	spop (v2sf)  }
0x225: {  	s19 =	sand.u32 $0xFFFFF80, s20;
	s20 =	spop (v2sf)  }
0x226: {  	s19 =	sadd.s32 s1, s19;
	s20 =	sand.u32 $0xFFFFF80, s20  }
0x227: {  	[tilespmem:s21], [sflag:$0x2] =	stream.strided.gather [hbm4b:s19+s15], $0x1000, s16, s15, $0x38;
	[tilespmem:$0x11400] =	vst v63  }
0x228: {  	s20 =	sadd.s32 s2, s20  }
0x229: {  	[tilespmem:s22], [sflag:$0x2] =	stream.strided.gather [hbm4b:s20+s15], $0x1000, s16, s15, $0x38;
	[tilespmem:$0x11400] =	vst v63  }
0x22a: {  	s19 =	sadd.s32 $0x3D0A00, s19  }
0x22b: {  	[tilespmem:s24], [sflag:$0x2] =	stream.strided.gather [hbm4b:s19+s15], $0x1000, s16, s15, $0x38;
	[tilespmem:$0x11400] =	vst v63  }
0x22c: {  	s20 =	sadd.s32 $0x3D0A00, s20  }
0x22d: {  	[tilespmem:s23], [sflag:$0x2] =	stream.strided.gather [hbm4b:s20+s15], $0x1000, s16, s15, $0x38;
	[tilespmem:$0x11400] =	vst v63  }
0x22e: {  	_ =	swait.ge [sflag:s14], $0x1000  }
0x22f: {  	[sflag:s14] =	ssyncset.done $0x0  }
0x230: {  	[sflag:s14] =	ssyncadd.s32 $0xFFFFF000  }
0x231: {  	_ =	swait.ge [sflag:s14], $0x1000  }
0x232: {  	[sflag:s14] =	ssyncset.done $0x0  }
0x233: {  	[sflag:s14] =	ssyncadd.s32 $0xFFFFF000  }
0x234: {  	_ =	swait.ge [sflag:s14], $0x1000  }
0x235: {  	[sflag:s14] =	ssyncset.done $0x0  }
0x236: {  	[sflag:s14] =	ssyncadd.s32 $0xFFFFF000  }
0x237: {  	_ =	swait.ge [sflag:s14], $0x1000  }
0x238: {  	[sflag:s14] =	ssyncset.done $0x0  }
0x239: {  	[sflag:s14] =	ssyncadd.s32 $0xFFFFF000  }
0x23a: {  	v19 =	vld.msk [tilespmem:s9+$0x2 ss:$0x0], $0xffff  }
0x23b: {  	v20 =	vld.msk [tilespmem:s8+$0x2 ss:$0x0], $0xffff;
	_ =	sdelay $0x3  }
0x23c: {  	v42 =	vadd.s32 v0, v19  }
0x23d: {  	v43 =	vadd.s32 v0, v20  }
0x23e: {  	v44 =	vadd.s32 v1, v19  }
0x23f: {  	v45 =	vadd.s32 v1, v20  }
0x240: {  	v46 =	vadd.s32 v2, v19  }
0x241: {  	v47 =	vadd.s32 v2, v20;
	v21 =	vld.idx.msk [tilespmem:v42+s25+$0x0], $0xffff  }
0x242: {  	v19 =	vadd.s32 v3, v19;
	v22 =	vld.idx.msk [tilespmem:v43+s26+$0x0], $0xffff  }
0x243: {  	v20 =	vadd.s32 v3, v20;
	v23 =	vld.idx.msk [tilespmem:v44+s25+$0x0], $0xffff  }
0x244: {  	v24 =	vld.idx.msk [tilespmem:v45+s26+$0x0], $0xffff  }
0x245: {  	v25 =	vld.idx.msk [tilespmem:v46+s25+$0x0], $0xffff  }
0x246: {  	v26 =	vld.idx.msk [tilespmem:v47+s26+$0x0], $0xffff  }
0x247: {  	v19 =	vld.idx.msk [tilespmem:v19+s25+$0x0], $0xffff  }
0x248: {  	v20 =	vld.idx.msk [tilespmem:v20+s26+$0x0], $0xffff  }
0x249: {  	v21 =	vmul.f32 v22, v21;
	v48 =	vmul.f32 v24, v23;
	_ =	sdelay $0x1  }
0x24a: {  	v49 =	vmul.f32 v26, v25;
	v21 =	vadd.f32 v48, v21;
	_ =	sdelay $0x1  }
0x24b: {  	v19 =	vmul.f32 v20, v19;
	v21 =	vadd.f32 v49, v21;
	_ =	sdelay $0x1  }
0x24c: {  	v19 =	vadd.f32 v19, v21;
	_ =	sdelay $0x1  }
0x24d: {  	[tilespmem:$0x10F00] =	vst v19  }
0x24e: {  	v19 =	vld [tilespmem:s10+$0x6]  }
0x24f: {  	v20 =	vld [tilespmem:s4+$0x6];
	_ =	sdelay $0x3  }
0x250: {  	(v2sf) =	vpush v19, $0x0  }
0x251: {  	(v2sf) =	vpush v20, $0x0;
	_ =	sdelay $0xd  }
0x252: {  	s20 =	spop (v2sf)  }
0x253: {  	s19 =	sand.u32 $0xFFFFF80, s20;
	s20 =	spop (v2sf)  }
0x254: {  	s19 =	sadd.s32 s1, s19;
	s20 =	sand.u32 $0xFFFFF80, s20  }
0x255: {  	[tilespmem:s25], [sflag:$0x3] =	stream.strided.gather [hbm4b:s19+s15], $0x1000, s16, s15, $0x38;
	[tilespmem:$0x11400] =	vst v63  }
0x256: {  	s20 =	sadd.s32 s2, s20  }
0x257: {  	[tilespmem:s26], [sflag:$0x3] =	stream.strided.gather [hbm4b:s20+s15], $0x1000, s16, s15, $0x38;
	[tilespmem:$0x11400] =	vst v63  }
0x258: {  	s19 =	sadd.s32 $0x3D0A00, s19  }
0x259: {  	[tilespmem:s3], [sflag:$0x3] =	stream.strided.gather [hbm4b:s19+s15], $0x1000, s16, s15, $0x38;
	[tilespmem:$0x11400] =	vst v63  }
0x25a: {  	s20 =	sadd.s32 $0x3D0A00, s20  }
0x25b: {  	[tilespmem:s0], [sflag:$0x3] =	stream.strided.gather [hbm4b:s20+s15], $0x1000, s16, s15, $0x38;
	[tilespmem:$0x11400] =	vst v63  }
0x25c: {  	_ =	swait.ge [sflag:s5], $0x1000  }
0x25d: {  	[sflag:s5] =	ssyncset.done $0x0  }
0x25e: {  	[sflag:s5] =	ssyncadd.s32 $0xFFFFF000  }
0x25f: {  	_ =	swait.ge [sflag:s5], $0x1000  }
0x260: {  	[sflag:s5] =	ssyncset.done $0x0  }
0x261: {  	[sflag:s5] =	ssyncadd.s32 $0xFFFFF000  }
0x262: {  	_ =	swait.ge [sflag:s5], $0x1000  }
0x263: {  	[sflag:s5] =	ssyncset.done $0x0  }
0x264: {  	[sflag:s5] =	ssyncadd.s32 $0xFFFFF000  }
0x265: {  	_ =	swait.ge [sflag:s5], $0x1000  }
0x266: {  	[sflag:s5] =	ssyncset.done $0x0  }
0x267: {  	[sflag:s5] =	ssyncadd.s32 $0xFFFFF000  }
0x268: {  	v19 =	vld.msk [tilespmem:s9+$0x3 ss:$0x0], $0xffff  }
0x269: {  	v20 =	vld.msk [tilespmem:s8+$0x3 ss:$0x0], $0xffff;
	_ =	sdelay $0x3  }
0x26a: {  	v50 =	vadd.s32 v0, v19  }
0x26b: {  	v51 =	vadd.s32 v0, v20  }
0x26c: {  	v52 =	vadd.s32 v1, v19  }
0x26d: {  	v53 =	vadd.s32 v1, v20  }
0x26e: {  	v54 =	vadd.s32 v2, v19  }
0x26f: {  	v55 =	vadd.s32 v2, v20;
	v21 =	vld.idx.msk [tilespmem:v50+s30+$0x0], $0xffff  }
0x270: {  	v19 =	vadd.s32 v3, v19;
	v22 =	vld.idx.msk [tilespmem:v51+s31+$0x0], $0xffff  }
0x271: {  	v20 =	vadd.s32 v3, v20;
	v23 =	vld.idx.msk [tilespmem:v52+s30+$0x0], $0xffff  }
0x272: {  	v24 =	vld.idx.msk [tilespmem:v53+s31+$0x0], $0xffff  }
0x273: {  	v25 =	vld.idx.msk [tilespmem:v54+s30+$0x0], $0xffff  }
0x274: {  	v26 =	vld.idx.msk [tilespmem:v55+s31+$0x0], $0xffff  }
0x275: {  	v19 =	vld.idx.msk [tilespmem:v19+s30+$0x0], $0xffff  }
0x276: {  	v20 =	vld.idx.msk [tilespmem:v20+s31+$0x0], $0xffff  }
0x277: {  	v21 =	vmul.f32 v22, v21;
	v56 =	vmul.f32 v24, v23;
	_ =	sdelay $0x1  }
0x278: {  	v57 =	vmul.f32 v26, v25;
	v21 =	vadd.f32 v56, v21;
	_ =	sdelay $0x1  }
0x279: {  	v19 =	vmul.f32 v20, v19;
	v21 =	vadd.f32 v57, v21;
	_ =	sdelay $0x1  }
0x27a: {  	v19 =	vadd.f32 v19, v21;
	_ =	sdelay $0x1  }
0x27b: {  	[tilespmem:$0x10F80] =	vst v19  }
0x27c: {  	v19 =	vld [tilespmem:s10+$0x7]  }
0x27d: {  	v20 =	vld [tilespmem:s4+$0x7];
	_ =	sdelay $0x3  }
0x27e: {  	(v2sf) =	vpush v19, $0x0  }
0x27f: {  	(v2sf) =	vpush v20, $0x0;
	_ =	sdelay $0xd  }
0x280: {  	s20 =	spop (v2sf)  }
0x281: {  	s19 =	sand.u32 $0xFFFFF80, s20;
	s0 =	spop (v2sf)  }
0x282: {  	s19 =	sadd.s32 s1, s19;
	s20 =	sand.u32 $0xFFFFF80, s0  }
0x283: {  	[tilespmem:s30], [sflag:$0x4] =	stream.strided.gather [hbm4b:s19+s15], $0x1000, s16, s15, $0x38;
	[tilespmem:$0x11400] =	vst v63  }
0x284: {  	s20 =	sadd.s32 s2, s20  }
0x285: {  	[tilespmem:s31], [sflag:$0x4] =	stream.strided.gather [hbm4b:s20+s15], $0x1000, s16, s15, $0x38;
	[tilespmem:$0x11400] =	vst v63  }
0x286: {  	s0 =	simm.s32 $0x7A00;
	s19 =	sadd.s32 $0x3D0A00, s19  }
0x287: {  	[tilespmem:s0], [sflag:$0x4] =	stream.strided.gather [hbm4b:s19+s15], $0x1000, s16, s15, $0x38;
	[tilespmem:$0x11400] =	vst v63  }
0x288: {  	s0 =	sadd.s32 $0x3D0A00, s20;
	s20 =	simm.s32 $0xFA00  }
0x289: {  	[tilespmem:s20], [sflag:$0x4] =	stream.strided.gather [hbm4b:s0+s15], $0x1000, s16, s15, $0x38;
	[tilespmem:$0x11400] =	vst v63  }
0x28a: {  	_ =	swait.ge [sflag:s12], $0x1000  }
0x28b: {  	[sflag:s12] =	ssyncset.done $0x0  }
0x28c: {  	[sflag:s12] =	ssyncadd.s32 $0xFFFFF000  }
0x28d: {  	_ =	swait.ge [sflag:s12], $0x1000  }
0x28e: {  	[sflag:s12] =	ssyncset.done $0x0  }
0x28f: {  	[sflag:s12] =	ssyncadd.s32 $0xFFFFF000  }
0x290: {  	_ =	swait.ge [sflag:s12], $0x1000  }
0x291: {  	[sflag:s12] =	ssyncset.done $0x0  }
0x292: {  	[sflag:s12] =	ssyncadd.s32 $0xFFFFF000  }
0x293: {  	_ =	swait.ge [sflag:s12], $0x1000  }
0x294: {  	[sflag:s12] =	ssyncset.done $0x0  }
0x295: {  	[sflag:s12] =	ssyncadd.s32 $0xFFFFF000  }
0x296: {  	v19 =	vld.msk [tilespmem:s9+$0x4 ss:$0x0], $0xffff  }
0x297: {  	v20 =	vld.msk [tilespmem:s8+$0x4 ss:$0x0], $0xffff;
	_ =	sdelay $0x3  }
0x298: {  	v58 =	vadd.s32 v0, v19  }
0x299: {  	v59 =	vadd.s32 v0, v20  }
0x29a: {  	v60 =	vadd.s32 v1, v19  }
0x29b: {  	v61 =	vadd.s32 v1, v20  }
0x29c: {  	v62 =	vadd.s32 v2, v19  }
0x29d: {  	v63 =	vadd.s32 v2, v20;
	v21 =	vld.idx.msk [tilespmem:v58+s17+$0x0], $0xffff  }
0x29e: {  	v19 =	vadd.s32 v3, v19;
	v22 =	vld.idx.msk [tilespmem:v59+s18+$0x0], $0xffff  }
0x29f: {  	v20 =	vadd.s32 v3, v20;
	v23 =	vld.idx.msk [tilespmem:v60+s17+$0x0], $0xffff  }
0x2a0: {  	v24 =	vld.idx.msk [tilespmem:v61+s18+$0x0], $0xffff  }
0x2a1: {  	v25 =	vld.idx.msk [tilespmem:v62+s17+$0x0], $0xffff  }
0x2a2: {  	v26 =	vld.idx.msk [tilespmem:v63+s18+$0x0], $0xffff  }
0x2a3: {  	v19 =	vld.idx.msk [tilespmem:v19+s17+$0x0], $0xffff  }
0x2a4: {  	v20 =	vld.idx.msk [tilespmem:v20+s18+$0x0], $0xffff  }
0x2a5: {  	v21 =	vmul.f32 v22, v21;
	v28 =	vmul.f32 v24, v23;
	_ =	sdelay $0x1  }
0x2a6: {  	v29 =	vmul.f32 v26, v25;
	v21 =	vadd.f32 v28, v21;
	_ =	sdelay $0x1  }
0x2a7: {  	v19 =	vmul.f32 v20, v19;
	v21 =	vadd.f32 v29, v21;
	_ =	sdelay $0x1  }
0x2a8: {  	v19 =	vadd.f32 v19, v21;
	_ =	sdelay $0x1  }
0x2a9: {  	s20 =	smin.u32 s11, $0x1EF;
	[tilespmem:$0x11000] =	vst v19  }
0x2aa: {  	v19 =	vld [tilespmem:s20+$0x10]  }
0x2ab: {  	v20 =	vld [tilespmem:s20+$0x510];
	_ =	sdelay $0x3  }
0x2ac: {  	(v2sf) =	vpush v19, $0x0  }
0x2ad: {  	(v2sf) =	vpush v20, $0x0;
	_ =	sdelay $0xd  }
0x2ae: {  	s20 =	spop (v2sf)  }
0x2af: {  	s19 =	sand.u32 $0xFFFFF80, s20;
	s20 =	spop (v2sf)  }
0x2b0: {  	s19 =	sadd.s32 s1, s19;
	s20 =	sand.u32 $0xFFFFF80, s20  }
0x2b1: {  	[tilespmem:s17], [sflag:$0x1] =	stream.strided.gather [hbm4b:s19+s15], $0x1000, s16, s15, $0x38;
	[tilespmem:$0x11400] =	vst v63  }
0x2b2: {  	s20 =	sadd.s32 s2, s20  }
0x2b3: {  	[tilespmem:s18], [sflag:$0x1] =	stream.strided.gather [hbm4b:s20+s15], $0x1000, s16, s15, $0x38;
	[tilespmem:$0x11400] =	vst v63  }
0x2b4: {  	s29 =	simm.s32 $0x1A00;
	s19 =	sadd.s32 $0x3D0A00, s19  }
0x2b5: {  	[tilespmem:s29], [sflag:$0x1] =	stream.strided.gather [hbm4b:s19+s15], $0x1000, s16, s15, $0x38;
	[tilespmem:$0x11400] =	vst v63  }
0x2b6: {  	s20 =	sadd.s32 $0x3D0A00, s20  }
0x2b7: {  	[tilespmem:s28], [sflag:$0x1] =	stream.strided.gather [hbm4b:s20+s15], $0x1000, s16, s15, $0x38;
	[tilespmem:$0x11400] =	vst v63  }
0x2b8: {  	_ =	swait.ge [sflag:s13], $0x1000  }
0x2b9: {  	[sflag:s13] =	ssyncset.done $0x0  }
0x2ba: {  	[sflag:s13] =	ssyncadd.s32 $0xFFFFF000  }
0x2bb: {  	_ =	swait.ge [sflag:s13], $0x1000  }
0x2bc: {  	[sflag:s13] =	ssyncset.done $0x0  }
0x2bd: {  	[sflag:s13] =	ssyncadd.s32 $0xFFFFF000  }
0x2be: {  	_ =	swait.ge [sflag:s13], $0x1000  }
0x2bf: {  	[sflag:s13] =	ssyncset.done $0x0  }
0x2c0: {  	[sflag:s13] =	ssyncadd.s32 $0xFFFFF000  }
0x2c1: {  	_ =	swait.ge [sflag:s13], $0x1000  }
0x2c2: {  	[sflag:s13] =	ssyncset.done $0x0  }
0x2c3: {  	[sflag:s13] =	ssyncadd.s32 $0xFFFFF000  }
0x2c4: {  	v19 =	vld.msk [tilespmem:s9+$0x5 ss:$0x0], $0xffff  }
0x2c5: {  	v20 =	vld.msk [tilespmem:s8+$0x5 ss:$0x0], $0xffff;
	_ =	sdelay $0x3  }
0x2c6: {  	v30 =	vadd.s32 v0, v19  }
0x2c7: {  	v31 =	vadd.s32 v0, v20  }
0x2c8: {  	v32 =	vadd.s32 v1, v19  }
0x2c9: {  	v33 =	vadd.s32 v1, v20  }
0x2ca: {  	v34 =	vadd.s32 v2, v19  }
0x2cb: {  	v35 =	vadd.s32 v2, v20;
	v21 =	vld.idx.msk [tilespmem:v30+s21+$0x0], $0xffff  }
0x2cc: {  	v19 =	vadd.s32 v3, v19;
	v22 =	vld.idx.msk [tilespmem:v31+s22+$0x0], $0xffff  }
0x2cd: {  	v20 =	vadd.s32 v3, v20;
	v23 =	vld.idx.msk [tilespmem:v32+s21+$0x0], $0xffff  }
0x2ce: {  	v24 =	vld.idx.msk [tilespmem:v33+s22+$0x0], $0xffff  }
0x2cf: {  	v25 =	vld.idx.msk [tilespmem:v34+s21+$0x0], $0xffff  }
0x2d0: {  	v26 =	vld.idx.msk [tilespmem:v35+s22+$0x0], $0xffff  }
0x2d1: {  	v19 =	vld.idx.msk [tilespmem:v19+s21+$0x0], $0xffff  }
0x2d2: {  	v20 =	vld.idx.msk [tilespmem:v20+s22+$0x0], $0xffff  }
0x2d3: {  	v21 =	vmul.f32 v22, v21;
	v36 =	vmul.f32 v24, v23;
	_ =	sdelay $0x1  }
0x2d4: {  	v37 =	vmul.f32 v26, v25;
	v21 =	vadd.f32 v36, v21;
	_ =	sdelay $0x1  }
0x2d5: {  	v19 =	vmul.f32 v20, v19;
	v21 =	vadd.f32 v37, v21;
	_ =	sdelay $0x1  }
0x2d6: {  	v19 =	vadd.f32 v19, v21;
	_ =	sdelay $0x1  }
0x2d7: {  	s29 =	smin.u32 s11, $0x1EE;
	[tilespmem:$0x11080] =	vst v19  }
0x2d8: {  	v19 =	vld [tilespmem:s29+$0x11]  }
0x2d9: {  	v20 =	vld [tilespmem:s29+$0x511];
	_ =	sdelay $0x3  }
0x2da: {  	(v2sf) =	vpush v19, $0x0  }
0x2db: {  	(v2sf) =	vpush v20, $0x0;
	_ =	sdelay $0xd  }
0x2dc: {  	s20 =	spop (v2sf)  }
0x2dd: {  	s19 =	sand.u32 $0xFFFFF80, s20;
	s28 =	spop (v2sf)  }
0x2de: {  	s19 =	sadd.s32 s1, s19;
	s20 =	sand.u32 $0xFFFFF80, s28  }
0x2df: {  	[tilespmem:s21], [sflag:$0x2] =	stream.strided.gather [hbm4b:s19+s15], $0x1000, s16, s15, $0x38;
	[tilespmem:$0x11400] =	vst v63  }
0x2e0: {  	s20 =	sadd.s32 s2, s20  }
0x2e1: {  	[tilespmem:s22], [sflag:$0x2] =	stream.strided.gather [hbm4b:s20+s15], $0x1000, s16, s15, $0x38;
	[tilespmem:$0x11400] =	vst v63  }
0x2e2: {  	s24 =	simm.s32 $0x3A00;
	s19 =	sadd.s32 $0x3D0A00, s19  }
0x2e3: {  	[tilespmem:s24], [sflag:$0x2] =	stream.strided.gather [hbm4b:s19+s15], $0x1000, s16, s15, $0x38;
	[tilespmem:$0x11400] =	vst v63  }
0x2e4: {  	s23 =	simm.s32 $0xBA00;
	s29 =	sadd.s32 $0x3D0A00, s20  }
0x2e5: {  	[tilespmem:s23], [sflag:$0x2] =	stream.strided.gather [hbm4b:s29+s15], $0x1000, s16, s15, $0x38;
	[tilespmem:$0x11400] =	vst v63  }
0x2e6: {  	_ =	swait.ge [sflag:s14], $0x1000  }
0x2e7: {  	[sflag:s14] =	ssyncset.done $0x0  }
0x2e8: {  	[sflag:s14] =	ssyncadd.s32 $0xFFFFF000  }
0x2e9: {  	_ =	swait.ge [sflag:s14], $0x1000  }
0x2ea: {  	[sflag:s14] =	ssyncset.done $0x0  }
0x2eb: {  	[sflag:s14] =	ssyncadd.s32 $0xFFFFF000  }
0x2ec: {  	_ =	swait.ge [sflag:s14], $0x1000  }
0x2ed: {  	[sflag:s14] =	ssyncset.done $0x0  }
0x2ee: {  	[sflag:s14] =	ssyncadd.s32 $0xFFFFF000  }
0x2ef: {  	_ =	swait.ge [sflag:s14], $0x1000  }
0x2f0: {  	[sflag:s14] =	ssyncset.done $0x0  }
0x2f1: {  	[sflag:s14] =	ssyncadd.s32 $0xFFFFF000  }
0x2f2: {  	v19 =	vld.msk [tilespmem:s9+$0x6 ss:$0x0], $0xffff  }
0x2f3: {  	v20 =	vld.msk [tilespmem:s8+$0x6 ss:$0x0], $0xffff;
	_ =	sdelay $0x3  }
0x2f4: {  	v38 =	vadd.s32 v0, v19  }
0x2f5: {  	v39 =	vadd.s32 v0, v20  }
0x2f6: {  	v40 =	vadd.s32 v1, v19  }
0x2f7: {  	v41 =	vadd.s32 v1, v20  }
0x2f8: {  	v42 =	vadd.s32 v2, v19  }
0x2f9: {  	v43 =	vadd.s32 v2, v20;
	v21 =	vld.idx.msk [tilespmem:v38+s25+$0x0], $0xffff  }
0x2fa: {  	v19 =	vadd.s32 v3, v19;
	v22 =	vld.idx.msk [tilespmem:v39+s26+$0x0], $0xffff  }
0x2fb: {  	v20 =	vadd.s32 v3, v20;
	v23 =	vld.idx.msk [tilespmem:v40+s25+$0x0], $0xffff  }
0x2fc: {  	v24 =	vld.idx.msk [tilespmem:v41+s26+$0x0], $0xffff  }
0x2fd: {  	v25 =	vld.idx.msk [tilespmem:v42+s25+$0x0], $0xffff  }
0x2fe: {  	v26 =	vld.idx.msk [tilespmem:v43+s26+$0x0], $0xffff  }
0x2ff: {  	v19 =	vld.idx.msk [tilespmem:v19+s25+$0x0], $0xffff  }
0x300: {  	v20 =	vld.idx.msk [tilespmem:v20+s26+$0x0], $0xffff  }
0x301: {  	v21 =	vmul.f32 v22, v21;
	v44 =	vmul.f32 v24, v23;
	_ =	sdelay $0x1  }
0x302: {  	v45 =	vmul.f32 v26, v25;
	v21 =	vadd.f32 v44, v21;
	_ =	sdelay $0x1  }
0x303: {  	v19 =	vmul.f32 v20, v19;
	v21 =	vadd.f32 v45, v21;
	_ =	sdelay $0x1  }
0x304: {  	v19 =	vadd.f32 v19, v21;
	_ =	sdelay $0x1  }
0x305: {  	s20 =	smin.u32 s11, $0x1ED;
	[tilespmem:$0x11100] =	vst v19  }
0x306: {  	v19 =	vld [tilespmem:s20+$0x12]  }
0x307: {  	v20 =	vld [tilespmem:s20+$0x512];
	_ =	sdelay $0x3  }
0x308: {  	(v2sf) =	vpush v19, $0x0  }
0x309: {  	(v2sf) =	vpush v20, $0x0;
	_ =	sdelay $0xd  }
0x30a: {  	s23 =	spop (v2sf)  }
0x30b: {  	s19 =	sand.u32 $0xFFFFF80, s23;
	s24 =	spop (v2sf)  }
0x30c: {  	s19 =	sadd.s32 s1, s19;
	s20 =	sand.u32 $0xFFFFF80, s24  }
0x30d: {  	[tilespmem:s25], [sflag:$0x3] =	stream.strided.gather [hbm4b:s19+s15], $0x1000, s16, s15, $0x38;
	[tilespmem:$0x11400] =	vst v63  }
0x30e: {  	s20 =	sadd.s32 s2, s20  }
0x30f: {  	[tilespmem:s26], [sflag:$0x3] =	stream.strided.gather [hbm4b:s20+s15], $0x1000, s16, s15, $0x38;
	[tilespmem:$0x11400] =	vst v63  }
0x310: {  	s3 =	simm.s32 $0x5A00;
	s19 =	sadd.s32 $0x3D0A00, s19  }
0x311: {  	[tilespmem:s3], [sflag:$0x3] =	stream.strided.gather [hbm4b:s19+s15], $0x1000, s16, s15, $0x38;
	[tilespmem:$0x11400] =	vst v63  }
0x312: {  	s29 =	simm.s32 $0xDA00;
	s28 =	sadd.s32 $0x3D0A00, s20  }
0x313: {  	[tilespmem:s29], [sflag:$0x3] =	stream.strided.gather [hbm4b:s28+s15], $0x1000, s16, s15, $0x38;
	[tilespmem:$0x11400] =	vst v63  }
0x314: {  	_ =	swait.ge [sflag:s5], $0x1000  }
0x315: {  	[sflag:s5] =	ssyncset.done $0x0  }
0x316: {  	[sflag:s5] =	ssyncadd.s32 $0xFFFFF000  }
0x317: {  	_ =	swait.ge [sflag:s5], $0x1000  }
0x318: {  	[sflag:s5] =	ssyncset.done $0x0  }
0x319: {  	[sflag:s5] =	ssyncadd.s32 $0xFFFFF000  }
0x31a: {  	_ =	swait.ge [sflag:s5], $0x1000  }
0x31b: {  	[sflag:s5] =	ssyncset.done $0x0  }
0x31c: {  	[sflag:s5] =	ssyncadd.s32 $0xFFFFF000  }
0x31d: {  	_ =	swait.ge [sflag:s5], $0x1000  }
0x31e: {  	[sflag:s5] =	ssyncset.done $0x0  }
0x31f: {  	[sflag:s5] =	ssyncadd.s32 $0xFFFFF000  }
0x320: {  	v19 =	vld.msk [tilespmem:s9+$0x7 ss:$0x0], $0xffff  }
0x321: {  	v20 =	vld.msk [tilespmem:s8+$0x7 ss:$0x0], $0xffff;
	_ =	sdelay $0x3  }
0x322: {  	v46 =	vadd.s32 v0, v19  }
0x323: {  	v47 =	vadd.s32 v0, v20  }
0x324: {  	v48 =	vadd.s32 v1, v19  }
0x325: {  	v49 =	vadd.s32 v1, v20  }
0x326: {  	v50 =	vadd.s32 v2, v19  }
0x327: {  	v51 =	vadd.s32 v2, v20;
	v21 =	vld.idx.msk [tilespmem:v46+s30+$0x0], $0xffff  }
0x328: {  	v19 =	vadd.s32 v3, v19;
	v22 =	vld.idx.msk [tilespmem:v47+s31+$0x0], $0xffff  }
0x329: {  	v20 =	vadd.s32 v3, v20;
	v23 =	vld.idx.msk [tilespmem:v48+s30+$0x0], $0xffff  }
0x32a: {  	v24 =	vld.idx.msk [tilespmem:v49+s31+$0x0], $0xffff  }
0x32b: {  	v25 =	vld.idx.msk [tilespmem:v50+s30+$0x0], $0xffff  }
0x32c: {  	v26 =	vld.idx.msk [tilespmem:v51+s31+$0x0], $0xffff  }
0x32d: {  	v19 =	vld.idx.msk [tilespmem:v19+s30+$0x0], $0xffff  }
0x32e: {  	v20 =	vld.idx.msk [tilespmem:v20+s31+$0x0], $0xffff  }
0x32f: {  	v21 =	vmul.f32 v22, v21;
	v52 =	vmul.f32 v24, v23;
	_ =	sdelay $0x1  }
0x330: {  	v53 =	vmul.f32 v26, v25;
	v21 =	vadd.f32 v52, v21;
	_ =	sdelay $0x1  }
0x331: {  	v19 =	vmul.f32 v20, v19;
	v21 =	vadd.f32 v53, v21;
	_ =	sdelay $0x1  }
0x332: {  	v19 =	vadd.f32 v19, v21;
	_ =	sdelay $0x1  }
0x333: {  	s20 =	smin.u32 s11, $0x1EC;
	[tilespmem:$0x11180] =	vst v19  }
0x334: {  	v19 =	vld [tilespmem:s20+$0x13]  }
0x335: {  	v20 =	vld [tilespmem:s20+$0x513];
	_ =	sdelay $0x3  }
0x336: {  	(v2sf) =	vpush v19, $0x0  }
0x337: {  	(v2sf) =	vpush v20, $0x0;
	_ =	sdelay $0xd  }
0x338: {  	s23 =	spop (v2sf)  }
0x339: {  	s19 =	sand.u32 $0xFFFFF80, s23;
	s24 =	spop (v2sf)  }
0x33a: {  	s19 =	sadd.s32 s1, s19;
	s20 =	sand.u32 $0xFFFFF80, s24  }
0x33b: {  	[tilespmem:s30], [sflag:$0x4] =	stream.strided.gather [hbm4b:s19+s15], $0x1000, s16, s15, $0x38;
	[tilespmem:$0x11400] =	vst v63  }
0x33c: {  	s20 =	sadd.s32 s2, s20  }
0x33d: {  	[tilespmem:s31], [sflag:$0x4] =	stream.strided.gather [hbm4b:s20+s15], $0x1000, s16, s15, $0x38;
	[tilespmem:$0x11400] =	vst v63  }
0x33e: {  	s28 =	simm.s32 $0x7A00;
	s19 =	sadd.s32 $0x3D0A00, s19  }
0x33f: {  	[tilespmem:s28], [sflag:$0x4] =	stream.strided.gather [hbm4b:s19+s15], $0x1000, s16, s15, $0x38;
	[tilespmem:$0x11400] =	vst v63  }
0x340: {  	s0 =	simm.s32 $0xFA00;
	s29 =	sadd.s32 $0x3D0A00, s20  }
0x341: {  	[tilespmem:s0], [sflag:$0x4] =	stream.strided.gather [hbm4b:s29+s15], $0x1000, s16, s15, $0x38;
	[tilespmem:$0x11400] =	vst v63  }
0x342: {  	v19 =	vld.idx.msk [tilespmem:v0+s6+$0x0], $0xffff  }
0x343: {  	v20 =	vld.idx.msk [tilespmem:v4+s6+$0x0], $0xffff;
	_ =	sdelay $0x1  }
0x344: {  	v54 =	vld.idx.msk [tilespmem:v5+s6+$0x0], $0xffff;
	_ =	sdelay $0x1  }
0x345: {  	v55 =	vld.idx.msk [tilespmem:v6+s6+$0x0], $0xffff  }
0x346: {  	v19 =	vadd.f32 v20, v19  }
0x347: {  	v20 =	vld.idx.msk [tilespmem:v7+s6+$0x0], $0xffff  }
0x348: {  	v19 =	vadd.f32 v54, v19  }
0x349: {  	v56 =	vld.idx.msk [tilespmem:v8+s6+$0x0], $0xffff  }
0x34a: {  	v19 =	vadd.f32 v55, v19  }
0x34b: {  	v57 =	vld.idx.msk [tilespmem:v9+s6+$0x0], $0xffff  }
0x34c: {  	v19 =	vadd.f32 v20, v19  }
0x34d: {  	v20 =	vld.idx.msk [tilespmem:v10+s6+$0x0], $0xffff  }
0x34e: {  	v19 =	vadd.f32 v56, v19  }
0x34f: {  	v58 =	vld.idx.msk [tilespmem:v11+s6+$0x0], $0xffff  }
0x350: {  	v19 =	vadd.f32 v57, v19  }
0x351: {  	v59 =	vld.idx.msk [tilespmem:v12+s6+$0x0], $0xffff  }
0x352: {  	v19 =	vadd.f32 v20, v19  }
0x353: {  	v20 =	vld.idx.msk [tilespmem:v13+s6+$0x0], $0xffff  }
0x354: {  	v19 =	vadd.f32 v58, v19  }
0x355: {  	v60 =	vld.idx.msk [tilespmem:v14+s6+$0x0], $0xffff  }
0x356: {  	v19 =	vadd.f32 v59, v19  }
0x357: {  	v61 =	vld.idx.msk [tilespmem:v15+s6+$0x0], $0xffff  }
0x358: {  	v19 =	vadd.f32 v20, v19  }
0x359: {  	v20 =	vld.idx.msk [tilespmem:v16+s6+$0x0], $0xffff  }
0x35a: {  	v19 =	vadd.f32 v60, v19  }
0x35b: {  	v62 =	vld.idx.msk [tilespmem:v17+s6+$0x0], $0xffff  }
0x35c: {  	v19 =	vadd.f32 v61, v19  }
0x35d: {  	v63 =	vld.idx.msk [tilespmem:v18+s6+$0x0], $0xffff  }
0x35e: {  	v19 =	vadd.f32 v20, v19  }
0x35f: {  	p0 =	sne.s32 s11, $0x1F0  }
.Ltmp0:
0x360: {  	v19 =	vadd.f32 v62, v19;
	(pc) =	sbr.rel @p0 .LBB2_2-.Ltmp0, $4  }
0x361: {  	_ = 	snop  }
0x362: {  	v19 =	vadd.f32 v63, v19  }
0x363: {  	s10 =	sadd.s32 $0x10, s10;
	s4 =	sadd.s32 $0x10, s4;
	s11 =	sadd.s32 $0x10, s11  }
0x364: {  	s8 =	sadd.s32 $0x10, s8;
	s9 =	sadd.s32 $0x10, s9;
	[tilespmem:s7+$0x0] =	vst v19;
	s7 =	sadd.s32 $0x10, s7  }
0x365: {  	_ =	swait.ge [sflag:s12], $0x1000  }
0x366: {  	[sflag:s12] =	ssyncset.done $0x0  }
0x367: {  	[sflag:s12] =	ssyncadd.s32 $0xFFFFF000  }
0x368: {  	_ =	swait.ge [sflag:s12], $0x1000  }
0x369: {  	[sflag:s12] =	ssyncset.done $0x0  }
0x36a: {  	[sflag:s12] =	ssyncadd.s32 $0xFFFFF000  }
0x36b: {  	_ =	swait.ge [sflag:s12], $0x1000  }
0x36c: {  	[sflag:s12] =	ssyncset.done $0x0  }
0x36d: {  	[sflag:s12] =	ssyncadd.s32 $0xFFFFF000  }
0x36e: {  	_ =	swait.ge [sflag:s12], $0x1000  }
0x36f: {  	[sflag:s12] =	ssyncset.done $0x0  }
0x370: {  	[sflag:s12] =	ssyncadd.s32 $0xFFFFF000  }
0x371: {  	_ =	swait.ge [sflag:s13], $0x1000  }
0x372: {  	[sflag:s13] =	ssyncset.done $0x0  }
0x373: {  	[sflag:s13] =	ssyncadd.s32 $0xFFFFF000  }
0x374: {  	_ =	swait.ge [sflag:s13], $0x1000  }
0x375: {  	[sflag:s13] =	ssyncset.done $0x0  }
0x376: {  	[sflag:s13] =	ssyncadd.s32 $0xFFFFF000  }
0x377: {  	_ =	swait.ge [sflag:s13], $0x1000  }
0x378: {  	[sflag:s13] =	ssyncset.done $0x0  }
0x379: {  	[sflag:s13] =	ssyncadd.s32 $0xFFFFF000  }
0x37a: {  	_ =	swait.ge [sflag:s13], $0x1000  }
0x37b: {  	[sflag:s13] =	ssyncset.done $0x0  }
0x37c: {  	[sflag:s13] =	ssyncadd.s32 $0xFFFFF000  }
0x37d: {  	_ =	swait.ge [sflag:s14], $0x1000  }
0x37e: {  	[sflag:s14] =	ssyncset.done $0x0  }
0x37f: {  	[sflag:s14] =	ssyncadd.s32 $0xFFFFF000  }
0x380: {  	_ =	swait.ge [sflag:s14], $0x1000  }
0x381: {  	[sflag:s14] =	ssyncset.done $0x0  }
0x382: {  	[sflag:s14] =	ssyncadd.s32 $0xFFFFF000  }
0x383: {  	_ =	swait.ge [sflag:s14], $0x1000  }
0x384: {  	[sflag:s14] =	ssyncset.done $0x0  }
0x385: {  	[sflag:s14] =	ssyncadd.s32 $0xFFFFF000  }
0x386: {  	_ =	swait.ge [sflag:s14], $0x1000  }
0x387: {  	[sflag:s14] =	ssyncset.done $0x0  }
0x388: {  	[sflag:s14] =	ssyncadd.s32 $0xFFFFF000  }
0x389: {  	_ =	swait.ge [sflag:s5], $0x1000  }
0x38a: {  	[sflag:s5] =	ssyncset.done $0x0  }
0x38b: {  	[sflag:s5] =	ssyncadd.s32 $0xFFFFF000  }
0x38c: {  	_ =	swait.ge [sflag:s5], $0x1000  }
0x38d: {  	[sflag:s5] =	ssyncset.done $0x0  }
0x38e: {  	[sflag:s5] =	ssyncadd.s32 $0xFFFFF000  }
0x38f: {  	_ =	swait.ge [sflag:s5], $0x1000  }
0x390: {  	[sflag:s5] =	ssyncset.done $0x0  }
0x391: {  	[sflag:s5] =	ssyncadd.s32 $0xFFFFF000  }
0x392: {  	_ =	swait.ge [sflag:s5], $0x1000  }
0x393: {  	s11 =	simm.s32 $0x0;
	s0 =	simm.s32 $0x11200;
	[sflag:s5] =	ssyncset.done $0x0  }
0x394: {  	s7 =	simm.s32 $0x5;
	s4 =	rddreg [dreg:$0xc];
	[sflag:s5] =	ssyncadd.s32 $0xFFFFF000  }
0x395: {  	[hbm4b:s4+s11] =	stream.linear.scatter [tilespmem:s0], [sflag:$0x5], $0x200, $0x38;
	[tilespmem:$0x11400] =	vst v63  }
0x396: {  	_ =	swait.ge [sflag:s7], $0x200  }
0x397: {  	s8 =	rddreg [dreg:$0xe]  }
0x398: {  	s29 =	rddreg [dreg:$0xd];
	s8 =	sadd.s32 $0x1, s8  }
0x399: {  	p0 =	sne.s32 s8, s29  }
.Ltmp1:
0x39a: {  	_ = 	snop;
	(pc) =	sbr.rel @p0 .LBB2_1-.Ltmp1, $4  }
0x39b: {  	s9 =	simm.s32 $0x1A00  }
0x39c: {  	s10 =	simm.s32 $0x9A00;
	s19 =	simm.s32 $0x3A00;
	s20 =	simm.s32 $0xBA00  }
0x39d: {  	s3 =	simm.s32 $0xDA00;
	s23 =	simm.s32 $0x7A00;
	[sflag:s7] =	ssyncset.done $0x0  }
0x39e: {  	s24 =	simm.s32 $0xFA00;
	s0 =	simm.s32 $0x5A00;
	[sflag:s7] =	ssyncadd.s32 $0xFFFFFE00  }
0x39f: {  	_ =	sfence.sel $0x180000  }
0x3a0: {  	[bflag:$0x0] =	sbarrier.arrive $0xFFFF  }
0x3a1: {  	_ =	strace $0x90000047  }
0x3a2: {  	s0 =	stileid.u32;
	[bflag:$0x2] =	sbarrier.arrive $0xFFFF  }
0x3a3: {  	p0 =	sne.s32 s0, $0x0;
	s0 =	rddreg [dreg:$0x7]  }
0x3a4: {  	s0 =	sadd.s32 @!p0 $0x100000, s0  }
0x3a5: {  	[sflag:s0] =	ssyncadd.tile.s32 @!p0 $0x1;
	_ =	shalt  }
.Lfunc_end2:
_tile_overlayer_lowered:
.L_overlay_start_2:
0x3a6: {  	(tag) =	ssettag $0x2  }
0x3a7: {  	s0 =	rddreg [dreg:$0x0];
	s2 =	stileid.u32  }
0x3a8: {  	s1 =	rddreg [dreg:$0x1];
	p0 =	sne.s32 s2, $0x0  }
0x3a9: {  	s3 =	rddreg [dreg:$0x2];
	[bflag:$0x3] =	sbarrier.arrive $0xFFFF;
	s2 =	simm.s32 @!p0 $0x1C05  }
0x3aa: {  	[timem:s3], [sflag:s2] =	dma.local @!p0 [hbm:s0], s1  }
0x3ab: {  	s0 =	simm.s32 @!p0 $0x5  }
0x3ac: {  	_ =	swait.ge @!p0 [sflag:s0], s1  }
0x3ad: {  	s1 =	ssub.s32 @!p0 $0x0, s1;
	[sflag:s0] =	ssyncset.done @!p0 $0x0  }
0x3ae: {  	[sflag:s0] =	ssyncadd.s32 @!p0 s1  }
0x3af: {  	[bflag:$0x3] =	sbarrier.arrive $0xFFFF  }
0x3b0: {  	_ =	shalt  }

</sc_bundles>
